<compile_context>
chip_gen: v7x
topology: tpu7x:2x2x1
jax: 0.10.2.dev20260603
libtpu: 0.0.44.dev20260713+nightly
codegen_flags: <defaults>
</compile_context>

<pallas_src>
import functools

import jax
import jax.numpy as jnp
from jax import lax
from jax.experimental import pallas as pl
from jax.experimental.pallas import tpu as pltpu
from jax.experimental.pallas import tpu_sc as plsc

E = 160000
D = 256
HD = D // 2
N_DST = 10000
PAD_N = 10240


BM = 1280


def _mmT_body(w_ref, x_ref, b_ref, o_ref):
    acc = lax.dot_general(w_ref[...].astype(jnp.bfloat16),
                          x_ref[...].astype(jnp.bfloat16),
                          (((1,), (1,)), ((), ())),
                          preferred_element_type=jnp.float32)
    msg = jnp.maximum(acc + b_ref[...], 0.0)
    top = lax.bitcast_convert_type(
        msg[:HD, :].astype(jnp.bfloat16), jnp.uint16).astype(jnp.uint32)
    bot = lax.bitcast_convert_type(
        msg[HD:, :].astype(jnp.bfloat16), jnp.uint16).astype(jnp.uint32)
    o_ref[...] = (top | (bot << 16)).astype(jnp.int32)


def _edge_linear_packed(src_emb, W, b, e_base, e_count):
    base_blk = e_base // BM
    return pl.pallas_call(
        _mmT_body,
        grid=(e_count // BM,),
        in_specs=[
            pl.BlockSpec((D, D), lambda i: (0, 0)),
            pl.BlockSpec((BM, D), lambda i: (base_blk + i, 0)),
            pl.BlockSpec((D, 1), lambda i: (0, 0)),
        ],
        out_specs=pl.BlockSpec((HD, BM), lambda i: (0, i)),
        out_shape=jax.ShapeDtypeStruct((HD, e_count), jnp.int32),
    )(W, src_emb, b.reshape(D, 1))



NC = 2
NS = 16
RPT = HD // NS
CHUNK = 640
NSTEP = CHUNK // 16
EA = 81920
EB = E - EA


def _bmax(a, b):
    return plsc.bitcast(
        jnp.maximum(plsc.bitcast(a, jnp.bfloat16),
                    plsc.bitcast(b, jnp.bfloat16)), jnp.int32)


def _make_sc_scatter(e_count, with_init):
    ehalf = e_count // 2
    nchunks = ehalf // CHUNK

    def body(blk_hbm, msgP_hbm, *rest):
        if with_init:
            init_hbm, out_hbm = rest[0], rest[1]
            scratch = rest[2:]
        else:
            out_hbm = rest[0]
            scratch = rest[1:]
        (idx0, idx1, val0, val1, flag_v,
         sem_i0, sem_i1, sem_v0, sem_v1, *accs) = scratch

        sc = lax.axis_index("c")
        sid = lax.axis_index("s")
        row0 = sid * RPT
        e0 = sc * ehalf

        idxs = (idx0, idx1)
        vals = (val0, val1)
        sems_i = (sem_i0, sem_i1)
        sems_v = (sem_v0, sem_v1)

        if with_init:
            for c in range(RPT):
                pltpu.sync_copy(init_hbm.at[sc, row0 + c], accs[c])
        else:
            zero16 = jnp.zeros((16,), jnp.int32)

            def zero_body(i, _):
                for c in range(RPT):
                    accs[c][pl.ds(i * 16, 16)] = zero16
                return 0

            lax.fori_loop(0, PAD_N // 16, zero_body, 0)

        def issue(k, b):
            pltpu.async_copy(blk_hbm.at[pl.ds(e0 + k * CHUNK, CHUNK)],
                             idxs[b], sems_i[b])
            pltpu.async_copy(
                msgP_hbm.at[pl.ds(row0, RPT), pl.ds(e0 + k * CHUNK, CHUNK)],
                vals[b], sems_v[b])

        def wait(b):
            pltpu.make_async_copy(blk_hbm.at[pl.ds(e0, CHUNK)],
                                  idxs[b], sems_i[b]).wait()
            pltpu.make_async_copy(
                msgP_hbm.at[pl.ds(row0, RPT), pl.ds(e0, CHUNK)],
                vals[b], sems_v[b]).wait()

        def process(k, b):
            idx_v = idxs[b]
            val_v = vals[b]

            def flag_body(s_, _):
                d16 = idx_v[pl.ds(s_ * 16, 16)]
                _, last = plsc.scan_count(d16)
                flag_v[pl.ds(s_ * 16, 16)] = (
                    plsc.all_reduce_population_count(last))
                return 0

            lax.fori_loop(0, NSTEP, flag_body, 0)

            def do_group(j):
                d16 = idx_v[pl.ds(j * 16, 16)]
                nodup = flag_v[pl.ds(j * 16, 16)][0] == 16

                def _fast():
                    for c in range(RPT):
                        v = val_v[c, pl.ds(j * 16, 16)]
                        a = plsc.load_gather(accs[c], [d16])
                        plsc.store_scatter(accs[c], [d16], _bmax(a, v))

                def _slow():
                    for c in range(RPT):
                        v = val_v[c, pl.ds(j * 16, 16)]

                        def cond(carry):
                            return jnp.any(carry[0])

                        def body_w(carry):
                            pend, m = carry
                            a = plsc.load_gather(accs[c], [d16])
                            m2 = _bmax(a, m)
                            plsc.store_scatter(accs[c], [d16], m2, mask=pend)
                            g2 = plsc.load_gather(accs[c], [d16])
                            return jnp.logical_and(pend, g2 != m2), m2

                        lax.while_loop(cond, body_w,
                                       (jnp.ones((16,), jnp.bool_), v))

                lax.cond(nodup, _fast, _slow)

            def step(j, _):
                do_group(j * 2)
                do_group(j * 2 + 1)
                return 0

            lax.fori_loop(0, NSTEP // 2, step, 0)

        issue(0, 0)

        def pair_body(t, _):
            k0 = t * 2

            wait(0)
            pl.when(k0 + 1 < nchunks)(lambda: issue(k0 + 1, 1))
            process(k0, 0)

            @pl.when(k0 + 1 < nchunks)
            def _odd():
                wait(1)
                pl.when(k0 + 2 < nchunks)(lambda: issue(k0 + 2, 0))
                process(k0 + 1, 1)

            return 0

        lax.fori_loop(0, (nchunks + 1) // 2, pair_body, 0)

        for c in range(RPT):
            pltpu.sync_copy(accs[c], out_hbm.at[sc, row0 + c])

    return functools.partial(
        pl.kernel,
        out_type=jax.ShapeDtypeStruct((NC, HD, PAD_N), jnp.int32),
        mesh=plsc.VectorSubcoreMesh(core_axis_name="c",
                                    subcore_axis_name="s"),
        scratch_types=[
            pltpu.VMEM((CHUNK,), jnp.int32),
            pltpu.VMEM((CHUNK,), jnp.int32),
            pltpu.VMEM((RPT, CHUNK), jnp.int32),
            pltpu.VMEM((RPT, CHUNK), jnp.int32),
            pltpu.VMEM((CHUNK,), jnp.int32),
            pltpu.SemaphoreType.DMA,
            pltpu.SemaphoreType.DMA,
            pltpu.SemaphoreType.DMA,
            pltpu.SemaphoreType.DMA,
        ] + [pltpu.VMEM((PAD_N,), jnp.int32) for _ in range(RPT)],
        compiler_params=pltpu.CompilerParams(needs_layout_passes=False),
    )(body)


_sc_scatter_a = _make_sc_scatter(EA, with_init=False)
_sc_scatter_b = _make_sc_scatter(EB, with_init=True)




def _unpack(p):
    lo = lax.bitcast_convert_type(
        (p & 0xFFFF).astype(jnp.uint16), jnp.bfloat16)
    hi = lax.bitcast_convert_type(
        ((p >> 16) & 0xFFFF).astype(jnp.uint16), jnp.bfloat16)
    return lo, hi


def kernel(block, src_emb, src_emb_in, W, b):
    blk = block.astype(jnp.int32)
    msgP_a = _edge_linear_packed(src_emb, W, b, 0, EA)
    msgP_b = _edge_linear_packed(src_emb, W, b, EA, EB)
    p_a = _sc_scatter_a(blk[:EA], msgP_a)
    parts = _sc_scatter_b(blk[EA:], msgP_b, p_a)
    lo0, hi0 = _unpack(parts[0])
    lo1, hi1 = _unpack(parts[1])
    top = jnp.maximum(lo0, lo1).astype(jnp.float32)
    bot = jnp.maximum(hi0, hi1).astype(jnp.float32)
    hT = jnp.concatenate([top, bot], axis=0)
    return hT[:, :N_DST].T + src_emb[E:, :]

# --- scband reference (transcript-rebuilt; emitter-appended) ---
"""Pipeline reference for scband-a-max-op-6631429505521 (READ-ONLY COPY).

The authoritative reference and input builder live on the scoring server;
editing this copy changes nothing except your own understanding.
"""

import jax, jax.numpy as jnp
import numpy as np

N_DST = 10000
E = 160000
D = 256

def setup_inputs(seed: int = 0) -> dict:
    key = jax.random.key(seed)
    k1, k2, k3, k4 = jax.random.split(key, 4)
    # 'block' is represented by the per-edge destination node ids (DGL block dst of each edge)
    block = jax.random.randint(k1, (E,), 0, N_DST, dtype=jnp.int64)
    src_emb = jax.random.normal(k2, (E + N_DST, D), dtype=jnp.float32)
    src_emb_in = jax.random.normal(k3, (E + N_DST, D), dtype=jnp.float32)
    # nn.Linear(feature_dim, feature_dim) parameters
    W = jax.random.normal(k4, (D, D), dtype=jnp.float32) * (1.0 / np.sqrt(D))
    b = jnp.zeros((D,), dtype=jnp.float32)
    return {"block": block, "src_emb": src_emb, "src_emb_in": src_emb_in, "W": W, "b": b}

def reference(block, src_emb, src_emb_in, W, b):
    num_edges = block.shape[0]
    # src_emb_m = relu(linear(src_emb[:num_edges]))
    msg = jax.nn.relu(src_emb[:num_edges, :] @ W.T + b)
    # update_all(copy_edge('msg_e','m'), max('m','h')) -> per-dst-node max over incoming edge messages
    h = jax.ops.segment_max(msg, block, num_segments=N_DST)
    # DGL fills nodes with no incoming edges with 0; segment_max fills with -inf
    h = jnp.where(jnp.isneginf(h), 0.0, h)
    # h_node = dstdata['h'] + src_emb[num_edges:, :]
    h_node = h + src_emb[num_edges:, :]
    return h_node

if __name__ == "__main__":
    import jax
    _d = setup_inputs()
    print(jax.jit(kernel)(*tuple(_d.values())))

</pallas_src>

<mosaic_0001>
#map = affine_map<(d0, d1) -> (0)>
#map1 = affine_map<(d0, d1) -> (0, 0)>
#map2 = affine_map<(d0, d1) -> (0, 0, 0)>
module attributes {stable_mosaic.version = 14 : i64} {
  func.func @body(%arg0: i32, %arg1: i32, %arg2: memref<81920xi32, #tpu.memory_space<hbm>>, %arg3: memref<128x81920xi32, #tpu.memory_space<hbm>>, %arg4: memref<2x128x10240xi32, #tpu.memory_space<hbm>>, %arg5: memref<640xi32, #tpu.memory_space<vmem>>, %arg6: memref<640xi32, #tpu.memory_space<vmem>>, %arg7: memref<8x640xi32, #tpu.memory_space<vmem>>, %arg8: memref<8x640xi32, #tpu.memory_space<vmem>>, %arg9: memref<640xi32, #tpu.memory_space<vmem>>, %arg10: memref<!tpu.dma_semaphore, #tpu.memory_space<semaphore_mem>>, %arg11: memref<!tpu.dma_semaphore, #tpu.memory_space<semaphore_mem>>, %arg12: memref<!tpu.dma_semaphore, #tpu.memory_space<semaphore_mem>>, %arg13: memref<!tpu.dma_semaphore, #tpu.memory_space<semaphore_mem>>, %arg14: memref<10240xi32, #tpu.memory_space<vmem>>, %arg15: memref<10240xi32, #tpu.memory_space<vmem>>, %arg16: memref<10240xi32, #tpu.memory_space<vmem>>, %arg17: memref<10240xi32, #tpu.memory_space<vmem>>, %arg18: memref<10240xi32, #tpu.memory_space<vmem>>, %arg19: memref<10240xi32, #tpu.memory_space<vmem>>, %arg20: memref<10240xi32, #tpu.memory_space<vmem>>, %arg21: memref<10240xi32, #tpu.memory_space<vmem>>) attributes {dimension_semantics = [#tpu.dimension_semantics<core_parallel>, #tpu.dimension_semantics<subcore_parallel>], iteration_bounds = array<i64: 2, 16>, scalar_prefetch = 0 : i64, scratch_operands = 17 : i64, tpu.core_type = #tpu.core_type<sc_vector_subcore>, window_params = [{transform_indices = #map}, {transform_indices = #map1}, {transform_indices = #map2}]} {
    %mul3A = arith.constant 8 : i32
    %mul3A_0 = arith.muli %arg1, %mul3A : i32
    %mul3A_1 = arith.constant 40960 : i32
    %mul3A_2 = arith.muli %arg0, %mul3A_1 : i32
    %broadcast_in_dim3A = arith.constant 0 : i32
    %broadcast_in_dim3A_3 = vector.broadcast %broadcast_in_dim3A : i32 to vector<16xi32>
    %scan3A = arith.constant 0 : i32
    %scan3A_4 = arith.constant 0 : i32
    %scan3A_5 = arith.constant 640 : i32
    %scan3A_6 = arith.addi %scan3A_4, %scan3A_5 : i32
    %scan3A_7 = arith.constant 1 : i32
    %scan3A_8 = scf.for %scan3A_39 = %scan3A_4 to %scan3A_6 step %scan3A_7 iter_args(%scan3A_40 = %scan3A) -> (i32)  : i32 {
      %mul3A_41 = arith.constant 16 : i32
      %mul3A_42 = arith.muli %scan3A_39, %mul3A_41 : i32
      %swap3A = arith.index_cast %mul3A_42 : i32 to index
      %swap3A_43 = tpu.vector_load %arg14[%swap3A] {strides = array<i32>} : memref<10240xi32, #tpu.memory_space<vmem>>, vector<16xi32>,
      tpu.vector_store %arg14[%swap3A], %broadcast_in_dim3A_3 {strides = array<i32>} : memref<10240xi32, #tpu.memory_space<vmem>>, vector<16xi32>,
      %mul3A_44 = arith.constant 16 : i32
      %mul3A_45 = arith.muli %scan3A_39, %mul3A_44 : i32
      %swap3A_46 = arith.index_cast %mul3A_45 : i32 to index
      %swap3A_47 = tpu.vector_load %arg15[%swap3A_46] {strides = array<i32>} : memref<10240xi32, #tpu.memory_space<vmem>>, vector<16xi32>,
      tpu.vector_store %arg15[%swap3A_46], %broadcast_in_dim3A_3 {strides = array<i32>} : memref<10240xi32, #tpu.memory_space<vmem>>, vector<16xi32>,
      %mul3A_48 = arith.constant 16 : i32
      %mul3A_49 = arith.muli %scan3A_39, %mul3A_48 : i32
      %swap3A_50 = arith.index_cast %mul3A_49 : i32 to index
      %swap3A_51 = tpu.vector_load %arg16[%swap3A_50] {strides = array<i32>} : memref<10240xi32, #tpu.memory_space<vmem>>, vector<16xi32>,
      tpu.vector_store %arg16[%swap3A_50], %broadcast_in_dim3A_3 {strides = array<i32>} : memref<10240xi32, #tpu.memory_space<vmem>>, vector<16xi32>,
      %mul3A_52 = arith.constant 16 : i32
      %mul3A_53 = arith.muli %scan3A_39, %mul3A_52 : i32
      %swap3A_54 = arith.index_cast %mul3A_53 : i32 to index
      %swap3A_55 = tpu.vector_load %arg17[%swap3A_54] {strides = array<i32>} : memref<10240xi32, #tpu.memory_space<vmem>>, vector<16xi32>,
      tpu.vector_store %arg17[%swap3A_54], %broadcast_in_dim3A_3 {strides = array<i32>} : memref<10240xi32, #tpu.memory_space<vmem>>, vector<16xi32>,
      %mul3A_56 = arith.constant 16 : i32
      %mul3A_57 = arith.muli %scan3A_39, %mul3A_56 : i32
      %swap3A_58 = arith.index_cast %mul3A_57 : i32 to index
      %swap3A_59 = tpu.vector_load %arg18[%swap3A_58] {strides = array<i32>} : memref<10240xi32, #tpu.memory_space<vmem>>, vector<16xi32>,
      tpu.vector_store %arg18[%swap3A_58], %broadcast_in_dim3A_3 {strides = array<i32>} : memref<10240xi32, #tpu.memory_space<vmem>>, vector<16xi32>,
      %mul3A_60 = arith.constant 16 : i32
      %mul3A_61 = arith.muli %scan3A_39, %mul3A_60 : i32
      %swap3A_62 = arith.index_cast %mul3A_61 : i32 to index
      %swap3A_63 = tpu.vector_load %arg19[%swap3A_62] {strides = array<i32>} : memref<10240xi32, #tpu.memory_space<vmem>>, vector<16xi32>,
      tpu.vector_store %arg19[%swap3A_62], %broadcast_in_dim3A_3 {strides = array<i32>} : memref<10240xi32, #tpu.memory_space<vmem>>, vector<16xi32>,
      %mul3A_64 = arith.constant 16 : i32
      %mul3A_65 = arith.muli %scan3A_39, %mul3A_64 : i32
      %swap3A_66 = arith.index_cast %mul3A_65 : i32 to index
      %swap3A_67 = tpu.vector_load %arg20[%swap3A_66] {strides = array<i32>} : memref<10240xi32, #tpu.memory_space<vmem>>, vector<16xi32>,
      tpu.vector_store %arg20[%swap3A_66], %broadcast_in_dim3A_3 {strides = array<i32>} : memref<10240xi32, #tpu.memory_space<vmem>>, vector<16xi32>,
      %mul3A_68 = arith.constant 16 : i32
      %mul3A_69 = arith.muli %scan3A_39, %mul3A_68 : i32
      %swap3A_70 = arith.index_cast %mul3A_69 : i32 to index
      %swap3A_71 = tpu.vector_load %arg21[%swap3A_70] {strides = array<i32>} : memref<10240xi32, #tpu.memory_space<vmem>>, vector<16xi32>,
      tpu.vector_store %arg21[%swap3A_70], %broadcast_in_dim3A_3 {strides = array<i32>} : memref<10240xi32, #tpu.memory_space<vmem>>, vector<16xi32>,
      %scan3A_72 = arith.constant 0 : i32
      scf.yield %scan3A_72 : i32
    }
    %scan3A_9 = arith.constant 640 : i32
    %add3A = arith.constant 0 : i32
    %add3A_10 = arith.addi %mul3A_2, %add3A : i32
    %dma_start3A = tpu.memref_slice %arg2[%add3A_10] : memref<81920xi32, #tpu.memory_space<hbm>> -> memref<640xi32, #tpu.memory_space<hbm>>
    %dma_start3A_11 = tpu.memref_slice %arg2[%add3A_10] : memref<81920xi32, #tpu.memory_space<hbm>> -> memref<640xi32, #tpu.memory_space<hbm>>
    tpu.enqueue_dma source(%dma_start3A_11 : memref<640xi32, #tpu.memory_space<hbm>>) target(%arg5 : memref<640xi32, #tpu.memory_space<vmem>>) target_semaphore(%arg10 : memref<!tpu.dma_semaphore, #tpu.memory_space<semaphore_mem>>)
    %add3A_12 = arith.constant 0 : i32
    %add3A_13 = arith.addi %mul3A_2, %add3A_12 : i32
    %dma_start3A_14 = tpu.memref_slice %arg3[%mul3A_0, %add3A_13] : memref<128x81920xi32, #tpu.memory_space<hbm>> -> memref<8x640xi32, #tpu.memory_space<hbm>>
    %dma_start3A_15 = tpu.memref_slice %arg3[%mul3A_0, %add3A_13] : memref<128x81920xi32, #tpu.memory_space<hbm>> -> memref<8x640xi32, #tpu.memory_space<hbm>>
    tpu.enqueue_dma source(%dma_start3A_15 : memref<8x640xi32, #tpu.memory_space<hbm>>) target(%arg7 : memref<8x640xi32, #tpu.memory_space<vmem>>) target_semaphore(%arg12 : memref<!tpu.dma_semaphore, #tpu.memory_space<semaphore_mem>>)
    %scan3A_16 = arith.constant 0 : i32
    %scan3A_17 = arith.constant 0 : i32
    %scan3A_18 = arith.constant 32 : i32
    %scan3A_19 = arith.addi %scan3A_17, %scan3A_18 : i32
    %scan3A_20 = arith.constant 1 : i32
    %scan3A_21 = scf.for %scan3A_39 = %scan3A_17 to %scan3A_19 step %scan3A_20 iter_args(%scan3A_40 = %scan3A_16) -> (i32)  : i32 {
      %mul3A_41 = arith.constant 2 : i32
      %mul3A_42 = arith.muli %scan3A_39, %mul3A_41 : i32
      %dma_wait3A = tpu.memref_slice %arg2[%mul3A_2] : memref<81920xi32, #tpu.memory_space<hbm>> -> memref<640xi32, #tpu.memory_space<hbm>>
      %dma_wait3A_43 = tpu.memref_slice %arg2[%mul3A_2] : memref<81920xi32, #tpu.memory_space<hbm>> -> memref<640xi32, #tpu.memory_space<hbm>>
      tpu.wait_dma2 semaphore(%arg10 : memref<!tpu.dma_semaphore, #tpu.memory_space<semaphore_mem>>) src(%dma_wait3A_43 : memref<640xi32, #tpu.memory_space<hbm>>) dst(%arg5 : memref<640xi32, #tpu.memory_space<vmem>>)
      %dma_wait3A_44 = tpu.memref_slice %arg3[%mul3A_0, %mul3A_2] : memref<128x81920xi32, #tpu.memory_space<hbm>> -> memref<8x640xi32, #tpu.memory_space<hbm>>
      %dma_wait3A_45 = tpu.memref_slice %arg3[%mul3A_0, %mul3A_2] : memref<128x81920xi32, #tpu.memory_space<hbm>> -> memref<8x640xi32, #tpu.memory_space<hbm>>
      tpu.wait_dma2 semaphore(%arg12 : memref<!tpu.dma_semaphore, #tpu.memory_space<semaphore_mem>>) src(%dma_wait3A_45 : memref<8x640xi32, #tpu.memory_space<hbm>>) dst(%arg7 : memref<8x640xi32, #tpu.memory_space<vmem>>)
      %add3A_46 = arith.constant 1 : i32
      %add3A_47 = arith.addi %mul3A_42, %add3A_46 : i32
      %lt3A = arith.constant 64 : i32
      %lt3A_48 = arith.cmpi slt, %add3A_47, %lt3A : i32
      %convert_element_type3A = arith.extui %lt3A_48 : i1 to i32
      %cond3A = arith.constant 0 : i32
      %cond3A_49 = arith.cmpi ne, %convert_element_type3A, %cond3A : i32
      scf.if %cond3A_49 {
        %add3A_72 = arith.constant 1 : i32
        %add3A_73 = arith.addi %mul3A_42, %add3A_72 : i32
        %mul3A_74 = arith.constant 640 : i32
        %mul3A_75 = arith.muli %add3A_73, %mul3A_74 : i32
        %add3A_76 = arith.addi %mul3A_2, %mul3A_75 : i32
        %dma_start3A_77 = tpu.memref_slice %arg2[%add3A_76] : memref<81920xi32, #tpu.memory_space<hbm>> -> memref<640xi32, #tpu.memory_space<hbm>>
        %dma_start3A_78 = tpu.memref_slice %arg2[%add3A_76] : memref<81920xi32, #tpu.memory_space<hbm>> -> memref<640xi32, #tpu.memory_space<hbm>>
        tpu.enqueue_dma source(%dma_start3A_78 : memref<640xi32, #tpu.memory_space<hbm>>) target(%arg6 : memref<640xi32, #tpu.memory_space<vmem>>) target_semaphore(%arg11 : memref<!tpu.dma_semaphore, #tpu.memory_space<semaphore_mem>>)
        %mul3A_79 = arith.constant 640 : i32
        %mul3A_80 = arith.muli %add3A_73, %mul3A_79 : i32
        %add3A_81 = arith.addi %mul3A_2, %mul3A_80 : i32
        %dma_start3A_82 = tpu.memref_slice %arg3[%mul3A_0, %add3A_81] : memref<128x81920xi32, #tpu.memory_space<hbm>> -> memref<8x640xi32, #tpu.memory_space<hbm>>
        %dma_start3A_83 = tpu.memref_slice %arg3[%mul3A_0, %add3A_81] : memref<128x81920xi32, #tpu.memory_space<hbm>> -> memref<8x640xi32, #tpu.memory_space<hbm>>
        tpu.enqueue_dma source(%dma_start3A_83 : memref<8x640xi32, #tpu.memory_space<hbm>>) target(%arg8 : memref<8x640xi32, #tpu.memory_space<vmem>>) target_semaphore(%arg13 : memref<!tpu.dma_semaphore, #tpu.memory_space<semaphore_mem>>)
      } else {
      }
      %scan3A_50 = arith.constant 0 : i32
      %scan3A_51 = arith.constant 0 : i32
      %scan3A_52 = arith.constant 40 : i32
      %scan3A_53 = arith.addi %scan3A_51, %scan3A_52 : i32
      %scan3A_54 = arith.constant 1 : i32
      %scan3A_55 = scf.for %scan3A_72 = %scan3A_51 to %scan3A_53 step %scan3A_54 iter_args(%scan3A_73 = %scan3A_50) -> (i32)  : i32 {
        %mul3A_74 = arith.constant 16 : i32
        %mul3A_75 = arith.muli %scan3A_72, %mul3A_74 : i32
        %get3A = arith.index_cast %mul3A_75 : i32 to index
        %get3A_76 = tpu.vector_load %arg5[%get3A] {strides = array<i32>} : memref<640xi32, #tpu.memory_space<vmem>>, vector<16xi32>,
        %broadcast_in_dim3A_77 = arith.constant true
        %broadcast_in_dim3A_78 = vector.broadcast %broadcast_in_dim3A_77 : i1 to vector<16xi1>
        %unique3A, %unique3A_79 = tpu.scan_count mask(%broadcast_in_dim3A_78 : vector<16xi1>) value(%get3A_76 : vector<16xi32>) : vector<16xi1>, vector<16xi32>
        %all_reduce_population_count3A = tpu.all_reduce %unique3A {dim = 0 : i64, kind = #tpu.reduction_kind<sum>} : vector<16xi1> -> vector<16xi32>
        %mul3A_80 = arith.constant 16 : i32
        %mul3A_81 = arith.muli %scan3A_72, %mul3A_80 : i32
        %swap3A = arith.index_cast %mul3A_81 : i32 to index
        %swap3A_82 = tpu.vector_load %arg9[%swap3A] {strides = array<i32>} : memref<640xi32, #tpu.memory_space<vmem>>, vector<16xi32>,
        tpu.vector_store %arg9[%swap3A], %all_reduce_population_count3A {strides = array<i32>} : memref<640xi32, #tpu.memory_space<vmem>>, vector<16xi32>,
        %scan3A_83 = arith.constant 0 : i32
        scf.yield %scan3A_83 : i32
      }
      %scan3A_56 = arith.constant 40 : i32
      %scan3A_57 = arith.constant 0 : i32
      %scan3A_58 = arith.constant 0 : i32
      %scan3A_59 = arith.constant 20 : i32
      %scan3A_60 = arith.addi %scan3A_58, %scan3A_59 : i32
      %scan3A_61 = arith.constant 1 : i32
      %scan3A_62 = scf.for %scan3A_72 = %scan3A_58 to %scan3A_60 step %scan3A_61 iter_args(%scan3A_73 = %scan3A_57) -> (i32)  : i32 {
        %mul3A_74 = arith.constant 2 : i32
        %mul3A_75 = arith.muli %scan3A_72, %mul3A_74 : i32
        %mul3A_76 = arith.constant 16 : i32
        %mul3A_77 = arith.muli %mul3A_75, %mul3A_76 : i32
        %get3A = arith.index_cast %mul3A_77 : i32 to index
        %get3A_78 = tpu.vector_load %arg5[%get3A] {strides = array<i32>} : memref<640xi32, #tpu.memory_space<vmem>>, vector<16xi32>,
        %mul3A_79 = arith.constant 16 : i32
        %mul3A_80 = arith.muli %mul3A_75, %mul3A_79 : i32
        %get3A_81 = arith.index_cast %mul3A_80 : i32 to index
        %get3A_82 = tpu.vector_load %arg9[%get3A_81] {strides = array<i32>} : memref<640xi32, #tpu.memory_space<vmem>>, vector<16xi32>,
        %slice3A = vector.extract_strided_slice %get3A_82 {offsets = [0], sizes = [1], strides = [1]} : vector<16xi32> to vector<1xi32>
        %squeeze3A = vector.extract %slice3A[0] : i32 from vector<1xi32>
        %eq3A = arith.constant 16 : i32
        %eq3A_83 = arith.cmpi eq, %squeeze3A, %eq3A : i32
        %convert_element_type3A_84 = arith.extui %eq3A_83 : i1 to i32
        %cond3A_85 = arith.constant 0 : i32
        %cond3A_86 = arith.cmpi ne, %convert_element_type3A_84, %cond3A_85 : i32
        scf.if %cond3A_86 {
          %mul3A_107 = arith.constant 16 : i32
          %mul3A_108 = arith.muli %mul3A_75, %mul3A_107 : i32
          %get3A_109 = arith.constant 0 : i32
          %get3A_110 = arith.index_cast %get3A_109 : i32 to index
          %get3A_111 = arith.index_cast %mul3A_108 : i32 to index
          %get3A_112 = tpu.vector_load %arg7[%get3A_110, %get3A_111] {strides = array<i32>} : memref<8x640xi32, #tpu.memory_space<vmem>>, vector<16xi32>,
          %gather3A = tpu.vector_load_idx %arg14[%get3A_78] : memref<10240xi32, #tpu.memory_space<vmem>>[vector<16xi32>], vector<16xi32>,
          %bitcast3A = vector.bitcast %gather3A : vector<16xi32> to vector<32xbf16>
          %bitcast3A_113 = vector.bitcast %get3A_112 : vector<16xi32> to vector<32xbf16>
          %max3A = arith.maximumf %bitcast3A, %bitcast3A_113 : vector<32xbf16>
          %bitcast3A_114 = vector.bitcast %max3A : vector<32xbf16> to vector<16xi32>
          tpu.vector_store_idx %arg14[%get3A_78], %bitcast3A_114 : memref<10240xi32, #tpu.memory_space<vmem>>[vector<16xi32>], vector<16xi32>,
          %mul3A_115 = arith.constant 16 : i32
          %mul3A_116 = arith.muli %mul3A_75, %mul3A_115 : i32
          %get3A_117 = arith.constant 1 : i32
          %get3A_118 = arith.index_cast %get3A_117 : i32 to index
          %get3A_119 = arith.index_cast %mul3A_116 : i32 to index
          %get3A_120 = tpu.vector_load %arg7[%get3A_118, %get3A_119] {strides = array<i32>} : memref<8x640xi32, #tpu.memory_space<vmem>>, vector<16xi32>,
          %gather3A_121 = tpu.vector_load_idx %arg15[%get3A_78] : memref<10240xi32, #tpu.memory_space<vmem>>[vector<16xi32>], vector<16xi32>,
          %bitcast3A_122 = vector.bitcast %gather3A_121 : vector<16xi32> to vector<32xbf16>
          %bitcast3A_123 = vector.bitcast %get3A_120 : vector<16xi32> to vector<32xbf16>
          %max3A_124 = arith.maximumf %bitcast3A_122, %bitcast3A_123 : vector<32xbf16>
          %bitcast3A_125 = vector.bitcast %max3A_124 : vector<32xbf16> to vector<16xi32>
          tpu.vector_store_idx %arg15[%get3A_78], %bitcast3A_125 : memref<10240xi32, #tpu.memory_space<vmem>>[vector<16xi32>], vector<16xi32>,
          %mul3A_126 = arith.constant 16 : i32
          %mul3A_127 = arith.muli %mul3A_75, %mul3A_126 : i32
          %get3A_128 = arith.constant 2 : i32
          %get3A_129 = arith.index_cast %get3A_128 : i32 to index
          %get3A_130 = arith.index_cast %mul3A_127 : i32 to index
          %get3A_131 = tpu.vector_load %arg7[%get3A_129, %get3A_130] {strides = array<i32>} : memref<8x640xi32, #tpu.memory_space<vmem>>, vector<16xi32>,
          %gather3A_132 = tpu.vector_load_idx %arg16[%get3A_78] : memref<10240xi32, #tpu.memory_space<vmem>>[vector<16xi32>], vector<16xi32>,
          %bitcast3A_133 = vector.bitcast %gather3A_132 : vector<16xi32> to vector<32xbf16>
          %bitcast3A_134 = vector.bitcast %get3A_131 : vector<16xi32> to vector<32xbf16>
          %max3A_135 = arith.maximumf %bitcast3A_133, %bitcast3A_134 : vector<32xbf16>
          %bitcast3A_136 = vector.bitcast %max3A_135 : vector<32xbf16> to vector<16xi32>
          tpu.vector_store_idx %arg16[%get3A_78], %bitcast3A_136 : memref<10240xi32, #tpu.memory_space<vmem>>[vector<16xi32>], vector<16xi32>,
          %mul3A_137 = arith.constant 16 : i32
          %mul3A_138 = arith.muli %mul3A_75, %mul3A_137 : i32
          %get3A_139 = arith.constant 3 : i32
          %get3A_140 = arith.index_cast %get3A_139 : i32 to index
          %get3A_141 = arith.index_cast %mul3A_138 : i32 to index
          %get3A_142 = tpu.vector_load %arg7[%get3A_140, %get3A_141] {strides = array<i32>} : memref<8x640xi32, #tpu.memory_space<vmem>>, vector<16xi32>,
          %gather3A_143 = tpu.vector_load_idx %arg17[%get3A_78] : memref<10240xi32, #tpu.memory_space<vmem>>[vector<16xi32>], vector<16xi32>,
          %bitcast3A_144 = vector.bitcast %gather3A_143 : vector<16xi32> to vector<32xbf16>
          %bitcast3A_145 = vector.bitcast %get3A_142 : vector<16xi32> to vector<32xbf16>
          %max3A_146 = arith.maximumf %bitcast3A_144, %bitcast3A_145 : vector<32xbf16>
          %bitcast3A_147 = vector.bitcast %max3A_146 : vector<32xbf16> to vector<16xi32>
          tpu.vector_store_idx %arg17[%get3A_78], %bitcast3A_147 : memref<10240xi32, #tpu.memory_space<vmem>>[vector<16xi32>], vector<16xi32>,
          %mul3A_148 = arith.constant 16 : i32
          %mul3A_149 = arith.muli %mul3A_75, %mul3A_148 : i32
          %get3A_150 = arith.constant 4 : i32
          %get3A_151 = arith.index_cast %get3A_150 : i32 to index
          %get3A_152 = arith.index_cast %mul3A_149 : i32 to index
          %get3A_153 = tpu.vector_load %arg7[%get3A_151, %get3A_152] {strides = array<i32>} : memref<8x640xi32, #tpu.memory_space<vmem>>, vector<16xi32>,
          %gather3A_154 = tpu.vector_load_idx %arg18[%get3A_78] : memref<10240xi32, #tpu.memory_space<vmem>>[vector<16xi32>], vector<16xi32>,
          %bitcast3A_155 = vector.bitcast %gather3A_154 : vector<16xi32> to vector<32xbf16>
          %bitcast3A_156 = vector.bitcast %get3A_153 : vector<16xi32> to vector<32xbf16>
          %max3A_157 = arith.maximumf %bitcast3A_155, %bitcast3A_156 : vector<32xbf16>
          %bitcast3A_158 = vector.bitcast %max3A_157 : vector<32xbf16> to vector<16xi32>
          tpu.vector_store_idx %arg18[%get3A_78], %bitcast3A_158 : memref<10240xi32, #tpu.memory_space<vmem>>[vector<16xi32>], vector<16xi32>,
          %mul3A_159 = arith.constant 16 : i32
          %mul3A_160 = arith.muli %mul3A_75, %mul3A_159 : i32
          %get3A_161 = arith.constant 5 : i32
          %get3A_162 = arith.index_cast %get3A_161 : i32 to index
          %get3A_163 = arith.index_cast %mul3A_160 : i32 to index
          %get3A_164 = tpu.vector_load %arg7[%get3A_162, %get3A_163] {strides = array<i32>} : memref<8x640xi32, #tpu.memory_space<vmem>>, vector<16xi32>,
          %gather3A_165 = tpu.vector_load_idx %arg19[%get3A_78] : memref<10240xi32, #tpu.memory_space<vmem>>[vector<16xi32>], vector<16xi32>,
          %bitcast3A_166 = vector.bitcast %gather3A_165 : vector<16xi32> to vector<32xbf16>
          %bitcast3A_167 = vector.bitcast %get3A_164 : vector<16xi32> to vector<32xbf16>
          %max3A_168 = arith.maximumf %bitcast3A_166, %bitcast3A_167 : vector<32xbf16>
          %bitcast3A_169 = vector.bitcast %max3A_168 : vector<32xbf16> to vector<16xi32>
          tpu.vector_store_idx %arg19[%get3A_78], %bitcast3A_169 : memref<10240xi32, #tpu.memory_space<vmem>>[vector<16xi32>], vector<16xi32>,
          %mul3A_170 = arith.constant 16 : i32
          %mul3A_171 = arith.muli %mul3A_75, %mul3A_170 : i32
          %get3A_172 = arith.constant 6 : i32
          %get3A_173 = arith.index_cast %get3A_172 : i32 to index
          %get3A_174 = arith.index_cast %mul3A_171 : i32 to index
          %get3A_175 = tpu.vector_load %arg7[%get3A_173, %get3A_174] {strides = array<i32>} : memref<8x640xi32, #tpu.memory_space<vmem>>, vector<16xi32>,
          %gather3A_176 = tpu.vector_load_idx %arg20[%get3A_78] : memref<10240xi32, #tpu.memory_space<vmem>>[vector<16xi32>], vector<16xi32>,
          %bitcast3A_177 = vector.bitcast %gather3A_176 : vector<16xi32> to vector<32xbf16>
          %bitcast3A_178 = vector.bitcast %get3A_175 : vector<16xi32> to vector<32xbf16>
          %max3A_179 = arith.maximumf %bitcast3A_177, %bitcast3A_178 : vector<32xbf16>
          %bitcast3A_180 = vector.bitcast %max3A_179 : vector<32xbf16> to vector<16xi32>
          tpu.vector_store_idx %arg20[%get3A_78], %bitcast3A_180 : memref<10240xi32, #tpu.memory_space<vmem>>[vector<16xi32>], vector<16xi32>,
          %mul3A_181 = arith.constant 16 : i32
          %mul3A_182 = arith.muli %mul3A_75, %mul3A_181 : i32
          %get3A_183 = arith.constant 7 : i32
          %get3A_184 = arith.index_cast %get3A_183 : i32 to index
          %get3A_185 = arith.index_cast %mul3A_182 : i32 to index
          %get3A_186 = tpu.vector_load %arg7[%get3A_184, %get3A_185] {strides = array<i32>} : memref<8x640xi32, #tpu.memory_space<vmem>>, vector<16xi32>,
          %gather3A_187 = tpu.vector_load_idx %arg21[%get3A_78] : memref<10240xi32, #tpu.memory_space<vmem>>[vector<16xi32>], vector<16xi32>,
          %bitcast3A_188 = vector.bitcast %gather3A_187 : vector<16xi32> to vector<32xbf16>
          %bitcast3A_189 = vector.bitcast %get3A_186 : vector<16xi32> to vector<32xbf16>
          %max3A_190 = arith.maximumf %bitcast3A_188, %bitcast3A_189 : vector<32xbf16>
          %bitcast3A_191 = vector.bitcast %max3A_190 : vector<32xbf16> to vector<16xi32>
          tpu.vector_store_idx %arg21[%get3A_78], %bitcast3A_191 : memref<10240xi32, #tpu.memory_space<vmem>>[vector<16xi32>], vector<16xi32>,
        } else {
          %mul3A_107 = arith.constant 16 : i32
          %mul3A_108 = arith.muli %mul3A_75, %mul3A_107 : i32
          %get3A_109 = arith.constant 0 : i32
          %get3A_110 = arith.index_cast %get3A_109 : i32 to index
          %get3A_111 = arith.index_cast %mul3A_108 : i32 to index
          %get3A_112 = tpu.vector_load %arg7[%get3A_110, %get3A_111] {strides = array<i32>} : memref<8x640xi32, #tpu.memory_space<vmem>>, vector<16xi32>,
          %broadcast_in_dim3A_113 = arith.constant true
          %broadcast_in_dim3A_114 = vector.broadcast %broadcast_in_dim3A_113 : i1 to vector<16xi1>
          %while3A:2 = scf.while (%while3A_178 = %broadcast_in_dim3A_114, %while3A_179 = %get3A_112) : (vector<16xi1>, vector<16xi32>) -> (vector<16xi1>, vector<16xi32>) {
            %reduce_or3A = arith.constant 1.000000e+00 : f32
            %reduce_or3A_180 = arith.constant 0.000000e+00 : f32
            %reduce_or3A_181 = vector.broadcast %reduce_or3A : f32 to vector<16xf32>
            %reduce_or3A_182 = vector.broadcast %reduce_or3A_180 : f32 to vector<16xf32>
            %reduce_or3A_183 = arith.select %while3A_178, %reduce_or3A_181, %reduce_or3A_182 : vector<16xi1>, vector<16xf32>
            %reduce_or3A_184 = arith.constant true
            %reduce_or3A_185 = vector.broadcast %reduce_or3A_184 : i1 to vector<16xi1>
            %reduce_or3A_186 = tpu.scan <max>, %reduce_or3A_183 masked %reduce_or3A_185 : vector<16xf32>, vector<16xi1> -> vector<16xf32>
            %reduce_or3A_187 = vector.extract %reduce_or3A_186[15] : f32 from vector<16xf32>
            %reduce_or3A_188 = arith.constant 0.000000e+00 : f32
            %reduce_or3A_189 = arith.cmpf ogt, %reduce_or3A_187, %reduce_or3A_188 : f32
            scf.condition(%reduce_or3A_189) %while3A_178, %while3A_179 : vector<16xi1>, vector<16xi32>
          } do {
          ^bb0(%while3A_178: vector<16xi1>, %while3A_179: vector<16xi32>):
            %gather3A = tpu.vector_load_idx %arg14[%get3A_78] : memref<10240xi32, #tpu.memory_space<vmem>>[vector<16xi32>], vector<16xi32>,
            %bitcast3A = vector.bitcast %gather3A : vector<16xi32> to vector<32xbf16>
            %bitcast3A_180 = vector.bitcast %while3A_179 : vector<16xi32> to vector<32xbf16>
            %max3A = arith.maximumf %bitcast3A, %bitcast3A_180 : vector<32xbf16>
            %bitcast3A_181 = vector.bitcast %max3A : vector<32xbf16> to vector<16xi32>
            tpu.vector_store_idx %arg14[%get3A_78], %bitcast3A_181 masked %while3A_178 : memref<10240xi32, #tpu.memory_space<vmem>>[vector<16xi32>], vector<16xi32>, vector<16xi1>
            %gather3A_182 = tpu.vector_load_idx %arg14[%get3A_78] : memref<10240xi32, #tpu.memory_space<vmem>>[vector<16xi32>], vector<16xi32>,
            %ne3A = arith.cmpi ne, %gather3A_182, %bitcast3A_181 : vector<16xi32>
            %and3A = arith.andi %while3A_178, %ne3A : vector<16xi1>
            scf.yield %and3A, %bitcast3A_181 : vector<16xi1>, vector<16xi32>
          }
          %mul3A_115 = arith.constant 16 : i32
          %mul3A_116 = arith.muli %mul3A_75, %mul3A_115 : i32
          %get3A_117 = arith.constant 1 : i32
          %get3A_118 = arith.index_cast %get3A_117 : i32 to index
          %get3A_119 = arith.index_cast %mul3A_116 : i32 to index
          %get3A_120 = tpu.vector_load %arg7[%get3A_118, %get3A_119] {strides = array<i32>} : memref<8x640xi32, #tpu.memory_space<vmem>>, vector<16xi32>,
          %broadcast_in_dim3A_121 = arith.constant true
          %broadcast_in_dim3A_122 = vector.broadcast %broadcast_in_dim3A_121 : i1 to vector<16xi1>
          %while3A_123:2 = scf.while (%while3A_178 = %broadcast_in_dim3A_122, %while3A_179 = %get3A_120) : (vector<16xi1>, vector<16xi32>) -> (vector<16xi1>, vector<16xi32>) {
            %reduce_or3A = arith.constant 1.000000e+00 : f32
            %reduce_or3A_180 = arith.constant 0.000000e+00 : f32
            %reduce_or3A_181 = vector.broadcast %reduce_or3A : f32 to vector<16xf32>
            %reduce_or3A_182 = vector.broadcast %reduce_or3A_180 : f32 to vector<16xf32>
            %reduce_or3A_183 = arith.select %while3A_178, %reduce_or3A_181, %reduce_or3A_182 : vector<16xi1>, vector<16xf32>
            %reduce_or3A_184 = arith.constant true
            %reduce_or3A_185 = vector.broadcast %reduce_or3A_184 : i1 to vector<16xi1>
            %reduce_or3A_186 = tpu.scan <max>, %reduce_or3A_183 masked %reduce_or3A_185 : vector<16xf32>, vector<16xi1> -> vector<16xf32>
            %reduce_or3A_187 = vector.extract %reduce_or3A_186[15] : f32 from vector<16xf32>
            %reduce_or3A_188 = arith.constant 0.000000e+00 : f32
            %reduce_or3A_189 = arith.cmpf ogt, %reduce_or3A_187, %reduce_or3A_188 : f32
            scf.condition(%reduce_or3A_189) %while3A_178, %while3A_179 : vector<16xi1>, vector<16xi32>
          } do {
          ^bb0(%while3A_178: vector<16xi1>, %while3A_179: vector<16xi32>):
            %gather3A = tpu.vector_load_idx %arg15[%get3A_78] : memref<10240xi32, #tpu.memory_space<vmem>>[vector<16xi32>], vector<16xi32>,
            %bitcast3A = vector.bitcast %gather3A : vector<16xi32> to vector<32xbf16>
            %bitcast3A_180 = vector.bitcast %while3A_179 : vector<16xi32> to vector<32xbf16>
            %max3A = arith.maximumf %bitcast3A, %bitcast3A_180 : vector<32xbf16>
            %bitcast3A_181 = vector.bitcast %max3A : vector<32xbf16> to vector<16xi32>
            tpu.vector_store_idx %arg15[%get3A_78], %bitcast3A_181 masked %while3A_178 : memref<10240xi32, #tpu.memory_space<vmem>>[vector<16xi32>], vector<16xi32>, vector<16xi1>
            %gather3A_182 = tpu.vector_load_idx %arg15[%get3A_78] : memref<10240xi32, #tpu.memory_space<vmem>>[vector<16xi32>], vector<16xi32>,
            %ne3A = arith.cmpi ne, %gather3A_182, %bitcast3A_181 : vector<16xi32>
            %and3A = arith.andi %while3A_178, %ne3A : vector<16xi1>
            scf.yield %and3A, %bitcast3A_181 : vector<16xi1>, vector<16xi32>
          }
          %mul3A_124 = arith.constant 16 : i32
          %mul3A_125 = arith.muli %mul3A_75, %mul3A_124 : i32
          %get3A_126 = arith.constant 2 : i32
          %get3A_127 = arith.index_cast %get3A_126 : i32 to index
          %get3A_128 = arith.index_cast %mul3A_125 : i32 to index
          %get3A_129 = tpu.vector_load %arg7[%get3A_127, %get3A_128] {strides = array<i32>} : memref<8x640xi32, #tpu.memory_space<vmem>>, vector<16xi32>,
          %broadcast_in_dim3A_130 = arith.constant true
          %broadcast_in_dim3A_131 = vector.broadcast %broadcast_in_dim3A_130 : i1 to vector<16xi1>
          %while3A_132:2 = scf.while (%while3A_178 = %broadcast_in_dim3A_131, %while3A_179 = %get3A_129) : (vector<16xi1>, vector<16xi32>) -> (vector<16xi1>, vector<16xi32>) {
            %reduce_or3A = arith.constant 1.000000e+00 : f32
            %reduce_or3A_180 = arith.constant 0.000000e+00 : f32
            %reduce_or3A_181 = vector.broadcast %reduce_or3A : f32 to vector<16xf32>
            %reduce_or3A_182 = vector.broadcast %reduce_or3A_180 : f32 to vector<16xf32>
            %reduce_or3A_183 = arith.select %while3A_178, %reduce_or3A_181, %reduce_or3A_182 : vector<16xi1>, vector<16xf32>
            %reduce_or3A_184 = arith.constant true
            %reduce_or3A_185 = vector.broadcast %reduce_or3A_184 : i1 to vector<16xi1>
            %reduce_or3A_186 = tpu.scan <max>, %reduce_or3A_183 masked %reduce_or3A_185 : vector<16xf32>, vector<16xi1> -> vector<16xf32>
            %reduce_or3A_187 = vector.extract %reduce_or3A_186[15] : f32 from vector<16xf32>
            %reduce_or3A_188 = arith.constant 0.000000e+00 : f32
            %reduce_or3A_189 = arith.cmpf ogt, %reduce_or3A_187, %reduce_or3A_188 : f32
            scf.condition(%reduce_or3A_189) %while3A_178, %while3A_179 : vector<16xi1>, vector<16xi32>
          } do {
          ^bb0(%while3A_178: vector<16xi1>, %while3A_179: vector<16xi32>):
            %gather3A = tpu.vector_load_idx %arg16[%get3A_78] : memref<10240xi32, #tpu.memory_space<vmem>>[vector<16xi32>], vector<16xi32>,
            %bitcast3A = vector.bitcast %gather3A : vector<16xi32> to vector<32xbf16>
            %bitcast3A_180 = vector.bitcast %while3A_179 : vector<16xi32> to vector<32xbf16>
            %max3A = arith.maximumf %bitcast3A, %bitcast3A_180 : vector<32xbf16>
            %bitcast3A_181 = vector.bitcast %max3A : vector<32xbf16> to vector<16xi32>
            tpu.vector_store_idx %arg16[%get3A_78], %bitcast3A_181 masked %while3A_178 : memref<10240xi32, #tpu.memory_space<vmem>>[vector<16xi32>], vector<16xi32>, vector<16xi1>
            %gather3A_182 = tpu.vector_load_idx %arg16[%get3A_78] : memref<10240xi32, #tpu.memory_space<vmem>>[vector<16xi32>], vector<16xi32>,
            %ne3A = arith.cmpi ne, %gather3A_182, %bitcast3A_181 : vector<16xi32>
            %and3A = arith.andi %while3A_178, %ne3A : vector<16xi1>
            scf.yield %and3A, %bitcast3A_181 : vector<16xi1>, vector<16xi32>
          }
          %mul3A_133 = arith.constant 16 : i32
          %mul3A_134 = arith.muli %mul3A_75, %mul3A_133 : i32
          %get3A_135 = arith.constant 3 : i32
          %get3A_136 = arith.index_cast %get3A_135 : i32 to index
          %get3A_137 = arith.index_cast %mul3A_134 : i32 to index
          %get3A_138 = tpu.vector_load %arg7[%get3A_136, %get3A_137] {strides = array<i32>} : memref<8x640xi32, #tpu.memory_space<vmem>>, vector<16xi32>,
          %broadcast_in_dim3A_139 = arith.constant true
          %broadcast_in_dim3A_140 = vector.broadcast %broadcast_in_dim3A_139 : i1 to vector<16xi1>
          %while3A_141:2 = scf.while (%while3A_178 = %broadcast_in_dim3A_140, %while3A_179 = %get3A_138) : (vector<16xi1>, vector<16xi32>) -> (vector<16xi1>, vector<16xi32>) {
            %reduce_or3A = arith.constant 1.000000e+00 : f32
            %reduce_or3A_180 = arith.constant 0.000000e+00 : f32
            %reduce_or3A_181 = vector.broadcast %reduce_or3A : f32 to vector<16xf32>
            %reduce_or3A_182 = vector.broadcast %reduce_or3A_180 : f32 to vector<16xf32>
            %reduce_or3A_183 = arith.select %while3A_178, %reduce_or3A_181, %reduce_or3A_182 : vector<16xi1>, vector<16xf32>
            %reduce_or3A_184 = arith.constant true
            %reduce_or3A_185 = vector.broadcast %reduce_or3A_184 : i1 to vector<16xi1>
            %reduce_or3A_186 = tpu.scan <max>, %reduce_or3A_183 masked %reduce_or3A_185 : vector<16xf32>, vector<16xi1> -> vector<16xf32>
            %reduce_or3A_187 = vector.extract %reduce_or3A_186[15] : f32 from vector<16xf32>
            %reduce_or3A_188 = arith.constant 0.000000e+00 : f32
            %reduce_or3A_189 = arith.cmpf ogt, %reduce_or3A_187, %reduce_or3A_188 : f32
            scf.condition(%reduce_or3A_189) %while3A_178, %while3A_179 : vector<16xi1>, vector<16xi32>
          } do {
          ^bb0(%while3A_178: vector<16xi1>, %while3A_179: vector<16xi32>):
            %gather3A = tpu.vector_load_idx %arg17[%get3A_78] : memref<10240xi32, #tpu.memory_space<vmem>>[vector<16xi32>], vector<16xi32>,
            %bitcast3A = vector.bitcast %gather3A : vector<16xi32> to vector<32xbf16>
            %bitcast3A_180 = vector.bitcast %while3A_179 : vector<16xi32> to vector<32xbf16>
            %max3A = arith.maximumf %bitcast3A, %bitcast3A_180 : vector<32xbf16>
            %bitcast3A_181 = vector.bitcast %max3A : vector<32xbf16> to vector<16xi32>
            tpu.vector_store_idx %arg17[%get3A_78], %bitcast3A_181 masked %while3A_178 : memref<10240xi32, #tpu.memory_space<vmem>>[vector<16xi32>], vector<16xi32>, vector<16xi1>
            %gather3A_182 = tpu.vector_load_idx %arg17[%get3A_78] : memref<10240xi32, #tpu.memory_space<vmem>>[vector<16xi32>], vector<16xi32>,
            %ne3A = arith.cmpi ne, %gather3A_182, %bitcast3A_181 : vector<16xi32>
            %and3A = arith.andi %while3A_178, %ne3A : vector<16xi1>
            scf.yield %and3A, %bitcast3A_181 : vector<16xi1>, vector<16xi32>
          }
          %mul3A_142 = arith.constant 16 : i32
          %mul3A_143 = arith.muli %mul3A_75, %mul3A_142 : i32
          %get3A_144 = arith.constant 4 : i32
          %get3A_145 = arith.index_cast %get3A_144 : i32 to index
          %get3A_146 = arith.index_cast %mul3A_143 : i32 to index
          %get3A_147 = tpu.vector_load %arg7[%get3A_145, %get3A_146] {strides = array<i32>} : memref<8x640xi32, #tpu.memory_space<vmem>>, vector<16xi32>,
          %broadcast_in_dim3A_148 = arith.constant true
          %broadcast_in_dim3A_149 = vector.broadcast %broadcast_in_dim3A_148 : i1 to vector<16xi1>
          %while3A_150:2 = scf.while (%while3A_178 = %broadcast_in_dim3A_149, %while3A_179 = %get3A_147) : (vector<16xi1>, vector<16xi32>) -> (vector<16xi1>, vector<16xi32>) {
            %reduce_or3A = arith.constant 1.000000e+00 : f32
            %reduce_or3A_180 = arith.constant 0.000000e+00 : f32
            %reduce_or3A_181 = vector.broadcast %reduce_or3A : f32 to vector<16xf32>
            %reduce_or3A_182 = vector.broadcast %reduce_or3A_180 : f32 to vector<16xf32>
            %reduce_or3A_183 = arith.select %while3A_178, %reduce_or3A_181, %reduce_or3A_182 : vector<16xi1>, vector<16xf32>
            %reduce_or3A_184 = arith.constant true
            %reduce_or3A_185 = vector.broadcast %reduce_or3A_184 : i1 to vector<16xi1>
            %reduce_or3A_186 = tpu.scan <max>, %reduce_or3A_183 masked %reduce_or3A_185 : vector<16xf32>, vector<16xi1> -> vector<16xf32>
            %reduce_or3A_187 = vector.extract %reduce_or3A_186[15] : f32 from vector<16xf32>
            %reduce_or3A_188 = arith.constant 0.000000e+00 : f32
            %reduce_or3A_189 = arith.cmpf ogt, %reduce_or3A_187, %reduce_or3A_188 : f32
            scf.condition(%reduce_or3A_189) %while3A_178, %while3A_179 : vector<16xi1>, vector<16xi32>
          } do {
          ^bb0(%while3A_178: vector<16xi1>, %while3A_179: vector<16xi32>):
            %gather3A = tpu.vector_load_idx %arg18[%get3A_78] : memref<10240xi32, #tpu.memory_space<vmem>>[vector<16xi32>], vector<16xi32>,
            %bitcast3A = vector.bitcast %gather3A : vector<16xi32> to vector<32xbf16>
            %bitcast3A_180 = vector.bitcast %while3A_179 : vector<16xi32> to vector<32xbf16>
            %max3A = arith.maximumf %bitcast3A, %bitcast3A_180 : vector<32xbf16>
            %bitcast3A_181 = vector.bitcast %max3A : vector<32xbf16> to vector<16xi32>
            tpu.vector_store_idx %arg18[%get3A_78], %bitcast3A_181 masked %while3A_178 : memref<10240xi32, #tpu.memory_space<vmem>>[vector<16xi32>], vector<16xi32>, vector<16xi1>
            %gather3A_182 = tpu.vector_load_idx %arg18[%get3A_78] : memref<10240xi32, #tpu.memory_space<vmem>>[vector<16xi32>], vector<16xi32>,
            %ne3A = arith.cmpi ne, %gather3A_182, %bitcast3A_181 : vector<16xi32>
            %and3A = arith.andi %while3A_178, %ne3A : vector<16xi1>
            scf.yield %and3A, %bitcast3A_181 : vector<16xi1>, vector<16xi32>
          }
          %mul3A_151 = arith.constant 16 : i32
          %mul3A_152 = arith.muli %mul3A_75, %mul3A_151 : i32
          %get3A_153 = arith.constant 5 : i32
          %get3A_154 = arith.index_cast %get3A_153 : i32 to index
          %get3A_155 = arith.index_cast %mul3A_152 : i32 to index
          %get3A_156 = tpu.vector_load %arg7[%get3A_154, %get3A_155] {strides = array<i32>} : memref<8x640xi32, #tpu.memory_space<vmem>>, vector<16xi32>,
          %broadcast_in_dim3A_157 = arith.constant true
          %broadcast_in_dim3A_158 = vector.broadcast %broadcast_in_dim3A_157 : i1 to vector<16xi1>
          %while3A_159:2 = scf.while (%while3A_178 = %broadcast_in_dim3A_158, %while3A_179 = %get3A_156) : (vector<16xi1>, vector<16xi32>) -> (vector<16xi1>, vector<16xi32>) {
            %reduce_or3A = arith.constant 1.000000e+00 : f32
            %reduce_or3A_180 = arith.constant 0.000000e+00 : f32
            %reduce_or3A_181 = vector.broadcast %reduce_or3A : f32 to vector<16xf32>
            %reduce_or3A_182 = vector.broadcast %reduce_or3A_180 : f32 to vector<16xf32>
            %reduce_or3A_183 = arith.select %while3A_178, %reduce_or3A_181, %reduce_or3A_182 : vector<16xi1>, vector<16xf32>
            %reduce_or3A_184 = arith.constant true
            %reduce_or3A_185 = vector.broadcast %reduce_or3A_184 : i1 to vector<16xi1>
            %reduce_or3A_186 = tpu.scan <max>, %reduce_or3A_183 masked %reduce_or3A_185 : vector<16xf32>, vector<16xi1> -> vector<16xf32>
            %reduce_or3A_187 = vector.extract %reduce_or3A_186[15] : f32 from vector<16xf32>
            %reduce_or3A_188 = arith.constant 0.000000e+00 : f32
            %reduce_or3A_189 = arith.cmpf ogt, %reduce_or3A_187, %reduce_or3A_188 : f32
            scf.condition(%reduce_or3A_189) %while3A_178, %while3A_179 : vector<16xi1>, vector<16xi32>
          } do {
          ^bb0(%while3A_178: vector<16xi1>, %while3A_179: vector<16xi32>):
            %gather3A = tpu.vector_load_idx %arg19[%get3A_78] : memref<10240xi32, #tpu.memory_space<vmem>>[vector<16xi32>], vector<16xi32>,
            %bitcast3A = vector.bitcast %gather3A : vector<16xi32> to vector<32xbf16>
            %bitcast3A_180 = vector.bitcast %while3A_179 : vector<16xi32> to vector<32xbf16>
            %max3A = arith.maximumf %bitcast3A, %bitcast3A_180 : vector<32xbf16>
            %bitcast3A_181 = vector.bitcast %max3A : vector<32xbf16> to vector<16xi32>
            tpu.vector_store_idx %arg19[%get3A_78], %bitcast3A_181 masked %while3A_178 : memref<10240xi32, #tpu.memory_space<vmem>>[vector<16xi32>], vector<16xi32>, vector<16xi1>
            %gather3A_182 = tpu.vector_load_idx %arg19[%get3A_78] : memref<10240xi32, #tpu.memory_space<vmem>>[vector<16xi32>], vector<16xi32>,
            %ne3A = arith.cmpi ne, %gather3A_182, %bitcast3A_181 : vector<16xi32>
            %and3A = arith.andi %while3A_178, %ne3A : vector<16xi1>
            scf.yield %and3A, %bitcast3A_181 : vector<16xi1>, vector<16xi32>
          }
          %mul3A_160 = arith.constant 16 : i32
          %mul3A_161 = arith.muli %mul3A_75, %mul3A_160 : i32
          %get3A_162 = arith.constant 6 : i32
          %get3A_163 = arith.index_cast %get3A_162 : i32 to index
          %get3A_164 = arith.index_cast %mul3A_161 : i32 to index
          %get3A_165 = tpu.vector_load %arg7[%get3A_163, %get3A_164] {strides = array<i32>} : memref<8x640xi32, #tpu.memory_space<vmem>>, vector<16xi32>,
          %broadcast_in_dim3A_166 = arith.constant true
          %broadcast_in_dim3A_167 = vector.broadcast %broadcast_in_dim3A_166 : i1 to vector<16xi1>
          %while3A_168:2 = scf.while (%while3A_178 = %broadcast_in_dim3A_167, %while3A_179 = %get3A_165) : (vector<16xi1>, vector<16xi32>) -> (vector<16xi1>, vector<16xi32>) {
            %reduce_or3A = arith.constant 1.000000e+00 : f32
            %reduce_or3A_180 = arith.constant 0.000000e+00 : f32
            %reduce_or3A_181 = vector.broadcast %reduce_or3A : f32 to vector<16xf32>
            %reduce_or3A_182 = vector.broadcast %reduce_or3A_180 : f32 to vector<16xf32>
            %reduce_or3A_183 = arith.select %while3A_178, %reduce_or3A_181, %reduce_or3A_182 : vector<16xi1>, vector<16xf32>
            %reduce_or3A_184 = arith.constant true
            %reduce_or3A_185 = vector.broadcast %reduce_or3A_184 : i1 to vector<16xi1>
            %reduce_or3A_186 = tpu.scan <max>, %reduce_or3A_183 masked %reduce_or3A_185 : vector<16xf32>, vector<16xi1> -> vector<16xf32>
            %reduce_or3A_187 = vector.extract %reduce_or3A_186[15] : f32 from vector<16xf32>
            %reduce_or3A_188 = arith.constant 0.000000e+00 : f32
            %reduce_or3A_189 = arith.cmpf ogt, %reduce_or3A_187, %reduce_or3A_188 : f32
            scf.condition(%reduce_or3A_189) %while3A_178, %while3A_179 : vector<16xi1>, vector<16xi32>
          } do {
          ^bb0(%while3A_178: vector<16xi1>, %while3A_179: vector<16xi32>):
            %gather3A = tpu.vector_load_idx %arg20[%get3A_78] : memref<10240xi32, #tpu.memory_space<vmem>>[vector<16xi32>], vector<16xi32>,
            %bitcast3A = vector.bitcast %gather3A : vector<16xi32> to vector<32xbf16>
            %bitcast3A_180 = vector.bitcast %while3A_179 : vector<16xi32> to vector<32xbf16>
            %max3A = arith.maximumf %bitcast3A, %bitcast3A_180 : vector<32xbf16>
            %bitcast3A_181 = vector.bitcast %max3A : vector<32xbf16> to vector<16xi32>
            tpu.vector_store_idx %arg20[%get3A_78], %bitcast3A_181 masked %while3A_178 : memref<10240xi32, #tpu.memory_space<vmem>>[vector<16xi32>], vector<16xi32>, vector<16xi1>
            %gather3A_182 = tpu.vector_load_idx %arg20[%get3A_78] : memref<10240xi32, #tpu.memory_space<vmem>>[vector<16xi32>], vector<16xi32>,
            %ne3A = arith.cmpi ne, %gather3A_182, %bitcast3A_181 : vector<16xi32>
            %and3A = arith.andi %while3A_178, %ne3A : vector<16xi1>
            scf.yield %and3A, %bitcast3A_181 : vector<16xi1>, vector<16xi32>
          }
          %mul3A_169 = arith.constant 16 : i32
          %mul3A_170 = arith.muli %mul3A_75, %mul3A_169 : i32
          %get3A_171 = arith.constant 7 : i32
          %get3A_172 = arith.index_cast %get3A_171 : i32 to index
          %get3A_173 = arith.index_cast %mul3A_170 : i32 to index
          %get3A_174 = tpu.vector_load %arg7[%get3A_172, %get3A_173] {strides = array<i32>} : memref<8x640xi32, #tpu.memory_space<vmem>>, vector<16xi32>,
          %broadcast_in_dim3A_175 = arith.constant true
          %broadcast_in_dim3A_176 = vector.broadcast %broadcast_in_dim3A_175 : i1 to vector<16xi1>
          %while3A_177:2 = scf.while (%while3A_178 = %broadcast_in_dim3A_176, %while3A_179 = %get3A_174) : (vector<16xi1>, vector<16xi32>) -> (vector<16xi1>, vector<16xi32>) {
            %reduce_or3A = arith.constant 1.000000e+00 : f32
            %reduce_or3A_180 = arith.constant 0.000000e+00 : f32
            %reduce_or3A_181 = vector.broadcast %reduce_or3A : f32 to vector<16xf32>
            %reduce_or3A_182 = vector.broadcast %reduce_or3A_180 : f32 to vector<16xf32>
            %reduce_or3A_183 = arith.select %while3A_178, %reduce_or3A_181, %reduce_or3A_182 : vector<16xi1>, vector<16xf32>
            %reduce_or3A_184 = arith.constant true
            %reduce_or3A_185 = vector.broadcast %reduce_or3A_184 : i1 to vector<16xi1>
            %reduce_or3A_186 = tpu.scan <max>, %reduce_or3A_183 masked %reduce_or3A_185 : vector<16xf32>, vector<16xi1> -> vector<16xf32>
            %reduce_or3A_187 = vector.extract %reduce_or3A_186[15] : f32 from vector<16xf32>
            %reduce_or3A_188 = arith.constant 0.000000e+00 : f32
            %reduce_or3A_189 = arith.cmpf ogt, %reduce_or3A_187, %reduce_or3A_188 : f32
            scf.condition(%reduce_or3A_189) %while3A_178, %while3A_179 : vector<16xi1>, vector<16xi32>
          } do {
          ^bb0(%while3A_178: vector<16xi1>, %while3A_179: vector<16xi32>):
            %gather3A = tpu.vector_load_idx %arg21[%get3A_78] : memref<10240xi32, #tpu.memory_space<vmem>>[vector<16xi32>], vector<16xi32>,
            %bitcast3A = vector.bitcast %gather3A : vector<16xi32> to vector<32xbf16>
            %bitcast3A_180 = vector.bitcast %while3A_179 : vector<16xi32> to vector<32xbf16>
            %max3A = arith.maximumf %bitcast3A, %bitcast3A_180 : vector<32xbf16>
            %bitcast3A_181 = vector.bitcast %max3A : vector<32xbf16> to vector<16xi32>
            tpu.vector_store_idx %arg21[%get3A_78], %bitcast3A_181 masked %while3A_178 : memref<10240xi32, #tpu.memory_space<vmem>>[vector<16xi32>], vector<16xi32>, vector<16xi1>
            %gather3A_182 = tpu.vector_load_idx %arg21[%get3A_78] : memref<10240xi32, #tpu.memory_space<vmem>>[vector<16xi32>], vector<16xi32>,
            %ne3A = arith.cmpi ne, %gather3A_182, %bitcast3A_181 : vector<16xi32>
            %and3A = arith.andi %while3A_178, %ne3A : vector<16xi1>
            scf.yield %and3A, %bitcast3A_181 : vector<16xi1>, vector<16xi32>
          }
        }
        %mul3A_87 = arith.constant 2 : i32
        %mul3A_88 = arith.muli %scan3A_72, %mul3A_87 : i32
        %add3A_89 = arith.constant 1 : i32
        %add3A_90 = arith.addi %mul3A_88, %add3A_89 : i32
        %mul3A_91 = arith.constant 16 : i32
        %mul3A_92 = arith.muli %add3A_90, %mul3A_91 : i32
        %get3A_93 = arith.index_cast %mul3A_92 : i32 to index
        %get3A_94 = tpu.vector_load %arg5[%get3A_93] {strides = array<i32>} : memref<640xi32, #tpu.memory_space<vmem>>, vector<16xi32>,
        %mul3A_95 = arith.constant 16 : i32
        %mul3A_96 = arith.muli %add3A_90, %mul3A_95 : i32
        %get3A_97 = arith.index_cast %mul3A_96 : i32 to index
        %get3A_98 = tpu.vector_load %arg9[%get3A_97] {strides = array<i32>} : memref<640xi32, #tpu.memory_space<vmem>>, vector<16xi32>,
        %slice3A_99 = vector.extract_strided_slice %get3A_98 {offsets = [0], sizes = [1], strides = [1]} : vector<16xi32> to vector<1xi32>
        %squeeze3A_100 = vector.extract %slice3A_99[0] : i32 from vector<1xi32>
        %eq3A_101 = arith.constant 16 : i32
        %eq3A_102 = arith.cmpi eq, %squeeze3A_100, %eq3A_101 : i32
        %convert_element_type3A_103 = arith.extui %eq3A_102 : i1 to i32
        %cond3A_104 = arith.constant 0 : i32
        %cond3A_105 = arith.cmpi ne, %convert_element_type3A_103, %cond3A_104 : i32
        scf.if %cond3A_105 {
          %mul3A_107 = arith.constant 16 : i32
          %mul3A_108 = arith.muli %add3A_90, %mul3A_107 : i32
          %get3A_109 = arith.constant 0 : i32
          %get3A_110 = arith.index_cast %get3A_109 : i32 to index
          %get3A_111 = arith.index_cast %mul3A_108 : i32 to index
          %get3A_112 = tpu.vector_load %arg7[%get3A_110, %get3A_111] {strides = array<i32>} : memref<8x640xi32, #tpu.memory_space<vmem>>, vector<16xi32>,
          %gather3A = tpu.vector_load_idx %arg14[%get3A_94] : memref<10240xi32, #tpu.memory_space<vmem>>[vector<16xi32>], vector<16xi32>,
          %bitcast3A = vector.bitcast %gather3A : vector<16xi32> to vector<32xbf16>
          %bitcast3A_113 = vector.bitcast %get3A_112 : vector<16xi32> to vector<32xbf16>
          %max3A = arith.maximumf %bitcast3A, %bitcast3A_113 : vector<32xbf16>
          %bitcast3A_114 = vector.bitcast %max3A : vector<32xbf16> to vector<16xi32>
          tpu.vector_store_idx %arg14[%get3A_94], %bitcast3A_114 : memref<10240xi32, #tpu.memory_space<vmem>>[vector<16xi32>], vector<16xi32>,
          %mul3A_115 = arith.constant 16 : i32
          %mul3A_116 = arith.muli %add3A_90, %mul3A_115 : i32
          %get3A_117 = arith.constant 1 : i32
          %get3A_118 = arith.index_cast %get3A_117 : i32 to index
          %get3A_119 = arith.index_cast %mul3A_116 : i32 to index
          %get3A_120 = tpu.vector_load %arg7[%get3A_118, %get3A_119] {strides = array<i32>} : memref<8x640xi32, #tpu.memory_space<vmem>>, vector<16xi32>,
          %gather3A_121 = tpu.vector_load_idx %arg15[%get3A_94] : memref<10240xi32, #tpu.memory_space<vmem>>[vector<16xi32>], vector<16xi32>,
          %bitcast3A_122 = vector.bitcast %gather3A_121 : vector<16xi32> to vector<32xbf16>
          %bitcast3A_123 = vector.bitcast %get3A_120 : vector<16xi32> to vector<32xbf16>
          %max3A_124 = arith.maximumf %bitcast3A_122, %bitcast3A_123 : vector<32xbf16>
          %bitcast3A_125 = vector.bitcast %max3A_124 : vector<32xbf16> to vector<16xi32>
          tpu.vector_store_idx %arg15[%get3A_94], %bitcast3A_125 : memref<10240xi32, #tpu.memory_space<vmem>>[vector<16xi32>], vector<16xi32>,
          %mul3A_126 = arith.constant 16 : i32
          %mul3A_127 = arith.muli %add3A_90, %mul3A_126 : i32
          %get3A_128 = arith.constant 2 : i32
          %get3A_129 = arith.index_cast %get3A_128 : i32 to index
          %get3A_130 = arith.index_cast %mul3A_127 : i32 to index
          %get3A_131 = tpu.vector_load %arg7[%get3A_129, %get3A_130] {strides = array<i32>} : memref<8x640xi32, #tpu.memory_space<vmem>>, vector<16xi32>,
          %gather3A_132 = tpu.vector_load_idx %arg16[%get3A_94] : memref<10240xi32, #tpu.memory_space<vmem>>[vector<16xi32>], vector<16xi32>,
          %bitcast3A_133 = vector.bitcast %gather3A_132 : vector<16xi32> to vector<32xbf16>
          %bitcast3A_134 = vector.bitcast %get3A_131 : vector<16xi32> to vector<32xbf16>
          %max3A_135 = arith.maximumf %bitcast3A_133, %bitcast3A_134 : vector<32xbf16>
          %bitcast3A_136 = vector.bitcast %max3A_135 : vector<32xbf16> to vector<16xi32>
          tpu.vector_store_idx %arg16[%get3A_94], %bitcast3A_136 : memref<10240xi32, #tpu.memory_space<vmem>>[vector<16xi32>], vector<16xi32>,
          %mul3A_137 = arith.constant 16 : i32
          %mul3A_138 = arith.muli %add3A_90, %mul3A_137 : i32
          %get3A_139 = arith.constant 3 : i32
          %get3A_140 = arith.index_cast %get3A_139 : i32 to index
          %get3A_141 = arith.index_cast %mul3A_138 : i32 to index
          %get3A_142 = tpu.vector_load %arg7[%get3A_140, %get3A_141] {strides = array<i32>} : memref<8x640xi32, #tpu.memory_space<vmem>>, vector<16xi32>,
          %gather3A_143 = tpu.vector_load_idx %arg17[%get3A_94] : memref<10240xi32, #tpu.memory_space<vmem>>[vector<16xi32>], vector<16xi32>,
          %bitcast3A_144 = vector.bitcast %gather3A_143 : vector<16xi32> to vector<32xbf16>
          %bitcast3A_145 = vector.bitcast %get3A_142 : vector<16xi32> to vector<32xbf16>
          %max3A_146 = arith.maximumf %bitcast3A_144, %bitcast3A_145 : vector<32xbf16>
          %bitcast3A_147 = vector.bitcast %max3A_146 : vector<32xbf16> to vector<16xi32>
          tpu.vector_store_idx %arg17[%get3A_94], %bitcast3A_147 : memref<10240xi32, #tpu.memory_space<vmem>>[vector<16xi32>], vector<16xi32>,
          %mul3A_148 = arith.constant 16 : i32
          %mul3A_149 = arith.muli %add3A_90, %mul3A_148 : i32
          %get3A_150 = arith.constant 4 : i32
          %get3A_151 = arith.index_cast %get3A_150 : i32 to index
          %get3A_152 = arith.index_cast %mul3A_149 : i32 to index
          %get3A_153 = tpu.vector_load %arg7[%get3A_151, %get3A_152] {strides = array<i32>} : memref<8x640xi32, #tpu.memory_space<vmem>>, vector<16xi32>,
          %gather3A_154 = tpu.vector_load_idx %arg18[%get3A_94] : memref<10240xi32, #tpu.memory_space<vmem>>[vector<16xi32>], vector<16xi32>,
          %bitcast3A_155 = vector.bitcast %gather3A_154 : vector<16xi32> to vector<32xbf16>
          %bitcast3A_156 = vector.bitcast %get3A_153 : vector<16xi32> to vector<32xbf16>
          %max3A_157 = arith.maximumf %bitcast3A_155, %bitcast3A_156 : vector<32xbf16>
          %bitcast3A_158 = vector.bitcast %max3A_157 : vector<32xbf16> to vector<16xi32>
          tpu.vector_store_idx %arg18[%get3A_94], %bitcast3A_158 : memref<10240xi32, #tpu.memory_space<vmem>>[vector<16xi32>], vector<16xi32>,
          %mul3A_159 = arith.constant 16 : i32
          %mul3A_160 = arith.muli %add3A_90, %mul3A_159 : i32
          %get3A_161 = arith.constant 5 : i32
          %get3A_162 = arith.index_cast %get3A_161 : i32 to index
          %get3A_163 = arith.index_cast %mul3A_160 : i32 to index
          %get3A_164 = tpu.vector_load %arg7[%get3A_162, %get3A_163] {strides = array<i32>} : memref<8x640xi32, #tpu.memory_space<vmem>>, vector<16xi32>,
          %gather3A_165 = tpu.vector_load_idx %arg19[%get3A_94] : memref<10240xi32, #tpu.memory_space<vmem>>[vector<16xi32>], vector<16xi32>,
          %bitcast3A_166 = vector.bitcast %gather3A_165 : vector<16xi32> to vector<32xbf16>
          %bitcast3A_167 = vector.bitcast %get3A_164 : vector<16xi32> to vector<32xbf16>
          %max3A_168 = arith.maximumf %bitcast3A_166, %bitcast3A_167 : vector<32xbf16>
          %bitcast3A_169 = vector.bitcast %max3A_168 : vector<32xbf16> to vector<16xi32>
          tpu.vector_store_idx %arg19[%get3A_94], %bitcast3A_169 : memref<10240xi32, #tpu.memory_space<vmem>>[vector<16xi32>], vector<16xi32>,
          %mul3A_170 = arith.constant 16 : i32
          %mul3A_171 = arith.muli %add3A_90, %mul3A_170 : i32
          %get3A_172 = arith.constant 6 : i32
          %get3A_173 = arith.index_cast %get3A_172 : i32 to index
          %get3A_174 = arith.index_cast %mul3A_171 : i32 to index
          %get3A_175 = tpu.vector_load %arg7[%get3A_173, %get3A_174] {strides = array<i32>} : memref<8x640xi32, #tpu.memory_space<vmem>>, vector<16xi32>,
          %gather3A_176 = tpu.vector_load_idx %arg20[%get3A_94] : memref<10240xi32, #tpu.memory_space<vmem>>[vector<16xi32>], vector<16xi32>,
          %bitcast3A_177 = vector.bitcast %gather3A_176 : vector<16xi32> to vector<32xbf16>
          %bitcast3A_178 = vector.bitcast %get3A_175 : vector<16xi32> to vector<32xbf16>
          %max3A_179 = arith.maximumf %bitcast3A_177, %bitcast3A_178 : vector<32xbf16>
          %bitcast3A_180 = vector.bitcast %max3A_179 : vector<32xbf16> to vector<16xi32>
          tpu.vector_store_idx %arg20[%get3A_94], %bitcast3A_180 : memref<10240xi32, #tpu.memory_space<vmem>>[vector<16xi32>], vector<16xi32>,
          %mul3A_181 = arith.constant 16 : i32
          %mul3A_182 = arith.muli %add3A_90, %mul3A_181 : i32
          %get3A_183 = arith.constant 7 : i32
          %get3A_184 = arith.index_cast %get3A_183 : i32 to index
          %get3A_185 = arith.index_cast %mul3A_182 : i32 to index
          %get3A_186 = tpu.vector_load %arg7[%get3A_184, %get3A_185] {strides = array<i32>} : memref<8x640xi32, #tpu.memory_space<vmem>>, vector<16xi32>,
          %gather3A_187 = tpu.vector_load_idx %arg21[%get3A_94] : memref<10240xi32, #tpu.memory_space<vmem>>[vector<16xi32>], vector<16xi32>,
          %bitcast3A_188 = vector.bitcast %gather3A_187 : vector<16xi32> to vector<32xbf16>
          %bitcast3A_189 = vector.bitcast %get3A_186 : vector<16xi32> to vector<32xbf16>
          %max3A_190 = arith.maximumf %bitcast3A_188, %bitcast3A_189 : vector<32xbf16>
          %bitcast3A_191 = vector.bitcast %max3A_190 : vector<32xbf16> to vector<16xi32>
          tpu.vector_store_idx %arg21[%get3A_94], %bitcast3A_191 : memref<10240xi32, #tpu.memory_space<vmem>>[vector<16xi32>], vector<16xi32>,
        } else {
          %mul3A_107 = arith.constant 16 : i32
          %mul3A_108 = arith.muli %add3A_90, %mul3A_107 : i32
          %get3A_109 = arith.constant 0 : i32
          %get3A_110 = arith.index_cast %get3A_109 : i32 to index
          %get3A_111 = arith.index_cast %mul3A_108 : i32 to index
          %get3A_112 = tpu.vector_load %arg7[%get3A_110, %get3A_111] {strides = array<i32>} : memref<8x640xi32, #tpu.memory_space<vmem>>, vector<16xi32>,
          %broadcast_in_dim3A_113 = arith.constant true
          %broadcast_in_dim3A_114 = vector.broadcast %broadcast_in_dim3A_113 : i1 to vector<16xi1>
          %while3A:2 = scf.while (%while3A_178 = %broadcast_in_dim3A_114, %while3A_179 = %get3A_112) : (vector<16xi1>, vector<16xi32>) -> (vector<16xi1>, vector<16xi32>) {
            %reduce_or3A = arith.constant 1.000000e+00 : f32
            %reduce_or3A_180 = arith.constant 0.000000e+00 : f32
            %reduce_or3A_181 = vector.broadcast %reduce_or3A : f32 to vector<16xf32>
            %reduce_or3A_182 = vector.broadcast %reduce_or3A_180 : f32 to vector<16xf32>
            %reduce_or3A_183 = arith.select %while3A_178, %reduce_or3A_181, %reduce_or3A_182 : vector<16xi1>, vector<16xf32>
            %reduce_or3A_184 = arith.constant true
            %reduce_or3A_185 = vector.broadcast %reduce_or3A_184 : i1 to vector<16xi1>
            %reduce_or3A_186 = tpu.scan <max>, %reduce_or3A_183 masked %reduce_or3A_185 : vector<16xf32>, vector<16xi1> -> vector<16xf32>
            %reduce_or3A_187 = vector.extract %reduce_or3A_186[15] : f32 from vector<16xf32>
            %reduce_or3A_188 = arith.constant 0.000000e+00 : f32
            %reduce_or3A_189 = arith.cmpf ogt, %reduce_or3A_187, %reduce_or3A_188 : f32
            scf.condition(%reduce_or3A_189) %while3A_178, %while3A_179 : vector<16xi1>, vector<16xi32>
          } do {
          ^bb0(%while3A_178: vector<16xi1>, %while3A_179: vector<16xi32>):
            %gather3A = tpu.vector_load_idx %arg14[%get3A_94] : memref<10240xi32, #tpu.memory_space<vmem>>[vector<16xi32>], vector<16xi32>,
            %bitcast3A = vector.bitcast %gather3A : vector<16xi32> to vector<32xbf16>
            %bitcast3A_180 = vector.bitcast %while3A_179 : vector<16xi32> to vector<32xbf16>
            %max3A = arith.maximumf %bitcast3A, %bitcast3A_180 : vector<32xbf16>
            %bitcast3A_181 = vector.bitcast %max3A : vector<32xbf16> to vector<16xi32>
            tpu.vector_store_idx %arg14[%get3A_94], %bitcast3A_181 masked %while3A_178 : memref<10240xi32, #tpu.memory_space<vmem>>[vector<16xi32>], vector<16xi32>, vector<16xi1>
            %gather3A_182 = tpu.vector_load_idx %arg14[%get3A_94] : memref<10240xi32, #tpu.memory_space<vmem>>[vector<16xi32>], vector<16xi32>,
            %ne3A = arith.cmpi ne, %gather3A_182, %bitcast3A_181 : vector<16xi32>
            %and3A = arith.andi %while3A_178, %ne3A : vector<16xi1>
            scf.yield %and3A, %bitcast3A_181 : vector<16xi1>, vector<16xi32>
          }
          %mul3A_115 = arith.constant 16 : i32
          %mul3A_116 = arith.muli %add3A_90, %mul3A_115 : i32
          %get3A_117 = arith.constant 1 : i32
          %get3A_118 = arith.index_cast %get3A_117 : i32 to index
          %get3A_119 = arith.index_cast %mul3A_116 : i32 to index
          %get3A_120 = tpu.vector_load %arg7[%get3A_118, %get3A_119] {strides = array<i32>} : memref<8x640xi32, #tpu.memory_space<vmem>>, vector<16xi32>,
          %broadcast_in_dim3A_121 = arith.constant true
          %broadcast_in_dim3A_122 = vector.broadcast %broadcast_in_dim3A_121 : i1 to vector<16xi1>
          %while3A_123:2 = scf.while (%while3A_178 = %broadcast_in_dim3A_122, %while3A_179 = %get3A_120) : (vector<16xi1>, vector<16xi32>) -> (vector<16xi1>, vector<16xi32>) {
            %reduce_or3A = arith.constant 1.000000e+00 : f32
            %reduce_or3A_180 = arith.constant 0.000000e+00 : f32
            %reduce_or3A_181 = vector.broadcast %reduce_or3A : f32 to vector<16xf32>
            %reduce_or3A_182 = vector.broadcast %reduce_or3A_180 : f32 to vector<16xf32>
            %reduce_or3A_183 = arith.select %while3A_178, %reduce_or3A_181, %reduce_or3A_182 : vector<16xi1>, vector<16xf32>
            %reduce_or3A_184 = arith.constant true
            %reduce_or3A_185 = vector.broadcast %reduce_or3A_184 : i1 to vector<16xi1>
            %reduce_or3A_186 = tpu.scan <max>, %reduce_or3A_183 masked %reduce_or3A_185 : vector<16xf32>, vector<16xi1> -> vector<16xf32>
            %reduce_or3A_187 = vector.extract %reduce_or3A_186[15] : f32 from vector<16xf32>
            %reduce_or3A_188 = arith.constant 0.000000e+00 : f32
            %reduce_or3A_189 = arith.cmpf ogt, %reduce_or3A_187, %reduce_or3A_188 : f32
            scf.condition(%reduce_or3A_189) %while3A_178, %while3A_179 : vector<16xi1>, vector<16xi32>
          } do {
          ^bb0(%while3A_178: vector<16xi1>, %while3A_179: vector<16xi32>):
            %gather3A = tpu.vector_load_idx %arg15[%get3A_94] : memref<10240xi32, #tpu.memory_space<vmem>>[vector<16xi32>], vector<16xi32>,
            %bitcast3A = vector.bitcast %gather3A : vector<16xi32> to vector<32xbf16>
            %bitcast3A_180 = vector.bitcast %while3A_179 : vector<16xi32> to vector<32xbf16>
            %max3A = arith.maximumf %bitcast3A, %bitcast3A_180 : vector<32xbf16>
            %bitcast3A_181 = vector.bitcast %max3A : vector<32xbf16> to vector<16xi32>
            tpu.vector_store_idx %arg15[%get3A_94], %bitcast3A_181 masked %while3A_178 : memref<10240xi32, #tpu.memory_space<vmem>>[vector<16xi32>], vector<16xi32>, vector<16xi1>
            %gather3A_182 = tpu.vector_load_idx %arg15[%get3A_94] : memref<10240xi32, #tpu.memory_space<vmem>>[vector<16xi32>], vector<16xi32>,
            %ne3A = arith.cmpi ne, %gather3A_182, %bitcast3A_181 : vector<16xi32>
            %and3A = arith.andi %while3A_178, %ne3A : vector<16xi1>
            scf.yield %and3A, %bitcast3A_181 : vector<16xi1>, vector<16xi32>
          }
          %mul3A_124 = arith.constant 16 : i32
          %mul3A_125 = arith.muli %add3A_90, %mul3A_124 : i32
          %get3A_126 = arith.constant 2 : i32
          %get3A_127 = arith.index_cast %get3A_126 : i32 to index
          %get3A_128 = arith.index_cast %mul3A_125 : i32 to index
          %get3A_129 = tpu.vector_load %arg7[%get3A_127, %get3A_128] {strides = array<i32>} : memref<8x640xi32, #tpu.memory_space<vmem>>, vector<16xi32>,
          %broadcast_in_dim3A_130 = arith.constant true
          %broadcast_in_dim3A_131 = vector.broadcast %broadcast_in_dim3A_130 : i1 to vector<16xi1>
          %while3A_132:2 = scf.while (%while3A_178 = %broadcast_in_dim3A_131, %while3A_179 = %get3A_129) : (vector<16xi1>, vector<16xi32>) -> (vector<16xi1>, vector<16xi32>) {
            %reduce_or3A = arith.constant 1.000000e+00 : f32
            %reduce_or3A_180 = arith.constant 0.000000e+00 : f32
            %reduce_or3A_181 = vector.broadcast %reduce_or3A : f32 to vector<16xf32>
            %reduce_or3A_182 = vector.broadcast %reduce_or3A_180 : f32 to vector<16xf32>
            %reduce_or3A_183 = arith.select %while3A_178, %reduce_or3A_181, %reduce_or3A_182 : vector<16xi1>, vector<16xf32>
            %reduce_or3A_184 = arith.constant true
            %reduce_or3A_185 = vector.broadcast %reduce_or3A_184 : i1 to vector<16xi1>
            %reduce_or3A_186 = tpu.scan <max>, %reduce_or3A_183 masked %reduce_or3A_185 : vector<16xf32>, vector<16xi1> -> vector<16xf32>
            %reduce_or3A_187 = vector.extract %reduce_or3A_186[15] : f32 from vector<16xf32>
            %reduce_or3A_188 = arith.constant 0.000000e+00 : f32
            %reduce_or3A_189 = arith.cmpf ogt, %reduce_or3A_187, %reduce_or3A_188 : f32
            scf.condition(%reduce_or3A_189) %while3A_178, %while3A_179 : vector<16xi1>, vector<16xi32>
          } do {
          ^bb0(%while3A_178: vector<16xi1>, %while3A_179: vector<16xi32>):
            %gather3A = tpu.vector_load_idx %arg16[%get3A_94] : memref<10240xi32, #tpu.memory_space<vmem>>[vector<16xi32>], vector<16xi32>,
            %bitcast3A = vector.bitcast %gather3A : vector<16xi32> to vector<32xbf16>
            %bitcast3A_180 = vector.bitcast %while3A_179 : vector<16xi32> to vector<32xbf16>
            %max3A = arith.maximumf %bitcast3A, %bitcast3A_180 : vector<32xbf16>
            %bitcast3A_181 = vector.bitcast %max3A : vector<32xbf16> to vector<16xi32>
            tpu.vector_store_idx %arg16[%get3A_94], %bitcast3A_181 masked %while3A_178 : memref<10240xi32, #tpu.memory_space<vmem>>[vector<16xi32>], vector<16xi32>, vector<16xi1>
            %gather3A_182 = tpu.vector_load_idx %arg16[%get3A_94] : memref<10240xi32, #tpu.memory_space<vmem>>[vector<16xi32>], vector<16xi32>,
            %ne3A = arith.cmpi ne, %gather3A_182, %bitcast3A_181 : vector<16xi32>
            %and3A = arith.andi %while3A_178, %ne3A : vector<16xi1>
            scf.yield %and3A, %bitcast3A_181 : vector<16xi1>, vector<16xi32>
          }
          %mul3A_133 = arith.constant 16 : i32
          %mul3A_134 = arith.muli %add3A_90, %mul3A_133 : i32
          %get3A_135 = arith.constant 3 : i32
          %get3A_136 = arith.index_cast %get3A_135 : i32 to index
          %get3A_137 = arith.index_cast %mul3A_134 : i32 to index
          %get3A_138 = tpu.vector_load %arg7[%get3A_136, %get3A_137] {strides = array<i32>} : memref<8x640xi32, #tpu.memory_space<vmem>>, vector<16xi32>,
          %broadcast_in_dim3A_139 = arith.constant true
          %broadcast_in_dim3A_140 = vector.broadcast %broadcast_in_dim3A_139 : i1 to vector<16xi1>
          %while3A_141:2 = scf.while (%while3A_178 = %broadcast_in_dim3A_140, %while3A_179 = %get3A_138) : (vector<16xi1>, vector<16xi32>) -> (vector<16xi1>, vector<16xi32>) {
            %reduce_or3A = arith.constant 1.000000e+00 : f32
            %reduce_or3A_180 = arith.constant 0.000000e+00 : f32
            %reduce_or3A_181 = vector.broadcast %reduce_or3A : f32 to vector<16xf32>
            %reduce_or3A_182 = vector.broadcast %reduce_or3A_180 : f32 to vector<16xf32>
            %reduce_or3A_183 = arith.select %while3A_178, %reduce_or3A_181, %reduce_or3A_182 : vector<16xi1>, vector<16xf32>
            %reduce_or3A_184 = arith.constant true
            %reduce_or3A_185 = vector.broadcast %reduce_or3A_184 : i1 to vector<16xi1>
            %reduce_or3A_186 = tpu.scan <max>, %reduce_or3A_183 masked %reduce_or3A_185 : vector<16xf32>, vector<16xi1> -> vector<16xf32>
            %reduce_or3A_187 = vector.extract %reduce_or3A_186[15] : f32 from vector<16xf32>
            %reduce_or3A_188 = arith.constant 0.000000e+00 : f32
            %reduce_or3A_189 = arith.cmpf ogt, %reduce_or3A_187, %reduce_or3A_188 : f32
            scf.condition(%reduce_or3A_189) %while3A_178, %while3A_179 : vector<16xi1>, vector<16xi32>
          } do {
          ^bb0(%while3A_178: vector<16xi1>, %while3A_179: vector<16xi32>):
            %gather3A = tpu.vector_load_idx %arg17[%get3A_94] : memref<10240xi32, #tpu.memory_space<vmem>>[vector<16xi32>], vector<16xi32>,
            %bitcast3A = vector.bitcast %gather3A : vector<16xi32> to vector<32xbf16>
            %bitcast3A_180 = vector.bitcast %while3A_179 : vector<16xi32> to vector<32xbf16>
            %max3A = arith.maximumf %bitcast3A, %bitcast3A_180 : vector<32xbf16>
            %bitcast3A_181 = vector.bitcast %max3A : vector<32xbf16> to vector<16xi32>
            tpu.vector_store_idx %arg17[%get3A_94], %bitcast3A_181 masked %while3A_178 : memref<10240xi32, #tpu.memory_space<vmem>>[vector<16xi32>], vector<16xi32>, vector<16xi1>
            %gather3A_182 = tpu.vector_load_idx %arg17[%get3A_94] : memref<10240xi32, #tpu.memory_space<vmem>>[vector<16xi32>], vector<16xi32>,
            %ne3A = arith.cmpi ne, %gather3A_182, %bitcast3A_181 : vector<16xi32>
            %and3A = arith.andi %while3A_178, %ne3A : vector<16xi1>
            scf.yield %and3A, %bitcast3A_181 : vector<16xi1>, vector<16xi32>
          }
          %mul3A_142 = arith.constant 16 : i32
          %mul3A_143 = arith.muli %add3A_90, %mul3A_142 : i32
          %get3A_144 = arith.constant 4 : i32
          %get3A_145 = arith.index_cast %get3A_144 : i32 to index
          %get3A_146 = arith.index_cast %mul3A_143 : i32 to index
          %get3A_147 = tpu.vector_load %arg7[%get3A_145, %get3A_146] {strides = array<i32>} : memref<8x640xi32, #tpu.memory_space<vmem>>, vector<16xi32>,
          %broadcast_in_dim3A_148 = arith.constant true
          %broadcast_in_dim3A_149 = vector.broadcast %broadcast_in_dim3A_148 : i1 to vector<16xi1>
          %while3A_150:2 = scf.while (%while3A_178 = %broadcast_in_dim3A_149, %while3A_179 = %get3A_147) : (vector<16xi1>, vector<16xi32>) -> (vector<16xi1>, vector<16xi32>) {
            %reduce_or3A = arith.constant 1.000000e+00 : f32
            %reduce_or3A_180 = arith.constant 0.000000e+00 : f32
            %reduce_or3A_181 = vector.broadcast %reduce_or3A : f32 to vector<16xf32>
            %reduce_or3A_182 = vector.broadcast %reduce_or3A_180 : f32 to vector<16xf32>
            %reduce_or3A_183 = arith.select %while3A_178, %reduce_or3A_181, %reduce_or3A_182 : vector<16xi1>, vector<16xf32>
            %reduce_or3A_184 = arith.constant true
            %reduce_or3A_185 = vector.broadcast %reduce_or3A_184 : i1 to vector<16xi1>
            %reduce_or3A_186 = tpu.scan <max>, %reduce_or3A_183 masked %reduce_or3A_185 : vector<16xf32>, vector<16xi1> -> vector<16xf32>
            %reduce_or3A_187 = vector.extract %reduce_or3A_186[15] : f32 from vector<16xf32>
            %reduce_or3A_188 = arith.constant 0.000000e+00 : f32
            %reduce_or3A_189 = arith.cmpf ogt, %reduce_or3A_187, %reduce_or3A_188 : f32
            scf.condition(%reduce_or3A_189) %while3A_178, %while3A_179 : vector<16xi1>, vector<16xi32>
          } do {
          ^bb0(%while3A_178: vector<16xi1>, %while3A_179: vector<16xi32>):
            %gather3A = tpu.vector_load_idx %arg18[%get3A_94] : memref<10240xi32, #tpu.memory_space<vmem>>[vector<16xi32>], vector<16xi32>,
            %bitcast3A = vector.bitcast %gather3A : vector<16xi32> to vector<32xbf16>
            %bitcast3A_180 = vector.bitcast %while3A_179 : vector<16xi32> to vector<32xbf16>
            %max3A = arith.maximumf %bitcast3A, %bitcast3A_180 : vector<32xbf16>
            %bitcast3A_181 = vector.bitcast %max3A : vector<32xbf16> to vector<16xi32>
            tpu.vector_store_idx %arg18[%get3A_94], %bitcast3A_181 masked %while3A_178 : memref<10240xi32, #tpu.memory_space<vmem>>[vector<16xi32>], vector<16xi32>, vector<16xi1>
            %gather3A_182 = tpu.vector_load_idx %arg18[%get3A_94] : memref<10240xi32, #tpu.memory_space<vmem>>[vector<16xi32>], vector<16xi32>,
            %ne3A = arith.cmpi ne, %gather3A_182, %bitcast3A_181 : vector<16xi32>
            %and3A = arith.andi %while3A_178, %ne3A : vector<16xi1>
            scf.yield %and3A, %bitcast3A_181 : vector<16xi1>, vector<16xi32>
          }
          %mul3A_151 = arith.constant 16 : i32
          %mul3A_152 = arith.muli %add3A_90, %mul3A_151 : i32
          %get3A_153 = arith.constant 5 : i32
          %get3A_154 = arith.index_cast %get3A_153 : i32 to index
          %get3A_155 = arith.index_cast %mul3A_152 : i32 to index
          %get3A_156 = tpu.vector_load %arg7[%get3A_154, %get3A_155] {strides = array<i32>} : memref<8x640xi32, #tpu.memory_space<vmem>>, vector<16xi32>,
          %broadcast_in_dim3A_157 = arith.constant true
          %broadcast_in_dim3A_158 = vector.broadcast %broadcast_in_dim3A_157 : i1 to vector<16xi1>
          %while3A_159:2 = scf.while (%while3A_178 = %broadcast_in_dim3A_158, %while3A_179 = %get3A_156) : (vector<16xi1>, vector<16xi32>) -> (vector<16xi1>, vector<16xi32>) {
            %reduce_or3A = arith.constant 1.000000e+00 : f32
            %reduce_or3A_180 = arith.constant 0.000000e+00 : f32
            %reduce_or3A_181 = vector.broadcast %reduce_or3A : f32 to vector<16xf32>
            %reduce_or3A_182 = vector.broadcast %reduce_or3A_180 : f32 to vector<16xf32>
            %reduce_or3A_183 = arith.select %while3A_178, %reduce_or3A_181, %reduce_or3A_182 : vector<16xi1>, vector<16xf32>
            %reduce_or3A_184 = arith.constant true
            %reduce_or3A_185 = vector.broadcast %reduce_or3A_184 : i1 to vector<16xi1>
            %reduce_or3A_186 = tpu.scan <max>, %reduce_or3A_183 masked %reduce_or3A_185 : vector<16xf32>, vector<16xi1> -> vector<16xf32>
            %reduce_or3A_187 = vector.extract %reduce_or3A_186[15] : f32 from vector<16xf32>
            %reduce_or3A_188 = arith.constant 0.000000e+00 : f32
            %reduce_or3A_189 = arith.cmpf ogt, %reduce_or3A_187, %reduce_or3A_188 : f32
            scf.condition(%reduce_or3A_189) %while3A_178, %while3A_179 : vector<16xi1>, vector<16xi32>
          } do {
          ^bb0(%while3A_178: vector<16xi1>, %while3A_179: vector<16xi32>):
            %gather3A = tpu.vector_load_idx %arg19[%get3A_94] : memref<10240xi32, #tpu.memory_space<vmem>>[vector<16xi32>], vector<16xi32>,
            %bitcast3A = vector.bitcast %gather3A : vector<16xi32> to vector<32xbf16>
            %bitcast3A_180 = vector.bitcast %while3A_179 : vector<16xi32> to vector<32xbf16>
            %max3A = arith.maximumf %bitcast3A, %bitcast3A_180 : vector<32xbf16>
            %bitcast3A_181 = vector.bitcast %max3A : vector<32xbf16> to vector<16xi32>
            tpu.vector_store_idx %arg19[%get3A_94], %bitcast3A_181 masked %while3A_178 : memref<10240xi32, #tpu.memory_space<vmem>>[vector<16xi32>], vector<16xi32>, vector<16xi1>
            %gather3A_182 = tpu.vector_load_idx %arg19[%get3A_94] : memref<10240xi32, #tpu.memory_space<vmem>>[vector<16xi32>], vector<16xi32>,
            %ne3A = arith.cmpi ne, %gather3A_182, %bitcast3A_181 : vector<16xi32>
            %and3A = arith.andi %while3A_178, %ne3A : vector<16xi1>
            scf.yield %and3A, %bitcast3A_181 : vector<16xi1>, vector<16xi32>
          }
          %mul3A_160 = arith.constant 16 : i32
          %mul3A_161 = arith.muli %add3A_90, %mul3A_160 : i32
          %get3A_162 = arith.constant 6 : i32
          %get3A_163 = arith.index_cast %get3A_162 : i32 to index
          %get3A_164 = arith.index_cast %mul3A_161 : i32 to index
          %get3A_165 = tpu.vector_load %arg7[%get3A_163, %get3A_164] {strides = array<i32>} : memref<8x640xi32, #tpu.memory_space<vmem>>, vector<16xi32>,
          %broadcast_in_dim3A_166 = arith.constant true
          %broadcast_in_dim3A_167 = vector.broadcast %broadcast_in_dim3A_166 : i1 to vector<16xi1>
          %while3A_168:2 = scf.while (%while3A_178 = %broadcast_in_dim3A_167, %while3A_179 = %get3A_165) : (vector<16xi1>, vector<16xi32>) -> (vector<16xi1>, vector<16xi32>) {
            %reduce_or3A = arith.constant 1.000000e+00 : f32
            %reduce_or3A_180 = arith.constant 0.000000e+00 : f32
            %reduce_or3A_181 = vector.broadcast %reduce_or3A : f32 to vector<16xf32>
            %reduce_or3A_182 = vector.broadcast %reduce_or3A_180 : f32 to vector<16xf32>
            %reduce_or3A_183 = arith.select %while3A_178, %reduce_or3A_181, %reduce_or3A_182 : vector<16xi1>, vector<16xf32>
            %reduce_or3A_184 = arith.constant true
            %reduce_or3A_185 = vector.broadcast %reduce_or3A_184 : i1 to vector<16xi1>
            %reduce_or3A_186 = tpu.scan <max>, %reduce_or3A_183 masked %reduce_or3A_185 : vector<16xf32>, vector<16xi1> -> vector<16xf32>
            %reduce_or3A_187 = vector.extract %reduce_or3A_186[15] : f32 from vector<16xf32>
            %reduce_or3A_188 = arith.constant 0.000000e+00 : f32
            %reduce_or3A_189 = arith.cmpf ogt, %reduce_or3A_187, %reduce_or3A_188 : f32
            scf.condition(%reduce_or3A_189) %while3A_178, %while3A_179 : vector<16xi1>, vector<16xi32>
          } do {
          ^bb0(%while3A_178: vector<16xi1>, %while3A_179: vector<16xi32>):
            %gather3A = tpu.vector_load_idx %arg20[%get3A_94] : memref<10240xi32, #tpu.memory_space<vmem>>[vector<16xi32>], vector<16xi32>,
            %bitcast3A = vector.bitcast %gather3A : vector<16xi32> to vector<32xbf16>
            %bitcast3A_180 = vector.bitcast %while3A_179 : vector<16xi32> to vector<32xbf16>
            %max3A = arith.maximumf %bitcast3A, %bitcast3A_180 : vector<32xbf16>
            %bitcast3A_181 = vector.bitcast %max3A : vector<32xbf16> to vector<16xi32>
            tpu.vector_store_idx %arg20[%get3A_94], %bitcast3A_181 masked %while3A_178 : memref<10240xi32, #tpu.memory_space<vmem>>[vector<16xi32>], vector<16xi32>, vector<16xi1>
            %gather3A_182 = tpu.vector_load_idx %arg20[%get3A_94] : memref<10240xi32, #tpu.memory_space<vmem>>[vector<16xi32>], vector<16xi32>,
            %ne3A = arith.cmpi ne, %gather3A_182, %bitcast3A_181 : vector<16xi32>
            %and3A = arith.andi %while3A_178, %ne3A : vector<16xi1>
            scf.yield %and3A, %bitcast3A_181 : vector<16xi1>, vector<16xi32>
          }
          %mul3A_169 = arith.constant 16 : i32
          %mul3A_170 = arith.muli %add3A_90, %mul3A_169 : i32
          %get3A_171 = arith.constant 7 : i32
          %get3A_172 = arith.index_cast %get3A_171 : i32 to index
          %get3A_173 = arith.index_cast %mul3A_170 : i32 to index
          %get3A_174 = tpu.vector_load %arg7[%get3A_172, %get3A_173] {strides = array<i32>} : memref<8x640xi32, #tpu.memory_space<vmem>>, vector<16xi32>,
          %broadcast_in_dim3A_175 = arith.constant true
          %broadcast_in_dim3A_176 = vector.broadcast %broadcast_in_dim3A_175 : i1 to vector<16xi1>
          %while3A_177:2 = scf.while (%while3A_178 = %broadcast_in_dim3A_176, %while3A_179 = %get3A_174) : (vector<16xi1>, vector<16xi32>) -> (vector<16xi1>, vector<16xi32>) {
            %reduce_or3A = arith.constant 1.000000e+00 : f32
            %reduce_or3A_180 = arith.constant 0.000000e+00 : f32
            %reduce_or3A_181 = vector.broadcast %reduce_or3A : f32 to vector<16xf32>
            %reduce_or3A_182 = vector.broadcast %reduce_or3A_180 : f32 to vector<16xf32>
            %reduce_or3A_183 = arith.select %while3A_178, %reduce_or3A_181, %reduce_or3A_182 : vector<16xi1>, vector<16xf32>
            %reduce_or3A_184 = arith.constant true
            %reduce_or3A_185 = vector.broadcast %reduce_or3A_184 : i1 to vector<16xi1>
            %reduce_or3A_186 = tpu.scan <max>, %reduce_or3A_183 masked %reduce_or3A_185 : vector<16xf32>, vector<16xi1> -> vector<16xf32>
            %reduce_or3A_187 = vector.extract %reduce_or3A_186[15] : f32 from vector<16xf32>
            %reduce_or3A_188 = arith.constant 0.000000e+00 : f32
            %reduce_or3A_189 = arith.cmpf ogt, %reduce_or3A_187, %reduce_or3A_188 : f32
            scf.condition(%reduce_or3A_189) %while3A_178, %while3A_179 : vector<16xi1>, vector<16xi32>
          } do {
          ^bb0(%while3A_178: vector<16xi1>, %while3A_179: vector<16xi32>):
            %gather3A = tpu.vector_load_idx %arg21[%get3A_94] : memref<10240xi32, #tpu.memory_space<vmem>>[vector<16xi32>], vector<16xi32>,
            %bitcast3A = vector.bitcast %gather3A : vector<16xi32> to vector<32xbf16>
            %bitcast3A_180 = vector.bitcast %while3A_179 : vector<16xi32> to vector<32xbf16>
            %max3A = arith.maximumf %bitcast3A, %bitcast3A_180 : vector<32xbf16>
            %bitcast3A_181 = vector.bitcast %max3A : vector<32xbf16> to vector<16xi32>
            tpu.vector_store_idx %arg21[%get3A_94], %bitcast3A_181 masked %while3A_178 : memref<10240xi32, #tpu.memory_space<vmem>>[vector<16xi32>], vector<16xi32>, vector<16xi1>
            %gather3A_182 = tpu.vector_load_idx %arg21[%get3A_94] : memref<10240xi32, #tpu.memory_space<vmem>>[vector<16xi32>], vector<16xi32>,
            %ne3A = arith.cmpi ne, %gather3A_182, %bitcast3A_181 : vector<16xi32>
            %and3A = arith.andi %while3A_178, %ne3A : vector<16xi1>
            scf.yield %and3A, %bitcast3A_181 : vector<16xi1>, vector<16xi32>
          }
        }
        %scan3A_106 = arith.constant 0 : i32
        scf.yield %scan3A_106 : i32
      }
      %scan3A_63 = arith.constant 20 : i32
      %add3A_64 = arith.constant 1 : i32
      %add3A_65 = arith.addi %mul3A_42, %add3A_64 : i32
      %lt3A_66 = arith.constant 64 : i32
      %lt3A_67 = arith.cmpi slt, %add3A_65, %lt3A_66 : i32
      %convert_element_type3A_68 = arith.extui %lt3A_67 : i1 to i32
      %cond3A_69 = arith.constant 0 : i32
      %cond3A_70 = arith.cmpi ne, %convert_element_type3A_68, %cond3A_69 : i32
      scf.if %cond3A_70 {
        %dma_wait3A_72 = tpu.memref_slice %arg2[%mul3A_2] : memref<81920xi32, #tpu.memory_space<hbm>> -> memref<640xi32, #tpu.memory_space<hbm>>
        %dma_wait3A_73 = tpu.memref_slice %arg2[%mul3A_2] : memref<81920xi32, #tpu.memory_space<hbm>> -> memref<640xi32, #tpu.memory_space<hbm>>
        tpu.wait_dma2 semaphore(%arg11 : memref<!tpu.dma_semaphore, #tpu.memory_space<semaphore_mem>>) src(%dma_wait3A_73 : memref<640xi32, #tpu.memory_space<hbm>>) dst(%arg6 : memref<640xi32, #tpu.memory_space<vmem>>)
        %dma_wait3A_74 = tpu.memref_slice %arg3[%mul3A_0, %mul3A_2] : memref<128x81920xi32, #tpu.memory_space<hbm>> -> memref<8x640xi32, #tpu.memory_space<hbm>>
        %dma_wait3A_75 = tpu.memref_slice %arg3[%mul3A_0, %mul3A_2] : memref<128x81920xi32, #tpu.memory_space<hbm>> -> memref<8x640xi32, #tpu.memory_space<hbm>>
        tpu.wait_dma2 semaphore(%arg13 : memref<!tpu.dma_semaphore, #tpu.memory_space<semaphore_mem>>) src(%dma_wait3A_75 : memref<8x640xi32, #tpu.memory_space<hbm>>) dst(%arg8 : memref<8x640xi32, #tpu.memory_space<vmem>>)
        %add3A_76 = arith.constant 2 : i32
        %add3A_77 = arith.addi %mul3A_42, %add3A_76 : i32
        %lt3A_78 = arith.constant 64 : i32
        %lt3A_79 = arith.cmpi slt, %add3A_77, %lt3A_78 : i32
        %convert_element_type3A_80 = arith.extui %lt3A_79 : i1 to i32
        %cond3A_81 = arith.constant 0 : i32
        %cond3A_82 = arith.cmpi ne, %convert_element_type3A_80, %cond3A_81 : i32
        scf.if %cond3A_82 {
          %add3A_99 = arith.constant 2 : i32
          %add3A_100 = arith.addi %mul3A_42, %add3A_99 : i32
          %mul3A_101 = arith.constant 640 : i32
          %mul3A_102 = arith.muli %add3A_100, %mul3A_101 : i32
          %add3A_103 = arith.addi %mul3A_2, %mul3A_102 : i32
          %dma_start3A_104 = tpu.memref_slice %arg2[%add3A_103] : memref<81920xi32, #tpu.memory_space<hbm>> -> memref<640xi32, #tpu.memory_space<hbm>>
          %dma_start3A_105 = tpu.memref_slice %arg2[%add3A_103] : memref<81920xi32, #tpu.memory_space<hbm>> -> memref<640xi32, #tpu.memory_space<hbm>>
          tpu.enqueue_dma source(%dma_start3A_105 : memref<640xi32, #tpu.memory_space<hbm>>) target(%arg5 : memref<640xi32, #tpu.memory_space<vmem>>) target_semaphore(%arg10 : memref<!tpu.dma_semaphore, #tpu.memory_space<semaphore_mem>>)
          %mul3A_106 = arith.constant 640 : i32
          %mul3A_107 = arith.muli %add3A_100, %mul3A_106 : i32
          %add3A_108 = arith.addi %mul3A_2, %mul3A_107 : i32
          %dma_start3A_109 = tpu.memref_slice %arg3[%mul3A_0, %add3A_108] : memref<128x81920xi32, #tpu.memory_space<hbm>> -> memref<8x640xi32, #tpu.memory_space<hbm>>
          %dma_start3A_110 = tpu.memref_slice %arg3[%mul3A_0, %add3A_108] : memref<128x81920xi32, #tpu.memory_space<hbm>> -> memref<8x640xi32, #tpu.memory_space<hbm>>
          tpu.enqueue_dma source(%dma_start3A_110 : memref<8x640xi32, #tpu.memory_space<hbm>>) target(%arg7 : memref<8x640xi32, #tpu.memory_space<vmem>>) target_semaphore(%arg12 : memref<!tpu.dma_semaphore, #tpu.memory_space<semaphore_mem>>)
        } else {
        }
        %add3A_83 = arith.constant 1 : i32
        %add3A_84 = arith.addi %mul3A_42, %add3A_83 : i32
        %scan3A_85 = arith.constant 0 : i32
        %scan3A_86 = arith.constant 0 : i32
        %scan3A_87 = arith.constant 40 : i32
        %scan3A_88 = arith.addi %scan3A_86, %scan3A_87 : i32
        %scan3A_89 = arith.constant 1 : i32
        %scan3A_90 = scf.for %scan3A_99 = %scan3A_86 to %scan3A_88 step %scan3A_89 iter_args(%scan3A_100 = %scan3A_85) -> (i32)  : i32 {
          %mul3A_101 = arith.constant 16 : i32
          %mul3A_102 = arith.muli %scan3A_99, %mul3A_101 : i32
          %get3A = arith.index_cast %mul3A_102 : i32 to index
          %get3A_103 = tpu.vector_load %arg6[%get3A] {strides = array<i32>} : memref<640xi32, #tpu.memory_space<vmem>>, vector<16xi32>,
          %broadcast_in_dim3A_104 = arith.constant true
          %broadcast_in_dim3A_105 = vector.broadcast %broadcast_in_dim3A_104 : i1 to vector<16xi1>
          %unique3A, %unique3A_106 = tpu.scan_count mask(%broadcast_in_dim3A_105 : vector<16xi1>) value(%get3A_103 : vector<16xi32>) : vector<16xi1>, vector<16xi32>
          %all_reduce_population_count3A = tpu.all_reduce %unique3A {dim = 0 : i64, kind = #tpu.reduction_kind<sum>} : vector<16xi1> -> vector<16xi32>
          %mul3A_107 = arith.constant 16 : i32
          %mul3A_108 = arith.muli %scan3A_99, %mul3A_107 : i32
          %swap3A = arith.index_cast %mul3A_108 : i32 to index
          %swap3A_109 = tpu.vector_load %arg9[%swap3A] {strides = array<i32>} : memref<640xi32, #tpu.memory_space<vmem>>, vector<16xi32>,
          tpu.vector_store %arg9[%swap3A], %all_reduce_population_count3A {strides = array<i32>} : memref<640xi32, #tpu.memory_space<vmem>>, vector<16xi32>,
          %scan3A_110 = arith.constant 0 : i32
          scf.yield %scan3A_110 : i32
        }
        %scan3A_91 = arith.constant 40 : i32
        %scan3A_92 = arith.constant 0 : i32
        %scan3A_93 = arith.constant 0 : i32
        %scan3A_94 = arith.constant 20 : i32
        %scan3A_95 = arith.addi %scan3A_93, %scan3A_94 : i32
        %scan3A_96 = arith.constant 1 : i32
        %scan3A_97 = scf.for %scan3A_99 = %scan3A_93 to %scan3A_95 step %scan3A_96 iter_args(%scan3A_100 = %scan3A_92) -> (i32)  : i32 {
          %mul3A_101 = arith.constant 2 : i32
          %mul3A_102 = arith.muli %scan3A_99, %mul3A_101 : i32
          %mul3A_103 = arith.constant 16 : i32
          %mul3A_104 = arith.muli %mul3A_102, %mul3A_103 : i32
          %get3A = arith.index_cast %mul3A_104 : i32 to index
          %get3A_105 = tpu.vector_load %arg6[%get3A] {strides = array<i32>} : memref<640xi32, #tpu.memory_space<vmem>>, vector<16xi32>,
          %mul3A_106 = arith.constant 16 : i32
          %mul3A_107 = arith.muli %mul3A_102, %mul3A_106 : i32
          %get3A_108 = arith.index_cast %mul3A_107 : i32 to index
          %get3A_109 = tpu.vector_load %arg9[%get3A_108] {strides = array<i32>} : memref<640xi32, #tpu.memory_space<vmem>>, vector<16xi32>,
          %slice3A = vector.extract_strided_slice %get3A_109 {offsets = [0], sizes = [1], strides = [1]} : vector<16xi32> to vector<1xi32>
          %squeeze3A = vector.extract %slice3A[0] : i32 from vector<1xi32>
          %eq3A = arith.constant 16 : i32
          %eq3A_110 = arith.cmpi eq, %squeeze3A, %eq3A : i32
          %convert_element_type3A_111 = arith.extui %eq3A_110 : i1 to i32
          %cond3A_112 = arith.constant 0 : i32
          %cond3A_113 = arith.cmpi ne, %convert_element_type3A_111, %cond3A_112 : i32
          scf.if %cond3A_113 {
            %mul3A_134 = arith.constant 16 : i32
            %mul3A_135 = arith.muli %mul3A_102, %mul3A_134 : i32
            %get3A_136 = arith.constant 0 : i32
            %get3A_137 = arith.index_cast %get3A_136 : i32 to index
            %get3A_138 = arith.index_cast %mul3A_135 : i32 to index
            %get3A_139 = tpu.vector_load %arg8[%get3A_137, %get3A_138] {strides = array<i32>} : memref<8x640xi32, #tpu.memory_space<vmem>>, vector<16xi32>,
            %gather3A = tpu.vector_load_idx %arg14[%get3A_105] : memref<10240xi32, #tpu.memory_space<vmem>>[vector<16xi32>], vector<16xi32>,
            %bitcast3A = vector.bitcast %gather3A : vector<16xi32> to vector<32xbf16>
            %bitcast3A_140 = vector.bitcast %get3A_139 : vector<16xi32> to vector<32xbf16>
            %max3A = arith.maximumf %bitcast3A, %bitcast3A_140 : vector<32xbf16>
            %bitcast3A_141 = vector.bitcast %max3A : vector<32xbf16> to vector<16xi32>
            tpu.vector_store_idx %arg14[%get3A_105], %bitcast3A_141 : memref<10240xi32, #tpu.memory_space<vmem>>[vector<16xi32>], vector<16xi32>,
            %mul3A_142 = arith.constant 16 : i32
            %mul3A_143 = arith.muli %mul3A_102, %mul3A_142 : i32
            %get3A_144 = arith.constant 1 : i32
            %get3A_145 = arith.index_cast %get3A_144 : i32 to index
            %get3A_146 = arith.index_cast %mul3A_143 : i32 to index
            %get3A_147 = tpu.vector_load %arg8[%get3A_145, %get3A_146] {strides = array<i32>} : memref<8x640xi32, #tpu.memory_space<vmem>>, vector<16xi32>,
            %gather3A_148 = tpu.vector_load_idx %arg15[%get3A_105] : memref<10240xi32, #tpu.memory_space<vmem>>[vector<16xi32>], vector<16xi32>,
            %bitcast3A_149 = vector.bitcast %gather3A_148 : vector<16xi32> to vector<32xbf16>
            %bitcast3A_150 = vector.bitcast %get3A_147 : vector<16xi32> to vector<32xbf16>
            %max3A_151 = arith.maximumf %bitcast3A_149, %bitcast3A_150 : vector<32xbf16>
            %bitcast3A_152 = vector.bitcast %max3A_151 : vector<32xbf16> to vector<16xi32>
            tpu.vector_store_idx %arg15[%get3A_105], %bitcast3A_152 : memref<10240xi32, #tpu.memory_space<vmem>>[vector<16xi32>], vector<16xi32>,
            %mul3A_153 = arith.constant 16 : i32
            %mul3A_154 = arith.muli %mul3A_102, %mul3A_153 : i32
            %get3A_155 = arith.constant 2 : i32
            %get3A_156 = arith.index_cast %get3A_155 : i32 to index
            %get3A_157 = arith.index_cast %mul3A_154 : i32 to index
            %get3A_158 = tpu.vector_load %arg8[%get3A_156, %get3A_157] {strides = array<i32>} : memref<8x640xi32, #tpu.memory_space<vmem>>, vector<16xi32>,
            %gather3A_159 = tpu.vector_load_idx %arg16[%get3A_105] : memref<10240xi32, #tpu.memory_space<vmem>>[vector<16xi32>], vector<16xi32>,
            %bitcast3A_160 = vector.bitcast %gather3A_159 : vector<16xi32> to vector<32xbf16>
            %bitcast3A_161 = vector.bitcast %get3A_158 : vector<16xi32> to vector<32xbf16>
            %max3A_162 = arith.maximumf %bitcast3A_160, %bitcast3A_161 : vector<32xbf16>
            %bitcast3A_163 = vector.bitcast %max3A_162 : vector<32xbf16> to vector<16xi32>
            tpu.vector_store_idx %arg16[%get3A_105], %bitcast3A_163 : memref<10240xi32, #tpu.memory_space<vmem>>[vector<16xi32>], vector<16xi32>,
            %mul3A_164 = arith.constant 16 : i32
            %mul3A_165 = arith.muli %mul3A_102, %mul3A_164 : i32
            %get3A_166 = arith.constant 3 : i32
            %get3A_167 = arith.index_cast %get3A_166 : i32 to index
            %get3A_168 = arith.index_cast %mul3A_165 : i32 to index
            %get3A_169 = tpu.vector_load %arg8[%get3A_167, %get3A_168] {strides = array<i32>} : memref<8x640xi32, #tpu.memory_space<vmem>>, vector<16xi32>,
            %gather3A_170 = tpu.vector_load_idx %arg17[%get3A_105] : memref<10240xi32, #tpu.memory_space<vmem>>[vector<16xi32>], vector<16xi32>,
            %bitcast3A_171 = vector.bitcast %gather3A_170 : vector<16xi32> to vector<32xbf16>
            %bitcast3A_172 = vector.bitcast %get3A_169 : vector<16xi32> to vector<32xbf16>
            %max3A_173 = arith.maximumf %bitcast3A_171, %bitcast3A_172 : vector<32xbf16>
            %bitcast3A_174 = vector.bitcast %max3A_173 : vector<32xbf16> to vector<16xi32>
            tpu.vector_store_idx %arg17[%get3A_105], %bitcast3A_174 : memref<10240xi32, #tpu.memory_space<vmem>>[vector<16xi32>], vector<16xi32>,
            %mul3A_175 = arith.constant 16 : i32
            %mul3A_176 = arith.muli %mul3A_102, %mul3A_175 : i32
            %get3A_177 = arith.constant 4 : i32
            %get3A_178 = arith.index_cast %get3A_177 : i32 to index
            %get3A_179 = arith.index_cast %mul3A_176 : i32 to index
            %get3A_180 = tpu.vector_load %arg8[%get3A_178, %get3A_179] {strides = array<i32>} : memref<8x640xi32, #tpu.memory_space<vmem>>, vector<16xi32>,
            %gather3A_181 = tpu.vector_load_idx %arg18[%get3A_105] : memref<10240xi32, #tpu.memory_space<vmem>>[vector<16xi32>], vector<16xi32>,
            %bitcast3A_182 = vector.bitcast %gather3A_181 : vector<16xi32> to vector<32xbf16>
            %bitcast3A_183 = vector.bitcast %get3A_180 : vector<16xi32> to vector<32xbf16>
            %max3A_184 = arith.maximumf %bitcast3A_182, %bitcast3A_183 : vector<32xbf16>
            %bitcast3A_185 = vector.bitcast %max3A_184 : vector<32xbf16> to vector<16xi32>
            tpu.vector_store_idx %arg18[%get3A_105], %bitcast3A_185 : memref<10240xi32, #tpu.memory_space<vmem>>[vector<16xi32>], vector<16xi32>,
            %mul3A_186 = arith.constant 16 : i32
            %mul3A_187 = arith.muli %mul3A_102, %mul3A_186 : i32
            %get3A_188 = arith.constant 5 : i32
            %get3A_189 = arith.index_cast %get3A_188 : i32 to index
            %get3A_190 = arith.index_cast %mul3A_187 : i32 to index
            %get3A_191 = tpu.vector_load %arg8[%get3A_189, %get3A_190] {strides = array<i32>} : memref<8x640xi32, #tpu.memory_space<vmem>>, vector<16xi32>,
            %gather3A_192 = tpu.vector_load_idx %arg19[%get3A_105] : memref<10240xi32, #tpu.memory_space<vmem>>[vector<16xi32>], vector<16xi32>,
            %bitcast3A_193 = vector.bitcast %gather3A_192 : vector<16xi32> to vector<32xbf16>
            %bitcast3A_194 = vector.bitcast %get3A_191 : vector<16xi32> to vector<32xbf16>
            %max3A_195 = arith.maximumf %bitcast3A_193, %bitcast3A_194 : vector<32xbf16>
            %bitcast3A_196 = vector.bitcast %max3A_195 : vector<32xbf16> to vector<16xi32>
            tpu.vector_store_idx %arg19[%get3A_105], %bitcast3A_196 : memref<10240xi32, #tpu.memory_space<vmem>>[vector<16xi32>], vector<16xi32>,
            %mul3A_197 = arith.constant 16 : i32
            %mul3A_198 = arith.muli %mul3A_102, %mul3A_197 : i32
            %get3A_199 = arith.constant 6 : i32
            %get3A_200 = arith.index_cast %get3A_199 : i32 to index
            %get3A_201 = arith.index_cast %mul3A_198 : i32 to index
            %get3A_202 = tpu.vector_load %arg8[%get3A_200, %get3A_201] {strides = array<i32>} : memref<8x640xi32, #tpu.memory_space<vmem>>, vector<16xi32>,
            %gather3A_203 = tpu.vector_load_idx %arg20[%get3A_105] : memref<10240xi32, #tpu.memory_space<vmem>>[vector<16xi32>], vector<16xi32>,
            %bitcast3A_204 = vector.bitcast %gather3A_203 : vector<16xi32> to vector<32xbf16>
            %bitcast3A_205 = vector.bitcast %get3A_202 : vector<16xi32> to vector<32xbf16>
            %max3A_206 = arith.maximumf %bitcast3A_204, %bitcast3A_205 : vector<32xbf16>
            %bitcast3A_207 = vector.bitcast %max3A_206 : vector<32xbf16> to vector<16xi32>
            tpu.vector_store_idx %arg20[%get3A_105], %bitcast3A_207 : memref<10240xi32, #tpu.memory_space<vmem>>[vector<16xi32>], vector<16xi32>,
            %mul3A_208 = arith.constant 16 : i32
            %mul3A_209 = arith.muli %mul3A_102, %mul3A_208 : i32
            %get3A_210 = arith.constant 7 : i32
            %get3A_211 = arith.index_cast %get3A_210 : i32 to index
            %get3A_212 = arith.index_cast %mul3A_209 : i32 to index
            %get3A_213 = tpu.vector_load %arg8[%get3A_211, %get3A_212] {strides = array<i32>} : memref<8x640xi32, #tpu.memory_space<vmem>>, vector<16xi32>,
            %gather3A_214 = tpu.vector_load_idx %arg21[%get3A_105] : memref<10240xi32, #tpu.memory_space<vmem>>[vector<16xi32>], vector<16xi32>,
            %bitcast3A_215 = vector.bitcast %gather3A_214 : vector<16xi32> to vector<32xbf16>
            %bitcast3A_216 = vector.bitcast %get3A_213 : vector<16xi32> to vector<32xbf16>
            %max3A_217 = arith.maximumf %bitcast3A_215, %bitcast3A_216 : vector<32xbf16>
            %bitcast3A_218 = vector.bitcast %max3A_217 : vector<32xbf16> to vector<16xi32>
            tpu.vector_store_idx %arg21[%get3A_105], %bitcast3A_218 : memref<10240xi32, #tpu.memory_space<vmem>>[vector<16xi32>], vector<16xi32>,
          } else {
            %mul3A_134 = arith.constant 16 : i32
            %mul3A_135 = arith.muli %mul3A_102, %mul3A_134 : i32
            %get3A_136 = arith.constant 0 : i32
            %get3A_137 = arith.index_cast %get3A_136 : i32 to index
            %get3A_138 = arith.index_cast %mul3A_135 : i32 to index
            %get3A_139 = tpu.vector_load %arg8[%get3A_137, %get3A_138] {strides = array<i32>} : memref<8x640xi32, #tpu.memory_space<vmem>>, vector<16xi32>,
            %broadcast_in_dim3A_140 = arith.constant true
            %broadcast_in_dim3A_141 = vector.broadcast %broadcast_in_dim3A_140 : i1 to vector<16xi1>
            %while3A:2 = scf.while (%while3A_205 = %broadcast_in_dim3A_141, %while3A_206 = %get3A_139) : (vector<16xi1>, vector<16xi32>) -> (vector<16xi1>, vector<16xi32>) {
              %reduce_or3A = arith.constant 1.000000e+00 : f32
              %reduce_or3A_207 = arith.constant 0.000000e+00 : f32
              %reduce_or3A_208 = vector.broadcast %reduce_or3A : f32 to vector<16xf32>
              %reduce_or3A_209 = vector.broadcast %reduce_or3A_207 : f32 to vector<16xf32>
              %reduce_or3A_210 = arith.select %while3A_205, %reduce_or3A_208, %reduce_or3A_209 : vector<16xi1>, vector<16xf32>
              %reduce_or3A_211 = arith.constant true
              %reduce_or3A_212 = vector.broadcast %reduce_or3A_211 : i1 to vector<16xi1>
              %reduce_or3A_213 = tpu.scan <max>, %reduce_or3A_210 masked %reduce_or3A_212 : vector<16xf32>, vector<16xi1> -> vector<16xf32>
              %reduce_or3A_214 = vector.extract %reduce_or3A_213[15] : f32 from vector<16xf32>
              %reduce_or3A_215 = arith.constant 0.000000e+00 : f32
              %reduce_or3A_216 = arith.cmpf ogt, %reduce_or3A_214, %reduce_or3A_215 : f32
              scf.condition(%reduce_or3A_216) %while3A_205, %while3A_206 : vector<16xi1>, vector<16xi32>
            } do {
            ^bb0(%while3A_205: vector<16xi1>, %while3A_206: vector<16xi32>):
              %gather3A = tpu.vector_load_idx %arg14[%get3A_105] : memref<10240xi32, #tpu.memory_space<vmem>>[vector<16xi32>], vector<16xi32>,
              %bitcast3A = vector.bitcast %gather3A : vector<16xi32> to vector<32xbf16>
              %bitcast3A_207 = vector.bitcast %while3A_206 : vector<16xi32> to vector<32xbf16>
              %max3A = arith.maximumf %bitcast3A, %bitcast3A_207 : vector<32xbf16>
              %bitcast3A_208 = vector.bitcast %max3A : vector<32xbf16> to vector<16xi32>
              tpu.vector_store_idx %arg14[%get3A_105], %bitcast3A_208 masked %while3A_205 : memref<10240xi32, #tpu.memory_space<vmem>>[vector<16xi32>], vector<16xi32>, vector<16xi1>
              %gather3A_209 = tpu.vector_load_idx %arg14[%get3A_105] : memref<10240xi32, #tpu.memory_space<vmem>>[vector<16xi32>], vector<16xi32>,
              %ne3A = arith.cmpi ne, %gather3A_209, %bitcast3A_208 : vector<16xi32>
              %and3A = arith.andi %while3A_205, %ne3A : vector<16xi1>
              scf.yield %and3A, %bitcast3A_208 : vector<16xi1>, vector<16xi32>
            }
            %mul3A_142 = arith.constant 16 : i32
            %mul3A_143 = arith.muli %mul3A_102, %mul3A_142 : i32
            %get3A_144 = arith.constant 1 : i32
            %get3A_145 = arith.index_cast %get3A_144 : i32 to index
            %get3A_146 = arith.index_cast %mul3A_143 : i32 to index
            %get3A_147 = tpu.vector_load %arg8[%get3A_145, %get3A_146] {strides = array<i32>} : memref<8x640xi32, #tpu.memory_space<vmem>>, vector<16xi32>,
            %broadcast_in_dim3A_148 = arith.constant true
            %broadcast_in_dim3A_149 = vector.broadcast %broadcast_in_dim3A_148 : i1 to vector<16xi1>
            %while3A_150:2 = scf.while (%while3A_205 = %broadcast_in_dim3A_149, %while3A_206 = %get3A_147) : (vector<16xi1>, vector<16xi32>) -> (vector<16xi1>, vector<16xi32>) {
              %reduce_or3A = arith.constant 1.000000e+00 : f32
              %reduce_or3A_207 = arith.constant 0.000000e+00 : f32
              %reduce_or3A_208 = vector.broadcast %reduce_or3A : f32 to vector<16xf32>
              %reduce_or3A_209 = vector.broadcast %reduce_or3A_207 : f32 to vector<16xf32>
              %reduce_or3A_210 = arith.select %while3A_205, %reduce_or3A_208, %reduce_or3A_209 : vector<16xi1>, vector<16xf32>
              %reduce_or3A_211 = arith.constant true
              %reduce_or3A_212 = vector.broadcast %reduce_or3A_211 : i1 to vector<16xi1>
              %reduce_or3A_213 = tpu.scan <max>, %reduce_or3A_210 masked %reduce_or3A_212 : vector<16xf32>, vector<16xi1> -> vector<16xf32>
              %reduce_or3A_214 = vector.extract %reduce_or3A_213[15] : f32 from vector<16xf32>
              %reduce_or3A_215 = arith.constant 0.000000e+00 : f32
              %reduce_or3A_216 = arith.cmpf ogt, %reduce_or3A_214, %reduce_or3A_215 : f32
              scf.condition(%reduce_or3A_216) %while3A_205, %while3A_206 : vector<16xi1>, vector<16xi32>
            } do {
            ^bb0(%while3A_205: vector<16xi1>, %while3A_206: vector<16xi32>):
              %gather3A = tpu.vector_load_idx %arg15[%get3A_105] : memref<10240xi32, #tpu.memory_space<vmem>>[vector<16xi32>], vector<16xi32>,
              %bitcast3A = vector.bitcast %gather3A : vector<16xi32> to vector<32xbf16>
              %bitcast3A_207 = vector.bitcast %while3A_206 : vector<16xi32> to vector<32xbf16>
              %max3A = arith.maximumf %bitcast3A, %bitcast3A_207 : vector<32xbf16>
              %bitcast3A_208 = vector.bitcast %max3A : vector<32xbf16> to vector<16xi32>
              tpu.vector_store_idx %arg15[%get3A_105], %bitcast3A_208 masked %while3A_205 : memref<10240xi32, #tpu.memory_space<vmem>>[vector<16xi32>], vector<16xi32>, vector<16xi1>
              %gather3A_209 = tpu.vector_load_idx %arg15[%get3A_105] : memref<10240xi32, #tpu.memory_space<vmem>>[vector<16xi32>], vector<16xi32>,
              %ne3A = arith.cmpi ne, %gather3A_209, %bitcast3A_208 : vector<16xi32>
              %and3A = arith.andi %while3A_205, %ne3A : vector<16xi1>
              scf.yield %and3A, %bitcast3A_208 : vector<16xi1>, vector<16xi32>
            }
            %mul3A_151 = arith.constant 16 : i32
            %mul3A_152 = arith.muli %mul3A_102, %mul3A_151 : i32
            %get3A_153 = arith.constant 2 : i32
            %get3A_154 = arith.index_cast %get3A_153 : i32 to index
            %get3A_155 = arith.index_cast %mul3A_152 : i32 to index
            %get3A_156 = tpu.vector_load %arg8[%get3A_154, %get3A_155] {strides = array<i32>} : memref<8x640xi32, #tpu.memory_space<vmem>>, vector<16xi32>,
            %broadcast_in_dim3A_157 = arith.constant true
            %broadcast_in_dim3A_158 = vector.broadcast %broadcast_in_dim3A_157 : i1 to vector<16xi1>
            %while3A_159:2 = scf.while (%while3A_205 = %broadcast_in_dim3A_158, %while3A_206 = %get3A_156) : (vector<16xi1>, vector<16xi32>) -> (vector<16xi1>, vector<16xi32>) {
              %reduce_or3A = arith.constant 1.000000e+00 : f32
              %reduce_or3A_207 = arith.constant 0.000000e+00 : f32
              %reduce_or3A_208 = vector.broadcast %reduce_or3A : f32 to vector<16xf32>
              %reduce_or3A_209 = vector.broadcast %reduce_or3A_207 : f32 to vector<16xf32>
              %reduce_or3A_210 = arith.select %while3A_205, %reduce_or3A_208, %reduce_or3A_209 : vector<16xi1>, vector<16xf32>
              %reduce_or3A_211 = arith.constant true
              %reduce_or3A_212 = vector.broadcast %reduce_or3A_211 : i1 to vector<16xi1>
              %reduce_or3A_213 = tpu.scan <max>, %reduce_or3A_210 masked %reduce_or3A_212 : vector<16xf32>, vector<16xi1> -> vector<16xf32>
              %reduce_or3A_214 = vector.extract %reduce_or3A_213[15] : f32 from vector<16xf32>
              %reduce_or3A_215 = arith.constant 0.000000e+00 : f32
              %reduce_or3A_216 = arith.cmpf ogt, %reduce_or3A_214, %reduce_or3A_215 : f32
              scf.condition(%reduce_or3A_216) %while3A_205, %while3A_206 : vector<16xi1>, vector<16xi32>
            } do {
            ^bb0(%while3A_205: vector<16xi1>, %while3A_206: vector<16xi32>):
              %gather3A = tpu.vector_load_idx %arg16[%get3A_105] : memref<10240xi32, #tpu.memory_space<vmem>>[vector<16xi32>], vector<16xi32>,
              %bitcast3A = vector.bitcast %gather3A : vector<16xi32> to vector<32xbf16>
              %bitcast3A_207 = vector.bitcast %while3A_206 : vector<16xi32> to vector<32xbf16>
              %max3A = arith.maximumf %bitcast3A, %bitcast3A_207 : vector<32xbf16>
              %bitcast3A_208 = vector.bitcast %max3A : vector<32xbf16> to vector<16xi32>
              tpu.vector_store_idx %arg16[%get3A_105], %bitcast3A_208 masked %while3A_205 : memref<10240xi32, #tpu.memory_space<vmem>>[vector<16xi32>], vector<16xi32>, vector<16xi1>
              %gather3A_209 = tpu.vector_load_idx %arg16[%get3A_105] : memref<10240xi32, #tpu.memory_space<vmem>>[vector<16xi32>], vector<16xi32>,
              %ne3A = arith.cmpi ne, %gather3A_209, %bitcast3A_208 : vector<16xi32>
              %and3A = arith.andi %while3A_205, %ne3A : vector<16xi1>
              scf.yield %and3A, %bitcast3A_208 : vector<16xi1>, vector<16xi32>
            }
            %mul3A_160 = arith.constant 16 : i32
            %mul3A_161 = arith.muli %mul3A_102, %mul3A_160 : i32
            %get3A_162 = arith.constant 3 : i32
            %get3A_163 = arith.index_cast %get3A_162 : i32 to index
            %get3A_164 = arith.index_cast %mul3A_161 : i32 to index
            %get3A_165 = tpu.vector_load %arg8[%get3A_163, %get3A_164] {strides = array<i32>} : memref<8x640xi32, #tpu.memory_space<vmem>>, vector<16xi32>,
            %broadcast_in_dim3A_166 = arith.constant true
            %broadcast_in_dim3A_167 = vector.broadcast %broadcast_in_dim3A_166 : i1 to vector<16xi1>
            %while3A_168:2 = scf.while (%while3A_205 = %broadcast_in_dim3A_167, %while3A_206 = %get3A_165) : (vector<16xi1>, vector<16xi32>) -> (vector<16xi1>, vector<16xi32>) {
              %reduce_or3A = arith.constant 1.000000e+00 : f32
              %reduce_or3A_207 = arith.constant 0.000000e+00 : f32
              %reduce_or3A_208 = vector.broadcast %reduce_or3A : f32 to vector<16xf32>
              %reduce_or3A_209 = vector.broadcast %reduce_or3A_207 : f32 to vector<16xf32>
              %reduce_or3A_210 = arith.select %while3A_205, %reduce_or3A_208, %reduce_or3A_209 : vector<16xi1>, vector<16xf32>
              %reduce_or3A_211 = arith.constant true
              %reduce_or3A_212 = vector.broadcast %reduce_or3A_211 : i1 to vector<16xi1>
              %reduce_or3A_213 = tpu.scan <max>, %reduce_or3A_210 masked %reduce_or3A_212 : vector<16xf32>, vector<16xi1> -> vector<16xf32>
              %reduce_or3A_214 = vector.extract %reduce_or3A_213[15] : f32 from vector<16xf32>
              %reduce_or3A_215 = arith.constant 0.000000e+00 : f32
              %reduce_or3A_216 = arith.cmpf ogt, %reduce_or3A_214, %reduce_or3A_215 : f32
              scf.condition(%reduce_or3A_216) %while3A_205, %while3A_206 : vector<16xi1>, vector<16xi32>
            } do {
            ^bb0(%while3A_205: vector<16xi1>, %while3A_206: vector<16xi32>):
              %gather3A = tpu.vector_load_idx %arg17[%get3A_105] : memref<10240xi32, #tpu.memory_space<vmem>>[vector<16xi32>], vector<16xi32>,
              %bitcast3A = vector.bitcast %gather3A : vector<16xi32> to vector<32xbf16>
              %bitcast3A_207 = vector.bitcast %while3A_206 : vector<16xi32> to vector<32xbf16>
              %max3A = arith.maximumf %bitcast3A, %bitcast3A_207 : vector<32xbf16>
              %bitcast3A_208 = vector.bitcast %max3A : vector<32xbf16> to vector<16xi32>
              tpu.vector_store_idx %arg17[%get3A_105], %bitcast3A_208 masked %while3A_205 : memref<10240xi32, #tpu.memory_space<vmem>>[vector<16xi32>], vector<16xi32>, vector<16xi1>
              %gather3A_209 = tpu.vector_load_idx %arg17[%get3A_105] : memref<10240xi32, #tpu.memory_space<vmem>>[vector<16xi32>], vector<16xi32>,
              %ne3A = arith.cmpi ne, %gather3A_209, %bitcast3A_208 : vector<16xi32>
              %and3A = arith.andi %while3A_205, %ne3A : vector<16xi1>
              scf.yield %and3A, %bitcast3A_208 : vector<16xi1>, vector<16xi32>
            }
            %mul3A_169 = arith.constant 16 : i32
            %mul3A_170 = arith.muli %mul3A_102, %mul3A_169 : i32
            %get3A_171 = arith.constant 4 : i32
            %get3A_172 = arith.index_cast %get3A_171 : i32 to index
            %get3A_173 = arith.index_cast %mul3A_170 : i32 to index
            %get3A_174 = tpu.vector_load %arg8[%get3A_172, %get3A_173] {strides = array<i32>} : memref<8x640xi32, #tpu.memory_space<vmem>>, vector<16xi32>,
            %broadcast_in_dim3A_175 = arith.constant true
            %broadcast_in_dim3A_176 = vector.broadcast %broadcast_in_dim3A_175 : i1 to vector<16xi1>
            %while3A_177:2 = scf.while (%while3A_205 = %broadcast_in_dim3A_176, %while3A_206 = %get3A_174) : (vector<16xi1>, vector<16xi32>) -> (vector<16xi1>, vector<16xi32>) {
              %reduce_or3A = arith.constant 1.000000e+00 : f32
              %reduce_or3A_207 = arith.constant 0.000000e+00 : f32
              %reduce_or3A_208 = vector.broadcast %reduce_or3A : f32 to vector<16xf32>
              %reduce_or3A_209 = vector.broadcast %reduce_or3A_207 : f32 to vector<16xf32>
              %reduce_or3A_210 = arith.select %while3A_205, %reduce_or3A_208, %reduce_or3A_209 : vector<16xi1>, vector<16xf32>
              %reduce_or3A_211 = arith.constant true
              %reduce_or3A_212 = vector.broadcast %reduce_or3A_211 : i1 to vector<16xi1>
              %reduce_or3A_213 = tpu.scan <max>, %reduce_or3A_210 masked %reduce_or3A_212 : vector<16xf32>, vector<16xi1> -> vector<16xf32>
              %reduce_or3A_214 = vector.extract %reduce_or3A_213[15] : f32 from vector<16xf32>
              %reduce_or3A_215 = arith.constant 0.000000e+00 : f32
              %reduce_or3A_216 = arith.cmpf ogt, %reduce_or3A_214, %reduce_or3A_215 : f32
              scf.condition(%reduce_or3A_216) %while3A_205, %while3A_206 : vector<16xi1>, vector<16xi32>
            } do {
            ^bb0(%while3A_205: vector<16xi1>, %while3A_206: vector<16xi32>):
              %gather3A = tpu.vector_load_idx %arg18[%get3A_105] : memref<10240xi32, #tpu.memory_space<vmem>>[vector<16xi32>], vector<16xi32>,
              %bitcast3A = vector.bitcast %gather3A : vector<16xi32> to vector<32xbf16>
              %bitcast3A_207 = vector.bitcast %while3A_206 : vector<16xi32> to vector<32xbf16>
              %max3A = arith.maximumf %bitcast3A, %bitcast3A_207 : vector<32xbf16>
              %bitcast3A_208 = vector.bitcast %max3A : vector<32xbf16> to vector<16xi32>
              tpu.vector_store_idx %arg18[%get3A_105], %bitcast3A_208 masked %while3A_205 : memref<10240xi32, #tpu.memory_space<vmem>>[vector<16xi32>], vector<16xi32>, vector<16xi1>
              %gather3A_209 = tpu.vector_load_idx %arg18[%get3A_105] : memref<10240xi32, #tpu.memory_space<vmem>>[vector<16xi32>], vector<16xi32>,
              %ne3A = arith.cmpi ne, %gather3A_209, %bitcast3A_208 : vector<16xi32>
              %and3A = arith.andi %while3A_205, %ne3A : vector<16xi1>
              scf.yield %and3A, %bitcast3A_208 : vector<16xi1>, vector<16xi32>
            }
            %mul3A_178 = arith.constant 16 : i32
            %mul3A_179 = arith.muli %mul3A_102, %mul3A_178 : i32
            %get3A_180 = arith.constant 5 : i32
            %get3A_181 = arith.index_cast %get3A_180 : i32 to index
            %get3A_182 = arith.index_cast %mul3A_179 : i32 to index
            %get3A_183 = tpu.vector_load %arg8[%get3A_181, %get3A_182] {strides = array<i32>} : memref<8x640xi32, #tpu.memory_space<vmem>>, vector<16xi32>,
            %broadcast_in_dim3A_184 = arith.constant true
            %broadcast_in_dim3A_185 = vector.broadcast %broadcast_in_dim3A_184 : i1 to vector<16xi1>
            %while3A_186:2 = scf.while (%while3A_205 = %broadcast_in_dim3A_185, %while3A_206 = %get3A_183) : (vector<16xi1>, vector<16xi32>) -> (vector<16xi1>, vector<16xi32>) {
              %reduce_or3A = arith.constant 1.000000e+00 : f32
              %reduce_or3A_207 = arith.constant 0.000000e+00 : f32
              %reduce_or3A_208 = vector.broadcast %reduce_or3A : f32 to vector<16xf32>
              %reduce_or3A_209 = vector.broadcast %reduce_or3A_207 : f32 to vector<16xf32>
              %reduce_or3A_210 = arith.select %while3A_205, %reduce_or3A_208, %reduce_or3A_209 : vector<16xi1>, vector<16xf32>
              %reduce_or3A_211 = arith.constant true
              %reduce_or3A_212 = vector.broadcast %reduce_or3A_211 : i1 to vector<16xi1>
              %reduce_or3A_213 = tpu.scan <max>, %reduce_or3A_210 masked %reduce_or3A_212 : vector<16xf32>, vector<16xi1> -> vector<16xf32>
              %reduce_or3A_214 = vector.extract %reduce_or3A_213[15] : f32 from vector<16xf32>
              %reduce_or3A_215 = arith.constant 0.000000e+00 : f32
              %reduce_or3A_216 = arith.cmpf ogt, %reduce_or3A_214, %reduce_or3A_215 : f32
              scf.condition(%reduce_or3A_216) %while3A_205, %while3A_206 : vector<16xi1>, vector<16xi32>
            } do {
            ^bb0(%while3A_205: vector<16xi1>, %while3A_206: vector<16xi32>):
              %gather3A = tpu.vector_load_idx %arg19[%get3A_105] : memref<10240xi32, #tpu.memory_space<vmem>>[vector<16xi32>], vector<16xi32>,
              %bitcast3A = vector.bitcast %gather3A : vector<16xi32> to vector<32xbf16>
              %bitcast3A_207 = vector.bitcast %while3A_206 : vector<16xi32> to vector<32xbf16>
              %max3A = arith.maximumf %bitcast3A, %bitcast3A_207 : vector<32xbf16>
              %bitcast3A_208 = vector.bitcast %max3A : vector<32xbf16> to vector<16xi32>
              tpu.vector_store_idx %arg19[%get3A_105], %bitcast3A_208 masked %while3A_205 : memref<10240xi32, #tpu.memory_space<vmem>>[vector<16xi32>], vector<16xi32>, vector<16xi1>
              %gather3A_209 = tpu.vector_load_idx %arg19[%get3A_105] : memref<10240xi32, #tpu.memory_space<vmem>>[vector<16xi32>], vector<16xi32>,
              %ne3A = arith.cmpi ne, %gather3A_209, %bitcast3A_208 : vector<16xi32>
              %and3A = arith.andi %while3A_205, %ne3A : vector<16xi1>
              scf.yield %and3A, %bitcast3A_208 : vector<16xi1>, vector<16xi32>
            }
            %mul3A_187 = arith.constant 16 : i32
            %mul3A_188 = arith.muli %mul3A_102, %mul3A_187 : i32
            %get3A_189 = arith.constant 6 : i32
            %get3A_190 = arith.index_cast %get3A_189 : i32 to index
            %get3A_191 = arith.index_cast %mul3A_188 : i32 to index
            %get3A_192 = tpu.vector_load %arg8[%get3A_190, %get3A_191] {strides = array<i32>} : memref<8x640xi32, #tpu.memory_space<vmem>>, vector<16xi32>,
            %broadcast_in_dim3A_193 = arith.constant true
            %broadcast_in_dim3A_194 = vector.broadcast %broadcast_in_dim3A_193 : i1 to vector<16xi1>
            %while3A_195:2 = scf.while (%while3A_205 = %broadcast_in_dim3A_194, %while3A_206 = %get3A_192) : (vector<16xi1>, vector<16xi32>) -> (vector<16xi1>, vector<16xi32>) {
              %reduce_or3A = arith.constant 1.000000e+00 : f32
              %reduce_or3A_207 = arith.constant 0.000000e+00 : f32
              %reduce_or3A_208 = vector.broadcast %reduce_or3A : f32 to vector<16xf32>
              %reduce_or3A_209 = vector.broadcast %reduce_or3A_207 : f32 to vector<16xf32>
              %reduce_or3A_210 = arith.select %while3A_205, %reduce_or3A_208, %reduce_or3A_209 : vector<16xi1>, vector<16xf32>
              %reduce_or3A_211 = arith.constant true
              %reduce_or3A_212 = vector.broadcast %reduce_or3A_211 : i1 to vector<16xi1>
              %reduce_or3A_213 = tpu.scan <max>, %reduce_or3A_210 masked %reduce_or3A_212 : vector<16xf32>, vector<16xi1> -> vector<16xf32>
              %reduce_or3A_214 = vector.extract %reduce_or3A_213[15] : f32 from vector<16xf32>
              %reduce_or3A_215 = arith.constant 0.000000e+00 : f32
              %reduce_or3A_216 = arith.cmpf ogt, %reduce_or3A_214, %reduce_or3A_215 : f32
              scf.condition(%reduce_or3A_216) %while3A_205, %while3A_206 : vector<16xi1>, vector<16xi32>
            } do {
            ^bb0(%while3A_205: vector<16xi1>, %while3A_206: vector<16xi32>):
              %gather3A = tpu.vector_load_idx %arg20[%get3A_105] : memref<10240xi32, #tpu.memory_space<vmem>>[vector<16xi32>], vector<16xi32>,
              %bitcast3A = vector.bitcast %gather3A : vector<16xi32> to vector<32xbf16>
              %bitcast3A_207 = vector.bitcast %while3A_206 : vector<16xi32> to vector<32xbf16>
              %max3A = arith.maximumf %bitcast3A, %bitcast3A_207 : vector<32xbf16>
              %bitcast3A_208 = vector.bitcast %max3A : vector<32xbf16> to vector<16xi32>
              tpu.vector_store_idx %arg20[%get3A_105], %bitcast3A_208 masked %while3A_205 : memref<10240xi32, #tpu.memory_space<vmem>>[vector<16xi32>], vector<16xi32>, vector<16xi1>
              %gather3A_209 = tpu.vector_load_idx %arg20[%get3A_105] : memref<10240xi32, #tpu.memory_space<vmem>>[vector<16xi32>], vector<16xi32>,
              %ne3A = arith.cmpi ne, %gather3A_209, %bitcast3A_208 : vector<16xi32>
              %and3A = arith.andi %while3A_205, %ne3A : vector<16xi1>
              scf.yield %and3A, %bitcast3A_208 : vector<16xi1>, vector<16xi32>
            }
            %mul3A_196 = arith.constant 16 : i32
            %mul3A_197 = arith.muli %mul3A_102, %mul3A_196 : i32
            %get3A_198 = arith.constant 7 : i32
            %get3A_199 = arith.index_cast %get3A_198 : i32 to index
            %get3A_200 = arith.index_cast %mul3A_197 : i32 to index
            %get3A_201 = tpu.vector_load %arg8[%get3A_199, %get3A_200] {strides = array<i32>} : memref<8x640xi32, #tpu.memory_space<vmem>>, vector<16xi32>,
            %broadcast_in_dim3A_202 = arith.constant true
            %broadcast_in_dim3A_203 = vector.broadcast %broadcast_in_dim3A_202 : i1 to vector<16xi1>
            %while3A_204:2 = scf.while (%while3A_205 = %broadcast_in_dim3A_203, %while3A_206 = %get3A_201) : (vector<16xi1>, vector<16xi32>) -> (vector<16xi1>, vector<16xi32>) {
              %reduce_or3A = arith.constant 1.000000e+00 : f32
              %reduce_or3A_207 = arith.constant 0.000000e+00 : f32
              %reduce_or3A_208 = vector.broadcast %reduce_or3A : f32 to vector<16xf32>
              %reduce_or3A_209 = vector.broadcast %reduce_or3A_207 : f32 to vector<16xf32>
              %reduce_or3A_210 = arith.select %while3A_205, %reduce_or3A_208, %reduce_or3A_209 : vector<16xi1>, vector<16xf32>
              %reduce_or3A_211 = arith.constant true
              %reduce_or3A_212 = vector.broadcast %reduce_or3A_211 : i1 to vector<16xi1>
              %reduce_or3A_213 = tpu.scan <max>, %reduce_or3A_210 masked %reduce_or3A_212 : vector<16xf32>, vector<16xi1> -> vector<16xf32>
              %reduce_or3A_214 = vector.extract %reduce_or3A_213[15] : f32 from vector<16xf32>
              %reduce_or3A_215 = arith.constant 0.000000e+00 : f32
              %reduce_or3A_216 = arith.cmpf ogt, %reduce_or3A_214, %reduce_or3A_215 : f32
              scf.condition(%reduce_or3A_216) %while3A_205, %while3A_206 : vector<16xi1>, vector<16xi32>
            } do {
            ^bb0(%while3A_205: vector<16xi1>, %while3A_206: vector<16xi32>):
              %gather3A = tpu.vector_load_idx %arg21[%get3A_105] : memref<10240xi32, #tpu.memory_space<vmem>>[vector<16xi32>], vector<16xi32>,
              %bitcast3A = vector.bitcast %gather3A : vector<16xi32> to vector<32xbf16>
              %bitcast3A_207 = vector.bitcast %while3A_206 : vector<16xi32> to vector<32xbf16>
              %max3A = arith.maximumf %bitcast3A, %bitcast3A_207 : vector<32xbf16>
              %bitcast3A_208 = vector.bitcast %max3A : vector<32xbf16> to vector<16xi32>
              tpu.vector_store_idx %arg21[%get3A_105], %bitcast3A_208 masked %while3A_205 : memref<10240xi32, #tpu.memory_space<vmem>>[vector<16xi32>], vector<16xi32>, vector<16xi1>
              %gather3A_209 = tpu.vector_load_idx %arg21[%get3A_105] : memref<10240xi32, #tpu.memory_space<vmem>>[vector<16xi32>], vector<16xi32>,
              %ne3A = arith.cmpi ne, %gather3A_209, %bitcast3A_208 : vector<16xi32>
              %and3A = arith.andi %while3A_205, %ne3A : vector<16xi1>
              scf.yield %and3A, %bitcast3A_208 : vector<16xi1>, vector<16xi32>
            }
          }
          %mul3A_114 = arith.constant 2 : i32
          %mul3A_115 = arith.muli %scan3A_99, %mul3A_114 : i32
          %add3A_116 = arith.constant 1 : i32
          %add3A_117 = arith.addi %mul3A_115, %add3A_116 : i32
          %mul3A_118 = arith.constant 16 : i32
          %mul3A_119 = arith.muli %add3A_117, %mul3A_118 : i32
          %get3A_120 = arith.index_cast %mul3A_119 : i32 to index
          %get3A_121 = tpu.vector_load %arg6[%get3A_120] {strides = array<i32>} : memref<640xi32, #tpu.memory_space<vmem>>, vector<16xi32>,
          %mul3A_122 = arith.constant 16 : i32
          %mul3A_123 = arith.muli %add3A_117, %mul3A_122 : i32
          %get3A_124 = arith.index_cast %mul3A_123 : i32 to index
          %get3A_125 = tpu.vector_load %arg9[%get3A_124] {strides = array<i32>} : memref<640xi32, #tpu.memory_space<vmem>>, vector<16xi32>,
          %slice3A_126 = vector.extract_strided_slice %get3A_125 {offsets = [0], sizes = [1], strides = [1]} : vector<16xi32> to vector<1xi32>
          %squeeze3A_127 = vector.extract %slice3A_126[0] : i32 from vector<1xi32>
          %eq3A_128 = arith.constant 16 : i32
          %eq3A_129 = arith.cmpi eq, %squeeze3A_127, %eq3A_128 : i32
          %convert_element_type3A_130 = arith.extui %eq3A_129 : i1 to i32
          %cond3A_131 = arith.constant 0 : i32
          %cond3A_132 = arith.cmpi ne, %convert_element_type3A_130, %cond3A_131 : i32
          scf.if %cond3A_132 {
            %mul3A_134 = arith.constant 16 : i32
            %mul3A_135 = arith.muli %add3A_117, %mul3A_134 : i32
            %get3A_136 = arith.constant 0 : i32
            %get3A_137 = arith.index_cast %get3A_136 : i32 to index
            %get3A_138 = arith.index_cast %mul3A_135 : i32 to index
            %get3A_139 = tpu.vector_load %arg8[%get3A_137, %get3A_138] {strides = array<i32>} : memref<8x640xi32, #tpu.memory_space<vmem>>, vector<16xi32>,
            %gather3A = tpu.vector_load_idx %arg14[%get3A_121] : memref<10240xi32, #tpu.memory_space<vmem>>[vector<16xi32>], vector<16xi32>,
            %bitcast3A = vector.bitcast %gather3A : vector<16xi32> to vector<32xbf16>
            %bitcast3A_140 = vector.bitcast %get3A_139 : vector<16xi32> to vector<32xbf16>
            %max3A = arith.maximumf %bitcast3A, %bitcast3A_140 : vector<32xbf16>
            %bitcast3A_141 = vector.bitcast %max3A : vector<32xbf16> to vector<16xi32>
            tpu.vector_store_idx %arg14[%get3A_121], %bitcast3A_141 : memref<10240xi32, #tpu.memory_space<vmem>>[vector<16xi32>], vector<16xi32>,
            %mul3A_142 = arith.constant 16 : i32
            %mul3A_143 = arith.muli %add3A_117, %mul3A_142 : i32
            %get3A_144 = arith.constant 1 : i32
            %get3A_145 = arith.index_cast %get3A_144 : i32 to index
            %get3A_146 = arith.index_cast %mul3A_143 : i32 to index
            %get3A_147 = tpu.vector_load %arg8[%get3A_145, %get3A_146] {strides = array<i32>} : memref<8x640xi32, #tpu.memory_space<vmem>>, vector<16xi32>,
            %gather3A_148 = tpu.vector_load_idx %arg15[%get3A_121] : memref<10240xi32, #tpu.memory_space<vmem>>[vector<16xi32>], vector<16xi32>,
            %bitcast3A_149 = vector.bitcast %gather3A_148 : vector<16xi32> to vector<32xbf16>
            %bitcast3A_150 = vector.bitcast %get3A_147 : vector<16xi32> to vector<32xbf16>
            %max3A_151 = arith.maximumf %bitcast3A_149, %bitcast3A_150 : vector<32xbf16>
            %bitcast3A_152 = vector.bitcast %max3A_151 : vector<32xbf16> to vector<16xi32>
            tpu.vector_store_idx %arg15[%get3A_121], %bitcast3A_152 : memref<10240xi32, #tpu.memory_space<vmem>>[vector<16xi32>], vector<16xi32>,
            %mul3A_153 = arith.constant 16 : i32
            %mul3A_154 = arith.muli %add3A_117, %mul3A_153 : i32
            %get3A_155 = arith.constant 2 : i32
            %get3A_156 = arith.index_cast %get3A_155 : i32 to index
            %get3A_157 = arith.index_cast %mul3A_154 : i32 to index
            %get3A_158 = tpu.vector_load %arg8[%get3A_156, %get3A_157] {strides = array<i32>} : memref<8x640xi32, #tpu.memory_space<vmem>>, vector<16xi32>,
            %gather3A_159 = tpu.vector_load_idx %arg16[%get3A_121] : memref<10240xi32, #tpu.memory_space<vmem>>[vector<16xi32>], vector<16xi32>,
            %bitcast3A_160 = vector.bitcast %gather3A_159 : vector<16xi32> to vector<32xbf16>
            %bitcast3A_161 = vector.bitcast %get3A_158 : vector<16xi32> to vector<32xbf16>
            %max3A_162 = arith.maximumf %bitcast3A_160, %bitcast3A_161 : vector<32xbf16>
            %bitcast3A_163 = vector.bitcast %max3A_162 : vector<32xbf16> to vector<16xi32>
            tpu.vector_store_idx %arg16[%get3A_121], %bitcast3A_163 : memref<10240xi32, #tpu.memory_space<vmem>>[vector<16xi32>], vector<16xi32>,
            %mul3A_164 = arith.constant 16 : i32
            %mul3A_165 = arith.muli %add3A_117, %mul3A_164 : i32
            %get3A_166 = arith.constant 3 : i32
            %get3A_167 = arith.index_cast %get3A_166 : i32 to index
            %get3A_168 = arith.index_cast %mul3A_165 : i32 to index
            %get3A_169 = tpu.vector_load %arg8[%get3A_167, %get3A_168] {strides = array<i32>} : memref<8x640xi32, #tpu.memory_space<vmem>>, vector<16xi32>,
            %gather3A_170 = tpu.vector_load_idx %arg17[%get3A_121] : memref<10240xi32, #tpu.memory_space<vmem>>[vector<16xi32>], vector<16xi32>,
            %bitcast3A_171 = vector.bitcast %gather3A_170 : vector<16xi32> to vector<32xbf16>
            %bitcast3A_172 = vector.bitcast %get3A_169 : vector<16xi32> to vector<32xbf16>
            %max3A_173 = arith.maximumf %bitcast3A_171, %bitcast3A_172 : vector<32xbf16>
            %bitcast3A_174 = vector.bitcast %max3A_173 : vector<32xbf16> to vector<16xi32>
            tpu.vector_store_idx %arg17[%get3A_121], %bitcast3A_174 : memref<10240xi32, #tpu.memory_space<vmem>>[vector<16xi32>], vector<16xi32>,
            %mul3A_175 = arith.constant 16 : i32
            %mul3A_176 = arith.muli %add3A_117, %mul3A_175 : i32
            %get3A_177 = arith.constant 4 : i32
            %get3A_178 = arith.index_cast %get3A_177 : i32 to index
            %get3A_179 = arith.index_cast %mul3A_176 : i32 to index
            %get3A_180 = tpu.vector_load %arg8[%get3A_178, %get3A_179] {strides = array<i32>} : memref<8x640xi32, #tpu.memory_space<vmem>>, vector<16xi32>,
            %gather3A_181 = tpu.vector_load_idx %arg18[%get3A_121] : memref<10240xi32, #tpu.memory_space<vmem>>[vector<16xi32>], vector<16xi32>,
            %bitcast3A_182 = vector.bitcast %gather3A_181 : vector<16xi32> to vector<32xbf16>
            %bitcast3A_183 = vector.bitcast %get3A_180 : vector<16xi32> to vector<32xbf16>
            %max3A_184 = arith.maximumf %bitcast3A_182, %bitcast3A_183 : vector<32xbf16>
            %bitcast3A_185 = vector.bitcast %max3A_184 : vector<32xbf16> to vector<16xi32>
            tpu.vector_store_idx %arg18[%get3A_121], %bitcast3A_185 : memref<10240xi32, #tpu.memory_space<vmem>>[vector<16xi32>], vector<16xi32>,
            %mul3A_186 = arith.constant 16 : i32
            %mul3A_187 = arith.muli %add3A_117, %mul3A_186 : i32
            %get3A_188 = arith.constant 5 : i32
            %get3A_189 = arith.index_cast %get3A_188 : i32 to index
            %get3A_190 = arith.index_cast %mul3A_187 : i32 to index
            %get3A_191 = tpu.vector_load %arg8[%get3A_189, %get3A_190] {strides = array<i32>} : memref<8x640xi32, #tpu.memory_space<vmem>>, vector<16xi32>,
            %gather3A_192 = tpu.vector_load_idx %arg19[%get3A_121] : memref<10240xi32, #tpu.memory_space<vmem>>[vector<16xi32>], vector<16xi32>,
            %bitcast3A_193 = vector.bitcast %gather3A_192 : vector<16xi32> to vector<32xbf16>
            %bitcast3A_194 = vector.bitcast %get3A_191 : vector<16xi32> to vector<32xbf16>
            %max3A_195 = arith.maximumf %bitcast3A_193, %bitcast3A_194 : vector<32xbf16>
            %bitcast3A_196 = vector.bitcast %max3A_195 : vector<32xbf16> to vector<16xi32>
            tpu.vector_store_idx %arg19[%get3A_121], %bitcast3A_196 : memref<10240xi32, #tpu.memory_space<vmem>>[vector<16xi32>], vector<16xi32>,
            %mul3A_197 = arith.constant 16 : i32
            %mul3A_198 = arith.muli %add3A_117, %mul3A_197 : i32
            %get3A_199 = arith.constant 6 : i32
            %get3A_200 = arith.index_cast %get3A_199 : i32 to index
            %get3A_201 = arith.index_cast %mul3A_198 : i32 to index
            %get3A_202 = tpu.vector_load %arg8[%get3A_200, %get3A_201] {strides = array<i32>} : memref<8x640xi32, #tpu.memory_space<vmem>>, vector<16xi32>,
            %gather3A_203 = tpu.vector_load_idx %arg20[%get3A_121] : memref<10240xi32, #tpu.memory_space<vmem>>[vector<16xi32>], vector<16xi32>,
            %bitcast3A_204 = vector.bitcast %gather3A_203 : vector<16xi32> to vector<32xbf16>
            %bitcast3A_205 = vector.bitcast %get3A_202 : vector<16xi32> to vector<32xbf16>
            %max3A_206 = arith.maximumf %bitcast3A_204, %bitcast3A_205 : vector<32xbf16>
            %bitcast3A_207 = vector.bitcast %max3A_206 : vector<32xbf16> to vector<16xi32>
            tpu.vector_store_idx %arg20[%get3A_121], %bitcast3A_207 : memref<10240xi32, #tpu.memory_space<vmem>>[vector<16xi32>], vector<16xi32>,
            %mul3A_208 = arith.constant 16 : i32
            %mul3A_209 = arith.muli %add3A_117, %mul3A_208 : i32
            %get3A_210 = arith.constant 7 : i32
            %get3A_211 = arith.index_cast %get3A_210 : i32 to index
            %get3A_212 = arith.index_cast %mul3A_209 : i32 to index
            %get3A_213 = tpu.vector_load %arg8[%get3A_211, %get3A_212] {strides = array<i32>} : memref<8x640xi32, #tpu.memory_space<vmem>>, vector<16xi32>,
            %gather3A_214 = tpu.vector_load_idx %arg21[%get3A_121] : memref<10240xi32, #tpu.memory_space<vmem>>[vector<16xi32>], vector<16xi32>,
            %bitcast3A_215 = vector.bitcast %gather3A_214 : vector<16xi32> to vector<32xbf16>
            %bitcast3A_216 = vector.bitcast %get3A_213 : vector<16xi32> to vector<32xbf16>
            %max3A_217 = arith.maximumf %bitcast3A_215, %bitcast3A_216 : vector<32xbf16>
            %bitcast3A_218 = vector.bitcast %max3A_217 : vector<32xbf16> to vector<16xi32>
            tpu.vector_store_idx %arg21[%get3A_121], %bitcast3A_218 : memref<10240xi32, #tpu.memory_space<vmem>>[vector<16xi32>], vector<16xi32>,
          } else {
            %mul3A_134 = arith.constant 16 : i32
            %mul3A_135 = arith.muli %add3A_117, %mul3A_134 : i32
            %get3A_136 = arith.constant 0 : i32
            %get3A_137 = arith.index_cast %get3A_136 : i32 to index
            %get3A_138 = arith.index_cast %mul3A_135 : i32 to index
            %get3A_139 = tpu.vector_load %arg8[%get3A_137, %get3A_138] {strides = array<i32>} : memref<8x640xi32, #tpu.memory_space<vmem>>, vector<16xi32>,
            %broadcast_in_dim3A_140 = arith.constant true
            %broadcast_in_dim3A_141 = vector.broadcast %broadcast_in_dim3A_140 : i1 to vector<16xi1>
            %while3A:2 = scf.while (%while3A_205 = %broadcast_in_dim3A_141, %while3A_206 = %get3A_139) : (vector<16xi1>, vector<16xi32>) -> (vector<16xi1>, vector<16xi32>) {
              %reduce_or3A = arith.constant 1.000000e+00 : f32
              %reduce_or3A_207 = arith.constant 0.000000e+00 : f32
              %reduce_or3A_208 = vector.broadcast %reduce_or3A : f32 to vector<16xf32>
              %reduce_or3A_209 = vector.broadcast %reduce_or3A_207 : f32 to vector<16xf32>
              %reduce_or3A_210 = arith.select %while3A_205, %reduce_or3A_208, %reduce_or3A_209 : vector<16xi1>, vector<16xf32>
              %reduce_or3A_211 = arith.constant true
              %reduce_or3A_212 = vector.broadcast %reduce_or3A_211 : i1 to vector<16xi1>
              %reduce_or3A_213 = tpu.scan <max>, %reduce_or3A_210 masked %reduce_or3A_212 : vector<16xf32>, vector<16xi1> -> vector<16xf32>
              %reduce_or3A_214 = vector.extract %reduce_or3A_213[15] : f32 from vector<16xf32>
              %reduce_or3A_215 = arith.constant 0.000000e+00 : f32
              %reduce_or3A_216 = arith.cmpf ogt, %reduce_or3A_214, %reduce_or3A_215 : f32
              scf.condition(%reduce_or3A_216) %while3A_205, %while3A_206 : vector<16xi1>, vector<16xi32>
            } do {
            ^bb0(%while3A_205: vector<16xi1>, %while3A_206: vector<16xi32>):
              %gather3A = tpu.vector_load_idx %arg14[%get3A_121] : memref<10240xi32, #tpu.memory_space<vmem>>[vector<16xi32>], vector<16xi32>,
              %bitcast3A = vector.bitcast %gather3A : vector<16xi32> to vector<32xbf16>
              %bitcast3A_207 = vector.bitcast %while3A_206 : vector<16xi32> to vector<32xbf16>
              %max3A = arith.maximumf %bitcast3A, %bitcast3A_207 : vector<32xbf16>
              %bitcast3A_208 = vector.bitcast %max3A : vector<32xbf16> to vector<16xi32>
              tpu.vector_store_idx %arg14[%get3A_121], %bitcast3A_208 masked %while3A_205 : memref<10240xi32, #tpu.memory_space<vmem>>[vector<16xi32>], vector<16xi32>, vector<16xi1>
              %gather3A_209 = tpu.vector_load_idx %arg14[%get3A_121] : memref<10240xi32, #tpu.memory_space<vmem>>[vector<16xi32>], vector<16xi32>,
              %ne3A = arith.cmpi ne, %gather3A_209, %bitcast3A_208 : vector<16xi32>
              %and3A = arith.andi %while3A_205, %ne3A : vector<16xi1>
              scf.yield %and3A, %bitcast3A_208 : vector<16xi1>, vector<16xi32>
            }
            %mul3A_142 = arith.constant 16 : i32
            %mul3A_143 = arith.muli %add3A_117, %mul3A_142 : i32
            %get3A_144 = arith.constant 1 : i32
            %get3A_145 = arith.index_cast %get3A_144 : i32 to index
            %get3A_146 = arith.index_cast %mul3A_143 : i32 to index
            %get3A_147 = tpu.vector_load %arg8[%get3A_145, %get3A_146] {strides = array<i32>} : memref<8x640xi32, #tpu.memory_space<vmem>>, vector<16xi32>,
            %broadcast_in_dim3A_148 = arith.constant true
            %broadcast_in_dim3A_149 = vector.broadcast %broadcast_in_dim3A_148 : i1 to vector<16xi1>
            %while3A_150:2 = scf.while (%while3A_205 = %broadcast_in_dim3A_149, %while3A_206 = %get3A_147) : (vector<16xi1>, vector<16xi32>) -> (vector<16xi1>, vector<16xi32>) {
              %reduce_or3A = arith.constant 1.000000e+00 : f32
              %reduce_or3A_207 = arith.constant 0.000000e+00 : f32
              %reduce_or3A_208 = vector.broadcast %reduce_or3A : f32 to vector<16xf32>
              %reduce_or3A_209 = vector.broadcast %reduce_or3A_207 : f32 to vector<16xf32>
              %reduce_or3A_210 = arith.select %while3A_205, %reduce_or3A_208, %reduce_or3A_209 : vector<16xi1>, vector<16xf32>
              %reduce_or3A_211 = arith.constant true
              %reduce_or3A_212 = vector.broadcast %reduce_or3A_211 : i1 to vector<16xi1>
              %reduce_or3A_213 = tpu.scan <max>, %reduce_or3A_210 masked %reduce_or3A_212 : vector<16xf32>, vector<16xi1> -> vector<16xf32>
              %reduce_or3A_214 = vector.extract %reduce_or3A_213[15] : f32 from vector<16xf32>
              %reduce_or3A_215 = arith.constant 0.000000e+00 : f32
              %reduce_or3A_216 = arith.cmpf ogt, %reduce_or3A_214, %reduce_or3A_215 : f32
              scf.condition(%reduce_or3A_216) %while3A_205, %while3A_206 : vector<16xi1>, vector<16xi32>
            } do {
            ^bb0(%while3A_205: vector<16xi1>, %while3A_206: vector<16xi32>):
              %gather3A = tpu.vector_load_idx %arg15[%get3A_121] : memref<10240xi32, #tpu.memory_space<vmem>>[vector<16xi32>], vector<16xi32>,
              %bitcast3A = vector.bitcast %gather3A : vector<16xi32> to vector<32xbf16>
              %bitcast3A_207 = vector.bitcast %while3A_206 : vector<16xi32> to vector<32xbf16>
              %max3A = arith.maximumf %bitcast3A, %bitcast3A_207 : vector<32xbf16>
              %bitcast3A_208 = vector.bitcast %max3A : vector<32xbf16> to vector<16xi32>
              tpu.vector_store_idx %arg15[%get3A_121], %bitcast3A_208 masked %while3A_205 : memref<10240xi32, #tpu.memory_space<vmem>>[vector<16xi32>], vector<16xi32>, vector<16xi1>
              %gather3A_209 = tpu.vector_load_idx %arg15[%get3A_121] : memref<10240xi32, #tpu.memory_space<vmem>>[vector<16xi32>], vector<16xi32>,
              %ne3A = arith.cmpi ne, %gather3A_209, %bitcast3A_208 : vector<16xi32>
              %and3A = arith.andi %while3A_205, %ne3A : vector<16xi1>
              scf.yield %and3A, %bitcast3A_208 : vector<16xi1>, vector<16xi32>
            }
            %mul3A_151 = arith.constant 16 : i32
            %mul3A_152 = arith.muli %add3A_117, %mul3A_151 : i32
            %get3A_153 = arith.constant 2 : i32
            %get3A_154 = arith.index_cast %get3A_153 : i32 to index
            %get3A_155 = arith.index_cast %mul3A_152 : i32 to index
            %get3A_156 = tpu.vector_load %arg8[%get3A_154, %get3A_155] {strides = array<i32>} : memref<8x640xi32, #tpu.memory_space<vmem>>, vector<16xi32>,
            %broadcast_in_dim3A_157 = arith.constant true
            %broadcast_in_dim3A_158 = vector.broadcast %broadcast_in_dim3A_157 : i1 to vector<16xi1>
            %while3A_159:2 = scf.while (%while3A_205 = %broadcast_in_dim3A_158, %while3A_206 = %get3A_156) : (vector<16xi1>, vector<16xi32>) -> (vector<16xi1>, vector<16xi32>) {
              %reduce_or3A = arith.constant 1.000000e+00 : f32
              %reduce_or3A_207 = arith.constant 0.000000e+00 : f32
              %reduce_or3A_208 = vector.broadcast %reduce_or3A : f32 to vector<16xf32>
              %reduce_or3A_209 = vector.broadcast %reduce_or3A_207 : f32 to vector<16xf32>
              %reduce_or3A_210 = arith.select %while3A_205, %reduce_or3A_208, %reduce_or3A_209 : vector<16xi1>, vector<16xf32>
              %reduce_or3A_211 = arith.constant true
              %reduce_or3A_212 = vector.broadcast %reduce_or3A_211 : i1 to vector<16xi1>
              %reduce_or3A_213 = tpu.scan <max>, %reduce_or3A_210 masked %reduce_or3A_212 : vector<16xf32>, vector<16xi1> -> vector<16xf32>
              %reduce_or3A_214 = vector.extract %reduce_or3A_213[15] : f32 from vector<16xf32>
              %reduce_or3A_215 = arith.constant 0.000000e+00 : f32
              %reduce_or3A_216 = arith.cmpf ogt, %reduce_or3A_214, %reduce_or3A_215 : f32
              scf.condition(%reduce_or3A_216) %while3A_205, %while3A_206 : vector<16xi1>, vector<16xi32>
            } do {
            ^bb0(%while3A_205: vector<16xi1>, %while3A_206: vector<16xi32>):
              %gather3A = tpu.vector_load_idx %arg16[%get3A_121] : memref<10240xi32, #tpu.memory_space<vmem>>[vector<16xi32>], vector<16xi32>,
              %bitcast3A = vector.bitcast %gather3A : vector<16xi32> to vector<32xbf16>
              %bitcast3A_207 = vector.bitcast %while3A_206 : vector<16xi32> to vector<32xbf16>
              %max3A = arith.maximumf %bitcast3A, %bitcast3A_207 : vector<32xbf16>
              %bitcast3A_208 = vector.bitcast %max3A : vector<32xbf16> to vector<16xi32>
              tpu.vector_store_idx %arg16[%get3A_121], %bitcast3A_208 masked %while3A_205 : memref<10240xi32, #tpu.memory_space<vmem>>[vector<16xi32>], vector<16xi32>, vector<16xi1>
              %gather3A_209 = tpu.vector_load_idx %arg16[%get3A_121] : memref<10240xi32, #tpu.memory_space<vmem>>[vector<16xi32>], vector<16xi32>,
              %ne3A = arith.cmpi ne, %gather3A_209, %bitcast3A_208 : vector<16xi32>
              %and3A = arith.andi %while3A_205, %ne3A : vector<16xi1>
              scf.yield %and3A, %bitcast3A_208 : vector<16xi1>, vector<16xi32>
            }
            %mul3A_160 = arith.constant 16 : i32
            %mul3A_161 = arith.muli %add3A_117, %mul3A_160 : i32
            %get3A_162 = arith.constant 3 : i32
            %get3A_163 = arith.index_cast %get3A_162 : i32 to index
            %get3A_164 = arith.index_cast %mul3A_161 : i32 to index
            %get3A_165 = tpu.vector_load %arg8[%get3A_163, %get3A_164] {strides = array<i32>} : memref<8x640xi32, #tpu.memory_space<vmem>>, vector<16xi32>,
            %broadcast_in_dim3A_166 = arith.constant true
            %broadcast_in_dim3A_167 = vector.broadcast %broadcast_in_dim3A_166 : i1 to vector<16xi1>
            %while3A_168:2 = scf.while (%while3A_205 = %broadcast_in_dim3A_167, %while3A_206 = %get3A_165) : (vector<16xi1>, vector<16xi32>) -> (vector<16xi1>, vector<16xi32>) {
              %reduce_or3A = arith.constant 1.000000e+00 : f32
              %reduce_or3A_207 = arith.constant 0.000000e+00 : f32
              %reduce_or3A_208 = vector.broadcast %reduce_or3A : f32 to vector<16xf32>
              %reduce_or3A_209 = vector.broadcast %reduce_or3A_207 : f32 to vector<16xf32>
              %reduce_or3A_210 = arith.select %while3A_205, %reduce_or3A_208, %reduce_or3A_209 : vector<16xi1>, vector<16xf32>
              %reduce_or3A_211 = arith.constant true
              %reduce_or3A_212 = vector.broadcast %reduce_or3A_211 : i1 to vector<16xi1>
              %reduce_or3A_213 = tpu.scan <max>, %reduce_or3A_210 masked %reduce_or3A_212 : vector<16xf32>, vector<16xi1> -> vector<16xf32>
              %reduce_or3A_214 = vector.extract %reduce_or3A_213[15] : f32 from vector<16xf32>
              %reduce_or3A_215 = arith.constant 0.000000e+00 : f32
              %reduce_or3A_216 = arith.cmpf ogt, %reduce_or3A_214, %reduce_or3A_215 : f32
              scf.condition(%reduce_or3A_216) %while3A_205, %while3A_206 : vector<16xi1>, vector<16xi32>
            } do {
            ^bb0(%while3A_205: vector<16xi1>, %while3A_206: vector<16xi32>):
              %gather3A = tpu.vector_load_idx %arg17[%get3A_121] : memref<10240xi32, #tpu.memory_space<vmem>>[vector<16xi32>], vector<16xi32>,
              %bitcast3A = vector.bitcast %gather3A : vector<16xi32> to vector<32xbf16>
              %bitcast3A_207 = vector.bitcast %while3A_206 : vector<16xi32> to vector<32xbf16>
              %max3A = arith.maximumf %bitcast3A, %bitcast3A_207 : vector<32xbf16>
              %bitcast3A_208 = vector.bitcast %max3A : vector<32xbf16> to vector<16xi32>
              tpu.vector_store_idx %arg17[%get3A_121], %bitcast3A_208 masked %while3A_205 : memref<10240xi32, #tpu.memory_space<vmem>>[vector<16xi32>], vector<16xi32>, vector<16xi1>
              %gather3A_209 = tpu.vector_load_idx %arg17[%get3A_121] : memref<10240xi32, #tpu.memory_space<vmem>>[vector<16xi32>], vector<16xi32>,
              %ne3A = arith.cmpi ne, %gather3A_209, %bitcast3A_208 : vector<16xi32>
              %and3A = arith.andi %while3A_205, %ne3A : vector<16xi1>
              scf.yield %and3A, %bitcast3A_208 : vector<16xi1>, vector<16xi32>
            }
            %mul3A_169 = arith.constant 16 : i32
            %mul3A_170 = arith.muli %add3A_117, %mul3A_169 : i32
            %get3A_171 = arith.constant 4 : i32
            %get3A_172 = arith.index_cast %get3A_171 : i32 to index
            %get3A_173 = arith.index_cast %mul3A_170 : i32 to index
            %get3A_174 = tpu.vector_load %arg8[%get3A_172, %get3A_173] {strides = array<i32>} : memref<8x640xi32, #tpu.memory_space<vmem>>, vector<16xi32>,
            %broadcast_in_dim3A_175 = arith.constant true
            %broadcast_in_dim3A_176 = vector.broadcast %broadcast_in_dim3A_175 : i1 to vector<16xi1>
            %while3A_177:2 = scf.while (%while3A_205 = %broadcast_in_dim3A_176, %while3A_206 = %get3A_174) : (vector<16xi1>, vector<16xi32>) -> (vector<16xi1>, vector<16xi32>) {
              %reduce_or3A = arith.constant 1.000000e+00 : f32
              %reduce_or3A_207 = arith.constant 0.000000e+00 : f32
              %reduce_or3A_208 = vector.broadcast %reduce_or3A : f32 to vector<16xf32>
              %reduce_or3A_209 = vector.broadcast %reduce_or3A_207 : f32 to vector<16xf32>
              %reduce_or3A_210 = arith.select %while3A_205, %reduce_or3A_208, %reduce_or3A_209 : vector<16xi1>, vector<16xf32>
              %reduce_or3A_211 = arith.constant true
              %reduce_or3A_212 = vector.broadcast %reduce_or3A_211 : i1 to vector<16xi1>
              %reduce_or3A_213 = tpu.scan <max>, %reduce_or3A_210 masked %reduce_or3A_212 : vector<16xf32>, vector<16xi1> -> vector<16xf32>
              %reduce_or3A_214 = vector.extract %reduce_or3A_213[15] : f32 from vector<16xf32>
              %reduce_or3A_215 = arith.constant 0.000000e+00 : f32
              %reduce_or3A_216 = arith.cmpf ogt, %reduce_or3A_214, %reduce_or3A_215 : f32
              scf.condition(%reduce_or3A_216) %while3A_205, %while3A_206 : vector<16xi1>, vector<16xi32>
            } do {
            ^bb0(%while3A_205: vector<16xi1>, %while3A_206: vector<16xi32>):
              %gather3A = tpu.vector_load_idx %arg18[%get3A_121] : memref<10240xi32, #tpu.memory_space<vmem>>[vector<16xi32>], vector<16xi32>,
              %bitcast3A = vector.bitcast %gather3A : vector<16xi32> to vector<32xbf16>
              %bitcast3A_207 = vector.bitcast %while3A_206 : vector<16xi32> to vector<32xbf16>
              %max3A = arith.maximumf %bitcast3A, %bitcast3A_207 : vector<32xbf16>
              %bitcast3A_208 = vector.bitcast %max3A : vector<32xbf16> to vector<16xi32>
              tpu.vector_store_idx %arg18[%get3A_121], %bitcast3A_208 masked %while3A_205 : memref<10240xi32, #tpu.memory_space<vmem>>[vector<16xi32>], vector<16xi32>, vector<16xi1>
              %gather3A_209 = tpu.vector_load_idx %arg18[%get3A_121] : memref<10240xi32, #tpu.memory_space<vmem>>[vector<16xi32>], vector<16xi32>,
              %ne3A = arith.cmpi ne, %gather3A_209, %bitcast3A_208 : vector<16xi32>
              %and3A = arith.andi %while3A_205, %ne3A : vector<16xi1>
              scf.yield %and3A, %bitcast3A_208 : vector<16xi1>, vector<16xi32>
            }
            %mul3A_178 = arith.constant 16 : i32
            %mul3A_179 = arith.muli %add3A_117, %mul3A_178 : i32
            %get3A_180 = arith.constant 5 : i32
            %get3A_181 = arith.index_cast %get3A_180 : i32 to index
            %get3A_182 = arith.index_cast %mul3A_179 : i32 to index
            %get3A_183 = tpu.vector_load %arg8[%get3A_181, %get3A_182] {strides = array<i32>} : memref<8x640xi32, #tpu.memory_space<vmem>>, vector<16xi32>,
            %broadcast_in_dim3A_184 = arith.constant true
            %broadcast_in_dim3A_185 = vector.broadcast %broadcast_in_dim3A_184 : i1 to vector<16xi1>
            %while3A_186:2 = scf.while (%while3A_205 = %broadcast_in_dim3A_185, %while3A_206 = %get3A_183) : (vector<16xi1>, vector<16xi32>) -> (vector<16xi1>, vector<16xi32>) {
              %reduce_or3A = arith.constant 1.000000e+00 : f32
              %reduce_or3A_207 = arith.constant 0.000000e+00 : f32
              %reduce_or3A_208 = vector.broadcast %reduce_or3A : f32 to vector<16xf32>
              %reduce_or3A_209 = vector.broadcast %reduce_or3A_207 : f32 to vector<16xf32>
              %reduce_or3A_210 = arith.select %while3A_205, %reduce_or3A_208, %reduce_or3A_209 : vector<16xi1>, vector<16xf32>
              %reduce_or3A_211 = arith.constant true
              %reduce_or3A_212 = vector.broadcast %reduce_or3A_211 : i1 to vector<16xi1>
              %reduce_or3A_213 = tpu.scan <max>, %reduce_or3A_210 masked %reduce_or3A_212 : vector<16xf32>, vector<16xi1> -> vector<16xf32>
              %reduce_or3A_214 = vector.extract %reduce_or3A_213[15] : f32 from vector<16xf32>
              %reduce_or3A_215 = arith.constant 0.000000e+00 : f32
              %reduce_or3A_216 = arith.cmpf ogt, %reduce_or3A_214, %reduce_or3A_215 : f32
              scf.condition(%reduce_or3A_216) %while3A_205, %while3A_206 : vector<16xi1>, vector<16xi32>
            } do {
            ^bb0(%while3A_205: vector<16xi1>, %while3A_206: vector<16xi32>):
              %gather3A = tpu.vector_load_idx %arg19[%get3A_121] : memref<10240xi32, #tpu.memory_space<vmem>>[vector<16xi32>], vector<16xi32>,
              %bitcast3A = vector.bitcast %gather3A : vector<16xi32> to vector<32xbf16>
              %bitcast3A_207 = vector.bitcast %while3A_206 : vector<16xi32> to vector<32xbf16>
              %max3A = arith.maximumf %bitcast3A, %bitcast3A_207 : vector<32xbf16>
              %bitcast3A_208 = vector.bitcast %max3A : vector<32xbf16> to vector<16xi32>
              tpu.vector_store_idx %arg19[%get3A_121], %bitcast3A_208 masked %while3A_205 : memref<10240xi32, #tpu.memory_space<vmem>>[vector<16xi32>], vector<16xi32>, vector<16xi1>
              %gather3A_209 = tpu.vector_load_idx %arg19[%get3A_121] : memref<10240xi32, #tpu.memory_space<vmem>>[vector<16xi32>], vector<16xi32>,
              %ne3A = arith.cmpi ne, %gather3A_209, %bitcast3A_208 : vector<16xi32>
              %and3A = arith.andi %while3A_205, %ne3A : vector<16xi1>
              scf.yield %and3A, %bitcast3A_208 : vector<16xi1>, vector<16xi32>
            }
            %mul3A_187 = arith.constant 16 : i32
            %mul3A_188 = arith.muli %add3A_117, %mul3A_187 : i32
            %get3A_189 = arith.constant 6 : i32
            %get3A_190 = arith.index_cast %get3A_189 : i32 to index
            %get3A_191 = arith.index_cast %mul3A_188 : i32 to index
            %get3A_192 = tpu.vector_load %arg8[%get3A_190, %get3A_191] {strides = array<i32>} : memref<8x640xi32, #tpu.memory_space<vmem>>, vector<16xi32>,
            %broadcast_in_dim3A_193 = arith.constant true
            %broadcast_in_dim3A_194 = vector.broadcast %broadcast_in_dim3A_193 : i1 to vector<16xi1>
            %while3A_195:2 = scf.while (%while3A_205 = %broadcast_in_dim3A_194, %while3A_206 = %get3A_192) : (vector<16xi1>, vector<16xi32>) -> (vector<16xi1>, vector<16xi32>) {
              %reduce_or3A = arith.constant 1.000000e+00 : f32
              %reduce_or3A_207 = arith.constant 0.000000e+00 : f32
              %reduce_or3A_208 = vector.broadcast %reduce_or3A : f32 to vector<16xf32>
              %reduce_or3A_209 = vector.broadcast %reduce_or3A_207 : f32 to vector<16xf32>
              %reduce_or3A_210 = arith.select %while3A_205, %reduce_or3A_208, %reduce_or3A_209 : vector<16xi1>, vector<16xf32>
              %reduce_or3A_211 = arith.constant true
              %reduce_or3A_212 = vector.broadcast %reduce_or3A_211 : i1 to vector<16xi1>
              %reduce_or3A_213 = tpu.scan <max>, %reduce_or3A_210 masked %reduce_or3A_212 : vector<16xf32>, vector<16xi1> -> vector<16xf32>
              %reduce_or3A_214 = vector.extract %reduce_or3A_213[15] : f32 from vector<16xf32>
              %reduce_or3A_215 = arith.constant 0.000000e+00 : f32
              %reduce_or3A_216 = arith.cmpf ogt, %reduce_or3A_214, %reduce_or3A_215 : f32
              scf.condition(%reduce_or3A_216) %while3A_205, %while3A_206 : vector<16xi1>, vector<16xi32>
            } do {
            ^bb0(%while3A_205: vector<16xi1>, %while3A_206: vector<16xi32>):
              %gather3A = tpu.vector_load_idx %arg20[%get3A_121] : memref<10240xi32, #tpu.memory_space<vmem>>[vector<16xi32>], vector<16xi32>,
              %bitcast3A = vector.bitcast %gather3A : vector<16xi32> to vector<32xbf16>
              %bitcast3A_207 = vector.bitcast %while3A_206 : vector<16xi32> to vector<32xbf16>
              %max3A = arith.maximumf %bitcast3A, %bitcast3A_207 : vector<32xbf16>
              %bitcast3A_208 = vector.bitcast %max3A : vector<32xbf16> to vector<16xi32>
              tpu.vector_store_idx %arg20[%get3A_121], %bitcast3A_208 masked %while3A_205 : memref<10240xi32, #tpu.memory_space<vmem>>[vector<16xi32>], vector<16xi32>, vector<16xi1>
              %gather3A_209 = tpu.vector_load_idx %arg20[%get3A_121] : memref<10240xi32, #tpu.memory_space<vmem>>[vector<16xi32>], vector<16xi32>,
              %ne3A = arith.cmpi ne, %gather3A_209, %bitcast3A_208 : vector<16xi32>
              %and3A = arith.andi %while3A_205, %ne3A : vector<16xi1>
              scf.yield %and3A, %bitcast3A_208 : vector<16xi1>, vector<16xi32>
            }
            %mul3A_196 = arith.constant 16 : i32
            %mul3A_197 = arith.muli %add3A_117, %mul3A_196 : i32
            %get3A_198 = arith.constant 7 : i32
            %get3A_199 = arith.index_cast %get3A_198 : i32 to index
            %get3A_200 = arith.index_cast %mul3A_197 : i32 to index
            %get3A_201 = tpu.vector_load %arg8[%get3A_199, %get3A_200] {strides = array<i32>} : memref<8x640xi32, #tpu.memory_space<vmem>>, vector<16xi32>,
            %broadcast_in_dim3A_202 = arith.constant true
            %broadcast_in_dim3A_203 = vector.broadcast %broadcast_in_dim3A_202 : i1 to vector<16xi1>
            %while3A_204:2 = scf.while (%while3A_205 = %broadcast_in_dim3A_203, %while3A_206 = %get3A_201) : (vector<16xi1>, vector<16xi32>) -> (vector<16xi1>, vector<16xi32>) {
              %reduce_or3A = arith.constant 1.000000e+00 : f32
              %reduce_or3A_207 = arith.constant 0.000000e+00 : f32
              %reduce_or3A_208 = vector.broadcast %reduce_or3A : f32 to vector<16xf32>
              %reduce_or3A_209 = vector.broadcast %reduce_or3A_207 : f32 to vector<16xf32>
              %reduce_or3A_210 = arith.select %while3A_205, %reduce_or3A_208, %reduce_or3A_209 : vector<16xi1>, vector<16xf32>
              %reduce_or3A_211 = arith.constant true
              %reduce_or3A_212 = vector.broadcast %reduce_or3A_211 : i1 to vector<16xi1>
              %reduce_or3A_213 = tpu.scan <max>, %reduce_or3A_210 masked %reduce_or3A_212 : vector<16xf32>, vector<16xi1> -> vector<16xf32>
              %reduce_or3A_214 = vector.extract %reduce_or3A_213[15] : f32 from vector<16xf32>
              %reduce_or3A_215 = arith.constant 0.000000e+00 : f32
              %reduce_or3A_216 = arith.cmpf ogt, %reduce_or3A_214, %reduce_or3A_215 : f32
              scf.condition(%reduce_or3A_216) %while3A_205, %while3A_206 : vector<16xi1>, vector<16xi32>
            } do {
            ^bb0(%while3A_205: vector<16xi1>, %while3A_206: vector<16xi32>):
              %gather3A = tpu.vector_load_idx %arg21[%get3A_121] : memref<10240xi32, #tpu.memory_space<vmem>>[vector<16xi32>], vector<16xi32>,
              %bitcast3A = vector.bitcast %gather3A : vector<16xi32> to vector<32xbf16>
              %bitcast3A_207 = vector.bitcast %while3A_206 : vector<16xi32> to vector<32xbf16>
              %max3A = arith.maximumf %bitcast3A, %bitcast3A_207 : vector<32xbf16>
              %bitcast3A_208 = vector.bitcast %max3A : vector<32xbf16> to vector<16xi32>
              tpu.vector_store_idx %arg21[%get3A_121], %bitcast3A_208 masked %while3A_205 : memref<10240xi32, #tpu.memory_space<vmem>>[vector<16xi32>], vector<16xi32>, vector<16xi1>
              %gather3A_209 = tpu.vector_load_idx %arg21[%get3A_121] : memref<10240xi32, #tpu.memory_space<vmem>>[vector<16xi32>], vector<16xi32>,
              %ne3A = arith.cmpi ne, %gather3A_209, %bitcast3A_208 : vector<16xi32>
              %and3A = arith.andi %while3A_205, %ne3A : vector<16xi1>
              scf.yield %and3A, %bitcast3A_208 : vector<16xi1>, vector<16xi32>
            }
          }
          %scan3A_133 = arith.constant 0 : i32
          scf.yield %scan3A_133 : i32
        }
        %scan3A_98 = arith.constant 20 : i32
      } else {
      }
      %scan3A_71 = arith.constant 0 : i32
      scf.yield %scan3A_71 : i32
    }
    %scan3A_22 = arith.constant 32 : i32
    %add3A_23 = arith.constant 0 : i32
    %add3A_24 = arith.addi %mul3A_0, %add3A_23 : i32
    "tpu.region"() ({
      %run_scoped3A = tpu.sem_alloc : memref<!tpu.dma_semaphore, #tpu.memory_space<semaphore_mem>>
      %dma_start3A_39 = arith.constant 0 : i32
      %dma_start3A_40 = tpu.memref_slice %arg4[%arg0, %add3A_24, %dma_start3A_39] : memref<2x128x10240xi32, #tpu.memory_space<hbm>> -> memref<1x1x10240xi32, #tpu.memory_space<hbm>>
      %dma_start3A_41 = tpu.memref_squeeze %dma_start3A_40 : memref<1x1x10240xi32, #tpu.memory_space<hbm>> -> memref<10240xi32, #tpu.memory_space<hbm>>
      %dma_start3A_42 = arith.constant 0 : i32
      %dma_start3A_43 = tpu.memref_slice %arg4[%arg0, %add3A_24, %dma_start3A_42] : memref<2x128x10240xi32, #tpu.memory_space<hbm>> -> memref<1x1x10240xi32, #tpu.memory_space<hbm>>
      %dma_start3A_44 = tpu.memref_squeeze %dma_start3A_43 : memref<1x1x10240xi32, #tpu.memory_space<hbm>> -> memref<10240xi32, #tpu.memory_space<hbm>>
      tpu.enqueue_dma source(%arg14 : memref<10240xi32, #tpu.memory_space<vmem>>) target(%dma_start3A_44 : memref<10240xi32, #tpu.memory_space<hbm>>) target_semaphore(%run_scoped3A : memref<!tpu.dma_semaphore, #tpu.memory_space<semaphore_mem>>)
      %dma_wait3A = arith.constant 0 : i32
      %dma_wait3A_45 = tpu.memref_slice %arg4[%arg0, %add3A_24, %dma_wait3A] : memref<2x128x10240xi32, #tpu.memory_space<hbm>> -> memref<1x1x10240xi32, #tpu.memory_space<hbm>>
      %dma_wait3A_46 = tpu.memref_squeeze %dma_wait3A_45 : memref<1x1x10240xi32, #tpu.memory_space<hbm>> -> memref<10240xi32, #tpu.memory_space<hbm>>
      %dma_wait3A_47 = arith.constant 0 : i32
      %dma_wait3A_48 = tpu.memref_slice %arg4[%arg0, %add3A_24, %dma_wait3A_47] : memref<2x128x10240xi32, #tpu.memory_space<hbm>> -> memref<1x1x10240xi32, #tpu.memory_space<hbm>>
      %dma_wait3A_49 = tpu.memref_squeeze %dma_wait3A_48 : memref<1x1x10240xi32, #tpu.memory_space<hbm>> -> memref<10240xi32, #tpu.memory_space<hbm>>
      tpu.wait_dma2 semaphore(%run_scoped3A : memref<!tpu.dma_semaphore, #tpu.memory_space<semaphore_mem>>) src(%arg14 : memref<10240xi32, #tpu.memory_space<vmem>>) dst(%dma_wait3A_49 : memref<10240xi32, #tpu.memory_space<hbm>>)
      tpu.yield
    }) : () -> ()
    %add3A_25 = arith.constant 1 : i32
    %add3A_26 = arith.addi %mul3A_0, %add3A_25 : i32
    "tpu.region"() ({
      %run_scoped3A = tpu.sem_alloc : memref<!tpu.dma_semaphore, #tpu.memory_space<semaphore_mem>>
      %dma_start3A_39 = arith.constant 0 : i32
      %dma_start3A_40 = tpu.memref_slice %arg4[%arg0, %add3A_26, %dma_start3A_39] : memref<2x128x10240xi32, #tpu.memory_space<hbm>> -> memref<1x1x10240xi32, #tpu.memory_space<hbm>>
      %dma_start3A_41 = tpu.memref_squeeze %dma_start3A_40 : memref<1x1x10240xi32, #tpu.memory_space<hbm>> -> memref<10240xi32, #tpu.memory_space<hbm>>
      %dma_start3A_42 = arith.constant 0 : i32
      %dma_start3A_43 = tpu.memref_slice %arg4[%arg0, %add3A_26, %dma_start3A_42] : memref<2x128x10240xi32, #tpu.memory_space<hbm>> -> memref<1x1x10240xi32, #tpu.memory_space<hbm>>
      %dma_start3A_44 = tpu.memref_squeeze %dma_start3A_43 : memref<1x1x10240xi32, #tpu.memory_space<hbm>> -> memref<10240xi32, #tpu.memory_space<hbm>>
      tpu.enqueue_dma source(%arg15 : memref<10240xi32, #tpu.memory_space<vmem>>) target(%dma_start3A_44 : memref<10240xi32, #tpu.memory_space<hbm>>) target_semaphore(%run_scoped3A : memref<!tpu.dma_semaphore, #tpu.memory_space<semaphore_mem>>)
      %dma_wait3A = arith.constant 0 : i32
      %dma_wait3A_45 = tpu.memref_slice %arg4[%arg0, %add3A_26, %dma_wait3A] : memref<2x128x10240xi32, #tpu.memory_space<hbm>> -> memref<1x1x10240xi32, #tpu.memory_space<hbm>>
      %dma_wait3A_46 = tpu.memref_squeeze %dma_wait3A_45 : memref<1x1x10240xi32, #tpu.memory_space<hbm>> -> memref<10240xi32, #tpu.memory_space<hbm>>
      %dma_wait3A_47 = arith.constant 0 : i32
      %dma_wait3A_48 = tpu.memref_slice %arg4[%arg0, %add3A_26, %dma_wait3A_47] : memref<2x128x10240xi32, #tpu.memory_space<hbm>> -> memref<1x1x10240xi32, #tpu.memory_space<hbm>>
      %dma_wait3A_49 = tpu.memref_squeeze %dma_wait3A_48 : memref<1x1x10240xi32, #tpu.memory_space<hbm>> -> memref<10240xi32, #tpu.memory_space<hbm>>
      tpu.wait_dma2 semaphore(%run_scoped3A : memref<!tpu.dma_semaphore, #tpu.memory_space<semaphore_mem>>) src(%arg15 : memref<10240xi32, #tpu.memory_space<vmem>>) dst(%dma_wait3A_49 : memref<10240xi32, #tpu.memory_space<hbm>>)
      tpu.yield
    }) : () -> ()
    %add3A_27 = arith.constant 2 : i32
    %add3A_28 = arith.addi %mul3A_0, %add3A_27 : i32
    "tpu.region"() ({
      %run_scoped3A = tpu.sem_alloc : memref<!tpu.dma_semaphore, #tpu.memory_space<semaphore_mem>>
      %dma_start3A_39 = arith.constant 0 : i32
      %dma_start3A_40 = tpu.memref_slice %arg4[%arg0, %add3A_28, %dma_start3A_39] : memref<2x128x10240xi32, #tpu.memory_space<hbm>> -> memref<1x1x10240xi32, #tpu.memory_space<hbm>>
      %dma_start3A_41 = tpu.memref_squeeze %dma_start3A_40 : memref<1x1x10240xi32, #tpu.memory_space<hbm>> -> memref<10240xi32, #tpu.memory_space<hbm>>
      %dma_start3A_42 = arith.constant 0 : i32
      %dma_start3A_43 = tpu.memref_slice %arg4[%arg0, %add3A_28, %dma_start3A_42] : memref<2x128x10240xi32, #tpu.memory_space<hbm>> -> memref<1x1x10240xi32, #tpu.memory_space<hbm>>
      %dma_start3A_44 = tpu.memref_squeeze %dma_start3A_43 : memref<1x1x10240xi32, #tpu.memory_space<hbm>> -> memref<10240xi32, #tpu.memory_space<hbm>>
      tpu.enqueue_dma source(%arg16 : memref<10240xi32, #tpu.memory_space<vmem>>) target(%dma_start3A_44 : memref<10240xi32, #tpu.memory_space<hbm>>) target_semaphore(%run_scoped3A : memref<!tpu.dma_semaphore, #tpu.memory_space<semaphore_mem>>)
      %dma_wait3A = arith.constant 0 : i32
      %dma_wait3A_45 = tpu.memref_slice %arg4[%arg0, %add3A_28, %dma_wait3A] : memref<2x128x10240xi32, #tpu.memory_space<hbm>> -> memref<1x1x10240xi32, #tpu.memory_space<hbm>>
      %dma_wait3A_46 = tpu.memref_squeeze %dma_wait3A_45 : memref<1x1x10240xi32, #tpu.memory_space<hbm>> -> memref<10240xi32, #tpu.memory_space<hbm>>
      %dma_wait3A_47 = arith.constant 0 : i32
      %dma_wait3A_48 = tpu.memref_slice %arg4[%arg0, %add3A_28, %dma_wait3A_47] : memref<2x128x10240xi32, #tpu.memory_space<hbm>> -> memref<1x1x10240xi32, #tpu.memory_space<hbm>>
      %dma_wait3A_49 = tpu.memref_squeeze %dma_wait3A_48 : memref<1x1x10240xi32, #tpu.memory_space<hbm>> -> memref<10240xi32, #tpu.memory_space<hbm>>
      tpu.wait_dma2 semaphore(%run_scoped3A : memref<!tpu.dma_semaphore, #tpu.memory_space<semaphore_mem>>) src(%arg16 : memref<10240xi32, #tpu.memory_space<vmem>>) dst(%dma_wait3A_49 : memref<10240xi32, #tpu.memory_space<hbm>>)
      tpu.yield
    }) : () -> ()
    %add3A_29 = arith.constant 3 : i32
    %add3A_30 = arith.addi %mul3A_0, %add3A_29 : i32
    "tpu.region"() ({
      %run_scoped3A = tpu.sem_alloc : memref<!tpu.dma_semaphore, #tpu.memory_space<semaphore_mem>>
      %dma_start3A_39 = arith.constant 0 : i32
      %dma_start3A_40 = tpu.memref_slice %arg4[%arg0, %add3A_30, %dma_start3A_39] : memref<2x128x10240xi32, #tpu.memory_space<hbm>> -> memref<1x1x10240xi32, #tpu.memory_space<hbm>>
      %dma_start3A_41 = tpu.memref_squeeze %dma_start3A_40 : memref<1x1x10240xi32, #tpu.memory_space<hbm>> -> memref<10240xi32, #tpu.memory_space<hbm>>
      %dma_start3A_42 = arith.constant 0 : i32
      %dma_start3A_43 = tpu.memref_slice %arg4[%arg0, %add3A_30, %dma_start3A_42] : memref<2x128x10240xi32, #tpu.memory_space<hbm>> -> memref<1x1x10240xi32, #tpu.memory_space<hbm>>
      %dma_start3A_44 = tpu.memref_squeeze %dma_start3A_43 : memref<1x1x10240xi32, #tpu.memory_space<hbm>> -> memref<10240xi32, #tpu.memory_space<hbm>>
      tpu.enqueue_dma source(%arg17 : memref<10240xi32, #tpu.memory_space<vmem>>) target(%dma_start3A_44 : memref<10240xi32, #tpu.memory_space<hbm>>) target_semaphore(%run_scoped3A : memref<!tpu.dma_semaphore, #tpu.memory_space<semaphore_mem>>)
      %dma_wait3A = arith.constant 0 : i32
      %dma_wait3A_45 = tpu.memref_slice %arg4[%arg0, %add3A_30, %dma_wait3A] : memref<2x128x10240xi32, #tpu.memory_space<hbm>> -> memref<1x1x10240xi32, #tpu.memory_space<hbm>>
      %dma_wait3A_46 = tpu.memref_squeeze %dma_wait3A_45 : memref<1x1x10240xi32, #tpu.memory_space<hbm>> -> memref<10240xi32, #tpu.memory_space<hbm>>
      %dma_wait3A_47 = arith.constant 0 : i32
      %dma_wait3A_48 = tpu.memref_slice %arg4[%arg0, %add3A_30, %dma_wait3A_47] : memref<2x128x10240xi32, #tpu.memory_space<hbm>> -> memref<1x1x10240xi32, #tpu.memory_space<hbm>>
      %dma_wait3A_49 = tpu.memref_squeeze %dma_wait3A_48 : memref<1x1x10240xi32, #tpu.memory_space<hbm>> -> memref<10240xi32, #tpu.memory_space<hbm>>
      tpu.wait_dma2 semaphore(%run_scoped3A : memref<!tpu.dma_semaphore, #tpu.memory_space<semaphore_mem>>) src(%arg17 : memref<10240xi32, #tpu.memory_space<vmem>>) dst(%dma_wait3A_49 : memref<10240xi32, #tpu.memory_space<hbm>>)
      tpu.yield
    }) : () -> ()
    %add3A_31 = arith.constant 4 : i32
    %add3A_32 = arith.addi %mul3A_0, %add3A_31 : i32
    "tpu.region"() ({
      %run_scoped3A = tpu.sem_alloc : memref<!tpu.dma_semaphore, #tpu.memory_space<semaphore_mem>>
      %dma_start3A_39 = arith.constant 0 : i32
      %dma_start3A_40 = tpu.memref_slice %arg4[%arg0, %add3A_32, %dma_start3A_39] : memref<2x128x10240xi32, #tpu.memory_space<hbm>> -> memref<1x1x10240xi32, #tpu.memory_space<hbm>>
      %dma_start3A_41 = tpu.memref_squeeze %dma_start3A_40 : memref<1x1x10240xi32, #tpu.memory_space<hbm>> -> memref<10240xi32, #tpu.memory_space<hbm>>
      %dma_start3A_42 = arith.constant 0 : i32
      %dma_start3A_43 = tpu.memref_slice %arg4[%arg0, %add3A_32, %dma_start3A_42] : memref<2x128x10240xi32, #tpu.memory_space<hbm>> -> memref<1x1x10240xi32, #tpu.memory_space<hbm>>
      %dma_start3A_44 = tpu.memref_squeeze %dma_start3A_43 : memref<1x1x10240xi32, #tpu.memory_space<hbm>> -> memref<10240xi32, #tpu.memory_space<hbm>>
      tpu.enqueue_dma source(%arg18 : memref<10240xi32, #tpu.memory_space<vmem>>) target(%dma_start3A_44 : memref<10240xi32, #tpu.memory_space<hbm>>) target_semaphore(%run_scoped3A : memref<!tpu.dma_semaphore, #tpu.memory_space<semaphore_mem>>)
      %dma_wait3A = arith.constant 0 : i32
      %dma_wait3A_45 = tpu.memref_slice %arg4[%arg0, %add3A_32, %dma_wait3A] : memref<2x128x10240xi32, #tpu.memory_space<hbm>> -> memref<1x1x10240xi32, #tpu.memory_space<hbm>>
      %dma_wait3A_46 = tpu.memref_squeeze %dma_wait3A_45 : memref<1x1x10240xi32, #tpu.memory_space<hbm>> -> memref<10240xi32, #tpu.memory_space<hbm>>
      %dma_wait3A_47 = arith.constant 0 : i32
      %dma_wait3A_48 = tpu.memref_slice %arg4[%arg0, %add3A_32, %dma_wait3A_47] : memref<2x128x10240xi32, #tpu.memory_space<hbm>> -> memref<1x1x10240xi32, #tpu.memory_space<hbm>>
      %dma_wait3A_49 = tpu.memref_squeeze %dma_wait3A_48 : memref<1x1x10240xi32, #tpu.memory_space<hbm>> -> memref<10240xi32, #tpu.memory_space<hbm>>
      tpu.wait_dma2 semaphore(%run_scoped3A : memref<!tpu.dma_semaphore, #tpu.memory_space<semaphore_mem>>) src(%arg18 : memref<10240xi32, #tpu.memory_space<vmem>>) dst(%dma_wait3A_49 : memref<10240xi32, #tpu.memory_space<hbm>>)
      tpu.yield
    }) : () -> ()
    %add3A_33 = arith.constant 5 : i32
    %add3A_34 = arith.addi %mul3A_0, %add3A_33 : i32
    "tpu.region"() ({
      %run_scoped3A = tpu.sem_alloc : memref<!tpu.dma_semaphore, #tpu.memory_space<semaphore_mem>>
      %dma_start3A_39 = arith.constant 0 : i32
      %dma_start3A_40 = tpu.memref_slice %arg4[%arg0, %add3A_34, %dma_start3A_39] : memref<2x128x10240xi32, #tpu.memory_space<hbm>> -> memref<1x1x10240xi32, #tpu.memory_space<hbm>>
      %dma_start3A_41 = tpu.memref_squeeze %dma_start3A_40 : memref<1x1x10240xi32, #tpu.memory_space<hbm>> -> memref<10240xi32, #tpu.memory_space<hbm>>
      %dma_start3A_42 = arith.constant 0 : i32
      %dma_start3A_43 = tpu.memref_slice %arg4[%arg0, %add3A_34, %dma_start3A_42] : memref<2x128x10240xi32, #tpu.memory_space<hbm>> -> memref<1x1x10240xi32, #tpu.memory_space<hbm>>
      %dma_start3A_44 = tpu.memref_squeeze %dma_start3A_43 : memref<1x1x10240xi32, #tpu.memory_space<hbm>> -> memref<10240xi32, #tpu.memory_space<hbm>>
      tpu.enqueue_dma source(%arg19 : memref<10240xi32, #tpu.memory_space<vmem>>) target(%dma_start3A_44 : memref<10240xi32, #tpu.memory_space<hbm>>) target_semaphore(%run_scoped3A : memref<!tpu.dma_semaphore, #tpu.memory_space<semaphore_mem>>)
      %dma_wait3A = arith.constant 0 : i32
      %dma_wait3A_45 = tpu.memref_slice %arg4[%arg0, %add3A_34, %dma_wait3A] : memref<2x128x10240xi32, #tpu.memory_space<hbm>> -> memref<1x1x10240xi32, #tpu.memory_space<hbm>>
      %dma_wait3A_46 = tpu.memref_squeeze %dma_wait3A_45 : memref<1x1x10240xi32, #tpu.memory_space<hbm>> -> memref<10240xi32, #tpu.memory_space<hbm>>
      %dma_wait3A_47 = arith.constant 0 : i32
      %dma_wait3A_48 = tpu.memref_slice %arg4[%arg0, %add3A_34, %dma_wait3A_47] : memref<2x128x10240xi32, #tpu.memory_space<hbm>> -> memref<1x1x10240xi32, #tpu.memory_space<hbm>>
      %dma_wait3A_49 = tpu.memref_squeeze %dma_wait3A_48 : memref<1x1x10240xi32, #tpu.memory_space<hbm>> -> memref<10240xi32, #tpu.memory_space<hbm>>
      tpu.wait_dma2 semaphore(%run_scoped3A : memref<!tpu.dma_semaphore, #tpu.memory_space<semaphore_mem>>) src(%arg19 : memref<10240xi32, #tpu.memory_space<vmem>>) dst(%dma_wait3A_49 : memref<10240xi32, #tpu.memory_space<hbm>>)
      tpu.yield
    }) : () -> ()
    %add3A_35 = arith.constant 6 : i32
    %add3A_36 = arith.addi %mul3A_0, %add3A_35 : i32
    "tpu.region"() ({
      %run_scoped3A = tpu.sem_alloc : memref<!tpu.dma_semaphore, #tpu.memory_space<semaphore_mem>>
      %dma_start3A_39 = arith.constant 0 : i32
      %dma_start3A_40 = tpu.memref_slice %arg4[%arg0, %add3A_36, %dma_start3A_39] : memref<2x128x10240xi32, #tpu.memory_space<hbm>> -> memref<1x1x10240xi32, #tpu.memory_space<hbm>>
      %dma_start3A_41 = tpu.memref_squeeze %dma_start3A_40 : memref<1x1x10240xi32, #tpu.memory_space<hbm>> -> memref<10240xi32, #tpu.memory_space<hbm>>
      %dma_start3A_42 = arith.constant 0 : i32
      %dma_start3A_43 = tpu.memref_slice %arg4[%arg0, %add3A_36, %dma_start3A_42] : memref<2x128x10240xi32, #tpu.memory_space<hbm>> -> memref<1x1x10240xi32, #tpu.memory_space<hbm>>
      %dma_start3A_44 = tpu.memref_squeeze %dma_start3A_43 : memref<1x1x10240xi32, #tpu.memory_space<hbm>> -> memref<10240xi32, #tpu.memory_space<hbm>>
      tpu.enqueue_dma source(%arg20 : memref<10240xi32, #tpu.memory_space<vmem>>) target(%dma_start3A_44 : memref<10240xi32, #tpu.memory_space<hbm>>) target_semaphore(%run_scoped3A : memref<!tpu.dma_semaphore, #tpu.memory_space<semaphore_mem>>)
      %dma_wait3A = arith.constant 0 : i32
      %dma_wait3A_45 = tpu.memref_slice %arg4[%arg0, %add3A_36, %dma_wait3A] : memref<2x128x10240xi32, #tpu.memory_space<hbm>> -> memref<1x1x10240xi32, #tpu.memory_space<hbm>>
      %dma_wait3A_46 = tpu.memref_squeeze %dma_wait3A_45 : memref<1x1x10240xi32, #tpu.memory_space<hbm>> -> memref<10240xi32, #tpu.memory_space<hbm>>
      %dma_wait3A_47 = arith.constant 0 : i32
      %dma_wait3A_48 = tpu.memref_slice %arg4[%arg0, %add3A_36, %dma_wait3A_47] : memref<2x128x10240xi32, #tpu.memory_space<hbm>> -> memref<1x1x10240xi32, #tpu.memory_space<hbm>>
      %dma_wait3A_49 = tpu.memref_squeeze %dma_wait3A_48 : memref<1x1x10240xi32, #tpu.memory_space<hbm>> -> memref<10240xi32, #tpu.memory_space<hbm>>
      tpu.wait_dma2 semaphore(%run_scoped3A : memref<!tpu.dma_semaphore, #tpu.memory_space<semaphore_mem>>) src(%arg20 : memref<10240xi32, #tpu.memory_space<vmem>>) dst(%dma_wait3A_49 : memref<10240xi32, #tpu.memory_space<hbm>>)
      tpu.yield
    }) : () -> ()
    %add3A_37 = arith.constant 7 : i32
    %add3A_38 = arith.addi %mul3A_0, %add3A_37 : i32
    "tpu.region"() ({
      %run_scoped3A = tpu.sem_alloc : memref<!tpu.dma_semaphore, #tpu.memory_space<semaphore_mem>>
      %dma_start3A_39 = arith.constant 0 : i32
      %dma_start3A_40 = tpu.memref_slice %arg4[%arg0, %add3A_38, %dma_start3A_39] : memref<2x128x10240xi32, #tpu.memory_space<hbm>> -> memref<1x1x10240xi32, #tpu.memory_space<hbm>>
      %dma_start3A_41 = tpu.memref_squeeze %dma_start3A_40 : memref<1x1x10240xi32, #tpu.memory_space<hbm>> -> memref<10240xi32, #tpu.memory_space<hbm>>
      %dma_start3A_42 = arith.constant 0 : i32
      %dma_start3A_43 = tpu.memref_slice %arg4[%arg0, %add3A_38, %dma_start3A_42] : memref<2x128x10240xi32, #tpu.memory_space<hbm>> -> memref<1x1x10240xi32, #tpu.memory_space<hbm>>
      %dma_start3A_44 = tpu.memref_squeeze %dma_start3A_43 : memref<1x1x10240xi32, #tpu.memory_space<hbm>> -> memref<10240xi32, #tpu.memory_space<hbm>>
      tpu.enqueue_dma source(%arg21 : memref<10240xi32, #tpu.memory_space<vmem>>) target(%dma_start3A_44 : memref<10240xi32, #tpu.memory_space<hbm>>) target_semaphore(%run_scoped3A : memref<!tpu.dma_semaphore, #tpu.memory_space<semaphore_mem>>)
      %dma_wait3A = arith.constant 0 : i32
      %dma_wait3A_45 = tpu.memref_slice %arg4[%arg0, %add3A_38, %dma_wait3A] : memref<2x128x10240xi32, #tpu.memory_space<hbm>> -> memref<1x1x10240xi32, #tpu.memory_space<hbm>>
      %dma_wait3A_46 = tpu.memref_squeeze %dma_wait3A_45 : memref<1x1x10240xi32, #tpu.memory_space<hbm>> -> memref<10240xi32, #tpu.memory_space<hbm>>
      %dma_wait3A_47 = arith.constant 0 : i32
      %dma_wait3A_48 = tpu.memref_slice %arg4[%arg0, %add3A_38, %dma_wait3A_47] : memref<2x128x10240xi32, #tpu.memory_space<hbm>> -> memref<1x1x10240xi32, #tpu.memory_space<hbm>>
      %dma_wait3A_49 = tpu.memref_squeeze %dma_wait3A_48 : memref<1x1x10240xi32, #tpu.memory_space<hbm>> -> memref<10240xi32, #tpu.memory_space<hbm>>
      tpu.wait_dma2 semaphore(%run_scoped3A : memref<!tpu.dma_semaphore, #tpu.memory_space<semaphore_mem>>) src(%arg21 : memref<10240xi32, #tpu.memory_space<vmem>>) dst(%dma_wait3A_49 : memref<10240xi32, #tpu.memory_space<hbm>>)
      tpu.yield
    }) : () -> ()
    return
  }
}

#map = affine_map<(d0, d1) -> (0)>
#map1 = affine_map<(d0, d1) -> (0, 0)>
#map2 = affine_map<(d0, d1) -> (0, 0, 0)>
module attributes {stable_mosaic.version = 14 : i64} {
  func.func @body(%arg0: i32, %arg1: i32, %arg2: memref<78080xi32, #tpu.memory_space<hbm>>, %arg3: memref<128x78080xi32, #tpu.memory_space<hbm>>, %arg4: memref<2x128x10240xi32, #tpu.memory_space<hbm>>, %arg5: memref<2x128x10240xi32, #tpu.memory_space<hbm>>, %arg6: memref<640xi32, #tpu.memory_space<vmem>>, %arg7: memref<640xi32, #tpu.memory_space<vmem>>, %arg8: memref<8x640xi32, #tpu.memory_space<vmem>>, %arg9: memref<8x640xi32, #tpu.memory_space<vmem>>, %arg10: memref<640xi32, #tpu.memory_space<vmem>>, %arg11: memref<!tpu.dma_semaphore, #tpu.memory_space<semaphore_mem>>, %arg12: memref<!tpu.dma_semaphore, #tpu.memory_space<semaphore_mem>>, %arg13: memref<!tpu.dma_semaphore, #tpu.memory_space<semaphore_mem>>, %arg14: memref<!tpu.dma_semaphore, #tpu.memory_space<semaphore_mem>>, %arg15: memref<10240xi32, #tpu.memory_space<vmem>>, %arg16: memref<10240xi32, #tpu.memory_space<vmem>>, %arg17: memref<10240xi32, #tpu.memory_space<vmem>>, %arg18: memref<10240xi32, #tpu.memory_space<vmem>>, %arg19: memref<10240xi32, #tpu.memory_space<vmem>>, %arg20: memref<10240xi32, #tpu.memory_space<vmem>>, %arg21: memref<10240xi32, #tpu.memory_space<vmem>>, %arg22: memref<10240xi32, #tpu.memory_space<vmem>>) attributes {dimension_semantics = [#tpu.dimension_semantics<core_parallel>, #tpu.dimension_semantics<subcore_parallel>], iteration_bounds = array<i64: 2, 16>, scalar_prefetch = 0 : i64, scratch_operands = 17 : i64, tpu.core_type = #tpu.core_type<sc_vector_subcore>, window_params = [{transform_indices = #map}, {transform_indices = #map1}, {transform_indices = #map2}, {transform_indices = #map2}]} {
    %mul3A = arith.constant 8 : i32
    %mul3A_0 = arith.muli %arg1, %mul3A : i32
    %mul3A_1 = arith.constant 39040 : i32
    %mul3A_2 = arith.muli %arg0, %mul3A_1 : i32
    %add3A = arith.constant 0 : i32
    %add3A_3 = arith.addi %mul3A_0, %add3A : i32
    "tpu.region"() ({
      %run_scoped3A = tpu.sem_alloc : memref<!tpu.dma_semaphore, #tpu.memory_space<semaphore_mem>>
      %dma_start3A_47 = arith.constant 0 : i32
      %dma_start3A_48 = tpu.memref_slice %arg4[%arg0, %add3A_3, %dma_start3A_47] : memref<2x128x10240xi32, #tpu.memory_space<hbm>> -> memref<1x1x10240xi32, #tpu.memory_space<hbm>>
      %dma_start3A_49 = tpu.memref_squeeze %dma_start3A_48 : memref<1x1x10240xi32, #tpu.memory_space<hbm>> -> memref<10240xi32, #tpu.memory_space<hbm>>
      %dma_start3A_50 = arith.constant 0 : i32
      %dma_start3A_51 = tpu.memref_slice %arg4[%arg0, %add3A_3, %dma_start3A_50] : memref<2x128x10240xi32, #tpu.memory_space<hbm>> -> memref<1x1x10240xi32, #tpu.memory_space<hbm>>
      %dma_start3A_52 = tpu.memref_squeeze %dma_start3A_51 : memref<1x1x10240xi32, #tpu.memory_space<hbm>> -> memref<10240xi32, #tpu.memory_space<hbm>>
      tpu.enqueue_dma source(%dma_start3A_52 : memref<10240xi32, #tpu.memory_space<hbm>>) target(%arg15 : memref<10240xi32, #tpu.memory_space<vmem>>) target_semaphore(%run_scoped3A : memref<!tpu.dma_semaphore, #tpu.memory_space<semaphore_mem>>)
      %dma_wait3A = arith.constant 0 : i32
      %dma_wait3A_53 = tpu.memref_slice %arg4[%arg0, %add3A_3, %dma_wait3A] : memref<2x128x10240xi32, #tpu.memory_space<hbm>> -> memref<1x1x10240xi32, #tpu.memory_space<hbm>>
      %dma_wait3A_54 = tpu.memref_squeeze %dma_wait3A_53 : memref<1x1x10240xi32, #tpu.memory_space<hbm>> -> memref<10240xi32, #tpu.memory_space<hbm>>
      %dma_wait3A_55 = arith.constant 0 : i32
      %dma_wait3A_56 = tpu.memref_slice %arg4[%arg0, %add3A_3, %dma_wait3A_55] : memref<2x128x10240xi32, #tpu.memory_space<hbm>> -> memref<1x1x10240xi32, #tpu.memory_space<hbm>>
      %dma_wait3A_57 = tpu.memref_squeeze %dma_wait3A_56 : memref<1x1x10240xi32, #tpu.memory_space<hbm>> -> memref<10240xi32, #tpu.memory_space<hbm>>
      tpu.wait_dma2 semaphore(%run_scoped3A : memref<!tpu.dma_semaphore, #tpu.memory_space<semaphore_mem>>) src(%dma_wait3A_57 : memref<10240xi32, #tpu.memory_space<hbm>>) dst(%arg15 : memref<10240xi32, #tpu.memory_space<vmem>>)
      tpu.yield
    }) : () -> ()
    %add3A_4 = arith.constant 1 : i32
    %add3A_5 = arith.addi %mul3A_0, %add3A_4 : i32
    "tpu.region"() ({
      %run_scoped3A = tpu.sem_alloc : memref<!tpu.dma_semaphore, #tpu.memory_space<semaphore_mem>>
      %dma_start3A_47 = arith.constant 0 : i32
      %dma_start3A_48 = tpu.memref_slice %arg4[%arg0, %add3A_5, %dma_start3A_47] : memref<2x128x10240xi32, #tpu.memory_space<hbm>> -> memref<1x1x10240xi32, #tpu.memory_space<hbm>>
      %dma_start3A_49 = tpu.memref_squeeze %dma_start3A_48 : memref<1x1x10240xi32, #tpu.memory_space<hbm>> -> memref<10240xi32, #tpu.memory_space<hbm>>
      %dma_start3A_50 = arith.constant 0 : i32
      %dma_start3A_51 = tpu.memref_slice %arg4[%arg0, %add3A_5, %dma_start3A_50] : memref<2x128x10240xi32, #tpu.memory_space<hbm>> -> memref<1x1x10240xi32, #tpu.memory_space<hbm>>
      %dma_start3A_52 = tpu.memref_squeeze %dma_start3A_51 : memref<1x1x10240xi32, #tpu.memory_space<hbm>> -> memref<10240xi32, #tpu.memory_space<hbm>>
      tpu.enqueue_dma source(%dma_start3A_52 : memref<10240xi32, #tpu.memory_space<hbm>>) target(%arg16 : memref<10240xi32, #tpu.memory_space<vmem>>) target_semaphore(%run_scoped3A : memref<!tpu.dma_semaphore, #tpu.memory_space<semaphore_mem>>)
      %dma_wait3A = arith.constant 0 : i32
      %dma_wait3A_53 = tpu.memref_slice %arg4[%arg0, %add3A_5, %dma_wait3A] : memref<2x128x10240xi32, #tpu.memory_space<hbm>> -> memref<1x1x10240xi32, #tpu.memory_space<hbm>>
      %dma_wait3A_54 = tpu.memref_squeeze %dma_wait3A_53 : memref<1x1x10240xi32, #tpu.memory_space<hbm>> -> memref<10240xi32, #tpu.memory_space<hbm>>
      %dma_wait3A_55 = arith.constant 0 : i32
      %dma_wait3A_56 = tpu.memref_slice %arg4[%arg0, %add3A_5, %dma_wait3A_55] : memref<2x128x10240xi32, #tpu.memory_space<hbm>> -> memref<1x1x10240xi32, #tpu.memory_space<hbm>>
      %dma_wait3A_57 = tpu.memref_squeeze %dma_wait3A_56 : memref<1x1x10240xi32, #tpu.memory_space<hbm>> -> memref<10240xi32, #tpu.memory_space<hbm>>
      tpu.wait_dma2 semaphore(%run_scoped3A : memref<!tpu.dma_semaphore, #tpu.memory_space<semaphore_mem>>) src(%dma_wait3A_57 : memref<10240xi32, #tpu.memory_space<hbm>>) dst(%arg16 : memref<10240xi32, #tpu.memory_space<vmem>>)
      tpu.yield
    }) : () -> ()
    %add3A_6 = arith.constant 2 : i32
    %add3A_7 = arith.addi %mul3A_0, %add3A_6 : i32
    "tpu.region"() ({
      %run_scoped3A = tpu.sem_alloc : memref<!tpu.dma_semaphore, #tpu.memory_space<semaphore_mem>>
      %dma_start3A_47 = arith.constant 0 : i32
      %dma_start3A_48 = tpu.memref_slice %arg4[%arg0, %add3A_7, %dma_start3A_47] : memref<2x128x10240xi32, #tpu.memory_space<hbm>> -> memref<1x1x10240xi32, #tpu.memory_space<hbm>>
      %dma_start3A_49 = tpu.memref_squeeze %dma_start3A_48 : memref<1x1x10240xi32, #tpu.memory_space<hbm>> -> memref<10240xi32, #tpu.memory_space<hbm>>
      %dma_start3A_50 = arith.constant 0 : i32
      %dma_start3A_51 = tpu.memref_slice %arg4[%arg0, %add3A_7, %dma_start3A_50] : memref<2x128x10240xi32, #tpu.memory_space<hbm>> -> memref<1x1x10240xi32, #tpu.memory_space<hbm>>
      %dma_start3A_52 = tpu.memref_squeeze %dma_start3A_51 : memref<1x1x10240xi32, #tpu.memory_space<hbm>> -> memref<10240xi32, #tpu.memory_space<hbm>>
      tpu.enqueue_dma source(%dma_start3A_52 : memref<10240xi32, #tpu.memory_space<hbm>>) target(%arg17 : memref<10240xi32, #tpu.memory_space<vmem>>) target_semaphore(%run_scoped3A : memref<!tpu.dma_semaphore, #tpu.memory_space<semaphore_mem>>)
      %dma_wait3A = arith.constant 0 : i32
      %dma_wait3A_53 = tpu.memref_slice %arg4[%arg0, %add3A_7, %dma_wait3A] : memref<2x128x10240xi32, #tpu.memory_space<hbm>> -> memref<1x1x10240xi32, #tpu.memory_space<hbm>>
      %dma_wait3A_54 = tpu.memref_squeeze %dma_wait3A_53 : memref<1x1x10240xi32, #tpu.memory_space<hbm>> -> memref<10240xi32, #tpu.memory_space<hbm>>
      %dma_wait3A_55 = arith.constant 0 : i32
      %dma_wait3A_56 = tpu.memref_slice %arg4[%arg0, %add3A_7, %dma_wait3A_55] : memref<2x128x10240xi32, #tpu.memory_space<hbm>> -> memref<1x1x10240xi32, #tpu.memory_space<hbm>>
      %dma_wait3A_57 = tpu.memref_squeeze %dma_wait3A_56 : memref<1x1x10240xi32, #tpu.memory_space<hbm>> -> memref<10240xi32, #tpu.memory_space<hbm>>
      tpu.wait_dma2 semaphore(%run_scoped3A : memref<!tpu.dma_semaphore, #tpu.memory_space<semaphore_mem>>) src(%dma_wait3A_57 : memref<10240xi32, #tpu.memory_space<hbm>>) dst(%arg17 : memref<10240xi32, #tpu.memory_space<vmem>>)
      tpu.yield
    }) : () -> ()
    %add3A_8 = arith.constant 3 : i32
    %add3A_9 = arith.addi %mul3A_0, %add3A_8 : i32
    "tpu.region"() ({
      %run_scoped3A = tpu.sem_alloc : memref<!tpu.dma_semaphore, #tpu.memory_space<semaphore_mem>>
      %dma_start3A_47 = arith.constant 0 : i32
      %dma_start3A_48 = tpu.memref_slice %arg4[%arg0, %add3A_9, %dma_start3A_47] : memref<2x128x10240xi32, #tpu.memory_space<hbm>> -> memref<1x1x10240xi32, #tpu.memory_space<hbm>>
      %dma_start3A_49 = tpu.memref_squeeze %dma_start3A_48 : memref<1x1x10240xi32, #tpu.memory_space<hbm>> -> memref<10240xi32, #tpu.memory_space<hbm>>
      %dma_start3A_50 = arith.constant 0 : i32
      %dma_start3A_51 = tpu.memref_slice %arg4[%arg0, %add3A_9, %dma_start3A_50] : memref<2x128x10240xi32, #tpu.memory_space<hbm>> -> memref<1x1x10240xi32, #tpu.memory_space<hbm>>
      %dma_start3A_52 = tpu.memref_squeeze %dma_start3A_51 : memref<1x1x10240xi32, #tpu.memory_space<hbm>> -> memref<10240xi32, #tpu.memory_space<hbm>>
      tpu.enqueue_dma source(%dma_start3A_52 : memref<10240xi32, #tpu.memory_space<hbm>>) target(%arg18 : memref<10240xi32, #tpu.memory_space<vmem>>) target_semaphore(%run_scoped3A : memref<!tpu.dma_semaphore, #tpu.memory_space<semaphore_mem>>)
      %dma_wait3A = arith.constant 0 : i32
      %dma_wait3A_53 = tpu.memref_slice %arg4[%arg0, %add3A_9, %dma_wait3A] : memref<2x128x10240xi32, #tpu.memory_space<hbm>> -> memref<1x1x10240xi32, #tpu.memory_space<hbm>>
      %dma_wait3A_54 = tpu.memref_squeeze %dma_wait3A_53 : memref<1x1x10240xi32, #tpu.memory_space<hbm>> -> memref<10240xi32, #tpu.memory_space<hbm>>
      %dma_wait3A_55 = arith.constant 0 : i32
      %dma_wait3A_56 = tpu.memref_slice %arg4[%arg0, %add3A_9, %dma_wait3A_55] : memref<2x128x10240xi32, #tpu.memory_space<hbm>> -> memref<1x1x10240xi32, #tpu.memory_space<hbm>>
      %dma_wait3A_57 = tpu.memref_squeeze %dma_wait3A_56 : memref<1x1x10240xi32, #tpu.memory_space<hbm>> -> memref<10240xi32, #tpu.memory_space<hbm>>
      tpu.wait_dma2 semaphore(%run_scoped3A : memref<!tpu.dma_semaphore, #tpu.memory_space<semaphore_mem>>) src(%dma_wait3A_57 : memref<10240xi32, #tpu.memory_space<hbm>>) dst(%arg18 : memref<10240xi32, #tpu.memory_space<vmem>>)
      tpu.yield
    }) : () -> ()
    %add3A_10 = arith.constant 4 : i32
    %add3A_11 = arith.addi %mul3A_0, %add3A_10 : i32
    "tpu.region"() ({
      %run_scoped3A = tpu.sem_alloc : memref<!tpu.dma_semaphore, #tpu.memory_space<semaphore_mem>>
      %dma_start3A_47 = arith.constant 0 : i32
      %dma_start3A_48 = tpu.memref_slice %arg4[%arg0, %add3A_11, %dma_start3A_47] : memref<2x128x10240xi32, #tpu.memory_space<hbm>> -> memref<1x1x10240xi32, #tpu.memory_space<hbm>>
      %dma_start3A_49 = tpu.memref_squeeze %dma_start3A_48 : memref<1x1x10240xi32, #tpu.memory_space<hbm>> -> memref<10240xi32, #tpu.memory_space<hbm>>
      %dma_start3A_50 = arith.constant 0 : i32
      %dma_start3A_51 = tpu.memref_slice %arg4[%arg0, %add3A_11, %dma_start3A_50] : memref<2x128x10240xi32, #tpu.memory_space<hbm>> -> memref<1x1x10240xi32, #tpu.memory_space<hbm>>
      %dma_start3A_52 = tpu.memref_squeeze %dma_start3A_51 : memref<1x1x10240xi32, #tpu.memory_space<hbm>> -> memref<10240xi32, #tpu.memory_space<hbm>>
      tpu.enqueue_dma source(%dma_start3A_52 : memref<10240xi32, #tpu.memory_space<hbm>>) target(%arg19 : memref<10240xi32, #tpu.memory_space<vmem>>) target_semaphore(%run_scoped3A : memref<!tpu.dma_semaphore, #tpu.memory_space<semaphore_mem>>)
      %dma_wait3A = arith.constant 0 : i32
      %dma_wait3A_53 = tpu.memref_slice %arg4[%arg0, %add3A_11, %dma_wait3A] : memref<2x128x10240xi32, #tpu.memory_space<hbm>> -> memref<1x1x10240xi32, #tpu.memory_space<hbm>>
      %dma_wait3A_54 = tpu.memref_squeeze %dma_wait3A_53 : memref<1x1x10240xi32, #tpu.memory_space<hbm>> -> memref<10240xi32, #tpu.memory_space<hbm>>
      %dma_wait3A_55 = arith.constant 0 : i32
      %dma_wait3A_56 = tpu.memref_slice %arg4[%arg0, %add3A_11, %dma_wait3A_55] : memref<2x128x10240xi32, #tpu.memory_space<hbm>> -> memref<1x1x10240xi32, #tpu.memory_space<hbm>>
      %dma_wait3A_57 = tpu.memref_squeeze %dma_wait3A_56 : memref<1x1x10240xi32, #tpu.memory_space<hbm>> -> memref<10240xi32, #tpu.memory_space<hbm>>
      tpu.wait_dma2 semaphore(%run_scoped3A : memref<!tpu.dma_semaphore, #tpu.memory_space<semaphore_mem>>) src(%dma_wait3A_57 : memref<10240xi32, #tpu.memory_space<hbm>>) dst(%arg19 : memref<10240xi32, #tpu.memory_space<vmem>>)
      tpu.yield
    }) : () -> ()
    %add3A_12 = arith.constant 5 : i32
    %add3A_13 = arith.addi %mul3A_0, %add3A_12 : i32
    "tpu.region"() ({
      %run_scoped3A = tpu.sem_alloc : memref<!tpu.dma_semaphore, #tpu.memory_space<semaphore_mem>>
      %dma_start3A_47 = arith.constant 0 : i32
      %dma_start3A_48 = tpu.memref_slice %arg4[%arg0, %add3A_13, %dma_start3A_47] : memref<2x128x10240xi32, #tpu.memory_space<hbm>> -> memref<1x1x10240xi32, #tpu.memory_space<hbm>>
      %dma_start3A_49 = tpu.memref_squeeze %dma_start3A_48 : memref<1x1x10240xi32, #tpu.memory_space<hbm>> -> memref<10240xi32, #tpu.memory_space<hbm>>
      %dma_start3A_50 = arith.constant 0 : i32
      %dma_start3A_51 = tpu.memref_slice %arg4[%arg0, %add3A_13, %dma_start3A_50] : memref<2x128x10240xi32, #tpu.memory_space<hbm>> -> memref<1x1x10240xi32, #tpu.memory_space<hbm>>
      %dma_start3A_52 = tpu.memref_squeeze %dma_start3A_51 : memref<1x1x10240xi32, #tpu.memory_space<hbm>> -> memref<10240xi32, #tpu.memory_space<hbm>>
      tpu.enqueue_dma source(%dma_start3A_52 : memref<10240xi32, #tpu.memory_space<hbm>>) target(%arg20 : memref<10240xi32, #tpu.memory_space<vmem>>) target_semaphore(%run_scoped3A : memref<!tpu.dma_semaphore, #tpu.memory_space<semaphore_mem>>)
      %dma_wait3A = arith.constant 0 : i32
      %dma_wait3A_53 = tpu.memref_slice %arg4[%arg0, %add3A_13, %dma_wait3A] : memref<2x128x10240xi32, #tpu.memory_space<hbm>> -> memref<1x1x10240xi32, #tpu.memory_space<hbm>>
      %dma_wait3A_54 = tpu.memref_squeeze %dma_wait3A_53 : memref<1x1x10240xi32, #tpu.memory_space<hbm>> -> memref<10240xi32, #tpu.memory_space<hbm>>
      %dma_wait3A_55 = arith.constant 0 : i32
      %dma_wait3A_56 = tpu.memref_slice %arg4[%arg0, %add3A_13, %dma_wait3A_55] : memref<2x128x10240xi32, #tpu.memory_space<hbm>> -> memref<1x1x10240xi32, #tpu.memory_space<hbm>>
      %dma_wait3A_57 = tpu.memref_squeeze %dma_wait3A_56 : memref<1x1x10240xi32, #tpu.memory_space<hbm>> -> memref<10240xi32, #tpu.memory_space<hbm>>
      tpu.wait_dma2 semaphore(%run_scoped3A : memref<!tpu.dma_semaphore, #tpu.memory_space<semaphore_mem>>) src(%dma_wait3A_57 : memref<10240xi32, #tpu.memory_space<hbm>>) dst(%arg20 : memref<10240xi32, #tpu.memory_space<vmem>>)
      tpu.yield
    }) : () -> ()
    %add3A_14 = arith.constant 6 : i32
    %add3A_15 = arith.addi %mul3A_0, %add3A_14 : i32
    "tpu.region"() ({
      %run_scoped3A = tpu.sem_alloc : memref<!tpu.dma_semaphore, #tpu.memory_space<semaphore_mem>>
      %dma_start3A_47 = arith.constant 0 : i32
      %dma_start3A_48 = tpu.memref_slice %arg4[%arg0, %add3A_15, %dma_start3A_47] : memref<2x128x10240xi32, #tpu.memory_space<hbm>> -> memref<1x1x10240xi32, #tpu.memory_space<hbm>>
      %dma_start3A_49 = tpu.memref_squeeze %dma_start3A_48 : memref<1x1x10240xi32, #tpu.memory_space<hbm>> -> memref<10240xi32, #tpu.memory_space<hbm>>
      %dma_start3A_50 = arith.constant 0 : i32
      %dma_start3A_51 = tpu.memref_slice %arg4[%arg0, %add3A_15, %dma_start3A_50] : memref<2x128x10240xi32, #tpu.memory_space<hbm>> -> memref<1x1x10240xi32, #tpu.memory_space<hbm>>
      %dma_start3A_52 = tpu.memref_squeeze %dma_start3A_51 : memref<1x1x10240xi32, #tpu.memory_space<hbm>> -> memref<10240xi32, #tpu.memory_space<hbm>>
      tpu.enqueue_dma source(%dma_start3A_52 : memref<10240xi32, #tpu.memory_space<hbm>>) target(%arg21 : memref<10240xi32, #tpu.memory_space<vmem>>) target_semaphore(%run_scoped3A : memref<!tpu.dma_semaphore, #tpu.memory_space<semaphore_mem>>)
      %dma_wait3A = arith.constant 0 : i32
      %dma_wait3A_53 = tpu.memref_slice %arg4[%arg0, %add3A_15, %dma_wait3A] : memref<2x128x10240xi32, #tpu.memory_space<hbm>> -> memref<1x1x10240xi32, #tpu.memory_space<hbm>>
      %dma_wait3A_54 = tpu.memref_squeeze %dma_wait3A_53 : memref<1x1x10240xi32, #tpu.memory_space<hbm>> -> memref<10240xi32, #tpu.memory_space<hbm>>
      %dma_wait3A_55 = arith.constant 0 : i32
      %dma_wait3A_56 = tpu.memref_slice %arg4[%arg0, %add3A_15, %dma_wait3A_55] : memref<2x128x10240xi32, #tpu.memory_space<hbm>> -> memref<1x1x10240xi32, #tpu.memory_space<hbm>>
      %dma_wait3A_57 = tpu.memref_squeeze %dma_wait3A_56 : memref<1x1x10240xi32, #tpu.memory_space<hbm>> -> memref<10240xi32, #tpu.memory_space<hbm>>
      tpu.wait_dma2 semaphore(%run_scoped3A : memref<!tpu.dma_semaphore, #tpu.memory_space<semaphore_mem>>) src(%dma_wait3A_57 : memref<10240xi32, #tpu.memory_space<hbm>>) dst(%arg21 : memref<10240xi32, #tpu.memory_space<vmem>>)
      tpu.yield
    }) : () -> ()
    %add3A_16 = arith.constant 7 : i32
    %add3A_17 = arith.addi %mul3A_0, %add3A_16 : i32
    "tpu.region"() ({
      %run_scoped3A = tpu.sem_alloc : memref<!tpu.dma_semaphore, #tpu.memory_space<semaphore_mem>>
      %dma_start3A_47 = arith.constant 0 : i32
      %dma_start3A_48 = tpu.memref_slice %arg4[%arg0, %add3A_17, %dma_start3A_47] : memref<2x128x10240xi32, #tpu.memory_space<hbm>> -> memref<1x1x10240xi32, #tpu.memory_space<hbm>>
      %dma_start3A_49 = tpu.memref_squeeze %dma_start3A_48 : memref<1x1x10240xi32, #tpu.memory_space<hbm>> -> memref<10240xi32, #tpu.memory_space<hbm>>
      %dma_start3A_50 = arith.constant 0 : i32
      %dma_start3A_51 = tpu.memref_slice %arg4[%arg0, %add3A_17, %dma_start3A_50] : memref<2x128x10240xi32, #tpu.memory_space<hbm>> -> memref<1x1x10240xi32, #tpu.memory_space<hbm>>
      %dma_start3A_52 = tpu.memref_squeeze %dma_start3A_51 : memref<1x1x10240xi32, #tpu.memory_space<hbm>> -> memref<10240xi32, #tpu.memory_space<hbm>>
      tpu.enqueue_dma source(%dma_start3A_52 : memref<10240xi32, #tpu.memory_space<hbm>>) target(%arg22 : memref<10240xi32, #tpu.memory_space<vmem>>) target_semaphore(%run_scoped3A : memref<!tpu.dma_semaphore, #tpu.memory_space<semaphore_mem>>)
      %dma_wait3A = arith.constant 0 : i32
      %dma_wait3A_53 = tpu.memref_slice %arg4[%arg0, %add3A_17, %dma_wait3A] : memref<2x128x10240xi32, #tpu.memory_space<hbm>> -> memref<1x1x10240xi32, #tpu.memory_space<hbm>>
      %dma_wait3A_54 = tpu.memref_squeeze %dma_wait3A_53 : memref<1x1x10240xi32, #tpu.memory_space<hbm>> -> memref<10240xi32, #tpu.memory_space<hbm>>
      %dma_wait3A_55 = arith.constant 0 : i32
      %dma_wait3A_56 = tpu.memref_slice %arg4[%arg0, %add3A_17, %dma_wait3A_55] : memref<2x128x10240xi32, #tpu.memory_space<hbm>> -> memref<1x1x10240xi32, #tpu.memory_space<hbm>>
      %dma_wait3A_57 = tpu.memref_squeeze %dma_wait3A_56 : memref<1x1x10240xi32, #tpu.memory_space<hbm>> -> memref<10240xi32, #tpu.memory_space<hbm>>
      tpu.wait_dma2 semaphore(%run_scoped3A : memref<!tpu.dma_semaphore, #tpu.memory_space<semaphore_mem>>) src(%dma_wait3A_57 : memref<10240xi32, #tpu.memory_space<hbm>>) dst(%arg22 : memref<10240xi32, #tpu.memory_space<vmem>>)
      tpu.yield
    }) : () -> ()
    %add3A_18 = arith.constant 0 : i32
    %add3A_19 = arith.addi %mul3A_2, %add3A_18 : i32
    %dma_start3A = tpu.memref_slice %arg2[%add3A_19] : memref<78080xi32, #tpu.memory_space<hbm>> -> memref<640xi32, #tpu.memory_space<hbm>>
    %dma_start3A_20 = tpu.memref_slice %arg2[%add3A_19] : memref<78080xi32, #tpu.memory_space<hbm>> -> memref<640xi32, #tpu.memory_space<hbm>>
    tpu.enqueue_dma source(%dma_start3A_20 : memref<640xi32, #tpu.memory_space<hbm>>) target(%arg6 : memref<640xi32, #tpu.memory_space<vmem>>) target_semaphore(%arg11 : memref<!tpu.dma_semaphore, #tpu.memory_space<semaphore_mem>>)
    %add3A_21 = arith.constant 0 : i32
    %add3A_22 = arith.addi %mul3A_2, %add3A_21 : i32
    %dma_start3A_23 = tpu.memref_slice %arg3[%mul3A_0, %add3A_22] : memref<128x78080xi32, #tpu.memory_space<hbm>> -> memref<8x640xi32, #tpu.memory_space<hbm>>
    %dma_start3A_24 = tpu.memref_slice %arg3[%mul3A_0, %add3A_22] : memref<128x78080xi32, #tpu.memory_space<hbm>> -> memref<8x640xi32, #tpu.memory_space<hbm>>
    tpu.enqueue_dma source(%dma_start3A_24 : memref<8x640xi32, #tpu.memory_space<hbm>>) target(%arg8 : memref<8x640xi32, #tpu.memory_space<vmem>>) target_semaphore(%arg13 : memref<!tpu.dma_semaphore, #tpu.memory_space<semaphore_mem>>)
    %scan3A = arith.constant 0 : i32
    %scan3A_25 = arith.constant 0 : i32
    %scan3A_26 = arith.constant 31 : i32
    %scan3A_27 = arith.addi %scan3A_25, %scan3A_26 : i32
    %scan3A_28 = arith.constant 1 : i32
    %scan3A_29 = scf.for %scan3A_47 = %scan3A_25 to %scan3A_27 step %scan3A_28 iter_args(%scan3A_48 = %scan3A) -> (i32)  : i32 {
      %mul3A_49 = arith.constant 2 : i32
      %mul3A_50 = arith.muli %scan3A_47, %mul3A_49 : i32
      %dma_wait3A = tpu.memref_slice %arg2[%mul3A_2] : memref<78080xi32, #tpu.memory_space<hbm>> -> memref<640xi32, #tpu.memory_space<hbm>>
      %dma_wait3A_51 = tpu.memref_slice %arg2[%mul3A_2] : memref<78080xi32, #tpu.memory_space<hbm>> -> memref<640xi32, #tpu.memory_space<hbm>>
      tpu.wait_dma2 semaphore(%arg11 : memref<!tpu.dma_semaphore, #tpu.memory_space<semaphore_mem>>) src(%dma_wait3A_51 : memref<640xi32, #tpu.memory_space<hbm>>) dst(%arg6 : memref<640xi32, #tpu.memory_space<vmem>>)
      %dma_wait3A_52 = tpu.memref_slice %arg3[%mul3A_0, %mul3A_2] : memref<128x78080xi32, #tpu.memory_space<hbm>> -> memref<8x640xi32, #tpu.memory_space<hbm>>
      %dma_wait3A_53 = tpu.memref_slice %arg3[%mul3A_0, %mul3A_2] : memref<128x78080xi32, #tpu.memory_space<hbm>> -> memref<8x640xi32, #tpu.memory_space<hbm>>
      tpu.wait_dma2 semaphore(%arg13 : memref<!tpu.dma_semaphore, #tpu.memory_space<semaphore_mem>>) src(%dma_wait3A_53 : memref<8x640xi32, #tpu.memory_space<hbm>>) dst(%arg8 : memref<8x640xi32, #tpu.memory_space<vmem>>)
      %add3A_54 = arith.constant 1 : i32
      %add3A_55 = arith.addi %mul3A_50, %add3A_54 : i32
      %lt3A = arith.constant 61 : i32
      %lt3A_56 = arith.cmpi slt, %add3A_55, %lt3A : i32
      %convert_element_type3A = arith.extui %lt3A_56 : i1 to i32
      %cond3A = arith.constant 0 : i32
      %cond3A_57 = arith.cmpi ne, %convert_element_type3A, %cond3A : i32
      scf.if %cond3A_57 {
        %add3A_80 = arith.constant 1 : i32
        %add3A_81 = arith.addi %mul3A_50, %add3A_80 : i32
        %mul3A_82 = arith.constant 640 : i32
        %mul3A_83 = arith.muli %add3A_81, %mul3A_82 : i32
        %add3A_84 = arith.addi %mul3A_2, %mul3A_83 : i32
        %dma_start3A_85 = tpu.memref_slice %arg2[%add3A_84] : memref<78080xi32, #tpu.memory_space<hbm>> -> memref<640xi32, #tpu.memory_space<hbm>>
        %dma_start3A_86 = tpu.memref_slice %arg2[%add3A_84] : memref<78080xi32, #tpu.memory_space<hbm>> -> memref<640xi32, #tpu.memory_space<hbm>>
        tpu.enqueue_dma source(%dma_start3A_86 : memref<640xi32, #tpu.memory_space<hbm>>) target(%arg7 : memref<640xi32, #tpu.memory_space<vmem>>) target_semaphore(%arg12 : memref<!tpu.dma_semaphore, #tpu.memory_space<semaphore_mem>>)
        %mul3A_87 = arith.constant 640 : i32
        %mul3A_88 = arith.muli %add3A_81, %mul3A_87 : i32
        %add3A_89 = arith.addi %mul3A_2, %mul3A_88 : i32
        %dma_start3A_90 = tpu.memref_slice %arg3[%mul3A_0, %add3A_89] : memref<128x78080xi32, #tpu.memory_space<hbm>> -> memref<8x640xi32, #tpu.memory_space<hbm>>
        %dma_start3A_91 = tpu.memref_slice %arg3[%mul3A_0, %add3A_89] : memref<128x78080xi32, #tpu.memory_space<hbm>> -> memref<8x640xi32, #tpu.memory_space<hbm>>
        tpu.enqueue_dma source(%dma_start3A_91 : memref<8x640xi32, #tpu.memory_space<hbm>>) target(%arg9 : memref<8x640xi32, #tpu.memory_space<vmem>>) target_semaphore(%arg14 : memref<!tpu.dma_semaphore, #tpu.memory_space<semaphore_mem>>)
      } else {
      }
      %scan3A_58 = arith.constant 0 : i32
      %scan3A_59 = arith.constant 0 : i32
      %scan3A_60 = arith.constant 40 : i32
      %scan3A_61 = arith.addi %scan3A_59, %scan3A_60 : i32
      %scan3A_62 = arith.constant 1 : i32
      %scan3A_63 = scf.for %scan3A_80 = %scan3A_59 to %scan3A_61 step %scan3A_62 iter_args(%scan3A_81 = %scan3A_58) -> (i32)  : i32 {
        %mul3A_82 = arith.constant 16 : i32
        %mul3A_83 = arith.muli %scan3A_80, %mul3A_82 : i32
        %get3A = arith.index_cast %mul3A_83 : i32 to index
        %get3A_84 = tpu.vector_load %arg6[%get3A] {strides = array<i32>} : memref<640xi32, #tpu.memory_space<vmem>>, vector<16xi32>,
        %broadcast_in_dim3A = arith.constant true
        %broadcast_in_dim3A_85 = vector.broadcast %broadcast_in_dim3A : i1 to vector<16xi1>
        %unique3A, %unique3A_86 = tpu.scan_count mask(%broadcast_in_dim3A_85 : vector<16xi1>) value(%get3A_84 : vector<16xi32>) : vector<16xi1>, vector<16xi32>
        %all_reduce_population_count3A = tpu.all_reduce %unique3A {dim = 0 : i64, kind = #tpu.reduction_kind<sum>} : vector<16xi1> -> vector<16xi32>
        %mul3A_87 = arith.constant 16 : i32
        %mul3A_88 = arith.muli %scan3A_80, %mul3A_87 : i32
        %swap3A = arith.index_cast %mul3A_88 : i32 to index
        %swap3A_89 = tpu.vector_load %arg10[%swap3A] {strides = array<i32>} : memref<640xi32, #tpu.memory_space<vmem>>, vector<16xi32>,
        tpu.vector_store %arg10[%swap3A], %all_reduce_population_count3A {strides = array<i32>} : memref<640xi32, #tpu.memory_space<vmem>>, vector<16xi32>,
        %scan3A_90 = arith.constant 0 : i32
        scf.yield %scan3A_90 : i32
      }
      %scan3A_64 = arith.constant 40 : i32
      %scan3A_65 = arith.constant 0 : i32
      %scan3A_66 = arith.constant 0 : i32
      %scan3A_67 = arith.constant 20 : i32
      %scan3A_68 = arith.addi %scan3A_66, %scan3A_67 : i32
      %scan3A_69 = arith.constant 1 : i32
      %scan3A_70 = scf.for %scan3A_80 = %scan3A_66 to %scan3A_68 step %scan3A_69 iter_args(%scan3A_81 = %scan3A_65) -> (i32)  : i32 {
        %mul3A_82 = arith.constant 2 : i32
        %mul3A_83 = arith.muli %scan3A_80, %mul3A_82 : i32
        %mul3A_84 = arith.constant 16 : i32
        %mul3A_85 = arith.muli %mul3A_83, %mul3A_84 : i32
        %get3A = arith.index_cast %mul3A_85 : i32 to index
        %get3A_86 = tpu.vector_load %arg6[%get3A] {strides = array<i32>} : memref<640xi32, #tpu.memory_space<vmem>>, vector<16xi32>,
        %mul3A_87 = arith.constant 16 : i32
        %mul3A_88 = arith.muli %mul3A_83, %mul3A_87 : i32
        %get3A_89 = arith.index_cast %mul3A_88 : i32 to index
        %get3A_90 = tpu.vector_load %arg10[%get3A_89] {strides = array<i32>} : memref<640xi32, #tpu.memory_space<vmem>>, vector<16xi32>,
        %slice3A = vector.extract_strided_slice %get3A_90 {offsets = [0], sizes = [1], strides = [1]} : vector<16xi32> to vector<1xi32>
        %squeeze3A = vector.extract %slice3A[0] : i32 from vector<1xi32>
        %eq3A = arith.constant 16 : i32
        %eq3A_91 = arith.cmpi eq, %squeeze3A, %eq3A : i32
        %convert_element_type3A_92 = arith.extui %eq3A_91 : i1 to i32
        %cond3A_93 = arith.constant 0 : i32
        %cond3A_94 = arith.cmpi ne, %convert_element_type3A_92, %cond3A_93 : i32
        scf.if %cond3A_94 {
          %mul3A_115 = arith.constant 16 : i32
          %mul3A_116 = arith.muli %mul3A_83, %mul3A_115 : i32
          %get3A_117 = arith.constant 0 : i32
          %get3A_118 = arith.index_cast %get3A_117 : i32 to index
          %get3A_119 = arith.index_cast %mul3A_116 : i32 to index
          %get3A_120 = tpu.vector_load %arg8[%get3A_118, %get3A_119] {strides = array<i32>} : memref<8x640xi32, #tpu.memory_space<vmem>>, vector<16xi32>,
          %gather3A = tpu.vector_load_idx %arg15[%get3A_86] : memref<10240xi32, #tpu.memory_space<vmem>>[vector<16xi32>], vector<16xi32>,
          %bitcast3A = vector.bitcast %gather3A : vector<16xi32> to vector<32xbf16>
          %bitcast3A_121 = vector.bitcast %get3A_120 : vector<16xi32> to vector<32xbf16>
          %max3A = arith.maximumf %bitcast3A, %bitcast3A_121 : vector<32xbf16>
          %bitcast3A_122 = vector.bitcast %max3A : vector<32xbf16> to vector<16xi32>
          tpu.vector_store_idx %arg15[%get3A_86], %bitcast3A_122 : memref<10240xi32, #tpu.memory_space<vmem>>[vector<16xi32>], vector<16xi32>,
          %mul3A_123 = arith.constant 16 : i32
          %mul3A_124 = arith.muli %mul3A_83, %mul3A_123 : i32
          %get3A_125 = arith.constant 1 : i32
          %get3A_126 = arith.index_cast %get3A_125 : i32 to index
          %get3A_127 = arith.index_cast %mul3A_124 : i32 to index
          %get3A_128 = tpu.vector_load %arg8[%get3A_126, %get3A_127] {strides = array<i32>} : memref<8x640xi32, #tpu.memory_space<vmem>>, vector<16xi32>,
          %gather3A_129 = tpu.vector_load_idx %arg16[%get3A_86] : memref<10240xi32, #tpu.memory_space<vmem>>[vector<16xi32>], vector<16xi32>,
          %bitcast3A_130 = vector.bitcast %gather3A_129 : vector<16xi32> to vector<32xbf16>
          %bitcast3A_131 = vector.bitcast %get3A_128 : vector<16xi32> to vector<32xbf16>
          %max3A_132 = arith.maximumf %bitcast3A_130, %bitcast3A_131 : vector<32xbf16>
          %bitcast3A_133 = vector.bitcast %max3A_132 : vector<32xbf16> to vector<16xi32>
          tpu.vector_store_idx %arg16[%get3A_86], %bitcast3A_133 : memref<10240xi32, #tpu.memory_space<vmem>>[vector<16xi32>], vector<16xi32>,
          %mul3A_134 = arith.constant 16 : i32
          %mul3A_135 = arith.muli %mul3A_83, %mul3A_134 : i32
          %get3A_136 = arith.constant 2 : i32
          %get3A_137 = arith.index_cast %get3A_136 : i32 to index
          %get3A_138 = arith.index_cast %mul3A_135 : i32 to index
          %get3A_139 = tpu.vector_load %arg8[%get3A_137, %get3A_138] {strides = array<i32>} : memref<8x640xi32, #tpu.memory_space<vmem>>, vector<16xi32>,
          %gather3A_140 = tpu.vector_load_idx %arg17[%get3A_86] : memref<10240xi32, #tpu.memory_space<vmem>>[vector<16xi32>], vector<16xi32>,
          %bitcast3A_141 = vector.bitcast %gather3A_140 : vector<16xi32> to vector<32xbf16>
          %bitcast3A_142 = vector.bitcast %get3A_139 : vector<16xi32> to vector<32xbf16>
          %max3A_143 = arith.maximumf %bitcast3A_141, %bitcast3A_142 : vector<32xbf16>
          %bitcast3A_144 = vector.bitcast %max3A_143 : vector<32xbf16> to vector<16xi32>
          tpu.vector_store_idx %arg17[%get3A_86], %bitcast3A_144 : memref<10240xi32, #tpu.memory_space<vmem>>[vector<16xi32>], vector<16xi32>,
          %mul3A_145 = arith.constant 16 : i32
          %mul3A_146 = arith.muli %mul3A_83, %mul3A_145 : i32
          %get3A_147 = arith.constant 3 : i32
          %get3A_148 = arith.index_cast %get3A_147 : i32 to index
          %get3A_149 = arith.index_cast %mul3A_146 : i32 to index
          %get3A_150 = tpu.vector_load %arg8[%get3A_148, %get3A_149] {strides = array<i32>} : memref<8x640xi32, #tpu.memory_space<vmem>>, vector<16xi32>,
          %gather3A_151 = tpu.vector_load_idx %arg18[%get3A_86] : memref<10240xi32, #tpu.memory_space<vmem>>[vector<16xi32>], vector<16xi32>,
          %bitcast3A_152 = vector.bitcast %gather3A_151 : vector<16xi32> to vector<32xbf16>
          %bitcast3A_153 = vector.bitcast %get3A_150 : vector<16xi32> to vector<32xbf16>
          %max3A_154 = arith.maximumf %bitcast3A_152, %bitcast3A_153 : vector<32xbf16>
          %bitcast3A_155 = vector.bitcast %max3A_154 : vector<32xbf16> to vector<16xi32>
          tpu.vector_store_idx %arg18[%get3A_86], %bitcast3A_155 : memref<10240xi32, #tpu.memory_space<vmem>>[vector<16xi32>], vector<16xi32>,
          %mul3A_156 = arith.constant 16 : i32
          %mul3A_157 = arith.muli %mul3A_83, %mul3A_156 : i32
          %get3A_158 = arith.constant 4 : i32
          %get3A_159 = arith.index_cast %get3A_158 : i32 to index
          %get3A_160 = arith.index_cast %mul3A_157 : i32 to index
          %get3A_161 = tpu.vector_load %arg8[%get3A_159, %get3A_160] {strides = array<i32>} : memref<8x640xi32, #tpu.memory_space<vmem>>, vector<16xi32>,
          %gather3A_162 = tpu.vector_load_idx %arg19[%get3A_86] : memref<10240xi32, #tpu.memory_space<vmem>>[vector<16xi32>], vector<16xi32>,
          %bitcast3A_163 = vector.bitcast %gather3A_162 : vector<16xi32> to vector<32xbf16>
          %bitcast3A_164 = vector.bitcast %get3A_161 : vector<16xi32> to vector<32xbf16>
          %max3A_165 = arith.maximumf %bitcast3A_163, %bitcast3A_164 : vector<32xbf16>
          %bitcast3A_166 = vector.bitcast %max3A_165 : vector<32xbf16> to vector<16xi32>
          tpu.vector_store_idx %arg19[%get3A_86], %bitcast3A_166 : memref<10240xi32, #tpu.memory_space<vmem>>[vector<16xi32>], vector<16xi32>,
          %mul3A_167 = arith.constant 16 : i32
          %mul3A_168 = arith.muli %mul3A_83, %mul3A_167 : i32
          %get3A_169 = arith.constant 5 : i32
          %get3A_170 = arith.index_cast %get3A_169 : i32 to index
          %get3A_171 = arith.index_cast %mul3A_168 : i32 to index
          %get3A_172 = tpu.vector_load %arg8[%get3A_170, %get3A_171] {strides = array<i32>} : memref<8x640xi32, #tpu.memory_space<vmem>>, vector<16xi32>,
          %gather3A_173 = tpu.vector_load_idx %arg20[%get3A_86] : memref<10240xi32, #tpu.memory_space<vmem>>[vector<16xi32>], vector<16xi32>,
          %bitcast3A_174 = vector.bitcast %gather3A_173 : vector<16xi32> to vector<32xbf16>
          %bitcast3A_175 = vector.bitcast %get3A_172 : vector<16xi32> to vector<32xbf16>
          %max3A_176 = arith.maximumf %bitcast3A_174, %bitcast3A_175 : vector<32xbf16>
          %bitcast3A_177 = vector.bitcast %max3A_176 : vector<32xbf16> to vector<16xi32>
          tpu.vector_store_idx %arg20[%get3A_86], %bitcast3A_177 : memref<10240xi32, #tpu.memory_space<vmem>>[vector<16xi32>], vector<16xi32>,
          %mul3A_178 = arith.constant 16 : i32
          %mul3A_179 = arith.muli %mul3A_83, %mul3A_178 : i32
          %get3A_180 = arith.constant 6 : i32
          %get3A_181 = arith.index_cast %get3A_180 : i32 to index
          %get3A_182 = arith.index_cast %mul3A_179 : i32 to index
          %get3A_183 = tpu.vector_load %arg8[%get3A_181, %get3A_182] {strides = array<i32>} : memref<8x640xi32, #tpu.memory_space<vmem>>, vector<16xi32>,
          %gather3A_184 = tpu.vector_load_idx %arg21[%get3A_86] : memref<10240xi32, #tpu.memory_space<vmem>>[vector<16xi32>], vector<16xi32>,
          %bitcast3A_185 = vector.bitcast %gather3A_184 : vector<16xi32> to vector<32xbf16>
          %bitcast3A_186 = vector.bitcast %get3A_183 : vector<16xi32> to vector<32xbf16>
          %max3A_187 = arith.maximumf %bitcast3A_185, %bitcast3A_186 : vector<32xbf16>
          %bitcast3A_188 = vector.bitcast %max3A_187 : vector<32xbf16> to vector<16xi32>
          tpu.vector_store_idx %arg21[%get3A_86], %bitcast3A_188 : memref<10240xi32, #tpu.memory_space<vmem>>[vector<16xi32>], vector<16xi32>,
          %mul3A_189 = arith.constant 16 : i32
          %mul3A_190 = arith.muli %mul3A_83, %mul3A_189 : i32
          %get3A_191 = arith.constant 7 : i32
          %get3A_192 = arith.index_cast %get3A_191 : i32 to index
          %get3A_193 = arith.index_cast %mul3A_190 : i32 to index
          %get3A_194 = tpu.vector_load %arg8[%get3A_192, %get3A_193] {strides = array<i32>} : memref<8x640xi32, #tpu.memory_space<vmem>>, vector<16xi32>,
          %gather3A_195 = tpu.vector_load_idx %arg22[%get3A_86] : memref<10240xi32, #tpu.memory_space<vmem>>[vector<16xi32>], vector<16xi32>,
          %bitcast3A_196 = vector.bitcast %gather3A_195 : vector<16xi32> to vector<32xbf16>
          %bitcast3A_197 = vector.bitcast %get3A_194 : vector<16xi32> to vector<32xbf16>
          %max3A_198 = arith.maximumf %bitcast3A_196, %bitcast3A_197 : vector<32xbf16>
          %bitcast3A_199 = vector.bitcast %max3A_198 : vector<32xbf16> to vector<16xi32>
          tpu.vector_store_idx %arg22[%get3A_86], %bitcast3A_199 : memref<10240xi32, #tpu.memory_space<vmem>>[vector<16xi32>], vector<16xi32>,
        } else {
          %mul3A_115 = arith.constant 16 : i32
          %mul3A_116 = arith.muli %mul3A_83, %mul3A_115 : i32
          %get3A_117 = arith.constant 0 : i32
          %get3A_118 = arith.index_cast %get3A_117 : i32 to index
          %get3A_119 = arith.index_cast %mul3A_116 : i32 to index
          %get3A_120 = tpu.vector_load %arg8[%get3A_118, %get3A_119] {strides = array<i32>} : memref<8x640xi32, #tpu.memory_space<vmem>>, vector<16xi32>,
          %broadcast_in_dim3A = arith.constant true
          %broadcast_in_dim3A_121 = vector.broadcast %broadcast_in_dim3A : i1 to vector<16xi1>
          %while3A:2 = scf.while (%while3A_185 = %broadcast_in_dim3A_121, %while3A_186 = %get3A_120) : (vector<16xi1>, vector<16xi32>) -> (vector<16xi1>, vector<16xi32>) {
            %reduce_or3A = arith.constant 1.000000e+00 : f32
            %reduce_or3A_187 = arith.constant 0.000000e+00 : f32
            %reduce_or3A_188 = vector.broadcast %reduce_or3A : f32 to vector<16xf32>
            %reduce_or3A_189 = vector.broadcast %reduce_or3A_187 : f32 to vector<16xf32>
            %reduce_or3A_190 = arith.select %while3A_185, %reduce_or3A_188, %reduce_or3A_189 : vector<16xi1>, vector<16xf32>
            %reduce_or3A_191 = arith.constant true
            %reduce_or3A_192 = vector.broadcast %reduce_or3A_191 : i1 to vector<16xi1>
            %reduce_or3A_193 = tpu.scan <max>, %reduce_or3A_190 masked %reduce_or3A_192 : vector<16xf32>, vector<16xi1> -> vector<16xf32>
            %reduce_or3A_194 = vector.extract %reduce_or3A_193[15] : f32 from vector<16xf32>
            %reduce_or3A_195 = arith.constant 0.000000e+00 : f32
            %reduce_or3A_196 = arith.cmpf ogt, %reduce_or3A_194, %reduce_or3A_195 : f32
            scf.condition(%reduce_or3A_196) %while3A_185, %while3A_186 : vector<16xi1>, vector<16xi32>
          } do {
          ^bb0(%while3A_185: vector<16xi1>, %while3A_186: vector<16xi32>):
            %gather3A = tpu.vector_load_idx %arg15[%get3A_86] : memref<10240xi32, #tpu.memory_space<vmem>>[vector<16xi32>], vector<16xi32>,
            %bitcast3A = vector.bitcast %gather3A : vector<16xi32> to vector<32xbf16>
            %bitcast3A_187 = vector.bitcast %while3A_186 : vector<16xi32> to vector<32xbf16>
            %max3A = arith.maximumf %bitcast3A, %bitcast3A_187 : vector<32xbf16>
            %bitcast3A_188 = vector.bitcast %max3A : vector<32xbf16> to vector<16xi32>
            tpu.vector_store_idx %arg15[%get3A_86], %bitcast3A_188 masked %while3A_185 : memref<10240xi32, #tpu.memory_space<vmem>>[vector<16xi32>], vector<16xi32>, vector<16xi1>
            %gather3A_189 = tpu.vector_load_idx %arg15[%get3A_86] : memref<10240xi32, #tpu.memory_space<vmem>>[vector<16xi32>], vector<16xi32>,
            %ne3A = arith.cmpi ne, %gather3A_189, %bitcast3A_188 : vector<16xi32>
            %and3A = arith.andi %while3A_185, %ne3A : vector<16xi1>
            scf.yield %and3A, %bitcast3A_188 : vector<16xi1>, vector<16xi32>
          }
          %mul3A_122 = arith.constant 16 : i32
          %mul3A_123 = arith.muli %mul3A_83, %mul3A_122 : i32
          %get3A_124 = arith.constant 1 : i32
          %get3A_125 = arith.index_cast %get3A_124 : i32 to index
          %get3A_126 = arith.index_cast %mul3A_123 : i32 to index
          %get3A_127 = tpu.vector_load %arg8[%get3A_125, %get3A_126] {strides = array<i32>} : memref<8x640xi32, #tpu.memory_space<vmem>>, vector<16xi32>,
          %broadcast_in_dim3A_128 = arith.constant true
          %broadcast_in_dim3A_129 = vector.broadcast %broadcast_in_dim3A_128 : i1 to vector<16xi1>
          %while3A_130:2 = scf.while (%while3A_185 = %broadcast_in_dim3A_129, %while3A_186 = %get3A_127) : (vector<16xi1>, vector<16xi32>) -> (vector<16xi1>, vector<16xi32>) {
            %reduce_or3A = arith.constant 1.000000e+00 : f32
            %reduce_or3A_187 = arith.constant 0.000000e+00 : f32
            %reduce_or3A_188 = vector.broadcast %reduce_or3A : f32 to vector<16xf32>
            %reduce_or3A_189 = vector.broadcast %reduce_or3A_187 : f32 to vector<16xf32>
            %reduce_or3A_190 = arith.select %while3A_185, %reduce_or3A_188, %reduce_or3A_189 : vector<16xi1>, vector<16xf32>
            %reduce_or3A_191 = arith.constant true
            %reduce_or3A_192 = vector.broadcast %reduce_or3A_191 : i1 to vector<16xi1>
            %reduce_or3A_193 = tpu.scan <max>, %reduce_or3A_190 masked %reduce_or3A_192 : vector<16xf32>, vector<16xi1> -> vector<16xf32>
            %reduce_or3A_194 = vector.extract %reduce_or3A_193[15] : f32 from vector<16xf32>
            %reduce_or3A_195 = arith.constant 0.000000e+00 : f32
            %reduce_or3A_196 = arith.cmpf ogt, %reduce_or3A_194, %reduce_or3A_195 : f32
            scf.condition(%reduce_or3A_196) %while3A_185, %while3A_186 : vector<16xi1>, vector<16xi32>
          } do {
          ^bb0(%while3A_185: vector<16xi1>, %while3A_186: vector<16xi32>):
            %gather3A = tpu.vector_load_idx %arg16[%get3A_86] : memref<10240xi32, #tpu.memory_space<vmem>>[vector<16xi32>], vector<16xi32>,
            %bitcast3A = vector.bitcast %gather3A : vector<16xi32> to vector<32xbf16>
            %bitcast3A_187 = vector.bitcast %while3A_186 : vector<16xi32> to vector<32xbf16>
            %max3A = arith.maximumf %bitcast3A, %bitcast3A_187 : vector<32xbf16>
            %bitcast3A_188 = vector.bitcast %max3A : vector<32xbf16> to vector<16xi32>
            tpu.vector_store_idx %arg16[%get3A_86], %bitcast3A_188 masked %while3A_185 : memref<10240xi32, #tpu.memory_space<vmem>>[vector<16xi32>], vector<16xi32>, vector<16xi1>
            %gather3A_189 = tpu.vector_load_idx %arg16[%get3A_86] : memref<10240xi32, #tpu.memory_space<vmem>>[vector<16xi32>], vector<16xi32>,
            %ne3A = arith.cmpi ne, %gather3A_189, %bitcast3A_188 : vector<16xi32>
            %and3A = arith.andi %while3A_185, %ne3A : vector<16xi1>
            scf.yield %and3A, %bitcast3A_188 : vector<16xi1>, vector<16xi32>
          }
          %mul3A_131 = arith.constant 16 : i32
          %mul3A_132 = arith.muli %mul3A_83, %mul3A_131 : i32
          %get3A_133 = arith.constant 2 : i32
          %get3A_134 = arith.index_cast %get3A_133 : i32 to index
          %get3A_135 = arith.index_cast %mul3A_132 : i32 to index
          %get3A_136 = tpu.vector_load %arg8[%get3A_134, %get3A_135] {strides = array<i32>} : memref<8x640xi32, #tpu.memory_space<vmem>>, vector<16xi32>,
          %broadcast_in_dim3A_137 = arith.constant true
          %broadcast_in_dim3A_138 = vector.broadcast %broadcast_in_dim3A_137 : i1 to vector<16xi1>
          %while3A_139:2 = scf.while (%while3A_185 = %broadcast_in_dim3A_138, %while3A_186 = %get3A_136) : (vector<16xi1>, vector<16xi32>) -> (vector<16xi1>, vector<16xi32>) {
            %reduce_or3A = arith.constant 1.000000e+00 : f32
            %reduce_or3A_187 = arith.constant 0.000000e+00 : f32
            %reduce_or3A_188 = vector.broadcast %reduce_or3A : f32 to vector<16xf32>
            %reduce_or3A_189 = vector.broadcast %reduce_or3A_187 : f32 to vector<16xf32>
            %reduce_or3A_190 = arith.select %while3A_185, %reduce_or3A_188, %reduce_or3A_189 : vector<16xi1>, vector<16xf32>
            %reduce_or3A_191 = arith.constant true
            %reduce_or3A_192 = vector.broadcast %reduce_or3A_191 : i1 to vector<16xi1>
            %reduce_or3A_193 = tpu.scan <max>, %reduce_or3A_190 masked %reduce_or3A_192 : vector<16xf32>, vector<16xi1> -> vector<16xf32>
            %reduce_or3A_194 = vector.extract %reduce_or3A_193[15] : f32 from vector<16xf32>
            %reduce_or3A_195 = arith.constant 0.000000e+00 : f32
            %reduce_or3A_196 = arith.cmpf ogt, %reduce_or3A_194, %reduce_or3A_195 : f32
            scf.condition(%reduce_or3A_196) %while3A_185, %while3A_186 : vector<16xi1>, vector<16xi32>
          } do {
          ^bb0(%while3A_185: vector<16xi1>, %while3A_186: vector<16xi32>):
            %gather3A = tpu.vector_load_idx %arg17[%get3A_86] : memref<10240xi32, #tpu.memory_space<vmem>>[vector<16xi32>], vector<16xi32>,
            %bitcast3A = vector.bitcast %gather3A : vector<16xi32> to vector<32xbf16>
            %bitcast3A_187 = vector.bitcast %while3A_186 : vector<16xi32> to vector<32xbf16>
            %max3A = arith.maximumf %bitcast3A, %bitcast3A_187 : vector<32xbf16>
            %bitcast3A_188 = vector.bitcast %max3A : vector<32xbf16> to vector<16xi32>
            tpu.vector_store_idx %arg17[%get3A_86], %bitcast3A_188 masked %while3A_185 : memref<10240xi32, #tpu.memory_space<vmem>>[vector<16xi32>], vector<16xi32>, vector<16xi1>
            %gather3A_189 = tpu.vector_load_idx %arg17[%get3A_86] : memref<10240xi32, #tpu.memory_space<vmem>>[vector<16xi32>], vector<16xi32>,
            %ne3A = arith.cmpi ne, %gather3A_189, %bitcast3A_188 : vector<16xi32>
            %and3A = arith.andi %while3A_185, %ne3A : vector<16xi1>
            scf.yield %and3A, %bitcast3A_188 : vector<16xi1>, vector<16xi32>
          }
          %mul3A_140 = arith.constant 16 : i32
          %mul3A_141 = arith.muli %mul3A_83, %mul3A_140 : i32
          %get3A_142 = arith.constant 3 : i32
          %get3A_143 = arith.index_cast %get3A_142 : i32 to index
          %get3A_144 = arith.index_cast %mul3A_141 : i32 to index
          %get3A_145 = tpu.vector_load %arg8[%get3A_143, %get3A_144] {strides = array<i32>} : memref<8x640xi32, #tpu.memory_space<vmem>>, vector<16xi32>,
          %broadcast_in_dim3A_146 = arith.constant true
          %broadcast_in_dim3A_147 = vector.broadcast %broadcast_in_dim3A_146 : i1 to vector<16xi1>
          %while3A_148:2 = scf.while (%while3A_185 = %broadcast_in_dim3A_147, %while3A_186 = %get3A_145) : (vector<16xi1>, vector<16xi32>) -> (vector<16xi1>, vector<16xi32>) {
            %reduce_or3A = arith.constant 1.000000e+00 : f32
            %reduce_or3A_187 = arith.constant 0.000000e+00 : f32
            %reduce_or3A_188 = vector.broadcast %reduce_or3A : f32 to vector<16xf32>
            %reduce_or3A_189 = vector.broadcast %reduce_or3A_187 : f32 to vector<16xf32>
            %reduce_or3A_190 = arith.select %while3A_185, %reduce_or3A_188, %reduce_or3A_189 : vector<16xi1>, vector<16xf32>
            %reduce_or3A_191 = arith.constant true
            %reduce_or3A_192 = vector.broadcast %reduce_or3A_191 : i1 to vector<16xi1>
            %reduce_or3A_193 = tpu.scan <max>, %reduce_or3A_190 masked %reduce_or3A_192 : vector<16xf32>, vector<16xi1> -> vector<16xf32>
            %reduce_or3A_194 = vector.extract %reduce_or3A_193[15] : f32 from vector<16xf32>
            %reduce_or3A_195 = arith.constant 0.000000e+00 : f32
            %reduce_or3A_196 = arith.cmpf ogt, %reduce_or3A_194, %reduce_or3A_195 : f32
            scf.condition(%reduce_or3A_196) %while3A_185, %while3A_186 : vector<16xi1>, vector<16xi32>
          } do {
          ^bb0(%while3A_185: vector<16xi1>, %while3A_186: vector<16xi32>):
            %gather3A = tpu.vector_load_idx %arg18[%get3A_86] : memref<10240xi32, #tpu.memory_space<vmem>>[vector<16xi32>], vector<16xi32>,
            %bitcast3A = vector.bitcast %gather3A : vector<16xi32> to vector<32xbf16>
            %bitcast3A_187 = vector.bitcast %while3A_186 : vector<16xi32> to vector<32xbf16>
            %max3A = arith.maximumf %bitcast3A, %bitcast3A_187 : vector<32xbf16>
            %bitcast3A_188 = vector.bitcast %max3A : vector<32xbf16> to vector<16xi32>
            tpu.vector_store_idx %arg18[%get3A_86], %bitcast3A_188 masked %while3A_185 : memref<10240xi32, #tpu.memory_space<vmem>>[vector<16xi32>], vector<16xi32>, vector<16xi1>
            %gather3A_189 = tpu.vector_load_idx %arg18[%get3A_86] : memref<10240xi32, #tpu.memory_space<vmem>>[vector<16xi32>], vector<16xi32>,
            %ne3A = arith.cmpi ne, %gather3A_189, %bitcast3A_188 : vector<16xi32>
            %and3A = arith.andi %while3A_185, %ne3A : vector<16xi1>
            scf.yield %and3A, %bitcast3A_188 : vector<16xi1>, vector<16xi32>
          }
          %mul3A_149 = arith.constant 16 : i32
          %mul3A_150 = arith.muli %mul3A_83, %mul3A_149 : i32
          %get3A_151 = arith.constant 4 : i32
          %get3A_152 = arith.index_cast %get3A_151 : i32 to index
          %get3A_153 = arith.index_cast %mul3A_150 : i32 to index
          %get3A_154 = tpu.vector_load %arg8[%get3A_152, %get3A_153] {strides = array<i32>} : memref<8x640xi32, #tpu.memory_space<vmem>>, vector<16xi32>,
          %broadcast_in_dim3A_155 = arith.constant true
          %broadcast_in_dim3A_156 = vector.broadcast %broadcast_in_dim3A_155 : i1 to vector<16xi1>
          %while3A_157:2 = scf.while (%while3A_185 = %broadcast_in_dim3A_156, %while3A_186 = %get3A_154) : (vector<16xi1>, vector<16xi32>) -> (vector<16xi1>, vector<16xi32>) {
            %reduce_or3A = arith.constant 1.000000e+00 : f32
            %reduce_or3A_187 = arith.constant 0.000000e+00 : f32
            %reduce_or3A_188 = vector.broadcast %reduce_or3A : f32 to vector<16xf32>
            %reduce_or3A_189 = vector.broadcast %reduce_or3A_187 : f32 to vector<16xf32>
            %reduce_or3A_190 = arith.select %while3A_185, %reduce_or3A_188, %reduce_or3A_189 : vector<16xi1>, vector<16xf32>
            %reduce_or3A_191 = arith.constant true
            %reduce_or3A_192 = vector.broadcast %reduce_or3A_191 : i1 to vector<16xi1>
            %reduce_or3A_193 = tpu.scan <max>, %reduce_or3A_190 masked %reduce_or3A_192 : vector<16xf32>, vector<16xi1> -> vector<16xf32>
            %reduce_or3A_194 = vector.extract %reduce_or3A_193[15] : f32 from vector<16xf32>
            %reduce_or3A_195 = arith.constant 0.000000e+00 : f32
            %reduce_or3A_196 = arith.cmpf ogt, %reduce_or3A_194, %reduce_or3A_195 : f32
            scf.condition(%reduce_or3A_196) %while3A_185, %while3A_186 : vector<16xi1>, vector<16xi32>
          } do {
          ^bb0(%while3A_185: vector<16xi1>, %while3A_186: vector<16xi32>):
            %gather3A = tpu.vector_load_idx %arg19[%get3A_86] : memref<10240xi32, #tpu.memory_space<vmem>>[vector<16xi32>], vector<16xi32>,
            %bitcast3A = vector.bitcast %gather3A : vector<16xi32> to vector<32xbf16>
            %bitcast3A_187 = vector.bitcast %while3A_186 : vector<16xi32> to vector<32xbf16>
            %max3A = arith.maximumf %bitcast3A, %bitcast3A_187 : vector<32xbf16>
            %bitcast3A_188 = vector.bitcast %max3A : vector<32xbf16> to vector<16xi32>
            tpu.vector_store_idx %arg19[%get3A_86], %bitcast3A_188 masked %while3A_185 : memref<10240xi32, #tpu.memory_space<vmem>>[vector<16xi32>], vector<16xi32>, vector<16xi1>
            %gather3A_189 = tpu.vector_load_idx %arg19[%get3A_86] : memref<10240xi32, #tpu.memory_space<vmem>>[vector<16xi32>], vector<16xi32>,
            %ne3A = arith.cmpi ne, %gather3A_189, %bitcast3A_188 : vector<16xi32>
            %and3A = arith.andi %while3A_185, %ne3A : vector<16xi1>
            scf.yield %and3A, %bitcast3A_188 : vector<16xi1>, vector<16xi32>
          }
          %mul3A_158 = arith.constant 16 : i32
          %mul3A_159 = arith.muli %mul3A_83, %mul3A_158 : i32
          %get3A_160 = arith.constant 5 : i32
          %get3A_161 = arith.index_cast %get3A_160 : i32 to index
          %get3A_162 = arith.index_cast %mul3A_159 : i32 to index
          %get3A_163 = tpu.vector_load %arg8[%get3A_161, %get3A_162] {strides = array<i32>} : memref<8x640xi32, #tpu.memory_space<vmem>>, vector<16xi32>,
          %broadcast_in_dim3A_164 = arith.constant true
          %broadcast_in_dim3A_165 = vector.broadcast %broadcast_in_dim3A_164 : i1 to vector<16xi1>
          %while3A_166:2 = scf.while (%while3A_185 = %broadcast_in_dim3A_165, %while3A_186 = %get3A_163) : (vector<16xi1>, vector<16xi32>) -> (vector<16xi1>, vector<16xi32>) {
            %reduce_or3A = arith.constant 1.000000e+00 : f32
            %reduce_or3A_187 = arith.constant 0.000000e+00 : f32
            %reduce_or3A_188 = vector.broadcast %reduce_or3A : f32 to vector<16xf32>
            %reduce_or3A_189 = vector.broadcast %reduce_or3A_187 : f32 to vector<16xf32>
            %reduce_or3A_190 = arith.select %while3A_185, %reduce_or3A_188, %reduce_or3A_189 : vector<16xi1>, vector<16xf32>
            %reduce_or3A_191 = arith.constant true
            %reduce_or3A_192 = vector.broadcast %reduce_or3A_191 : i1 to vector<16xi1>
            %reduce_or3A_193 = tpu.scan <max>, %reduce_or3A_190 masked %reduce_or3A_192 : vector<16xf32>, vector<16xi1> -> vector<16xf32>
            %reduce_or3A_194 = vector.extract %reduce_or3A_193[15] : f32 from vector<16xf32>
            %reduce_or3A_195 = arith.constant 0.000000e+00 : f32
            %reduce_or3A_196 = arith.cmpf ogt, %reduce_or3A_194, %reduce_or3A_195 : f32
            scf.condition(%reduce_or3A_196) %while3A_185, %while3A_186 : vector<16xi1>, vector<16xi32>
          } do {
          ^bb0(%while3A_185: vector<16xi1>, %while3A_186: vector<16xi32>):
            %gather3A = tpu.vector_load_idx %arg20[%get3A_86] : memref<10240xi32, #tpu.memory_space<vmem>>[vector<16xi32>], vector<16xi32>,
            %bitcast3A = vector.bitcast %gather3A : vector<16xi32> to vector<32xbf16>
            %bitcast3A_187 = vector.bitcast %while3A_186 : vector<16xi32> to vector<32xbf16>
            %max3A = arith.maximumf %bitcast3A, %bitcast3A_187 : vector<32xbf16>
            %bitcast3A_188 = vector.bitcast %max3A : vector<32xbf16> to vector<16xi32>
            tpu.vector_store_idx %arg20[%get3A_86], %bitcast3A_188 masked %while3A_185 : memref<10240xi32, #tpu.memory_space<vmem>>[vector<16xi32>], vector<16xi32>, vector<16xi1>
            %gather3A_189 = tpu.vector_load_idx %arg20[%get3A_86] : memref<10240xi32, #tpu.memory_space<vmem>>[vector<16xi32>], vector<16xi32>,
            %ne3A = arith.cmpi ne, %gather3A_189, %bitcast3A_188 : vector<16xi32>
            %and3A = arith.andi %while3A_185, %ne3A : vector<16xi1>
            scf.yield %and3A, %bitcast3A_188 : vector<16xi1>, vector<16xi32>
          }
          %mul3A_167 = arith.constant 16 : i32
          %mul3A_168 = arith.muli %mul3A_83, %mul3A_167 : i32
          %get3A_169 = arith.constant 6 : i32
          %get3A_170 = arith.index_cast %get3A_169 : i32 to index
          %get3A_171 = arith.index_cast %mul3A_168 : i32 to index
          %get3A_172 = tpu.vector_load %arg8[%get3A_170, %get3A_171] {strides = array<i32>} : memref<8x640xi32, #tpu.memory_space<vmem>>, vector<16xi32>,
          %broadcast_in_dim3A_173 = arith.constant true
          %broadcast_in_dim3A_174 = vector.broadcast %broadcast_in_dim3A_173 : i1 to vector<16xi1>
          %while3A_175:2 = scf.while (%while3A_185 = %broadcast_in_dim3A_174, %while3A_186 = %get3A_172) : (vector<16xi1>, vector<16xi32>) -> (vector<16xi1>, vector<16xi32>) {
            %reduce_or3A = arith.constant 1.000000e+00 : f32
            %reduce_or3A_187 = arith.constant 0.000000e+00 : f32
            %reduce_or3A_188 = vector.broadcast %reduce_or3A : f32 to vector<16xf32>
            %reduce_or3A_189 = vector.broadcast %reduce_or3A_187 : f32 to vector<16xf32>
            %reduce_or3A_190 = arith.select %while3A_185, %reduce_or3A_188, %reduce_or3A_189 : vector<16xi1>, vector<16xf32>
            %reduce_or3A_191 = arith.constant true
            %reduce_or3A_192 = vector.broadcast %reduce_or3A_191 : i1 to vector<16xi1>
            %reduce_or3A_193 = tpu.scan <max>, %reduce_or3A_190 masked %reduce_or3A_192 : vector<16xf32>, vector<16xi1> -> vector<16xf32>
            %reduce_or3A_194 = vector.extract %reduce_or3A_193[15] : f32 from vector<16xf32>
            %reduce_or3A_195 = arith.constant 0.000000e+00 : f32
            %reduce_or3A_196 = arith.cmpf ogt, %reduce_or3A_194, %reduce_or3A_195 : f32
            scf.condition(%reduce_or3A_196) %while3A_185, %while3A_186 : vector<16xi1>, vector<16xi32>
          } do {
          ^bb0(%while3A_185: vector<16xi1>, %while3A_186: vector<16xi32>):
            %gather3A = tpu.vector_load_idx %arg21[%get3A_86] : memref<10240xi32, #tpu.memory_space<vmem>>[vector<16xi32>], vector<16xi32>,
            %bitcast3A = vector.bitcast %gather3A : vector<16xi32> to vector<32xbf16>
            %bitcast3A_187 = vector.bitcast %while3A_186 : vector<16xi32> to vector<32xbf16>
            %max3A = arith.maximumf %bitcast3A, %bitcast3A_187 : vector<32xbf16>
            %bitcast3A_188 = vector.bitcast %max3A : vector<32xbf16> to vector<16xi32>
            tpu.vector_store_idx %arg21[%get3A_86], %bitcast3A_188 masked %while3A_185 : memref<10240xi32, #tpu.memory_space<vmem>>[vector<16xi32>], vector<16xi32>, vector<16xi1>
            %gather3A_189 = tpu.vector_load_idx %arg21[%get3A_86] : memref<10240xi32, #tpu.memory_space<vmem>>[vector<16xi32>], vector<16xi32>,
            %ne3A = arith.cmpi ne, %gather3A_189, %bitcast3A_188 : vector<16xi32>
            %and3A = arith.andi %while3A_185, %ne3A : vector<16xi1>
            scf.yield %and3A, %bitcast3A_188 : vector<16xi1>, vector<16xi32>
          }
          %mul3A_176 = arith.constant 16 : i32
          %mul3A_177 = arith.muli %mul3A_83, %mul3A_176 : i32
          %get3A_178 = arith.constant 7 : i32
          %get3A_179 = arith.index_cast %get3A_178 : i32 to index
          %get3A_180 = arith.index_cast %mul3A_177 : i32 to index
          %get3A_181 = tpu.vector_load %arg8[%get3A_179, %get3A_180] {strides = array<i32>} : memref<8x640xi32, #tpu.memory_space<vmem>>, vector<16xi32>,
          %broadcast_in_dim3A_182 = arith.constant true
          %broadcast_in_dim3A_183 = vector.broadcast %broadcast_in_dim3A_182 : i1 to vector<16xi1>
          %while3A_184:2 = scf.while (%while3A_185 = %broadcast_in_dim3A_183, %while3A_186 = %get3A_181) : (vector<16xi1>, vector<16xi32>) -> (vector<16xi1>, vector<16xi32>) {
            %reduce_or3A = arith.constant 1.000000e+00 : f32
            %reduce_or3A_187 = arith.constant 0.000000e+00 : f32
            %reduce_or3A_188 = vector.broadcast %reduce_or3A : f32 to vector<16xf32>
            %reduce_or3A_189 = vector.broadcast %reduce_or3A_187 : f32 to vector<16xf32>
            %reduce_or3A_190 = arith.select %while3A_185, %reduce_or3A_188, %reduce_or3A_189 : vector<16xi1>, vector<16xf32>
            %reduce_or3A_191 = arith.constant true
            %reduce_or3A_192 = vector.broadcast %reduce_or3A_191 : i1 to vector<16xi1>
            %reduce_or3A_193 = tpu.scan <max>, %reduce_or3A_190 masked %reduce_or3A_192 : vector<16xf32>, vector<16xi1> -> vector<16xf32>
            %reduce_or3A_194 = vector.extract %reduce_or3A_193[15] : f32 from vector<16xf32>
            %reduce_or3A_195 = arith.constant 0.000000e+00 : f32
            %reduce_or3A_196 = arith.cmpf ogt, %reduce_or3A_194, %reduce_or3A_195 : f32
            scf.condition(%reduce_or3A_196) %while3A_185, %while3A_186 : vector<16xi1>, vector<16xi32>
          } do {
          ^bb0(%while3A_185: vector<16xi1>, %while3A_186: vector<16xi32>):
            %gather3A = tpu.vector_load_idx %arg22[%get3A_86] : memref<10240xi32, #tpu.memory_space<vmem>>[vector<16xi32>], vector<16xi32>,
            %bitcast3A = vector.bitcast %gather3A : vector<16xi32> to vector<32xbf16>
            %bitcast3A_187 = vector.bitcast %while3A_186 : vector<16xi32> to vector<32xbf16>
            %max3A = arith.maximumf %bitcast3A, %bitcast3A_187 : vector<32xbf16>
            %bitcast3A_188 = vector.bitcast %max3A : vector<32xbf16> to vector<16xi32>
            tpu.vector_store_idx %arg22[%get3A_86], %bitcast3A_188 masked %while3A_185 : memref<10240xi32, #tpu.memory_space<vmem>>[vector<16xi32>], vector<16xi32>, vector<16xi1>
            %gather3A_189 = tpu.vector_load_idx %arg22[%get3A_86] : memref<10240xi32, #tpu.memory_space<vmem>>[vector<16xi32>], vector<16xi32>,
            %ne3A = arith.cmpi ne, %gather3A_189, %bitcast3A_188 : vector<16xi32>
            %and3A = arith.andi %while3A_185, %ne3A : vector<16xi1>
            scf.yield %and3A, %bitcast3A_188 : vector<16xi1>, vector<16xi32>
          }
        }
        %mul3A_95 = arith.constant 2 : i32
        %mul3A_96 = arith.muli %scan3A_80, %mul3A_95 : i32
        %add3A_97 = arith.constant 1 : i32
        %add3A_98 = arith.addi %mul3A_96, %add3A_97 : i32
        %mul3A_99 = arith.constant 16 : i32
        %mul3A_100 = arith.muli %add3A_98, %mul3A_99 : i32
        %get3A_101 = arith.index_cast %mul3A_100 : i32 to index
        %get3A_102 = tpu.vector_load %arg6[%get3A_101] {strides = array<i32>} : memref<640xi32, #tpu.memory_space<vmem>>, vector<16xi32>,
        %mul3A_103 = arith.constant 16 : i32
        %mul3A_104 = arith.muli %add3A_98, %mul3A_103 : i32
        %get3A_105 = arith.index_cast %mul3A_104 : i32 to index
        %get3A_106 = tpu.vector_load %arg10[%get3A_105] {strides = array<i32>} : memref<640xi32, #tpu.memory_space<vmem>>, vector<16xi32>,
        %slice3A_107 = vector.extract_strided_slice %get3A_106 {offsets = [0], sizes = [1], strides = [1]} : vector<16xi32> to vector<1xi32>
        %squeeze3A_108 = vector.extract %slice3A_107[0] : i32 from vector<1xi32>
        %eq3A_109 = arith.constant 16 : i32
        %eq3A_110 = arith.cmpi eq, %squeeze3A_108, %eq3A_109 : i32
        %convert_element_type3A_111 = arith.extui %eq3A_110 : i1 to i32
        %cond3A_112 = arith.constant 0 : i32
        %cond3A_113 = arith.cmpi ne, %convert_element_type3A_111, %cond3A_112 : i32
        scf.if %cond3A_113 {
          %mul3A_115 = arith.constant 16 : i32
          %mul3A_116 = arith.muli %add3A_98, %mul3A_115 : i32
          %get3A_117 = arith.constant 0 : i32
          %get3A_118 = arith.index_cast %get3A_117 : i32 to index
          %get3A_119 = arith.index_cast %mul3A_116 : i32 to index
          %get3A_120 = tpu.vector_load %arg8[%get3A_118, %get3A_119] {strides = array<i32>} : memref<8x640xi32, #tpu.memory_space<vmem>>, vector<16xi32>,
          %gather3A = tpu.vector_load_idx %arg15[%get3A_102] : memref<10240xi32, #tpu.memory_space<vmem>>[vector<16xi32>], vector<16xi32>,
          %bitcast3A = vector.bitcast %gather3A : vector<16xi32> to vector<32xbf16>
          %bitcast3A_121 = vector.bitcast %get3A_120 : vector<16xi32> to vector<32xbf16>
          %max3A = arith.maximumf %bitcast3A, %bitcast3A_121 : vector<32xbf16>
          %bitcast3A_122 = vector.bitcast %max3A : vector<32xbf16> to vector<16xi32>
          tpu.vector_store_idx %arg15[%get3A_102], %bitcast3A_122 : memref<10240xi32, #tpu.memory_space<vmem>>[vector<16xi32>], vector<16xi32>,
          %mul3A_123 = arith.constant 16 : i32
          %mul3A_124 = arith.muli %add3A_98, %mul3A_123 : i32
          %get3A_125 = arith.constant 1 : i32
          %get3A_126 = arith.index_cast %get3A_125 : i32 to index
          %get3A_127 = arith.index_cast %mul3A_124 : i32 to index
          %get3A_128 = tpu.vector_load %arg8[%get3A_126, %get3A_127] {strides = array<i32>} : memref<8x640xi32, #tpu.memory_space<vmem>>, vector<16xi32>,
          %gather3A_129 = tpu.vector_load_idx %arg16[%get3A_102] : memref<10240xi32, #tpu.memory_space<vmem>>[vector<16xi32>], vector<16xi32>,
          %bitcast3A_130 = vector.bitcast %gather3A_129 : vector<16xi32> to vector<32xbf16>
          %bitcast3A_131 = vector.bitcast %get3A_128 : vector<16xi32> to vector<32xbf16>
          %max3A_132 = arith.maximumf %bitcast3A_130, %bitcast3A_131 : vector<32xbf16>
          %bitcast3A_133 = vector.bitcast %max3A_132 : vector<32xbf16> to vector<16xi32>
          tpu.vector_store_idx %arg16[%get3A_102], %bitcast3A_133 : memref<10240xi32, #tpu.memory_space<vmem>>[vector<16xi32>], vector<16xi32>,
          %mul3A_134 = arith.constant 16 : i32
          %mul3A_135 = arith.muli %add3A_98, %mul3A_134 : i32
          %get3A_136 = arith.constant 2 : i32
          %get3A_137 = arith.index_cast %get3A_136 : i32 to index
          %get3A_138 = arith.index_cast %mul3A_135 : i32 to index
          %get3A_139 = tpu.vector_load %arg8[%get3A_137, %get3A_138] {strides = array<i32>} : memref<8x640xi32, #tpu.memory_space<vmem>>, vector<16xi32>,
          %gather3A_140 = tpu.vector_load_idx %arg17[%get3A_102] : memref<10240xi32, #tpu.memory_space<vmem>>[vector<16xi32>], vector<16xi32>,
          %bitcast3A_141 = vector.bitcast %gather3A_140 : vector<16xi32> to vector<32xbf16>
          %bitcast3A_142 = vector.bitcast %get3A_139 : vector<16xi32> to vector<32xbf16>
          %max3A_143 = arith.maximumf %bitcast3A_141, %bitcast3A_142 : vector<32xbf16>
          %bitcast3A_144 = vector.bitcast %max3A_143 : vector<32xbf16> to vector<16xi32>
          tpu.vector_store_idx %arg17[%get3A_102], %bitcast3A_144 : memref<10240xi32, #tpu.memory_space<vmem>>[vector<16xi32>], vector<16xi32>,
          %mul3A_145 = arith.constant 16 : i32
          %mul3A_146 = arith.muli %add3A_98, %mul3A_145 : i32
          %get3A_147 = arith.constant 3 : i32
          %get3A_148 = arith.index_cast %get3A_147 : i32 to index
          %get3A_149 = arith.index_cast %mul3A_146 : i32 to index
          %get3A_150 = tpu.vector_load %arg8[%get3A_148, %get3A_149] {strides = array<i32>} : memref<8x640xi32, #tpu.memory_space<vmem>>, vector<16xi32>,
          %gather3A_151 = tpu.vector_load_idx %arg18[%get3A_102] : memref<10240xi32, #tpu.memory_space<vmem>>[vector<16xi32>], vector<16xi32>,
          %bitcast3A_152 = vector.bitcast %gather3A_151 : vector<16xi32> to vector<32xbf16>
          %bitcast3A_153 = vector.bitcast %get3A_150 : vector<16xi32> to vector<32xbf16>
          %max3A_154 = arith.maximumf %bitcast3A_152, %bitcast3A_153 : vector<32xbf16>
          %bitcast3A_155 = vector.bitcast %max3A_154 : vector<32xbf16> to vector<16xi32>
          tpu.vector_store_idx %arg18[%get3A_102], %bitcast3A_155 : memref<10240xi32, #tpu.memory_space<vmem>>[vector<16xi32>], vector<16xi32>,
          %mul3A_156 = arith.constant 16 : i32
          %mul3A_157 = arith.muli %add3A_98, %mul3A_156 : i32
          %get3A_158 = arith.constant 4 : i32
          %get3A_159 = arith.index_cast %get3A_158 : i32 to index
          %get3A_160 = arith.index_cast %mul3A_157 : i32 to index
          %get3A_161 = tpu.vector_load %arg8[%get3A_159, %get3A_160] {strides = array<i32>} : memref<8x640xi32, #tpu.memory_space<vmem>>, vector<16xi32>,
          %gather3A_162 = tpu.vector_load_idx %arg19[%get3A_102] : memref<10240xi32, #tpu.memory_space<vmem>>[vector<16xi32>], vector<16xi32>,
          %bitcast3A_163 = vector.bitcast %gather3A_162 : vector<16xi32> to vector<32xbf16>
          %bitcast3A_164 = vector.bitcast %get3A_161 : vector<16xi32> to vector<32xbf16>
          %max3A_165 = arith.maximumf %bitcast3A_163, %bitcast3A_164 : vector<32xbf16>
          %bitcast3A_166 = vector.bitcast %max3A_165 : vector<32xbf16> to vector<16xi32>
          tpu.vector_store_idx %arg19[%get3A_102], %bitcast3A_166 : memref<10240xi32, #tpu.memory_space<vmem>>[vector<16xi32>], vector<16xi32>,
          %mul3A_167 = arith.constant 16 : i32
          %mul3A_168 = arith.muli %add3A_98, %mul3A_167 : i32
          %get3A_169 = arith.constant 5 : i32
          %get3A_170 = arith.index_cast %get3A_169 : i32 to index
          %get3A_171 = arith.index_cast %mul3A_168 : i32 to index
          %get3A_172 = tpu.vector_load %arg8[%get3A_170, %get3A_171] {strides = array<i32>} : memref<8x640xi32, #tpu.memory_space<vmem>>, vector<16xi32>,
          %gather3A_173 = tpu.vector_load_idx %arg20[%get3A_102] : memref<10240xi32, #tpu.memory_space<vmem>>[vector<16xi32>], vector<16xi32>,
          %bitcast3A_174 = vector.bitcast %gather3A_173 : vector<16xi32> to vector<32xbf16>
          %bitcast3A_175 = vector.bitcast %get3A_172 : vector<16xi32> to vector<32xbf16>
          %max3A_176 = arith.maximumf %bitcast3A_174, %bitcast3A_175 : vector<32xbf16>
          %bitcast3A_177 = vector.bitcast %max3A_176 : vector<32xbf16> to vector<16xi32>
          tpu.vector_store_idx %arg20[%get3A_102], %bitcast3A_177 : memref<10240xi32, #tpu.memory_space<vmem>>[vector<16xi32>], vector<16xi32>,
          %mul3A_178 = arith.constant 16 : i32
          %mul3A_179 = arith.muli %add3A_98, %mul3A_178 : i32
          %get3A_180 = arith.constant 6 : i32
          %get3A_181 = arith.index_cast %get3A_180 : i32 to index
          %get3A_182 = arith.index_cast %mul3A_179 : i32 to index
          %get3A_183 = tpu.vector_load %arg8[%get3A_181, %get3A_182] {strides = array<i32>} : memref<8x640xi32, #tpu.memory_space<vmem>>, vector<16xi32>,
          %gather3A_184 = tpu.vector_load_idx %arg21[%get3A_102] : memref<10240xi32, #tpu.memory_space<vmem>>[vector<16xi32>], vector<16xi32>,
          %bitcast3A_185 = vector.bitcast %gather3A_184 : vector<16xi32> to vector<32xbf16>
          %bitcast3A_186 = vector.bitcast %get3A_183 : vector<16xi32> to vector<32xbf16>
          %max3A_187 = arith.maximumf %bitcast3A_185, %bitcast3A_186 : vector<32xbf16>
          %bitcast3A_188 = vector.bitcast %max3A_187 : vector<32xbf16> to vector<16xi32>
          tpu.vector_store_idx %arg21[%get3A_102], %bitcast3A_188 : memref<10240xi32, #tpu.memory_space<vmem>>[vector<16xi32>], vector<16xi32>,
          %mul3A_189 = arith.constant 16 : i32
          %mul3A_190 = arith.muli %add3A_98, %mul3A_189 : i32
          %get3A_191 = arith.constant 7 : i32
          %get3A_192 = arith.index_cast %get3A_191 : i32 to index
          %get3A_193 = arith.index_cast %mul3A_190 : i32 to index
          %get3A_194 = tpu.vector_load %arg8[%get3A_192, %get3A_193] {strides = array<i32>} : memref<8x640xi32, #tpu.memory_space<vmem>>, vector<16xi32>,
          %gather3A_195 = tpu.vector_load_idx %arg22[%get3A_102] : memref<10240xi32, #tpu.memory_space<vmem>>[vector<16xi32>], vector<16xi32>,
          %bitcast3A_196 = vector.bitcast %gather3A_195 : vector<16xi32> to vector<32xbf16>
          %bitcast3A_197 = vector.bitcast %get3A_194 : vector<16xi32> to vector<32xbf16>
          %max3A_198 = arith.maximumf %bitcast3A_196, %bitcast3A_197 : vector<32xbf16>
          %bitcast3A_199 = vector.bitcast %max3A_198 : vector<32xbf16> to vector<16xi32>
          tpu.vector_store_idx %arg22[%get3A_102], %bitcast3A_199 : memref<10240xi32, #tpu.memory_space<vmem>>[vector<16xi32>], vector<16xi32>,
        } else {
          %mul3A_115 = arith.constant 16 : i32
          %mul3A_116 = arith.muli %add3A_98, %mul3A_115 : i32
          %get3A_117 = arith.constant 0 : i32
          %get3A_118 = arith.index_cast %get3A_117 : i32 to index
          %get3A_119 = arith.index_cast %mul3A_116 : i32 to index
          %get3A_120 = tpu.vector_load %arg8[%get3A_118, %get3A_119] {strides = array<i32>} : memref<8x640xi32, #tpu.memory_space<vmem>>, vector<16xi32>,
          %broadcast_in_dim3A = arith.constant true
          %broadcast_in_dim3A_121 = vector.broadcast %broadcast_in_dim3A : i1 to vector<16xi1>
          %while3A:2 = scf.while (%while3A_185 = %broadcast_in_dim3A_121, %while3A_186 = %get3A_120) : (vector<16xi1>, vector<16xi32>) -> (vector<16xi1>, vector<16xi32>) {
            %reduce_or3A = arith.constant 1.000000e+00 : f32
            %reduce_or3A_187 = arith.constant 0.000000e+00 : f32
            %reduce_or3A_188 = vector.broadcast %reduce_or3A : f32 to vector<16xf32>
            %reduce_or3A_189 = vector.broadcast %reduce_or3A_187 : f32 to vector<16xf32>
            %reduce_or3A_190 = arith.select %while3A_185, %reduce_or3A_188, %reduce_or3A_189 : vector<16xi1>, vector<16xf32>
            %reduce_or3A_191 = arith.constant true
            %reduce_or3A_192 = vector.broadcast %reduce_or3A_191 : i1 to vector<16xi1>
            %reduce_or3A_193 = tpu.scan <max>, %reduce_or3A_190 masked %reduce_or3A_192 : vector<16xf32>, vector<16xi1> -> vector<16xf32>
            %reduce_or3A_194 = vector.extract %reduce_or3A_193[15] : f32 from vector<16xf32>
            %reduce_or3A_195 = arith.constant 0.000000e+00 : f32
            %reduce_or3A_196 = arith.cmpf ogt, %reduce_or3A_194, %reduce_or3A_195 : f32
            scf.condition(%reduce_or3A_196) %while3A_185, %while3A_186 : vector<16xi1>, vector<16xi32>
          } do {
          ^bb0(%while3A_185: vector<16xi1>, %while3A_186: vector<16xi32>):
            %gather3A = tpu.vector_load_idx %arg15[%get3A_102] : memref<10240xi32, #tpu.memory_space<vmem>>[vector<16xi32>], vector<16xi32>,
            %bitcast3A = vector.bitcast %gather3A : vector<16xi32> to vector<32xbf16>
            %bitcast3A_187 = vector.bitcast %while3A_186 : vector<16xi32> to vector<32xbf16>
            %max3A = arith.maximumf %bitcast3A, %bitcast3A_187 : vector<32xbf16>
            %bitcast3A_188 = vector.bitcast %max3A : vector<32xbf16> to vector<16xi32>
            tpu.vector_store_idx %arg15[%get3A_102], %bitcast3A_188 masked %while3A_185 : memref<10240xi32, #tpu.memory_space<vmem>>[vector<16xi32>], vector<16xi32>, vector<16xi1>
            %gather3A_189 = tpu.vector_load_idx %arg15[%get3A_102] : memref<10240xi32, #tpu.memory_space<vmem>>[vector<16xi32>], vector<16xi32>,
            %ne3A = arith.cmpi ne, %gather3A_189, %bitcast3A_188 : vector<16xi32>
            %and3A = arith.andi %while3A_185, %ne3A : vector<16xi1>
            scf.yield %and3A, %bitcast3A_188 : vector<16xi1>, vector<16xi32>
          }
          %mul3A_122 = arith.constant 16 : i32
          %mul3A_123 = arith.muli %add3A_98, %mul3A_122 : i32
          %get3A_124 = arith.constant 1 : i32
          %get3A_125 = arith.index_cast %get3A_124 : i32 to index
          %get3A_126 = arith.index_cast %mul3A_123 : i32 to index
          %get3A_127 = tpu.vector_load %arg8[%get3A_125, %get3A_126] {strides = array<i32>} : memref<8x640xi32, #tpu.memory_space<vmem>>, vector<16xi32>,
          %broadcast_in_dim3A_128 = arith.constant true
          %broadcast_in_dim3A_129 = vector.broadcast %broadcast_in_dim3A_128 : i1 to vector<16xi1>
          %while3A_130:2 = scf.while (%while3A_185 = %broadcast_in_dim3A_129, %while3A_186 = %get3A_127) : (vector<16xi1>, vector<16xi32>) -> (vector<16xi1>, vector<16xi32>) {
            %reduce_or3A = arith.constant 1.000000e+00 : f32
            %reduce_or3A_187 = arith.constant 0.000000e+00 : f32
            %reduce_or3A_188 = vector.broadcast %reduce_or3A : f32 to vector<16xf32>
            %reduce_or3A_189 = vector.broadcast %reduce_or3A_187 : f32 to vector<16xf32>
            %reduce_or3A_190 = arith.select %while3A_185, %reduce_or3A_188, %reduce_or3A_189 : vector<16xi1>, vector<16xf32>
            %reduce_or3A_191 = arith.constant true
            %reduce_or3A_192 = vector.broadcast %reduce_or3A_191 : i1 to vector<16xi1>
            %reduce_or3A_193 = tpu.scan <max>, %reduce_or3A_190 masked %reduce_or3A_192 : vector<16xf32>, vector<16xi1> -> vector<16xf32>
            %reduce_or3A_194 = vector.extract %reduce_or3A_193[15] : f32 from vector<16xf32>
            %reduce_or3A_195 = arith.constant 0.000000e+00 : f32
            %reduce_or3A_196 = arith.cmpf ogt, %reduce_or3A_194, %reduce_or3A_195 : f32
            scf.condition(%reduce_or3A_196) %while3A_185, %while3A_186 : vector<16xi1>, vector<16xi32>
          } do {
          ^bb0(%while3A_185: vector<16xi1>, %while3A_186: vector<16xi32>):
            %gather3A = tpu.vector_load_idx %arg16[%get3A_102] : memref<10240xi32, #tpu.memory_space<vmem>>[vector<16xi32>], vector<16xi32>,
            %bitcast3A = vector.bitcast %gather3A : vector<16xi32> to vector<32xbf16>
            %bitcast3A_187 = vector.bitcast %while3A_186 : vector<16xi32> to vector<32xbf16>
            %max3A = arith.maximumf %bitcast3A, %bitcast3A_187 : vector<32xbf16>
            %bitcast3A_188 = vector.bitcast %max3A : vector<32xbf16> to vector<16xi32>
            tpu.vector_store_idx %arg16[%get3A_102], %bitcast3A_188 masked %while3A_185 : memref<10240xi32, #tpu.memory_space<vmem>>[vector<16xi32>], vector<16xi32>, vector<16xi1>
            %gather3A_189 = tpu.vector_load_idx %arg16[%get3A_102] : memref<10240xi32, #tpu.memory_space<vmem>>[vector<16xi32>], vector<16xi32>,
            %ne3A = arith.cmpi ne, %gather3A_189, %bitcast3A_188 : vector<16xi32>
            %and3A = arith.andi %while3A_185, %ne3A : vector<16xi1>
            scf.yield %and3A, %bitcast3A_188 : vector<16xi1>, vector<16xi32>
          }
          %mul3A_131 = arith.constant 16 : i32
          %mul3A_132 = arith.muli %add3A_98, %mul3A_131 : i32
          %get3A_133 = arith.constant 2 : i32
          %get3A_134 = arith.index_cast %get3A_133 : i32 to index
          %get3A_135 = arith.index_cast %mul3A_132 : i32 to index
          %get3A_136 = tpu.vector_load %arg8[%get3A_134, %get3A_135] {strides = array<i32>} : memref<8x640xi32, #tpu.memory_space<vmem>>, vector<16xi32>,
          %broadcast_in_dim3A_137 = arith.constant true
          %broadcast_in_dim3A_138 = vector.broadcast %broadcast_in_dim3A_137 : i1 to vector<16xi1>
          %while3A_139:2 = scf.while (%while3A_185 = %broadcast_in_dim3A_138, %while3A_186 = %get3A_136) : (vector<16xi1>, vector<16xi32>) -> (vector<16xi1>, vector<16xi32>) {
            %reduce_or3A = arith.constant 1.000000e+00 : f32
            %reduce_or3A_187 = arith.constant 0.000000e+00 : f32
            %reduce_or3A_188 = vector.broadcast %reduce_or3A : f32 to vector<16xf32>
            %reduce_or3A_189 = vector.broadcast %reduce_or3A_187 : f32 to vector<16xf32>
            %reduce_or3A_190 = arith.select %while3A_185, %reduce_or3A_188, %reduce_or3A_189 : vector<16xi1>, vector<16xf32>
            %reduce_or3A_191 = arith.constant true
            %reduce_or3A_192 = vector.broadcast %reduce_or3A_191 : i1 to vector<16xi1>
            %reduce_or3A_193 = tpu.scan <max>, %reduce_or3A_190 masked %reduce_or3A_192 : vector<16xf32>, vector<16xi1> -> vector<16xf32>
            %reduce_or3A_194 = vector.extract %reduce_or3A_193[15] : f32 from vector<16xf32>
            %reduce_or3A_195 = arith.constant 0.000000e+00 : f32
            %reduce_or3A_196 = arith.cmpf ogt, %reduce_or3A_194, %reduce_or3A_195 : f32
            scf.condition(%reduce_or3A_196) %while3A_185, %while3A_186 : vector<16xi1>, vector<16xi32>
          } do {
          ^bb0(%while3A_185: vector<16xi1>, %while3A_186: vector<16xi32>):
            %gather3A = tpu.vector_load_idx %arg17[%get3A_102] : memref<10240xi32, #tpu.memory_space<vmem>>[vector<16xi32>], vector<16xi32>,
            %bitcast3A = vector.bitcast %gather3A : vector<16xi32> to vector<32xbf16>
            %bitcast3A_187 = vector.bitcast %while3A_186 : vector<16xi32> to vector<32xbf16>
            %max3A = arith.maximumf %bitcast3A, %bitcast3A_187 : vector<32xbf16>
            %bitcast3A_188 = vector.bitcast %max3A : vector<32xbf16> to vector<16xi32>
            tpu.vector_store_idx %arg17[%get3A_102], %bitcast3A_188 masked %while3A_185 : memref<10240xi32, #tpu.memory_space<vmem>>[vector<16xi32>], vector<16xi32>, vector<16xi1>
            %gather3A_189 = tpu.vector_load_idx %arg17[%get3A_102] : memref<10240xi32, #tpu.memory_space<vmem>>[vector<16xi32>], vector<16xi32>,
            %ne3A = arith.cmpi ne, %gather3A_189, %bitcast3A_188 : vector<16xi32>
            %and3A = arith.andi %while3A_185, %ne3A : vector<16xi1>
            scf.yield %and3A, %bitcast3A_188 : vector<16xi1>, vector<16xi32>
          }
          %mul3A_140 = arith.constant 16 : i32
          %mul3A_141 = arith.muli %add3A_98, %mul3A_140 : i32
          %get3A_142 = arith.constant 3 : i32
          %get3A_143 = arith.index_cast %get3A_142 : i32 to index
          %get3A_144 = arith.index_cast %mul3A_141 : i32 to index
          %get3A_145 = tpu.vector_load %arg8[%get3A_143, %get3A_144] {strides = array<i32>} : memref<8x640xi32, #tpu.memory_space<vmem>>, vector<16xi32>,
          %broadcast_in_dim3A_146 = arith.constant true
          %broadcast_in_dim3A_147 = vector.broadcast %broadcast_in_dim3A_146 : i1 to vector<16xi1>
          %while3A_148:2 = scf.while (%while3A_185 = %broadcast_in_dim3A_147, %while3A_186 = %get3A_145) : (vector<16xi1>, vector<16xi32>) -> (vector<16xi1>, vector<16xi32>) {
            %reduce_or3A = arith.constant 1.000000e+00 : f32
            %reduce_or3A_187 = arith.constant 0.000000e+00 : f32
            %reduce_or3A_188 = vector.broadcast %reduce_or3A : f32 to vector<16xf32>
            %reduce_or3A_189 = vector.broadcast %reduce_or3A_187 : f32 to vector<16xf32>
            %reduce_or3A_190 = arith.select %while3A_185, %reduce_or3A_188, %reduce_or3A_189 : vector<16xi1>, vector<16xf32>
            %reduce_or3A_191 = arith.constant true
            %reduce_or3A_192 = vector.broadcast %reduce_or3A_191 : i1 to vector<16xi1>
            %reduce_or3A_193 = tpu.scan <max>, %reduce_or3A_190 masked %reduce_or3A_192 : vector<16xf32>, vector<16xi1> -> vector<16xf32>
            %reduce_or3A_194 = vector.extract %reduce_or3A_193[15] : f32 from vector<16xf32>
            %reduce_or3A_195 = arith.constant 0.000000e+00 : f32
            %reduce_or3A_196 = arith.cmpf ogt, %reduce_or3A_194, %reduce_or3A_195 : f32
            scf.condition(%reduce_or3A_196) %while3A_185, %while3A_186 : vector<16xi1>, vector<16xi32>
          } do {
          ^bb0(%while3A_185: vector<16xi1>, %while3A_186: vector<16xi32>):
            %gather3A = tpu.vector_load_idx %arg18[%get3A_102] : memref<10240xi32, #tpu.memory_space<vmem>>[vector<16xi32>], vector<16xi32>,
            %bitcast3A = vector.bitcast %gather3A : vector<16xi32> to vector<32xbf16>
            %bitcast3A_187 = vector.bitcast %while3A_186 : vector<16xi32> to vector<32xbf16>
            %max3A = arith.maximumf %bitcast3A, %bitcast3A_187 : vector<32xbf16>
            %bitcast3A_188 = vector.bitcast %max3A : vector<32xbf16> to vector<16xi32>
            tpu.vector_store_idx %arg18[%get3A_102], %bitcast3A_188 masked %while3A_185 : memref<10240xi32, #tpu.memory_space<vmem>>[vector<16xi32>], vector<16xi32>, vector<16xi1>
            %gather3A_189 = tpu.vector_load_idx %arg18[%get3A_102] : memref<10240xi32, #tpu.memory_space<vmem>>[vector<16xi32>], vector<16xi32>,
            %ne3A = arith.cmpi ne, %gather3A_189, %bitcast3A_188 : vector<16xi32>
            %and3A = arith.andi %while3A_185, %ne3A : vector<16xi1>
            scf.yield %and3A, %bitcast3A_188 : vector<16xi1>, vector<16xi32>
          }
          %mul3A_149 = arith.constant 16 : i32
          %mul3A_150 = arith.muli %add3A_98, %mul3A_149 : i32
          %get3A_151 = arith.constant 4 : i32
          %get3A_152 = arith.index_cast %get3A_151 : i32 to index
          %get3A_153 = arith.index_cast %mul3A_150 : i32 to index
          %get3A_154 = tpu.vector_load %arg8[%get3A_152, %get3A_153] {strides = array<i32>} : memref<8x640xi32, #tpu.memory_space<vmem>>, vector<16xi32>,
          %broadcast_in_dim3A_155 = arith.constant true
          %broadcast_in_dim3A_156 = vector.broadcast %broadcast_in_dim3A_155 : i1 to vector<16xi1>
          %while3A_157:2 = scf.while (%while3A_185 = %broadcast_in_dim3A_156, %while3A_186 = %get3A_154) : (vector<16xi1>, vector<16xi32>) -> (vector<16xi1>, vector<16xi32>) {
            %reduce_or3A = arith.constant 1.000000e+00 : f32
            %reduce_or3A_187 = arith.constant 0.000000e+00 : f32
            %reduce_or3A_188 = vector.broadcast %reduce_or3A : f32 to vector<16xf32>
            %reduce_or3A_189 = vector.broadcast %reduce_or3A_187 : f32 to vector<16xf32>
            %reduce_or3A_190 = arith.select %while3A_185, %reduce_or3A_188, %reduce_or3A_189 : vector<16xi1>, vector<16xf32>
            %reduce_or3A_191 = arith.constant true
            %reduce_or3A_192 = vector.broadcast %reduce_or3A_191 : i1 to vector<16xi1>
            %reduce_or3A_193 = tpu.scan <max>, %reduce_or3A_190 masked %reduce_or3A_192 : vector<16xf32>, vector<16xi1> -> vector<16xf32>
            %reduce_or3A_194 = vector.extract %reduce_or3A_193[15] : f32 from vector<16xf32>
            %reduce_or3A_195 = arith.constant 0.000000e+00 : f32
            %reduce_or3A_196 = arith.cmpf ogt, %reduce_or3A_194, %reduce_or3A_195 : f32
            scf.condition(%reduce_or3A_196) %while3A_185, %while3A_186 : vector<16xi1>, vector<16xi32>
          } do {
          ^bb0(%while3A_185: vector<16xi1>, %while3A_186: vector<16xi32>):
            %gather3A = tpu.vector_load_idx %arg19[%get3A_102] : memref<10240xi32, #tpu.memory_space<vmem>>[vector<16xi32>], vector<16xi32>,
            %bitcast3A = vector.bitcast %gather3A : vector<16xi32> to vector<32xbf16>
            %bitcast3A_187 = vector.bitcast %while3A_186 : vector<16xi32> to vector<32xbf16>
            %max3A = arith.maximumf %bitcast3A, %bitcast3A_187 : vector<32xbf16>
            %bitcast3A_188 = vector.bitcast %max3A : vector<32xbf16> to vector<16xi32>
            tpu.vector_store_idx %arg19[%get3A_102], %bitcast3A_188 masked %while3A_185 : memref<10240xi32, #tpu.memory_space<vmem>>[vector<16xi32>], vector<16xi32>, vector<16xi1>
            %gather3A_189 = tpu.vector_load_idx %arg19[%get3A_102] : memref<10240xi32, #tpu.memory_space<vmem>>[vector<16xi32>], vector<16xi32>,
            %ne3A = arith.cmpi ne, %gather3A_189, %bitcast3A_188 : vector<16xi32>
            %and3A = arith.andi %while3A_185, %ne3A : vector<16xi1>
            scf.yield %and3A, %bitcast3A_188 : vector<16xi1>, vector<16xi32>
          }
          %mul3A_158 = arith.constant 16 : i32
          %mul3A_159 = arith.muli %add3A_98, %mul3A_158 : i32
          %get3A_160 = arith.constant 5 : i32
          %get3A_161 = arith.index_cast %get3A_160 : i32 to index
          %get3A_162 = arith.index_cast %mul3A_159 : i32 to index
          %get3A_163 = tpu.vector_load %arg8[%get3A_161, %get3A_162] {strides = array<i32>} : memref<8x640xi32, #tpu.memory_space<vmem>>, vector<16xi32>,
          %broadcast_in_dim3A_164 = arith.constant true
          %broadcast_in_dim3A_165 = vector.broadcast %broadcast_in_dim3A_164 : i1 to vector<16xi1>
          %while3A_166:2 = scf.while (%while3A_185 = %broadcast_in_dim3A_165, %while3A_186 = %get3A_163) : (vector<16xi1>, vector<16xi32>) -> (vector<16xi1>, vector<16xi32>) {
            %reduce_or3A = arith.constant 1.000000e+00 : f32
            %reduce_or3A_187 = arith.constant 0.000000e+00 : f32
            %reduce_or3A_188 = vector.broadcast %reduce_or3A : f32 to vector<16xf32>
            %reduce_or3A_189 = vector.broadcast %reduce_or3A_187 : f32 to vector<16xf32>
            %reduce_or3A_190 = arith.select %while3A_185, %reduce_or3A_188, %reduce_or3A_189 : vector<16xi1>, vector<16xf32>
            %reduce_or3A_191 = arith.constant true
            %reduce_or3A_192 = vector.broadcast %reduce_or3A_191 : i1 to vector<16xi1>
            %reduce_or3A_193 = tpu.scan <max>, %reduce_or3A_190 masked %reduce_or3A_192 : vector<16xf32>, vector<16xi1> -> vector<16xf32>
            %reduce_or3A_194 = vector.extract %reduce_or3A_193[15] : f32 from vector<16xf32>
            %reduce_or3A_195 = arith.constant 0.000000e+00 : f32
            %reduce_or3A_196 = arith.cmpf ogt, %reduce_or3A_194, %reduce_or3A_195 : f32
            scf.condition(%reduce_or3A_196) %while3A_185, %while3A_186 : vector<16xi1>, vector<16xi32>
          } do {
          ^bb0(%while3A_185: vector<16xi1>, %while3A_186: vector<16xi32>):
            %gather3A = tpu.vector_load_idx %arg20[%get3A_102] : memref<10240xi32, #tpu.memory_space<vmem>>[vector<16xi32>], vector<16xi32>,
            %bitcast3A = vector.bitcast %gather3A : vector<16xi32> to vector<32xbf16>
            %bitcast3A_187 = vector.bitcast %while3A_186 : vector<16xi32> to vector<32xbf16>
            %max3A = arith.maximumf %bitcast3A, %bitcast3A_187 : vector<32xbf16>
            %bitcast3A_188 = vector.bitcast %max3A : vector<32xbf16> to vector<16xi32>
            tpu.vector_store_idx %arg20[%get3A_102], %bitcast3A_188 masked %while3A_185 : memref<10240xi32, #tpu.memory_space<vmem>>[vector<16xi32>], vector<16xi32>, vector<16xi1>
            %gather3A_189 = tpu.vector_load_idx %arg20[%get3A_102] : memref<10240xi32, #tpu.memory_space<vmem>>[vector<16xi32>], vector<16xi32>,
            %ne3A = arith.cmpi ne, %gather3A_189, %bitcast3A_188 : vector<16xi32>
            %and3A = arith.andi %while3A_185, %ne3A : vector<16xi1>
            scf.yield %and3A, %bitcast3A_188 : vector<16xi1>, vector<16xi32>
          }
          %mul3A_167 = arith.constant 16 : i32
          %mul3A_168 = arith.muli %add3A_98, %mul3A_167 : i32
          %get3A_169 = arith.constant 6 : i32
          %get3A_170 = arith.index_cast %get3A_169 : i32 to index
          %get3A_171 = arith.index_cast %mul3A_168 : i32 to index
          %get3A_172 = tpu.vector_load %arg8[%get3A_170, %get3A_171] {strides = array<i32>} : memref<8x640xi32, #tpu.memory_space<vmem>>, vector<16xi32>,
          %broadcast_in_dim3A_173 = arith.constant true
          %broadcast_in_dim3A_174 = vector.broadcast %broadcast_in_dim3A_173 : i1 to vector<16xi1>
          %while3A_175:2 = scf.while (%while3A_185 = %broadcast_in_dim3A_174, %while3A_186 = %get3A_172) : (vector<16xi1>, vector<16xi32>) -> (vector<16xi1>, vector<16xi32>) {
            %reduce_or3A = arith.constant 1.000000e+00 : f32
            %reduce_or3A_187 = arith.constant 0.000000e+00 : f32
            %reduce_or3A_188 = vector.broadcast %reduce_or3A : f32 to vector<16xf32>
            %reduce_or3A_189 = vector.broadcast %reduce_or3A_187 : f32 to vector<16xf32>
            %reduce_or3A_190 = arith.select %while3A_185, %reduce_or3A_188, %reduce_or3A_189 : vector<16xi1>, vector<16xf32>
            %reduce_or3A_191 = arith.constant true
            %reduce_or3A_192 = vector.broadcast %reduce_or3A_191 : i1 to vector<16xi1>
            %reduce_or3A_193 = tpu.scan <max>, %reduce_or3A_190 masked %reduce_or3A_192 : vector<16xf32>, vector<16xi1> -> vector<16xf32>
            %reduce_or3A_194 = vector.extract %reduce_or3A_193[15] : f32 from vector<16xf32>
            %reduce_or3A_195 = arith.constant 0.000000e+00 : f32
            %reduce_or3A_196 = arith.cmpf ogt, %reduce_or3A_194, %reduce_or3A_195 : f32
            scf.condition(%reduce_or3A_196) %while3A_185, %while3A_186 : vector<16xi1>, vector<16xi32>
          } do {
          ^bb0(%while3A_185: vector<16xi1>, %while3A_186: vector<16xi32>):
            %gather3A = tpu.vector_load_idx %arg21[%get3A_102] : memref<10240xi32, #tpu.memory_space<vmem>>[vector<16xi32>], vector<16xi32>,
            %bitcast3A = vector.bitcast %gather3A : vector<16xi32> to vector<32xbf16>
            %bitcast3A_187 = vector.bitcast %while3A_186 : vector<16xi32> to vector<32xbf16>
            %max3A = arith.maximumf %bitcast3A, %bitcast3A_187 : vector<32xbf16>
            %bitcast3A_188 = vector.bitcast %max3A : vector<32xbf16> to vector<16xi32>
            tpu.vector_store_idx %arg21[%get3A_102], %bitcast3A_188 masked %while3A_185 : memref<10240xi32, #tpu.memory_space<vmem>>[vector<16xi32>], vector<16xi32>, vector<16xi1>
            %gather3A_189 = tpu.vector_load_idx %arg21[%get3A_102] : memref<10240xi32, #tpu.memory_space<vmem>>[vector<16xi32>], vector<16xi32>,
            %ne3A = arith.cmpi ne, %gather3A_189, %bitcast3A_188 : vector<16xi32>
            %and3A = arith.andi %while3A_185, %ne3A : vector<16xi1>
            scf.yield %and3A, %bitcast3A_188 : vector<16xi1>, vector<16xi32>
          }
          %mul3A_176 = arith.constant 16 : i32
          %mul3A_177 = arith.muli %add3A_98, %mul3A_176 : i32
          %get3A_178 = arith.constant 7 : i32
          %get3A_179 = arith.index_cast %get3A_178 : i32 to index
          %get3A_180 = arith.index_cast %mul3A_177 : i32 to index
          %get3A_181 = tpu.vector_load %arg8[%get3A_179, %get3A_180] {strides = array<i32>} : memref<8x640xi32, #tpu.memory_space<vmem>>, vector<16xi32>,
          %broadcast_in_dim3A_182 = arith.constant true
          %broadcast_in_dim3A_183 = vector.broadcast %broadcast_in_dim3A_182 : i1 to vector<16xi1>
          %while3A_184:2 = scf.while (%while3A_185 = %broadcast_in_dim3A_183, %while3A_186 = %get3A_181) : (vector<16xi1>, vector<16xi32>) -> (vector<16xi1>, vector<16xi32>) {
            %reduce_or3A = arith.constant 1.000000e+00 : f32
            %reduce_or3A_187 = arith.constant 0.000000e+00 : f32
            %reduce_or3A_188 = vector.broadcast %reduce_or3A : f32 to vector<16xf32>
            %reduce_or3A_189 = vector.broadcast %reduce_or3A_187 : f32 to vector<16xf32>
            %reduce_or3A_190 = arith.select %while3A_185, %reduce_or3A_188, %reduce_or3A_189 : vector<16xi1>, vector<16xf32>
            %reduce_or3A_191 = arith.constant true
            %reduce_or3A_192 = vector.broadcast %reduce_or3A_191 : i1 to vector<16xi1>
            %reduce_or3A_193 = tpu.scan <max>, %reduce_or3A_190 masked %reduce_or3A_192 : vector<16xf32>, vector<16xi1> -> vector<16xf32>
            %reduce_or3A_194 = vector.extract %reduce_or3A_193[15] : f32 from vector<16xf32>
            %reduce_or3A_195 = arith.constant 0.000000e+00 : f32
            %reduce_or3A_196 = arith.cmpf ogt, %reduce_or3A_194, %reduce_or3A_195 : f32
            scf.condition(%reduce_or3A_196) %while3A_185, %while3A_186 : vector<16xi1>, vector<16xi32>
          } do {
          ^bb0(%while3A_185: vector<16xi1>, %while3A_186: vector<16xi32>):
            %gather3A = tpu.vector_load_idx %arg22[%get3A_102] : memref<10240xi32, #tpu.memory_space<vmem>>[vector<16xi32>], vector<16xi32>,
            %bitcast3A = vector.bitcast %gather3A : vector<16xi32> to vector<32xbf16>
            %bitcast3A_187 = vector.bitcast %while3A_186 : vector<16xi32> to vector<32xbf16>
            %max3A = arith.maximumf %bitcast3A, %bitcast3A_187 : vector<32xbf16>
            %bitcast3A_188 = vector.bitcast %max3A : vector<32xbf16> to vector<16xi32>
            tpu.vector_store_idx %arg22[%get3A_102], %bitcast3A_188 masked %while3A_185 : memref<10240xi32, #tpu.memory_space<vmem>>[vector<16xi32>], vector<16xi32>, vector<16xi1>
            %gather3A_189 = tpu.vector_load_idx %arg22[%get3A_102] : memref<10240xi32, #tpu.memory_space<vmem>>[vector<16xi32>], vector<16xi32>,
            %ne3A = arith.cmpi ne, %gather3A_189, %bitcast3A_188 : vector<16xi32>
            %and3A = arith.andi %while3A_185, %ne3A : vector<16xi1>
            scf.yield %and3A, %bitcast3A_188 : vector<16xi1>, vector<16xi32>
          }
        }
        %scan3A_114 = arith.constant 0 : i32
        scf.yield %scan3A_114 : i32
      }
      %scan3A_71 = arith.constant 20 : i32
      %add3A_72 = arith.constant 1 : i32
      %add3A_73 = arith.addi %mul3A_50, %add3A_72 : i32
      %lt3A_74 = arith.constant 61 : i32
      %lt3A_75 = arith.cmpi slt, %add3A_73, %lt3A_74 : i32
      %convert_element_type3A_76 = arith.extui %lt3A_75 : i1 to i32
      %cond3A_77 = arith.constant 0 : i32
      %cond3A_78 = arith.cmpi ne, %convert_element_type3A_76, %cond3A_77 : i32
      scf.if %cond3A_78 {
        %dma_wait3A_80 = tpu.memref_slice %arg2[%mul3A_2] : memref<78080xi32, #tpu.memory_space<hbm>> -> memref<640xi32, #tpu.memory_space<hbm>>
        %dma_wait3A_81 = tpu.memref_slice %arg2[%mul3A_2] : memref<78080xi32, #tpu.memory_space<hbm>> -> memref<640xi32, #tpu.memory_space<hbm>>
        tpu.wait_dma2 semaphore(%arg12 : memref<!tpu.dma_semaphore, #tpu.memory_space<semaphore_mem>>) src(%dma_wait3A_81 : memref<640xi32, #tpu.memory_space<hbm>>) dst(%arg7 : memref<640xi32, #tpu.memory_space<vmem>>)
        %dma_wait3A_82 = tpu.memref_slice %arg3[%mul3A_0, %mul3A_2] : memref<128x78080xi32, #tpu.memory_space<hbm>> -> memref<8x640xi32, #tpu.memory_space<hbm>>
        %dma_wait3A_83 = tpu.memref_slice %arg3[%mul3A_0, %mul3A_2] : memref<128x78080xi32, #tpu.memory_space<hbm>> -> memref<8x640xi32, #tpu.memory_space<hbm>>
        tpu.wait_dma2 semaphore(%arg14 : memref<!tpu.dma_semaphore, #tpu.memory_space<semaphore_mem>>) src(%dma_wait3A_83 : memref<8x640xi32, #tpu.memory_space<hbm>>) dst(%arg9 : memref<8x640xi32, #tpu.memory_space<vmem>>)
        %add3A_84 = arith.constant 2 : i32
        %add3A_85 = arith.addi %mul3A_50, %add3A_84 : i32
        %lt3A_86 = arith.constant 61 : i32
        %lt3A_87 = arith.cmpi slt, %add3A_85, %lt3A_86 : i32
        %convert_element_type3A_88 = arith.extui %lt3A_87 : i1 to i32
        %cond3A_89 = arith.constant 0 : i32
        %cond3A_90 = arith.cmpi ne, %convert_element_type3A_88, %cond3A_89 : i32
        scf.if %cond3A_90 {
          %add3A_107 = arith.constant 2 : i32
          %add3A_108 = arith.addi %mul3A_50, %add3A_107 : i32
          %mul3A_109 = arith.constant 640 : i32
          %mul3A_110 = arith.muli %add3A_108, %mul3A_109 : i32
          %add3A_111 = arith.addi %mul3A_2, %mul3A_110 : i32
          %dma_start3A_112 = tpu.memref_slice %arg2[%add3A_111] : memref<78080xi32, #tpu.memory_space<hbm>> -> memref<640xi32, #tpu.memory_space<hbm>>
          %dma_start3A_113 = tpu.memref_slice %arg2[%add3A_111] : memref<78080xi32, #tpu.memory_space<hbm>> -> memref<640xi32, #tpu.memory_space<hbm>>
          tpu.enqueue_dma source(%dma_start3A_113 : memref<640xi32, #tpu.memory_space<hbm>>) target(%arg6 : memref<640xi32, #tpu.memory_space<vmem>>) target_semaphore(%arg11 : memref<!tpu.dma_semaphore, #tpu.memory_space<semaphore_mem>>)
          %mul3A_114 = arith.constant 640 : i32
          %mul3A_115 = arith.muli %add3A_108, %mul3A_114 : i32
          %add3A_116 = arith.addi %mul3A_2, %mul3A_115 : i32
          %dma_start3A_117 = tpu.memref_slice %arg3[%mul3A_0, %add3A_116] : memref<128x78080xi32, #tpu.memory_space<hbm>> -> memref<8x640xi32, #tpu.memory_space<hbm>>
          %dma_start3A_118 = tpu.memref_slice %arg3[%mul3A_0, %add3A_116] : memref<128x78080xi32, #tpu.memory_space<hbm>> -> memref<8x640xi32, #tpu.memory_space<hbm>>
          tpu.enqueue_dma source(%dma_start3A_118 : memref<8x640xi32, #tpu.memory_space<hbm>>) target(%arg8 : memref<8x640xi32, #tpu.memory_space<vmem>>) target_semaphore(%arg13 : memref<!tpu.dma_semaphore, #tpu.memory_space<semaphore_mem>>)
        } else {
        }
        %add3A_91 = arith.constant 1 : i32
        %add3A_92 = arith.addi %mul3A_50, %add3A_91 : i32
        %scan3A_93 = arith.constant 0 : i32
        %scan3A_94 = arith.constant 0 : i32
        %scan3A_95 = arith.constant 40 : i32
        %scan3A_96 = arith.addi %scan3A_94, %scan3A_95 : i32
        %scan3A_97 = arith.constant 1 : i32
        %scan3A_98 = scf.for %scan3A_107 = %scan3A_94 to %scan3A_96 step %scan3A_97 iter_args(%scan3A_108 = %scan3A_93) -> (i32)  : i32 {
          %mul3A_109 = arith.constant 16 : i32
          %mul3A_110 = arith.muli %scan3A_107, %mul3A_109 : i32
          %get3A = arith.index_cast %mul3A_110 : i32 to index
          %get3A_111 = tpu.vector_load %arg7[%get3A] {strides = array<i32>} : memref<640xi32, #tpu.memory_space<vmem>>, vector<16xi32>,
          %broadcast_in_dim3A = arith.constant true
          %broadcast_in_dim3A_112 = vector.broadcast %broadcast_in_dim3A : i1 to vector<16xi1>
          %unique3A, %unique3A_113 = tpu.scan_count mask(%broadcast_in_dim3A_112 : vector<16xi1>) value(%get3A_111 : vector<16xi32>) : vector<16xi1>, vector<16xi32>
          %all_reduce_population_count3A = tpu.all_reduce %unique3A {dim = 0 : i64, kind = #tpu.reduction_kind<sum>} : vector<16xi1> -> vector<16xi32>
          %mul3A_114 = arith.constant 16 : i32
          %mul3A_115 = arith.muli %scan3A_107, %mul3A_114 : i32
          %swap3A = arith.index_cast %mul3A_115 : i32 to index
          %swap3A_116 = tpu.vector_load %arg10[%swap3A] {strides = array<i32>} : memref<640xi32, #tpu.memory_space<vmem>>, vector<16xi32>,
          tpu.vector_store %arg10[%swap3A], %all_reduce_population_count3A {strides = array<i32>} : memref<640xi32, #tpu.memory_space<vmem>>, vector<16xi32>,
          %scan3A_117 = arith.constant 0 : i32
          scf.yield %scan3A_117 : i32
        }
        %scan3A_99 = arith.constant 40 : i32
        %scan3A_100 = arith.constant 0 : i32
        %scan3A_101 = arith.constant 0 : i32
        %scan3A_102 = arith.constant 20 : i32
        %scan3A_103 = arith.addi %scan3A_101, %scan3A_102 : i32
        %scan3A_104 = arith.constant 1 : i32
        %scan3A_105 = scf.for %scan3A_107 = %scan3A_101 to %scan3A_103 step %scan3A_104 iter_args(%scan3A_108 = %scan3A_100) -> (i32)  : i32 {
          %mul3A_109 = arith.constant 2 : i32
          %mul3A_110 = arith.muli %scan3A_107, %mul3A_109 : i32
          %mul3A_111 = arith.constant 16 : i32
          %mul3A_112 = arith.muli %mul3A_110, %mul3A_111 : i32
          %get3A = arith.index_cast %mul3A_112 : i32 to index
          %get3A_113 = tpu.vector_load %arg7[%get3A] {strides = array<i32>} : memref<640xi32, #tpu.memory_space<vmem>>, vector<16xi32>,
          %mul3A_114 = arith.constant 16 : i32
          %mul3A_115 = arith.muli %mul3A_110, %mul3A_114 : i32
          %get3A_116 = arith.index_cast %mul3A_115 : i32 to index
          %get3A_117 = tpu.vector_load %arg10[%get3A_116] {strides = array<i32>} : memref<640xi32, #tpu.memory_space<vmem>>, vector<16xi32>,
          %slice3A = vector.extract_strided_slice %get3A_117 {offsets = [0], sizes = [1], strides = [1]} : vector<16xi32> to vector<1xi32>
          %squeeze3A = vector.extract %slice3A[0] : i32 from vector<1xi32>
          %eq3A = arith.constant 16 : i32
          %eq3A_118 = arith.cmpi eq, %squeeze3A, %eq3A : i32
          %convert_element_type3A_119 = arith.extui %eq3A_118 : i1 to i32
          %cond3A_120 = arith.constant 0 : i32
          %cond3A_121 = arith.cmpi ne, %convert_element_type3A_119, %cond3A_120 : i32
          scf.if %cond3A_121 {
            %mul3A_142 = arith.constant 16 : i32
            %mul3A_143 = arith.muli %mul3A_110, %mul3A_142 : i32
            %get3A_144 = arith.constant 0 : i32
            %get3A_145 = arith.index_cast %get3A_144 : i32 to index
            %get3A_146 = arith.index_cast %mul3A_143 : i32 to index
            %get3A_147 = tpu.vector_load %arg9[%get3A_145, %get3A_146] {strides = array<i32>} : memref<8x640xi32, #tpu.memory_space<vmem>>, vector<16xi32>,
            %gather3A = tpu.vector_load_idx %arg15[%get3A_113] : memref<10240xi32, #tpu.memory_space<vmem>>[vector<16xi32>], vector<16xi32>,
            %bitcast3A = vector.bitcast %gather3A : vector<16xi32> to vector<32xbf16>
            %bitcast3A_148 = vector.bitcast %get3A_147 : vector<16xi32> to vector<32xbf16>
            %max3A = arith.maximumf %bitcast3A, %bitcast3A_148 : vector<32xbf16>
            %bitcast3A_149 = vector.bitcast %max3A : vector<32xbf16> to vector<16xi32>
            tpu.vector_store_idx %arg15[%get3A_113], %bitcast3A_149 : memref<10240xi32, #tpu.memory_space<vmem>>[vector<16xi32>], vector<16xi32>,
            %mul3A_150 = arith.constant 16 : i32
            %mul3A_151 = arith.muli %mul3A_110, %mul3A_150 : i32
            %get3A_152 = arith.constant 1 : i32
            %get3A_153 = arith.index_cast %get3A_152 : i32 to index
            %get3A_154 = arith.index_cast %mul3A_151 : i32 to index
            %get3A_155 = tpu.vector_load %arg9[%get3A_153, %get3A_154] {strides = array<i32>} : memref<8x640xi32, #tpu.memory_space<vmem>>, vector<16xi32>,
            %gather3A_156 = tpu.vector_load_idx %arg16[%get3A_113] : memref<10240xi32, #tpu.memory_space<vmem>>[vector<16xi32>], vector<16xi32>,
            %bitcast3A_157 = vector.bitcast %gather3A_156 : vector<16xi32> to vector<32xbf16>
            %bitcast3A_158 = vector.bitcast %get3A_155 : vector<16xi32> to vector<32xbf16>
            %max3A_159 = arith.maximumf %bitcast3A_157, %bitcast3A_158 : vector<32xbf16>
            %bitcast3A_160 = vector.bitcast %max3A_159 : vector<32xbf16> to vector<16xi32>
            tpu.vector_store_idx %arg16[%get3A_113], %bitcast3A_160 : memref<10240xi32, #tpu.memory_space<vmem>>[vector<16xi32>], vector<16xi32>,
            %mul3A_161 = arith.constant 16 : i32
            %mul3A_162 = arith.muli %mul3A_110, %mul3A_161 : i32
            %get3A_163 = arith.constant 2 : i32
            %get3A_164 = arith.index_cast %get3A_163 : i32 to index
            %get3A_165 = arith.index_cast %mul3A_162 : i32 to index
            %get3A_166 = tpu.vector_load %arg9[%get3A_164, %get3A_165] {strides = array<i32>} : memref<8x640xi32, #tpu.memory_space<vmem>>, vector<16xi32>,
            %gather3A_167 = tpu.vector_load_idx %arg17[%get3A_113] : memref<10240xi32, #tpu.memory_space<vmem>>[vector<16xi32>], vector<16xi32>,
            %bitcast3A_168 = vector.bitcast %gather3A_167 : vector<16xi32> to vector<32xbf16>
            %bitcast3A_169 = vector.bitcast %get3A_166 : vector<16xi32> to vector<32xbf16>
            %max3A_170 = arith.maximumf %bitcast3A_168, %bitcast3A_169 : vector<32xbf16>
            %bitcast3A_171 = vector.bitcast %max3A_170 : vector<32xbf16> to vector<16xi32>
            tpu.vector_store_idx %arg17[%get3A_113], %bitcast3A_171 : memref<10240xi32, #tpu.memory_space<vmem>>[vector<16xi32>], vector<16xi32>,
            %mul3A_172 = arith.constant 16 : i32
            %mul3A_173 = arith.muli %mul3A_110, %mul3A_172 : i32
            %get3A_174 = arith.constant 3 : i32
            %get3A_175 = arith.index_cast %get3A_174 : i32 to index
            %get3A_176 = arith.index_cast %mul3A_173 : i32 to index
            %get3A_177 = tpu.vector_load %arg9[%get3A_175, %get3A_176] {strides = array<i32>} : memref<8x640xi32, #tpu.memory_space<vmem>>, vector<16xi32>,
            %gather3A_178 = tpu.vector_load_idx %arg18[%get3A_113] : memref<10240xi32, #tpu.memory_space<vmem>>[vector<16xi32>], vector<16xi32>,
            %bitcast3A_179 = vector.bitcast %gather3A_178 : vector<16xi32> to vector<32xbf16>
            %bitcast3A_180 = vector.bitcast %get3A_177 : vector<16xi32> to vector<32xbf16>
            %max3A_181 = arith.maximumf %bitcast3A_179, %bitcast3A_180 : vector<32xbf16>
            %bitcast3A_182 = vector.bitcast %max3A_181 : vector<32xbf16> to vector<16xi32>
            tpu.vector_store_idx %arg18[%get3A_113], %bitcast3A_182 : memref<10240xi32, #tpu.memory_space<vmem>>[vector<16xi32>], vector<16xi32>,
            %mul3A_183 = arith.constant 16 : i32
            %mul3A_184 = arith.muli %mul3A_110, %mul3A_183 : i32
            %get3A_185 = arith.constant 4 : i32
            %get3A_186 = arith.index_cast %get3A_185 : i32 to index
            %get3A_187 = arith.index_cast %mul3A_184 : i32 to index
            %get3A_188 = tpu.vector_load %arg9[%get3A_186, %get3A_187] {strides = array<i32>} : memref<8x640xi32, #tpu.memory_space<vmem>>, vector<16xi32>,
            %gather3A_189 = tpu.vector_load_idx %arg19[%get3A_113] : memref<10240xi32, #tpu.memory_space<vmem>>[vector<16xi32>], vector<16xi32>,
            %bitcast3A_190 = vector.bitcast %gather3A_189 : vector<16xi32> to vector<32xbf16>
            %bitcast3A_191 = vector.bitcast %get3A_188 : vector<16xi32> to vector<32xbf16>
            %max3A_192 = arith.maximumf %bitcast3A_190, %bitcast3A_191 : vector<32xbf16>
            %bitcast3A_193 = vector.bitcast %max3A_192 : vector<32xbf16> to vector<16xi32>
            tpu.vector_store_idx %arg19[%get3A_113], %bitcast3A_193 : memref<10240xi32, #tpu.memory_space<vmem>>[vector<16xi32>], vector<16xi32>,
            %mul3A_194 = arith.constant 16 : i32
            %mul3A_195 = arith.muli %mul3A_110, %mul3A_194 : i32
            %get3A_196 = arith.constant 5 : i32
            %get3A_197 = arith.index_cast %get3A_196 : i32 to index
            %get3A_198 = arith.index_cast %mul3A_195 : i32 to index
            %get3A_199 = tpu.vector_load %arg9[%get3A_197, %get3A_198] {strides = array<i32>} : memref<8x640xi32, #tpu.memory_space<vmem>>, vector<16xi32>,
            %gather3A_200 = tpu.vector_load_idx %arg20[%get3A_113] : memref<10240xi32, #tpu.memory_space<vmem>>[vector<16xi32>], vector<16xi32>,
            %bitcast3A_201 = vector.bitcast %gather3A_200 : vector<16xi32> to vector<32xbf16>
            %bitcast3A_202 = vector.bitcast %get3A_199 : vector<16xi32> to vector<32xbf16>
            %max3A_203 = arith.maximumf %bitcast3A_201, %bitcast3A_202 : vector<32xbf16>
            %bitcast3A_204 = vector.bitcast %max3A_203 : vector<32xbf16> to vector<16xi32>
            tpu.vector_store_idx %arg20[%get3A_113], %bitcast3A_204 : memref<10240xi32, #tpu.memory_space<vmem>>[vector<16xi32>], vector<16xi32>,
            %mul3A_205 = arith.constant 16 : i32
            %mul3A_206 = arith.muli %mul3A_110, %mul3A_205 : i32
            %get3A_207 = arith.constant 6 : i32
            %get3A_208 = arith.index_cast %get3A_207 : i32 to index
            %get3A_209 = arith.index_cast %mul3A_206 : i32 to index
            %get3A_210 = tpu.vector_load %arg9[%get3A_208, %get3A_209] {strides = array<i32>} : memref<8x640xi32, #tpu.memory_space<vmem>>, vector<16xi32>,
            %gather3A_211 = tpu.vector_load_idx %arg21[%get3A_113] : memref<10240xi32, #tpu.memory_space<vmem>>[vector<16xi32>], vector<16xi32>,
            %bitcast3A_212 = vector.bitcast %gather3A_211 : vector<16xi32> to vector<32xbf16>
            %bitcast3A_213 = vector.bitcast %get3A_210 : vector<16xi32> to vector<32xbf16>
            %max3A_214 = arith.maximumf %bitcast3A_212, %bitcast3A_213 : vector<32xbf16>
            %bitcast3A_215 = vector.bitcast %max3A_214 : vector<32xbf16> to vector<16xi32>
            tpu.vector_store_idx %arg21[%get3A_113], %bitcast3A_215 : memref<10240xi32, #tpu.memory_space<vmem>>[vector<16xi32>], vector<16xi32>,
            %mul3A_216 = arith.constant 16 : i32
            %mul3A_217 = arith.muli %mul3A_110, %mul3A_216 : i32
            %get3A_218 = arith.constant 7 : i32
            %get3A_219 = arith.index_cast %get3A_218 : i32 to index
            %get3A_220 = arith.index_cast %mul3A_217 : i32 to index
            %get3A_221 = tpu.vector_load %arg9[%get3A_219, %get3A_220] {strides = array<i32>} : memref<8x640xi32, #tpu.memory_space<vmem>>, vector<16xi32>,
            %gather3A_222 = tpu.vector_load_idx %arg22[%get3A_113] : memref<10240xi32, #tpu.memory_space<vmem>>[vector<16xi32>], vector<16xi32>,
            %bitcast3A_223 = vector.bitcast %gather3A_222 : vector<16xi32> to vector<32xbf16>
            %bitcast3A_224 = vector.bitcast %get3A_221 : vector<16xi32> to vector<32xbf16>
            %max3A_225 = arith.maximumf %bitcast3A_223, %bitcast3A_224 : vector<32xbf16>
            %bitcast3A_226 = vector.bitcast %max3A_225 : vector<32xbf16> to vector<16xi32>
            tpu.vector_store_idx %arg22[%get3A_113], %bitcast3A_226 : memref<10240xi32, #tpu.memory_space<vmem>>[vector<16xi32>], vector<16xi32>,
          } else {
            %mul3A_142 = arith.constant 16 : i32
            %mul3A_143 = arith.muli %mul3A_110, %mul3A_142 : i32
            %get3A_144 = arith.constant 0 : i32
            %get3A_145 = arith.index_cast %get3A_144 : i32 to index
            %get3A_146 = arith.index_cast %mul3A_143 : i32 to index
            %get3A_147 = tpu.vector_load %arg9[%get3A_145, %get3A_146] {strides = array<i32>} : memref<8x640xi32, #tpu.memory_space<vmem>>, vector<16xi32>,
            %broadcast_in_dim3A = arith.constant true
            %broadcast_in_dim3A_148 = vector.broadcast %broadcast_in_dim3A : i1 to vector<16xi1>
            %while3A:2 = scf.while (%while3A_212 = %broadcast_in_dim3A_148, %while3A_213 = %get3A_147) : (vector<16xi1>, vector<16xi32>) -> (vector<16xi1>, vector<16xi32>) {
              %reduce_or3A = arith.constant 1.000000e+00 : f32
              %reduce_or3A_214 = arith.constant 0.000000e+00 : f32
              %reduce_or3A_215 = vector.broadcast %reduce_or3A : f32 to vector<16xf32>
              %reduce_or3A_216 = vector.broadcast %reduce_or3A_214 : f32 to vector<16xf32>
              %reduce_or3A_217 = arith.select %while3A_212, %reduce_or3A_215, %reduce_or3A_216 : vector<16xi1>, vector<16xf32>
              %reduce_or3A_218 = arith.constant true
              %reduce_or3A_219 = vector.broadcast %reduce_or3A_218 : i1 to vector<16xi1>
              %reduce_or3A_220 = tpu.scan <max>, %reduce_or3A_217 masked %reduce_or3A_219 : vector<16xf32>, vector<16xi1> -> vector<16xf32>
              %reduce_or3A_221 = vector.extract %reduce_or3A_220[15] : f32 from vector<16xf32>
              %reduce_or3A_222 = arith.constant 0.000000e+00 : f32
              %reduce_or3A_223 = arith.cmpf ogt, %reduce_or3A_221, %reduce_or3A_222 : f32
              scf.condition(%reduce_or3A_223) %while3A_212, %while3A_213 : vector<16xi1>, vector<16xi32>
            } do {
            ^bb0(%while3A_212: vector<16xi1>, %while3A_213: vector<16xi32>):
              %gather3A = tpu.vector_load_idx %arg15[%get3A_113] : memref<10240xi32, #tpu.memory_space<vmem>>[vector<16xi32>], vector<16xi32>,
              %bitcast3A = vector.bitcast %gather3A : vector<16xi32> to vector<32xbf16>
              %bitcast3A_214 = vector.bitcast %while3A_213 : vector<16xi32> to vector<32xbf16>
              %max3A = arith.maximumf %bitcast3A, %bitcast3A_214 : vector<32xbf16>
              %bitcast3A_215 = vector.bitcast %max3A : vector<32xbf16> to vector<16xi32>
              tpu.vector_store_idx %arg15[%get3A_113], %bitcast3A_215 masked %while3A_212 : memref<10240xi32, #tpu.memory_space<vmem>>[vector<16xi32>], vector<16xi32>, vector<16xi1>
              %gather3A_216 = tpu.vector_load_idx %arg15[%get3A_113] : memref<10240xi32, #tpu.memory_space<vmem>>[vector<16xi32>], vector<16xi32>,
              %ne3A = arith.cmpi ne, %gather3A_216, %bitcast3A_215 : vector<16xi32>
              %and3A = arith.andi %while3A_212, %ne3A : vector<16xi1>
              scf.yield %and3A, %bitcast3A_215 : vector<16xi1>, vector<16xi32>
            }
            %mul3A_149 = arith.constant 16 : i32
            %mul3A_150 = arith.muli %mul3A_110, %mul3A_149 : i32
            %get3A_151 = arith.constant 1 : i32
            %get3A_152 = arith.index_cast %get3A_151 : i32 to index
            %get3A_153 = arith.index_cast %mul3A_150 : i32 to index
            %get3A_154 = tpu.vector_load %arg9[%get3A_152, %get3A_153] {strides = array<i32>} : memref<8x640xi32, #tpu.memory_space<vmem>>, vector<16xi32>,
            %broadcast_in_dim3A_155 = arith.constant true
            %broadcast_in_dim3A_156 = vector.broadcast %broadcast_in_dim3A_155 : i1 to vector<16xi1>
            %while3A_157:2 = scf.while (%while3A_212 = %broadcast_in_dim3A_156, %while3A_213 = %get3A_154) : (vector<16xi1>, vector<16xi32>) -> (vector<16xi1>, vector<16xi32>) {
              %reduce_or3A = arith.constant 1.000000e+00 : f32
              %reduce_or3A_214 = arith.constant 0.000000e+00 : f32
              %reduce_or3A_215 = vector.broadcast %reduce_or3A : f32 to vector<16xf32>
              %reduce_or3A_216 = vector.broadcast %reduce_or3A_214 : f32 to vector<16xf32>
              %reduce_or3A_217 = arith.select %while3A_212, %reduce_or3A_215, %reduce_or3A_216 : vector<16xi1>, vector<16xf32>
              %reduce_or3A_218 = arith.constant true
              %reduce_or3A_219 = vector.broadcast %reduce_or3A_218 : i1 to vector<16xi1>
              %reduce_or3A_220 = tpu.scan <max>, %reduce_or3A_217 masked %reduce_or3A_219 : vector<16xf32>, vector<16xi1> -> vector<16xf32>
              %reduce_or3A_221 = vector.extract %reduce_or3A_220[15] : f32 from vector<16xf32>
              %reduce_or3A_222 = arith.constant 0.000000e+00 : f32
              %reduce_or3A_223 = arith.cmpf ogt, %reduce_or3A_221, %reduce_or3A_222 : f32
              scf.condition(%reduce_or3A_223) %while3A_212, %while3A_213 : vector<16xi1>, vector<16xi32>
            } do {
            ^bb0(%while3A_212: vector<16xi1>, %while3A_213: vector<16xi32>):
              %gather3A = tpu.vector_load_idx %arg16[%get3A_113] : memref<10240xi32, #tpu.memory_space<vmem>>[vector<16xi32>], vector<16xi32>,
              %bitcast3A = vector.bitcast %gather3A : vector<16xi32> to vector<32xbf16>
              %bitcast3A_214 = vector.bitcast %while3A_213 : vector<16xi32> to vector<32xbf16>
              %max3A = arith.maximumf %bitcast3A, %bitcast3A_214 : vector<32xbf16>
              %bitcast3A_215 = vector.bitcast %max3A : vector<32xbf16> to vector<16xi32>
              tpu.vector_store_idx %arg16[%get3A_113], %bitcast3A_215 masked %while3A_212 : memref<10240xi32, #tpu.memory_space<vmem>>[vector<16xi32>], vector<16xi32>, vector<16xi1>
              %gather3A_216 = tpu.vector_load_idx %arg16[%get3A_113] : memref<10240xi32, #tpu.memory_space<vmem>>[vector<16xi32>], vector<16xi32>,
              %ne3A = arith.cmpi ne, %gather3A_216, %bitcast3A_215 : vector<16xi32>
              %and3A = arith.andi %while3A_212, %ne3A : vector<16xi1>
              scf.yield %and3A, %bitcast3A_215 : vector<16xi1>, vector<16xi32>
            }
            %mul3A_158 = arith.constant 16 : i32
            %mul3A_159 = arith.muli %mul3A_110, %mul3A_158 : i32
            %get3A_160 = arith.constant 2 : i32
            %get3A_161 = arith.index_cast %get3A_160 : i32 to index
            %get3A_162 = arith.index_cast %mul3A_159 : i32 to index
            %get3A_163 = tpu.vector_load %arg9[%get3A_161, %get3A_162] {strides = array<i32>} : memref<8x640xi32, #tpu.memory_space<vmem>>, vector<16xi32>,
            %broadcast_in_dim3A_164 = arith.constant true
            %broadcast_in_dim3A_165 = vector.broadcast %broadcast_in_dim3A_164 : i1 to vector<16xi1>
            %while3A_166:2 = scf.while (%while3A_212 = %broadcast_in_dim3A_165, %while3A_213 = %get3A_163) : (vector<16xi1>, vector<16xi32>) -> (vector<16xi1>, vector<16xi32>) {
              %reduce_or3A = arith.constant 1.000000e+00 : f32
              %reduce_or3A_214 = arith.constant 0.000000e+00 : f32
              %reduce_or3A_215 = vector.broadcast %reduce_or3A : f32 to vector<16xf32>
              %reduce_or3A_216 = vector.broadcast %reduce_or3A_214 : f32 to vector<16xf32>
              %reduce_or3A_217 = arith.select %while3A_212, %reduce_or3A_215, %reduce_or3A_216 : vector<16xi1>, vector<16xf32>
              %reduce_or3A_218 = arith.constant true
              %reduce_or3A_219 = vector.broadcast %reduce_or3A_218 : i1 to vector<16xi1>
              %reduce_or3A_220 = tpu.scan <max>, %reduce_or3A_217 masked %reduce_or3A_219 : vector<16xf32>, vector<16xi1> -> vector<16xf32>
              %reduce_or3A_221 = vector.extract %reduce_or3A_220[15] : f32 from vector<16xf32>
              %reduce_or3A_222 = arith.constant 0.000000e+00 : f32
              %reduce_or3A_223 = arith.cmpf ogt, %reduce_or3A_221, %reduce_or3A_222 : f32
              scf.condition(%reduce_or3A_223) %while3A_212, %while3A_213 : vector<16xi1>, vector<16xi32>
            } do {
            ^bb0(%while3A_212: vector<16xi1>, %while3A_213: vector<16xi32>):
              %gather3A = tpu.vector_load_idx %arg17[%get3A_113] : memref<10240xi32, #tpu.memory_space<vmem>>[vector<16xi32>], vector<16xi32>,
              %bitcast3A = vector.bitcast %gather3A : vector<16xi32> to vector<32xbf16>
              %bitcast3A_214 = vector.bitcast %while3A_213 : vector<16xi32> to vector<32xbf16>
              %max3A = arith.maximumf %bitcast3A, %bitcast3A_214 : vector<32xbf16>
              %bitcast3A_215 = vector.bitcast %max3A : vector<32xbf16> to vector<16xi32>
              tpu.vector_store_idx %arg17[%get3A_113], %bitcast3A_215 masked %while3A_212 : memref<10240xi32, #tpu.memory_space<vmem>>[vector<16xi32>], vector<16xi32>, vector<16xi1>
              %gather3A_216 = tpu.vector_load_idx %arg17[%get3A_113] : memref<10240xi32, #tpu.memory_space<vmem>>[vector<16xi32>], vector<16xi32>,
              %ne3A = arith.cmpi ne, %gather3A_216, %bitcast3A_215 : vector<16xi32>
              %and3A = arith.andi %while3A_212, %ne3A : vector<16xi1>
              scf.yield %and3A, %bitcast3A_215 : vector<16xi1>, vector<16xi32>
            }
            %mul3A_167 = arith.constant 16 : i32
            %mul3A_168 = arith.muli %mul3A_110, %mul3A_167 : i32
            %get3A_169 = arith.constant 3 : i32
            %get3A_170 = arith.index_cast %get3A_169 : i32 to index
            %get3A_171 = arith.index_cast %mul3A_168 : i32 to index
            %get3A_172 = tpu.vector_load %arg9[%get3A_170, %get3A_171] {strides = array<i32>} : memref<8x640xi32, #tpu.memory_space<vmem>>, vector<16xi32>,
            %broadcast_in_dim3A_173 = arith.constant true
            %broadcast_in_dim3A_174 = vector.broadcast %broadcast_in_dim3A_173 : i1 to vector<16xi1>
            %while3A_175:2 = scf.while (%while3A_212 = %broadcast_in_dim3A_174, %while3A_213 = %get3A_172) : (vector<16xi1>, vector<16xi32>) -> (vector<16xi1>, vector<16xi32>) {
              %reduce_or3A = arith.constant 1.000000e+00 : f32
              %reduce_or3A_214 = arith.constant 0.000000e+00 : f32
              %reduce_or3A_215 = vector.broadcast %reduce_or3A : f32 to vector<16xf32>
              %reduce_or3A_216 = vector.broadcast %reduce_or3A_214 : f32 to vector<16xf32>
              %reduce_or3A_217 = arith.select %while3A_212, %reduce_or3A_215, %reduce_or3A_216 : vector<16xi1>, vector<16xf32>
              %reduce_or3A_218 = arith.constant true
              %reduce_or3A_219 = vector.broadcast %reduce_or3A_218 : i1 to vector<16xi1>
              %reduce_or3A_220 = tpu.scan <max>, %reduce_or3A_217 masked %reduce_or3A_219 : vector<16xf32>, vector<16xi1> -> vector<16xf32>
              %reduce_or3A_221 = vector.extract %reduce_or3A_220[15] : f32 from vector<16xf32>
              %reduce_or3A_222 = arith.constant 0.000000e+00 : f32
              %reduce_or3A_223 = arith.cmpf ogt, %reduce_or3A_221, %reduce_or3A_222 : f32
              scf.condition(%reduce_or3A_223) %while3A_212, %while3A_213 : vector<16xi1>, vector<16xi32>
            } do {
            ^bb0(%while3A_212: vector<16xi1>, %while3A_213: vector<16xi32>):
              %gather3A = tpu.vector_load_idx %arg18[%get3A_113] : memref<10240xi32, #tpu.memory_space<vmem>>[vector<16xi32>], vector<16xi32>,
              %bitcast3A = vector.bitcast %gather3A : vector<16xi32> to vector<32xbf16>
              %bitcast3A_214 = vector.bitcast %while3A_213 : vector<16xi32> to vector<32xbf16>
              %max3A = arith.maximumf %bitcast3A, %bitcast3A_214 : vector<32xbf16>
              %bitcast3A_215 = vector.bitcast %max3A : vector<32xbf16> to vector<16xi32>
              tpu.vector_store_idx %arg18[%get3A_113], %bitcast3A_215 masked %while3A_212 : memref<10240xi32, #tpu.memory_space<vmem>>[vector<16xi32>], vector<16xi32>, vector<16xi1>
              %gather3A_216 = tpu.vector_load_idx %arg18[%get3A_113] : memref<10240xi32, #tpu.memory_space<vmem>>[vector<16xi32>], vector<16xi32>,
              %ne3A = arith.cmpi ne, %gather3A_216, %bitcast3A_215 : vector<16xi32>
              %and3A = arith.andi %while3A_212, %ne3A : vector<16xi1>
              scf.yield %and3A, %bitcast3A_215 : vector<16xi1>, vector<16xi32>
            }
            %mul3A_176 = arith.constant 16 : i32
            %mul3A_177 = arith.muli %mul3A_110, %mul3A_176 : i32
            %get3A_178 = arith.constant 4 : i32
            %get3A_179 = arith.index_cast %get3A_178 : i32 to index
            %get3A_180 = arith.index_cast %mul3A_177 : i32 to index
            %get3A_181 = tpu.vector_load %arg9[%get3A_179, %get3A_180] {strides = array<i32>} : memref<8x640xi32, #tpu.memory_space<vmem>>, vector<16xi32>,
            %broadcast_in_dim3A_182 = arith.constant true
            %broadcast_in_dim3A_183 = vector.broadcast %broadcast_in_dim3A_182 : i1 to vector<16xi1>
            %while3A_184:2 = scf.while (%while3A_212 = %broadcast_in_dim3A_183, %while3A_213 = %get3A_181) : (vector<16xi1>, vector<16xi32>) -> (vector<16xi1>, vector<16xi32>) {
              %reduce_or3A = arith.constant 1.000000e+00 : f32
              %reduce_or3A_214 = arith.constant 0.000000e+00 : f32
              %reduce_or3A_215 = vector.broadcast %reduce_or3A : f32 to vector<16xf32>
              %reduce_or3A_216 = vector.broadcast %reduce_or3A_214 : f32 to vector<16xf32>
              %reduce_or3A_217 = arith.select %while3A_212, %reduce_or3A_215, %reduce_or3A_216 : vector<16xi1>, vector<16xf32>
              %reduce_or3A_218 = arith.constant true
              %reduce_or3A_219 = vector.broadcast %reduce_or3A_218 : i1 to vector<16xi1>
              %reduce_or3A_220 = tpu.scan <max>, %reduce_or3A_217 masked %reduce_or3A_219 : vector<16xf32>, vector<16xi1> -> vector<16xf32>
              %reduce_or3A_221 = vector.extract %reduce_or3A_220[15] : f32 from vector<16xf32>
              %reduce_or3A_222 = arith.constant 0.000000e+00 : f32
              %reduce_or3A_223 = arith.cmpf ogt, %reduce_or3A_221, %reduce_or3A_222 : f32
              scf.condition(%reduce_or3A_223) %while3A_212, %while3A_213 : vector<16xi1>, vector<16xi32>
            } do {
            ^bb0(%while3A_212: vector<16xi1>, %while3A_213: vector<16xi32>):
              %gather3A = tpu.vector_load_idx %arg19[%get3A_113] : memref<10240xi32, #tpu.memory_space<vmem>>[vector<16xi32>], vector<16xi32>,
              %bitcast3A = vector.bitcast %gather3A : vector<16xi32> to vector<32xbf16>
              %bitcast3A_214 = vector.bitcast %while3A_213 : vector<16xi32> to vector<32xbf16>
              %max3A = arith.maximumf %bitcast3A, %bitcast3A_214 : vector<32xbf16>
              %bitcast3A_215 = vector.bitcast %max3A : vector<32xbf16> to vector<16xi32>
              tpu.vector_store_idx %arg19[%get3A_113], %bitcast3A_215 masked %while3A_212 : memref<10240xi32, #tpu.memory_space<vmem>>[vector<16xi32>], vector<16xi32>, vector<16xi1>
              %gather3A_216 = tpu.vector_load_idx %arg19[%get3A_113] : memref<10240xi32, #tpu.memory_space<vmem>>[vector<16xi32>], vector<16xi32>,
              %ne3A = arith.cmpi ne, %gather3A_216, %bitcast3A_215 : vector<16xi32>
              %and3A = arith.andi %while3A_212, %ne3A : vector<16xi1>
              scf.yield %and3A, %bitcast3A_215 : vector<16xi1>, vector<16xi32>
            }
            %mul3A_185 = arith.constant 16 : i32
            %mul3A_186 = arith.muli %mul3A_110, %mul3A_185 : i32
            %get3A_187 = arith.constant 5 : i32
            %get3A_188 = arith.index_cast %get3A_187 : i32 to index
            %get3A_189 = arith.index_cast %mul3A_186 : i32 to index
            %get3A_190 = tpu.vector_load %arg9[%get3A_188, %get3A_189] {strides = array<i32>} : memref<8x640xi32, #tpu.memory_space<vmem>>, vector<16xi32>,
            %broadcast_in_dim3A_191 = arith.constant true
            %broadcast_in_dim3A_192 = vector.broadcast %broadcast_in_dim3A_191 : i1 to vector<16xi1>
            %while3A_193:2 = scf.while (%while3A_212 = %broadcast_in_dim3A_192, %while3A_213 = %get3A_190) : (vector<16xi1>, vector<16xi32>) -> (vector<16xi1>, vector<16xi32>) {
              %reduce_or3A = arith.constant 1.000000e+00 : f32
              %reduce_or3A_214 = arith.constant 0.000000e+00 : f32
              %reduce_or3A_215 = vector.broadcast %reduce_or3A : f32 to vector<16xf32>
              %reduce_or3A_216 = vector.broadcast %reduce_or3A_214 : f32 to vector<16xf32>
              %reduce_or3A_217 = arith.select %while3A_212, %reduce_or3A_215, %reduce_or3A_216 : vector<16xi1>, vector<16xf32>
              %reduce_or3A_218 = arith.constant true
              %reduce_or3A_219 = vector.broadcast %reduce_or3A_218 : i1 to vector<16xi1>
              %reduce_or3A_220 = tpu.scan <max>, %reduce_or3A_217 masked %reduce_or3A_219 : vector<16xf32>, vector<16xi1> -> vector<16xf32>
              %reduce_or3A_221 = vector.extract %reduce_or3A_220[15] : f32 from vector<16xf32>
              %reduce_or3A_222 = arith.constant 0.000000e+00 : f32
              %reduce_or3A_223 = arith.cmpf ogt, %reduce_or3A_221, %reduce_or3A_222 : f32
              scf.condition(%reduce_or3A_223) %while3A_212, %while3A_213 : vector<16xi1>, vector<16xi32>
            } do {
            ^bb0(%while3A_212: vector<16xi1>, %while3A_213: vector<16xi32>):
              %gather3A = tpu.vector_load_idx %arg20[%get3A_113] : memref<10240xi32, #tpu.memory_space<vmem>>[vector<16xi32>], vector<16xi32>,
              %bitcast3A = vector.bitcast %gather3A : vector<16xi32> to vector<32xbf16>
              %bitcast3A_214 = vector.bitcast %while3A_213 : vector<16xi32> to vector<32xbf16>
              %max3A = arith.maximumf %bitcast3A, %bitcast3A_214 : vector<32xbf16>
              %bitcast3A_215 = vector.bitcast %max3A : vector<32xbf16> to vector<16xi32>
              tpu.vector_store_idx %arg20[%get3A_113], %bitcast3A_215 masked %while3A_212 : memref<10240xi32, #tpu.memory_space<vmem>>[vector<16xi32>], vector<16xi32>, vector<16xi1>
              %gather3A_216 = tpu.vector_load_idx %arg20[%get3A_113] : memref<10240xi32, #tpu.memory_space<vmem>>[vector<16xi32>], vector<16xi32>,
              %ne3A = arith.cmpi ne, %gather3A_216, %bitcast3A_215 : vector<16xi32>
              %and3A = arith.andi %while3A_212, %ne3A : vector<16xi1>
              scf.yield %and3A, %bitcast3A_215 : vector<16xi1>, vector<16xi32>
            }
            %mul3A_194 = arith.constant 16 : i32
            %mul3A_195 = arith.muli %mul3A_110, %mul3A_194 : i32
            %get3A_196 = arith.constant 6 : i32
            %get3A_197 = arith.index_cast %get3A_196 : i32 to index
            %get3A_198 = arith.index_cast %mul3A_195 : i32 to index
            %get3A_199 = tpu.vector_load %arg9[%get3A_197, %get3A_198] {strides = array<i32>} : memref<8x640xi32, #tpu.memory_space<vmem>>, vector<16xi32>,
            %broadcast_in_dim3A_200 = arith.constant true
            %broadcast_in_dim3A_201 = vector.broadcast %broadcast_in_dim3A_200 : i1 to vector<16xi1>
            %while3A_202:2 = scf.while (%while3A_212 = %broadcast_in_dim3A_201, %while3A_213 = %get3A_199) : (vector<16xi1>, vector<16xi32>) -> (vector<16xi1>, vector<16xi32>) {
              %reduce_or3A = arith.constant 1.000000e+00 : f32
              %reduce_or3A_214 = arith.constant 0.000000e+00 : f32
              %reduce_or3A_215 = vector.broadcast %reduce_or3A : f32 to vector<16xf32>
              %reduce_or3A_216 = vector.broadcast %reduce_or3A_214 : f32 to vector<16xf32>
              %reduce_or3A_217 = arith.select %while3A_212, %reduce_or3A_215, %reduce_or3A_216 : vector<16xi1>, vector<16xf32>
              %reduce_or3A_218 = arith.constant true
              %reduce_or3A_219 = vector.broadcast %reduce_or3A_218 : i1 to vector<16xi1>
              %reduce_or3A_220 = tpu.scan <max>, %reduce_or3A_217 masked %reduce_or3A_219 : vector<16xf32>, vector<16xi1> -> vector<16xf32>
              %reduce_or3A_221 = vector.extract %reduce_or3A_220[15] : f32 from vector<16xf32>
              %reduce_or3A_222 = arith.constant 0.000000e+00 : f32
              %reduce_or3A_223 = arith.cmpf ogt, %reduce_or3A_221, %reduce_or3A_222 : f32
              scf.condition(%reduce_or3A_223) %while3A_212, %while3A_213 : vector<16xi1>, vector<16xi32>
            } do {
            ^bb0(%while3A_212: vector<16xi1>, %while3A_213: vector<16xi32>):
              %gather3A = tpu.vector_load_idx %arg21[%get3A_113] : memref<10240xi32, #tpu.memory_space<vmem>>[vector<16xi32>], vector<16xi32>,
              %bitcast3A = vector.bitcast %gather3A : vector<16xi32> to vector<32xbf16>
              %bitcast3A_214 = vector.bitcast %while3A_213 : vector<16xi32> to vector<32xbf16>
              %max3A = arith.maximumf %bitcast3A, %bitcast3A_214 : vector<32xbf16>
              %bitcast3A_215 = vector.bitcast %max3A : vector<32xbf16> to vector<16xi32>
              tpu.vector_store_idx %arg21[%get3A_113], %bitcast3A_215 masked %while3A_212 : memref<10240xi32, #tpu.memory_space<vmem>>[vector<16xi32>], vector<16xi32>, vector<16xi1>
              %gather3A_216 = tpu.vector_load_idx %arg21[%get3A_113] : memref<10240xi32, #tpu.memory_space<vmem>>[vector<16xi32>], vector<16xi32>,
              %ne3A = arith.cmpi ne, %gather3A_216, %bitcast3A_215 : vector<16xi32>
              %and3A = arith.andi %while3A_212, %ne3A : vector<16xi1>
              scf.yield %and3A, %bitcast3A_215 : vector<16xi1>, vector<16xi32>
            }
            %mul3A_203 = arith.constant 16 : i32
            %mul3A_204 = arith.muli %mul3A_110, %mul3A_203 : i32
            %get3A_205 = arith.constant 7 : i32
            %get3A_206 = arith.index_cast %get3A_205 : i32 to index
            %get3A_207 = arith.index_cast %mul3A_204 : i32 to index
            %get3A_208 = tpu.vector_load %arg9[%get3A_206, %get3A_207] {strides = array<i32>} : memref<8x640xi32, #tpu.memory_space<vmem>>, vector<16xi32>,
            %broadcast_in_dim3A_209 = arith.constant true
            %broadcast_in_dim3A_210 = vector.broadcast %broadcast_in_dim3A_209 : i1 to vector<16xi1>
            %while3A_211:2 = scf.while (%while3A_212 = %broadcast_in_dim3A_210, %while3A_213 = %get3A_208) : (vector<16xi1>, vector<16xi32>) -> (vector<16xi1>, vector<16xi32>) {
              %reduce_or3A = arith.constant 1.000000e+00 : f32
              %reduce_or3A_214 = arith.constant 0.000000e+00 : f32
              %reduce_or3A_215 = vector.broadcast %reduce_or3A : f32 to vector<16xf32>
              %reduce_or3A_216 = vector.broadcast %reduce_or3A_214 : f32 to vector<16xf32>
              %reduce_or3A_217 = arith.select %while3A_212, %reduce_or3A_215, %reduce_or3A_216 : vector<16xi1>, vector<16xf32>
              %reduce_or3A_218 = arith.constant true
              %reduce_or3A_219 = vector.broadcast %reduce_or3A_218 : i1 to vector<16xi1>
              %reduce_or3A_220 = tpu.scan <max>, %reduce_or3A_217 masked %reduce_or3A_219 : vector<16xf32>, vector<16xi1> -> vector<16xf32>
              %reduce_or3A_221 = vector.extract %reduce_or3A_220[15] : f32 from vector<16xf32>
              %reduce_or3A_222 = arith.constant 0.000000e+00 : f32
              %reduce_or3A_223 = arith.cmpf ogt, %reduce_or3A_221, %reduce_or3A_222 : f32
              scf.condition(%reduce_or3A_223) %while3A_212, %while3A_213 : vector<16xi1>, vector<16xi32>
            } do {
            ^bb0(%while3A_212: vector<16xi1>, %while3A_213: vector<16xi32>):
              %gather3A = tpu.vector_load_idx %arg22[%get3A_113] : memref<10240xi32, #tpu.memory_space<vmem>>[vector<16xi32>], vector<16xi32>,
              %bitcast3A = vector.bitcast %gather3A : vector<16xi32> to vector<32xbf16>
              %bitcast3A_214 = vector.bitcast %while3A_213 : vector<16xi32> to vector<32xbf16>
              %max3A = arith.maximumf %bitcast3A, %bitcast3A_214 : vector<32xbf16>
              %bitcast3A_215 = vector.bitcast %max3A : vector<32xbf16> to vector<16xi32>
              tpu.vector_store_idx %arg22[%get3A_113], %bitcast3A_215 masked %while3A_212 : memref<10240xi32, #tpu.memory_space<vmem>>[vector<16xi32>], vector<16xi32>, vector<16xi1>
              %gather3A_216 = tpu.vector_load_idx %arg22[%get3A_113] : memref<10240xi32, #tpu.memory_space<vmem>>[vector<16xi32>], vector<16xi32>,
              %ne3A = arith.cmpi ne, %gather3A_216, %bitcast3A_215 : vector<16xi32>
              %and3A = arith.andi %while3A_212, %ne3A : vector<16xi1>
              scf.yield %and3A, %bitcast3A_215 : vector<16xi1>, vector<16xi32>
            }
          }
          %mul3A_122 = arith.constant 2 : i32
          %mul3A_123 = arith.muli %scan3A_107, %mul3A_122 : i32
          %add3A_124 = arith.constant 1 : i32
          %add3A_125 = arith.addi %mul3A_123, %add3A_124 : i32
          %mul3A_126 = arith.constant 16 : i32
          %mul3A_127 = arith.muli %add3A_125, %mul3A_126 : i32
          %get3A_128 = arith.index_cast %mul3A_127 : i32 to index
          %get3A_129 = tpu.vector_load %arg7[%get3A_128] {strides = array<i32>} : memref<640xi32, #tpu.memory_space<vmem>>, vector<16xi32>,
          %mul3A_130 = arith.constant 16 : i32
          %mul3A_131 = arith.muli %add3A_125, %mul3A_130 : i32
          %get3A_132 = arith.index_cast %mul3A_131 : i32 to index
          %get3A_133 = tpu.vector_load %arg10[%get3A_132] {strides = array<i32>} : memref<640xi32, #tpu.memory_space<vmem>>, vector<16xi32>,
          %slice3A_134 = vector.extract_strided_slice %get3A_133 {offsets = [0], sizes = [1], strides = [1]} : vector<16xi32> to vector<1xi32>
          %squeeze3A_135 = vector.extract %slice3A_134[0] : i32 from vector<1xi32>
          %eq3A_136 = arith.constant 16 : i32
          %eq3A_137 = arith.cmpi eq, %squeeze3A_135, %eq3A_136 : i32
          %convert_element_type3A_138 = arith.extui %eq3A_137 : i1 to i32
          %cond3A_139 = arith.constant 0 : i32
          %cond3A_140 = arith.cmpi ne, %convert_element_type3A_138, %cond3A_139 : i32
          scf.if %cond3A_140 {
            %mul3A_142 = arith.constant 16 : i32
            %mul3A_143 = arith.muli %add3A_125, %mul3A_142 : i32
            %get3A_144 = arith.constant 0 : i32
            %get3A_145 = arith.index_cast %get3A_144 : i32 to index
            %get3A_146 = arith.index_cast %mul3A_143 : i32 to index
            %get3A_147 = tpu.vector_load %arg9[%get3A_145, %get3A_146] {strides = array<i32>} : memref<8x640xi32, #tpu.memory_space<vmem>>, vector<16xi32>,
            %gather3A = tpu.vector_load_idx %arg15[%get3A_129] : memref<10240xi32, #tpu.memory_space<vmem>>[vector<16xi32>], vector<16xi32>,
            %bitcast3A = vector.bitcast %gather3A : vector<16xi32> to vector<32xbf16>
            %bitcast3A_148 = vector.bitcast %get3A_147 : vector<16xi32> to vector<32xbf16>
            %max3A = arith.maximumf %bitcast3A, %bitcast3A_148 : vector<32xbf16>
            %bitcast3A_149 = vector.bitcast %max3A : vector<32xbf16> to vector<16xi32>
            tpu.vector_store_idx %arg15[%get3A_129], %bitcast3A_149 : memref<10240xi32, #tpu.memory_space<vmem>>[vector<16xi32>], vector<16xi32>,
            %mul3A_150 = arith.constant 16 : i32
            %mul3A_151 = arith.muli %add3A_125, %mul3A_150 : i32
            %get3A_152 = arith.constant 1 : i32
            %get3A_153 = arith.index_cast %get3A_152 : i32 to index
            %get3A_154 = arith.index_cast %mul3A_151 : i32 to index
            %get3A_155 = tpu.vector_load %arg9[%get3A_153, %get3A_154] {strides = array<i32>} : memref<8x640xi32, #tpu.memory_space<vmem>>, vector<16xi32>,
            %gather3A_156 = tpu.vector_load_idx %arg16[%get3A_129] : memref<10240xi32, #tpu.memory_space<vmem>>[vector<16xi32>], vector<16xi32>,
            %bitcast3A_157 = vector.bitcast %gather3A_156 : vector<16xi32> to vector<32xbf16>
            %bitcast3A_158 = vector.bitcast %get3A_155 : vector<16xi32> to vector<32xbf16>
            %max3A_159 = arith.maximumf %bitcast3A_157, %bitcast3A_158 : vector<32xbf16>
            %bitcast3A_160 = vector.bitcast %max3A_159 : vector<32xbf16> to vector<16xi32>
            tpu.vector_store_idx %arg16[%get3A_129], %bitcast3A_160 : memref<10240xi32, #tpu.memory_space<vmem>>[vector<16xi32>], vector<16xi32>,
            %mul3A_161 = arith.constant 16 : i32
            %mul3A_162 = arith.muli %add3A_125, %mul3A_161 : i32
            %get3A_163 = arith.constant 2 : i32
            %get3A_164 = arith.index_cast %get3A_163 : i32 to index
            %get3A_165 = arith.index_cast %mul3A_162 : i32 to index
            %get3A_166 = tpu.vector_load %arg9[%get3A_164, %get3A_165] {strides = array<i32>} : memref<8x640xi32, #tpu.memory_space<vmem>>, vector<16xi32>,
            %gather3A_167 = tpu.vector_load_idx %arg17[%get3A_129] : memref<10240xi32, #tpu.memory_space<vmem>>[vector<16xi32>], vector<16xi32>,
            %bitcast3A_168 = vector.bitcast %gather3A_167 : vector<16xi32> to vector<32xbf16>
            %bitcast3A_169 = vector.bitcast %get3A_166 : vector<16xi32> to vector<32xbf16>
            %max3A_170 = arith.maximumf %bitcast3A_168, %bitcast3A_169 : vector<32xbf16>
            %bitcast3A_171 = vector.bitcast %max3A_170 : vector<32xbf16> to vector<16xi32>
            tpu.vector_store_idx %arg17[%get3A_129], %bitcast3A_171 : memref<10240xi32, #tpu.memory_space<vmem>>[vector<16xi32>], vector<16xi32>,
            %mul3A_172 = arith.constant 16 : i32
            %mul3A_173 = arith.muli %add3A_125, %mul3A_172 : i32
            %get3A_174 = arith.constant 3 : i32
            %get3A_175 = arith.index_cast %get3A_174 : i32 to index
            %get3A_176 = arith.index_cast %mul3A_173 : i32 to index
            %get3A_177 = tpu.vector_load %arg9[%get3A_175, %get3A_176] {strides = array<i32>} : memref<8x640xi32, #tpu.memory_space<vmem>>, vector<16xi32>,
            %gather3A_178 = tpu.vector_load_idx %arg18[%get3A_129] : memref<10240xi32, #tpu.memory_space<vmem>>[vector<16xi32>], vector<16xi32>,
            %bitcast3A_179 = vector.bitcast %gather3A_178 : vector<16xi32> to vector<32xbf16>
            %bitcast3A_180 = vector.bitcast %get3A_177 : vector<16xi32> to vector<32xbf16>
            %max3A_181 = arith.maximumf %bitcast3A_179, %bitcast3A_180 : vector<32xbf16>
            %bitcast3A_182 = vector.bitcast %max3A_181 : vector<32xbf16> to vector<16xi32>
            tpu.vector_store_idx %arg18[%get3A_129], %bitcast3A_182 : memref<10240xi32, #tpu.memory_space<vmem>>[vector<16xi32>], vector<16xi32>,
            %mul3A_183 = arith.constant 16 : i32
            %mul3A_184 = arith.muli %add3A_125, %mul3A_183 : i32
            %get3A_185 = arith.constant 4 : i32
            %get3A_186 = arith.index_cast %get3A_185 : i32 to index
            %get3A_187 = arith.index_cast %mul3A_184 : i32 to index
            %get3A_188 = tpu.vector_load %arg9[%get3A_186, %get3A_187] {strides = array<i32>} : memref<8x640xi32, #tpu.memory_space<vmem>>, vector<16xi32>,
            %gather3A_189 = tpu.vector_load_idx %arg19[%get3A_129] : memref<10240xi32, #tpu.memory_space<vmem>>[vector<16xi32>], vector<16xi32>,
            %bitcast3A_190 = vector.bitcast %gather3A_189 : vector<16xi32> to vector<32xbf16>
            %bitcast3A_191 = vector.bitcast %get3A_188 : vector<16xi32> to vector<32xbf16>
            %max3A_192 = arith.maximumf %bitcast3A_190, %bitcast3A_191 : vector<32xbf16>
            %bitcast3A_193 = vector.bitcast %max3A_192 : vector<32xbf16> to vector<16xi32>
            tpu.vector_store_idx %arg19[%get3A_129], %bitcast3A_193 : memref<10240xi32, #tpu.memory_space<vmem>>[vector<16xi32>], vector<16xi32>,
            %mul3A_194 = arith.constant 16 : i32
            %mul3A_195 = arith.muli %add3A_125, %mul3A_194 : i32
            %get3A_196 = arith.constant 5 : i32
            %get3A_197 = arith.index_cast %get3A_196 : i32 to index
            %get3A_198 = arith.index_cast %mul3A_195 : i32 to index
            %get3A_199 = tpu.vector_load %arg9[%get3A_197, %get3A_198] {strides = array<i32>} : memref<8x640xi32, #tpu.memory_space<vmem>>, vector<16xi32>,
            %gather3A_200 = tpu.vector_load_idx %arg20[%get3A_129] : memref<10240xi32, #tpu.memory_space<vmem>>[vector<16xi32>], vector<16xi32>,
            %bitcast3A_201 = vector.bitcast %gather3A_200 : vector<16xi32> to vector<32xbf16>
            %bitcast3A_202 = vector.bitcast %get3A_199 : vector<16xi32> to vector<32xbf16>
            %max3A_203 = arith.maximumf %bitcast3A_201, %bitcast3A_202 : vector<32xbf16>
            %bitcast3A_204 = vector.bitcast %max3A_203 : vector<32xbf16> to vector<16xi32>
            tpu.vector_store_idx %arg20[%get3A_129], %bitcast3A_204 : memref<10240xi32, #tpu.memory_space<vmem>>[vector<16xi32>], vector<16xi32>,
            %mul3A_205 = arith.constant 16 : i32
            %mul3A_206 = arith.muli %add3A_125, %mul3A_205 : i32
            %get3A_207 = arith.constant 6 : i32
            %get3A_208 = arith.index_cast %get3A_207 : i32 to index
            %get3A_209 = arith.index_cast %mul3A_206 : i32 to index
            %get3A_210 = tpu.vector_load %arg9[%get3A_208, %get3A_209] {strides = array<i32>} : memref<8x640xi32, #tpu.memory_space<vmem>>, vector<16xi32>,
            %gather3A_211 = tpu.vector_load_idx %arg21[%get3A_129] : memref<10240xi32, #tpu.memory_space<vmem>>[vector<16xi32>], vector<16xi32>,
            %bitcast3A_212 = vector.bitcast %gather3A_211 : vector<16xi32> to vector<32xbf16>
            %bitcast3A_213 = vector.bitcast %get3A_210 : vector<16xi32> to vector<32xbf16>
            %max3A_214 = arith.maximumf %bitcast3A_212, %bitcast3A_213 : vector<32xbf16>
            %bitcast3A_215 = vector.bitcast %max3A_214 : vector<32xbf16> to vector<16xi32>
            tpu.vector_store_idx %arg21[%get3A_129], %bitcast3A_215 : memref<10240xi32, #tpu.memory_space<vmem>>[vector<16xi32>], vector<16xi32>,
            %mul3A_216 = arith.constant 16 : i32
            %mul3A_217 = arith.muli %add3A_125, %mul3A_216 : i32
            %get3A_218 = arith.constant 7 : i32
            %get3A_219 = arith.index_cast %get3A_218 : i32 to index
            %get3A_220 = arith.index_cast %mul3A_217 : i32 to index
            %get3A_221 = tpu.vector_load %arg9[%get3A_219, %get3A_220] {strides = array<i32>} : memref<8x640xi32, #tpu.memory_space<vmem>>, vector<16xi32>,
            %gather3A_222 = tpu.vector_load_idx %arg22[%get3A_129] : memref<10240xi32, #tpu.memory_space<vmem>>[vector<16xi32>], vector<16xi32>,
            %bitcast3A_223 = vector.bitcast %gather3A_222 : vector<16xi32> to vector<32xbf16>
            %bitcast3A_224 = vector.bitcast %get3A_221 : vector<16xi32> to vector<32xbf16>
            %max3A_225 = arith.maximumf %bitcast3A_223, %bitcast3A_224 : vector<32xbf16>
            %bitcast3A_226 = vector.bitcast %max3A_225 : vector<32xbf16> to vector<16xi32>
            tpu.vector_store_idx %arg22[%get3A_129], %bitcast3A_226 : memref<10240xi32, #tpu.memory_space<vmem>>[vector<16xi32>], vector<16xi32>,
          } else {
            %mul3A_142 = arith.constant 16 : i32
            %mul3A_143 = arith.muli %add3A_125, %mul3A_142 : i32
            %get3A_144 = arith.constant 0 : i32
            %get3A_145 = arith.index_cast %get3A_144 : i32 to index
            %get3A_146 = arith.index_cast %mul3A_143 : i32 to index
            %get3A_147 = tpu.vector_load %arg9[%get3A_145, %get3A_146] {strides = array<i32>} : memref<8x640xi32, #tpu.memory_space<vmem>>, vector<16xi32>,
            %broadcast_in_dim3A = arith.constant true
            %broadcast_in_dim3A_148 = vector.broadcast %broadcast_in_dim3A : i1 to vector<16xi1>
            %while3A:2 = scf.while (%while3A_212 = %broadcast_in_dim3A_148, %while3A_213 = %get3A_147) : (vector<16xi1>, vector<16xi32>) -> (vector<16xi1>, vector<16xi32>) {
              %reduce_or3A = arith.constant 1.000000e+00 : f32
              %reduce_or3A_214 = arith.constant 0.000000e+00 : f32
              %reduce_or3A_215 = vector.broadcast %reduce_or3A : f32 to vector<16xf32>
              %reduce_or3A_216 = vector.broadcast %reduce_or3A_214 : f32 to vector<16xf32>
              %reduce_or3A_217 = arith.select %while3A_212, %reduce_or3A_215, %reduce_or3A_216 : vector<16xi1>, vector<16xf32>
              %reduce_or3A_218 = arith.constant true
              %reduce_or3A_219 = vector.broadcast %reduce_or3A_218 : i1 to vector<16xi1>
              %reduce_or3A_220 = tpu.scan <max>, %reduce_or3A_217 masked %reduce_or3A_219 : vector<16xf32>, vector<16xi1> -> vector<16xf32>
              %reduce_or3A_221 = vector.extract %reduce_or3A_220[15] : f32 from vector<16xf32>
              %reduce_or3A_222 = arith.constant 0.000000e+00 : f32
              %reduce_or3A_223 = arith.cmpf ogt, %reduce_or3A_221, %reduce_or3A_222 : f32
              scf.condition(%reduce_or3A_223) %while3A_212, %while3A_213 : vector<16xi1>, vector<16xi32>
            } do {
            ^bb0(%while3A_212: vector<16xi1>, %while3A_213: vector<16xi32>):
              %gather3A = tpu.vector_load_idx %arg15[%get3A_129] : memref<10240xi32, #tpu.memory_space<vmem>>[vector<16xi32>], vector<16xi32>,
              %bitcast3A = vector.bitcast %gather3A : vector<16xi32> to vector<32xbf16>
              %bitcast3A_214 = vector.bitcast %while3A_213 : vector<16xi32> to vector<32xbf16>
              %max3A = arith.maximumf %bitcast3A, %bitcast3A_214 : vector<32xbf16>
              %bitcast3A_215 = vector.bitcast %max3A : vector<32xbf16> to vector<16xi32>
              tpu.vector_store_idx %arg15[%get3A_129], %bitcast3A_215 masked %while3A_212 : memref<10240xi32, #tpu.memory_space<vmem>>[vector<16xi32>], vector<16xi32>, vector<16xi1>
              %gather3A_216 = tpu.vector_load_idx %arg15[%get3A_129] : memref<10240xi32, #tpu.memory_space<vmem>>[vector<16xi32>], vector<16xi32>,
              %ne3A = arith.cmpi ne, %gather3A_216, %bitcast3A_215 : vector<16xi32>
              %and3A = arith.andi %while3A_212, %ne3A : vector<16xi1>
              scf.yield %and3A, %bitcast3A_215 : vector<16xi1>, vector<16xi32>
            }
            %mul3A_149 = arith.constant 16 : i32
            %mul3A_150 = arith.muli %add3A_125, %mul3A_149 : i32
            %get3A_151 = arith.constant 1 : i32
            %get3A_152 = arith.index_cast %get3A_151 : i32 to index
            %get3A_153 = arith.index_cast %mul3A_150 : i32 to index
            %get3A_154 = tpu.vector_load %arg9[%get3A_152, %get3A_153] {strides = array<i32>} : memref<8x640xi32, #tpu.memory_space<vmem>>, vector<16xi32>,
            %broadcast_in_dim3A_155 = arith.constant true
            %broadcast_in_dim3A_156 = vector.broadcast %broadcast_in_dim3A_155 : i1 to vector<16xi1>
            %while3A_157:2 = scf.while (%while3A_212 = %broadcast_in_dim3A_156, %while3A_213 = %get3A_154) : (vector<16xi1>, vector<16xi32>) -> (vector<16xi1>, vector<16xi32>) {
              %reduce_or3A = arith.constant 1.000000e+00 : f32
              %reduce_or3A_214 = arith.constant 0.000000e+00 : f32
              %reduce_or3A_215 = vector.broadcast %reduce_or3A : f32 to vector<16xf32>
              %reduce_or3A_216 = vector.broadcast %reduce_or3A_214 : f32 to vector<16xf32>
              %reduce_or3A_217 = arith.select %while3A_212, %reduce_or3A_215, %reduce_or3A_216 : vector<16xi1>, vector<16xf32>
              %reduce_or3A_218 = arith.constant true
              %reduce_or3A_219 = vector.broadcast %reduce_or3A_218 : i1 to vector<16xi1>
              %reduce_or3A_220 = tpu.scan <max>, %reduce_or3A_217 masked %reduce_or3A_219 : vector<16xf32>, vector<16xi1> -> vector<16xf32>
              %reduce_or3A_221 = vector.extract %reduce_or3A_220[15] : f32 from vector<16xf32>
              %reduce_or3A_222 = arith.constant 0.000000e+00 : f32
              %reduce_or3A_223 = arith.cmpf ogt, %reduce_or3A_221, %reduce_or3A_222 : f32
              scf.condition(%reduce_or3A_223) %while3A_212, %while3A_213 : vector<16xi1>, vector<16xi32>
            } do {
            ^bb0(%while3A_212: vector<16xi1>, %while3A_213: vector<16xi32>):
              %gather3A = tpu.vector_load_idx %arg16[%get3A_129] : memref<10240xi32, #tpu.memory_space<vmem>>[vector<16xi32>], vector<16xi32>,
              %bitcast3A = vector.bitcast %gather3A : vector<16xi32> to vector<32xbf16>
              %bitcast3A_214 = vector.bitcast %while3A_213 : vector<16xi32> to vector<32xbf16>
              %max3A = arith.maximumf %bitcast3A, %bitcast3A_214 : vector<32xbf16>
              %bitcast3A_215 = vector.bitcast %max3A : vector<32xbf16> to vector<16xi32>
              tpu.vector_store_idx %arg16[%get3A_129], %bitcast3A_215 masked %while3A_212 : memref<10240xi32, #tpu.memory_space<vmem>>[vector<16xi32>], vector<16xi32>, vector<16xi1>
              %gather3A_216 = tpu.vector_load_idx %arg16[%get3A_129] : memref<10240xi32, #tpu.memory_space<vmem>>[vector<16xi32>], vector<16xi32>,
              %ne3A = arith.cmpi ne, %gather3A_216, %bitcast3A_215 : vector<16xi32>
              %and3A = arith.andi %while3A_212, %ne3A : vector<16xi1>
              scf.yield %and3A, %bitcast3A_215 : vector<16xi1>, vector<16xi32>
            }
            %mul3A_158 = arith.constant 16 : i32
            %mul3A_159 = arith.muli %add3A_125, %mul3A_158 : i32
            %get3A_160 = arith.constant 2 : i32
            %get3A_161 = arith.index_cast %get3A_160 : i32 to index
            %get3A_162 = arith.index_cast %mul3A_159 : i32 to index
            %get3A_163 = tpu.vector_load %arg9[%get3A_161, %get3A_162] {strides = array<i32>} : memref<8x640xi32, #tpu.memory_space<vmem>>, vector<16xi32>,
            %broadcast_in_dim3A_164 = arith.constant true
            %broadcast_in_dim3A_165 = vector.broadcast %broadcast_in_dim3A_164 : i1 to vector<16xi1>
            %while3A_166:2 = scf.while (%while3A_212 = %broadcast_in_dim3A_165, %while3A_213 = %get3A_163) : (vector<16xi1>, vector<16xi32>) -> (vector<16xi1>, vector<16xi32>) {
              %reduce_or3A = arith.constant 1.000000e+00 : f32
              %reduce_or3A_214 = arith.constant 0.000000e+00 : f32
              %reduce_or3A_215 = vector.broadcast %reduce_or3A : f32 to vector<16xf32>
              %reduce_or3A_216 = vector.broadcast %reduce_or3A_214 : f32 to vector<16xf32>
              %reduce_or3A_217 = arith.select %while3A_212, %reduce_or3A_215, %reduce_or3A_216 : vector<16xi1>, vector<16xf32>
              %reduce_or3A_218 = arith.constant true
              %reduce_or3A_219 = vector.broadcast %reduce_or3A_218 : i1 to vector<16xi1>
              %reduce_or3A_220 = tpu.scan <max>, %reduce_or3A_217 masked %reduce_or3A_219 : vector<16xf32>, vector<16xi1> -> vector<16xf32>
              %reduce_or3A_221 = vector.extract %reduce_or3A_220[15] : f32 from vector<16xf32>
              %reduce_or3A_222 = arith.constant 0.000000e+00 : f32
              %reduce_or3A_223 = arith.cmpf ogt, %reduce_or3A_221, %reduce_or3A_222 : f32
              scf.condition(%reduce_or3A_223) %while3A_212, %while3A_213 : vector<16xi1>, vector<16xi32>
            } do {
            ^bb0(%while3A_212: vector<16xi1>, %while3A_213: vector<16xi32>):
              %gather3A = tpu.vector_load_idx %arg17[%get3A_129] : memref<10240xi32, #tpu.memory_space<vmem>>[vector<16xi32>], vector<16xi32>,
              %bitcast3A = vector.bitcast %gather3A : vector<16xi32> to vector<32xbf16>
              %bitcast3A_214 = vector.bitcast %while3A_213 : vector<16xi32> to vector<32xbf16>
              %max3A = arith.maximumf %bitcast3A, %bitcast3A_214 : vector<32xbf16>
              %bitcast3A_215 = vector.bitcast %max3A : vector<32xbf16> to vector<16xi32>
              tpu.vector_store_idx %arg17[%get3A_129], %bitcast3A_215 masked %while3A_212 : memref<10240xi32, #tpu.memory_space<vmem>>[vector<16xi32>], vector<16xi32>, vector<16xi1>
              %gather3A_216 = tpu.vector_load_idx %arg17[%get3A_129] : memref<10240xi32, #tpu.memory_space<vmem>>[vector<16xi32>], vector<16xi32>,
              %ne3A = arith.cmpi ne, %gather3A_216, %bitcast3A_215 : vector<16xi32>
              %and3A = arith.andi %while3A_212, %ne3A : vector<16xi1>
              scf.yield %and3A, %bitcast3A_215 : vector<16xi1>, vector<16xi32>
            }
            %mul3A_167 = arith.constant 16 : i32
            %mul3A_168 = arith.muli %add3A_125, %mul3A_167 : i32
            %get3A_169 = arith.constant 3 : i32
            %get3A_170 = arith.index_cast %get3A_169 : i32 to index
            %get3A_171 = arith.index_cast %mul3A_168 : i32 to index
            %get3A_172 = tpu.vector_load %arg9[%get3A_170, %get3A_171] {strides = array<i32>} : memref<8x640xi32, #tpu.memory_space<vmem>>, vector<16xi32>,
            %broadcast_in_dim3A_173 = arith.constant true
            %broadcast_in_dim3A_174 = vector.broadcast %broadcast_in_dim3A_173 : i1 to vector<16xi1>
            %while3A_175:2 = scf.while (%while3A_212 = %broadcast_in_dim3A_174, %while3A_213 = %get3A_172) : (vector<16xi1>, vector<16xi32>) -> (vector<16xi1>, vector<16xi32>) {
              %reduce_or3A = arith.constant 1.000000e+00 : f32
              %reduce_or3A_214 = arith.constant 0.000000e+00 : f32
              %reduce_or3A_215 = vector.broadcast %reduce_or3A : f32 to vector<16xf32>
              %reduce_or3A_216 = vector.broadcast %reduce_or3A_214 : f32 to vector<16xf32>
              %reduce_or3A_217 = arith.select %while3A_212, %reduce_or3A_215, %reduce_or3A_216 : vector<16xi1>, vector<16xf32>
              %reduce_or3A_218 = arith.constant true
              %reduce_or3A_219 = vector.broadcast %reduce_or3A_218 : i1 to vector<16xi1>
              %reduce_or3A_220 = tpu.scan <max>, %reduce_or3A_217 masked %reduce_or3A_219 : vector<16xf32>, vector<16xi1> -> vector<16xf32>
              %reduce_or3A_221 = vector.extract %reduce_or3A_220[15] : f32 from vector<16xf32>
              %reduce_or3A_222 = arith.constant 0.000000e+00 : f32
              %reduce_or3A_223 = arith.cmpf ogt, %reduce_or3A_221, %reduce_or3A_222 : f32
              scf.condition(%reduce_or3A_223) %while3A_212, %while3A_213 : vector<16xi1>, vector<16xi32>
            } do {
            ^bb0(%while3A_212: vector<16xi1>, %while3A_213: vector<16xi32>):
              %gather3A = tpu.vector_load_idx %arg18[%get3A_129] : memref<10240xi32, #tpu.memory_space<vmem>>[vector<16xi32>], vector<16xi32>,
              %bitcast3A = vector.bitcast %gather3A : vector<16xi32> to vector<32xbf16>
              %bitcast3A_214 = vector.bitcast %while3A_213 : vector<16xi32> to vector<32xbf16>
              %max3A = arith.maximumf %bitcast3A, %bitcast3A_214 : vector<32xbf16>
              %bitcast3A_215 = vector.bitcast %max3A : vector<32xbf16> to vector<16xi32>
              tpu.vector_store_idx %arg18[%get3A_129], %bitcast3A_215 masked %while3A_212 : memref<10240xi32, #tpu.memory_space<vmem>>[vector<16xi32>], vector<16xi32>, vector<16xi1>
              %gather3A_216 = tpu.vector_load_idx %arg18[%get3A_129] : memref<10240xi32, #tpu.memory_space<vmem>>[vector<16xi32>], vector<16xi32>,
              %ne3A = arith.cmpi ne, %gather3A_216, %bitcast3A_215 : vector<16xi32>
              %and3A = arith.andi %while3A_212, %ne3A : vector<16xi1>
              scf.yield %and3A, %bitcast3A_215 : vector<16xi1>, vector<16xi32>
            }
            %mul3A_176 = arith.constant 16 : i32
            %mul3A_177 = arith.muli %add3A_125, %mul3A_176 : i32
            %get3A_178 = arith.constant 4 : i32
            %get3A_179 = arith.index_cast %get3A_178 : i32 to index
            %get3A_180 = arith.index_cast %mul3A_177 : i32 to index
            %get3A_181 = tpu.vector_load %arg9[%get3A_179, %get3A_180] {strides = array<i32>} : memref<8x640xi32, #tpu.memory_space<vmem>>, vector<16xi32>,
            %broadcast_in_dim3A_182 = arith.constant true
            %broadcast_in_dim3A_183 = vector.broadcast %broadcast_in_dim3A_182 : i1 to vector<16xi1>
            %while3A_184:2 = scf.while (%while3A_212 = %broadcast_in_dim3A_183, %while3A_213 = %get3A_181) : (vector<16xi1>, vector<16xi32>) -> (vector<16xi1>, vector<16xi32>) {
              %reduce_or3A = arith.constant 1.000000e+00 : f32
              %reduce_or3A_214 = arith.constant 0.000000e+00 : f32
              %reduce_or3A_215 = vector.broadcast %reduce_or3A : f32 to vector<16xf32>
              %reduce_or3A_216 = vector.broadcast %reduce_or3A_214 : f32 to vector<16xf32>
              %reduce_or3A_217 = arith.select %while3A_212, %reduce_or3A_215, %reduce_or3A_216 : vector<16xi1>, vector<16xf32>
              %reduce_or3A_218 = arith.constant true
              %reduce_or3A_219 = vector.broadcast %reduce_or3A_218 : i1 to vector<16xi1>
              %reduce_or3A_220 = tpu.scan <max>, %reduce_or3A_217 masked %reduce_or3A_219 : vector<16xf32>, vector<16xi1> -> vector<16xf32>
              %reduce_or3A_221 = vector.extract %reduce_or3A_220[15] : f32 from vector<16xf32>
              %reduce_or3A_222 = arith.constant 0.000000e+00 : f32
              %reduce_or3A_223 = arith.cmpf ogt, %reduce_or3A_221, %reduce_or3A_222 : f32
              scf.condition(%reduce_or3A_223) %while3A_212, %while3A_213 : vector<16xi1>, vector<16xi32>
            } do {
            ^bb0(%while3A_212: vector<16xi1>, %while3A_213: vector<16xi32>):
              %gather3A = tpu.vector_load_idx %arg19[%get3A_129] : memref<10240xi32, #tpu.memory_space<vmem>>[vector<16xi32>], vector<16xi32>,
              %bitcast3A = vector.bitcast %gather3A : vector<16xi32> to vector<32xbf16>
              %bitcast3A_214 = vector.bitcast %while3A_213 : vector<16xi32> to vector<32xbf16>
              %max3A = arith.maximumf %bitcast3A, %bitcast3A_214 : vector<32xbf16>
              %bitcast3A_215 = vector.bitcast %max3A : vector<32xbf16> to vector<16xi32>
              tpu.vector_store_idx %arg19[%get3A_129], %bitcast3A_215 masked %while3A_212 : memref<10240xi32, #tpu.memory_space<vmem>>[vector<16xi32>], vector<16xi32>, vector<16xi1>
              %gather3A_216 = tpu.vector_load_idx %arg19[%get3A_129] : memref<10240xi32, #tpu.memory_space<vmem>>[vector<16xi32>], vector<16xi32>,
              %ne3A = arith.cmpi ne, %gather3A_216, %bitcast3A_215 : vector<16xi32>
              %and3A = arith.andi %while3A_212, %ne3A : vector<16xi1>
              scf.yield %and3A, %bitcast3A_215 : vector<16xi1>, vector<16xi32>
            }
            %mul3A_185 = arith.constant 16 : i32
            %mul3A_186 = arith.muli %add3A_125, %mul3A_185 : i32
            %get3A_187 = arith.constant 5 : i32
            %get3A_188 = arith.index_cast %get3A_187 : i32 to index
            %get3A_189 = arith.index_cast %mul3A_186 : i32 to index
            %get3A_190 = tpu.vector_load %arg9[%get3A_188, %get3A_189] {strides = array<i32>} : memref<8x640xi32, #tpu.memory_space<vmem>>, vector<16xi32>,
            %broadcast_in_dim3A_191 = arith.constant true
            %broadcast_in_dim3A_192 = vector.broadcast %broadcast_in_dim3A_191 : i1 to vector<16xi1>
            %while3A_193:2 = scf.while (%while3A_212 = %broadcast_in_dim3A_192, %while3A_213 = %get3A_190) : (vector<16xi1>, vector<16xi32>) -> (vector<16xi1>, vector<16xi32>) {
              %reduce_or3A = arith.constant 1.000000e+00 : f32
              %reduce_or3A_214 = arith.constant 0.000000e+00 : f32
              %reduce_or3A_215 = vector.broadcast %reduce_or3A : f32 to vector<16xf32>
              %reduce_or3A_216 = vector.broadcast %reduce_or3A_214 : f32 to vector<16xf32>
              %reduce_or3A_217 = arith.select %while3A_212, %reduce_or3A_215, %reduce_or3A_216 : vector<16xi1>, vector<16xf32>
              %reduce_or3A_218 = arith.constant true
              %reduce_or3A_219 = vector.broadcast %reduce_or3A_218 : i1 to vector<16xi1>
              %reduce_or3A_220 = tpu.scan <max>, %reduce_or3A_217 masked %reduce_or3A_219 : vector<16xf32>, vector<16xi1> -> vector<16xf32>
              %reduce_or3A_221 = vector.extract %reduce_or3A_220[15] : f32 from vector<16xf32>
              %reduce_or3A_222 = arith.constant 0.000000e+00 : f32
              %reduce_or3A_223 = arith.cmpf ogt, %reduce_or3A_221, %reduce_or3A_222 : f32
              scf.condition(%reduce_or3A_223) %while3A_212, %while3A_213 : vector<16xi1>, vector<16xi32>
            } do {
            ^bb0(%while3A_212: vector<16xi1>, %while3A_213: vector<16xi32>):
              %gather3A = tpu.vector_load_idx %arg20[%get3A_129] : memref<10240xi32, #tpu.memory_space<vmem>>[vector<16xi32>], vector<16xi32>,
              %bitcast3A = vector.bitcast %gather3A : vector<16xi32> to vector<32xbf16>
              %bitcast3A_214 = vector.bitcast %while3A_213 : vector<16xi32> to vector<32xbf16>
              %max3A = arith.maximumf %bitcast3A, %bitcast3A_214 : vector<32xbf16>
              %bitcast3A_215 = vector.bitcast %max3A : vector<32xbf16> to vector<16xi32>
              tpu.vector_store_idx %arg20[%get3A_129], %bitcast3A_215 masked %while3A_212 : memref<10240xi32, #tpu.memory_space<vmem>>[vector<16xi32>], vector<16xi32>, vector<16xi1>
              %gather3A_216 = tpu.vector_load_idx %arg20[%get3A_129] : memref<10240xi32, #tpu.memory_space<vmem>>[vector<16xi32>], vector<16xi32>,
              %ne3A = arith.cmpi ne, %gather3A_216, %bitcast3A_215 : vector<16xi32>
              %and3A = arith.andi %while3A_212, %ne3A : vector<16xi1>
              scf.yield %and3A, %bitcast3A_215 : vector<16xi1>, vector<16xi32>
            }
            %mul3A_194 = arith.constant 16 : i32
            %mul3A_195 = arith.muli %add3A_125, %mul3A_194 : i32
            %get3A_196 = arith.constant 6 : i32
            %get3A_197 = arith.index_cast %get3A_196 : i32 to index
            %get3A_198 = arith.index_cast %mul3A_195 : i32 to index
            %get3A_199 = tpu.vector_load %arg9[%get3A_197, %get3A_198] {strides = array<i32>} : memref<8x640xi32, #tpu.memory_space<vmem>>, vector<16xi32>,
            %broadcast_in_dim3A_200 = arith.constant true
            %broadcast_in_dim3A_201 = vector.broadcast %broadcast_in_dim3A_200 : i1 to vector<16xi1>
            %while3A_202:2 = scf.while (%while3A_212 = %broadcast_in_dim3A_201, %while3A_213 = %get3A_199) : (vector<16xi1>, vector<16xi32>) -> (vector<16xi1>, vector<16xi32>) {
              %reduce_or3A = arith.constant 1.000000e+00 : f32
              %reduce_or3A_214 = arith.constant 0.000000e+00 : f32
              %reduce_or3A_215 = vector.broadcast %reduce_or3A : f32 to vector<16xf32>
              %reduce_or3A_216 = vector.broadcast %reduce_or3A_214 : f32 to vector<16xf32>
              %reduce_or3A_217 = arith.select %while3A_212, %reduce_or3A_215, %reduce_or3A_216 : vector<16xi1>, vector<16xf32>
              %reduce_or3A_218 = arith.constant true
              %reduce_or3A_219 = vector.broadcast %reduce_or3A_218 : i1 to vector<16xi1>
              %reduce_or3A_220 = tpu.scan <max>, %reduce_or3A_217 masked %reduce_or3A_219 : vector<16xf32>, vector<16xi1> -> vector<16xf32>
              %reduce_or3A_221 = vector.extract %reduce_or3A_220[15] : f32 from vector<16xf32>
              %reduce_or3A_222 = arith.constant 0.000000e+00 : f32
              %reduce_or3A_223 = arith.cmpf ogt, %reduce_or3A_221, %reduce_or3A_222 : f32
              scf.condition(%reduce_or3A_223) %while3A_212, %while3A_213 : vector<16xi1>, vector<16xi32>
            } do {
            ^bb0(%while3A_212: vector<16xi1>, %while3A_213: vector<16xi32>):
              %gather3A = tpu.vector_load_idx %arg21[%get3A_129] : memref<10240xi32, #tpu.memory_space<vmem>>[vector<16xi32>], vector<16xi32>,
              %bitcast3A = vector.bitcast %gather3A : vector<16xi32> to vector<32xbf16>
              %bitcast3A_214 = vector.bitcast %while3A_213 : vector<16xi32> to vector<32xbf16>
              %max3A = arith.maximumf %bitcast3A, %bitcast3A_214 : vector<32xbf16>
              %bitcast3A_215 = vector.bitcast %max3A : vector<32xbf16> to vector<16xi32>
              tpu.vector_store_idx %arg21[%get3A_129], %bitcast3A_215 masked %while3A_212 : memref<10240xi32, #tpu.memory_space<vmem>>[vector<16xi32>], vector<16xi32>, vector<16xi1>
              %gather3A_216 = tpu.vector_load_idx %arg21[%get3A_129] : memref<10240xi32, #tpu.memory_space<vmem>>[vector<16xi32>], vector<16xi32>,
              %ne3A = arith.cmpi ne, %gather3A_216, %bitcast3A_215 : vector<16xi32>
              %and3A = arith.andi %while3A_212, %ne3A : vector<16xi1>
              scf.yield %and3A, %bitcast3A_215 : vector<16xi1>, vector<16xi32>
            }
            %mul3A_203 = arith.constant 16 : i32
            %mul3A_204 = arith.muli %add3A_125, %mul3A_203 : i32
            %get3A_205 = arith.constant 7 : i32
            %get3A_206 = arith.index_cast %get3A_205 : i32 to index
            %get3A_207 = arith.index_cast %mul3A_204 : i32 to index
            %get3A_208 = tpu.vector_load %arg9[%get3A_206, %get3A_207] {strides = array<i32>} : memref<8x640xi32, #tpu.memory_space<vmem>>, vector<16xi32>,
            %broadcast_in_dim3A_209 = arith.constant true
            %broadcast_in_dim3A_210 = vector.broadcast %broadcast_in_dim3A_209 : i1 to vector<16xi1>
            %while3A_211:2 = scf.while (%while3A_212 = %broadcast_in_dim3A_210, %while3A_213 = %get3A_208) : (vector<16xi1>, vector<16xi32>) -> (vector<16xi1>, vector<16xi32>) {
              %reduce_or3A = arith.constant 1.000000e+00 : f32
              %reduce_or3A_214 = arith.constant 0.000000e+00 : f32
              %reduce_or3A_215 = vector.broadcast %reduce_or3A : f32 to vector<16xf32>
              %reduce_or3A_216 = vector.broadcast %reduce_or3A_214 : f32 to vector<16xf32>
              %reduce_or3A_217 = arith.select %while3A_212, %reduce_or3A_215, %reduce_or3A_216 : vector<16xi1>, vector<16xf32>
              %reduce_or3A_218 = arith.constant true
              %reduce_or3A_219 = vector.broadcast %reduce_or3A_218 : i1 to vector<16xi1>
              %reduce_or3A_220 = tpu.scan <max>, %reduce_or3A_217 masked %reduce_or3A_219 : vector<16xf32>, vector<16xi1> -> vector<16xf32>
              %reduce_or3A_221 = vector.extract %reduce_or3A_220[15] : f32 from vector<16xf32>
              %reduce_or3A_222 = arith.constant 0.000000e+00 : f32
              %reduce_or3A_223 = arith.cmpf ogt, %reduce_or3A_221, %reduce_or3A_222 : f32
              scf.condition(%reduce_or3A_223) %while3A_212, %while3A_213 : vector<16xi1>, vector<16xi32>
            } do {
            ^bb0(%while3A_212: vector<16xi1>, %while3A_213: vector<16xi32>):
              %gather3A = tpu.vector_load_idx %arg22[%get3A_129] : memref<10240xi32, #tpu.memory_space<vmem>>[vector<16xi32>], vector<16xi32>,
              %bitcast3A = vector.bitcast %gather3A : vector<16xi32> to vector<32xbf16>
              %bitcast3A_214 = vector.bitcast %while3A_213 : vector<16xi32> to vector<32xbf16>
              %max3A = arith.maximumf %bitcast3A, %bitcast3A_214 : vector<32xbf16>
              %bitcast3A_215 = vector.bitcast %max3A : vector<32xbf16> to vector<16xi32>
              tpu.vector_store_idx %arg22[%get3A_129], %bitcast3A_215 masked %while3A_212 : memref<10240xi32, #tpu.memory_space<vmem>>[vector<16xi32>], vector<16xi32>, vector<16xi1>
              %gather3A_216 = tpu.vector_load_idx %arg22[%get3A_129] : memref<10240xi32, #tpu.memory_space<vmem>>[vector<16xi32>], vector<16xi32>,
              %ne3A = arith.cmpi ne, %gather3A_216, %bitcast3A_215 : vector<16xi32>
              %and3A = arith.andi %while3A_212, %ne3A : vector<16xi1>
              scf.yield %and3A, %bitcast3A_215 : vector<16xi1>, vector<16xi32>
            }
          }
          %scan3A_141 = arith.constant 0 : i32
          scf.yield %scan3A_141 : i32
        }
        %scan3A_106 = arith.constant 20 : i32
      } else {
      }
      %scan3A_79 = arith.constant 0 : i32
      scf.yield %scan3A_79 : i32
    }
    %scan3A_30 = arith.constant 31 : i32
    %add3A_31 = arith.constant 0 : i32
    %add3A_32 = arith.addi %mul3A_0, %add3A_31 : i32
    "tpu.region"() ({
      %run_scoped3A = tpu.sem_alloc : memref<!tpu.dma_semaphore, #tpu.memory_space<semaphore_mem>>
      %dma_start3A_47 = arith.constant 0 : i32
      %dma_start3A_48 = tpu.memref_slice %arg5[%arg0, %add3A_32, %dma_start3A_47] : memref<2x128x10240xi32, #tpu.memory_space<hbm>> -> memref<1x1x10240xi32, #tpu.memory_space<hbm>>
      %dma_start3A_49 = tpu.memref_squeeze %dma_start3A_48 : memref<1x1x10240xi32, #tpu.memory_space<hbm>> -> memref<10240xi32, #tpu.memory_space<hbm>>
      %dma_start3A_50 = arith.constant 0 : i32
      %dma_start3A_51 = tpu.memref_slice %arg5[%arg0, %add3A_32, %dma_start3A_50] : memref<2x128x10240xi32, #tpu.memory_space<hbm>> -> memref<1x1x10240xi32, #tpu.memory_space<hbm>>
      %dma_start3A_52 = tpu.memref_squeeze %dma_start3A_51 : memref<1x1x10240xi32, #tpu.memory_space<hbm>> -> memref<10240xi32, #tpu.memory_space<hbm>>
      tpu.enqueue_dma source(%arg15 : memref<10240xi32, #tpu.memory_space<vmem>>) target(%dma_start3A_52 : memref<10240xi32, #tpu.memory_space<hbm>>) target_semaphore(%run_scoped3A : memref<!tpu.dma_semaphore, #tpu.memory_space<semaphore_mem>>)
      %dma_wait3A = arith.constant 0 : i32
      %dma_wait3A_53 = tpu.memref_slice %arg5[%arg0, %add3A_32, %dma_wait3A] : memref<2x128x10240xi32, #tpu.memory_space<hbm>> -> memref<1x1x10240xi32, #tpu.memory_space<hbm>>
      %dma_wait3A_54 = tpu.memref_squeeze %dma_wait3A_53 : memref<1x1x10240xi32, #tpu.memory_space<hbm>> -> memref<10240xi32, #tpu.memory_space<hbm>>
      %dma_wait3A_55 = arith.constant 0 : i32
      %dma_wait3A_56 = tpu.memref_slice %arg5[%arg0, %add3A_32, %dma_wait3A_55] : memref<2x128x10240xi32, #tpu.memory_space<hbm>> -> memref<1x1x10240xi32, #tpu.memory_space<hbm>>
      %dma_wait3A_57 = tpu.memref_squeeze %dma_wait3A_56 : memref<1x1x10240xi32, #tpu.memory_space<hbm>> -> memref<10240xi32, #tpu.memory_space<hbm>>
      tpu.wait_dma2 semaphore(%run_scoped3A : memref<!tpu.dma_semaphore, #tpu.memory_space<semaphore_mem>>) src(%arg15 : memref<10240xi32, #tpu.memory_space<vmem>>) dst(%dma_wait3A_57 : memref<10240xi32, #tpu.memory_space<hbm>>)
      tpu.yield
    }) : () -> ()
    %add3A_33 = arith.constant 1 : i32
    %add3A_34 = arith.addi %mul3A_0, %add3A_33 : i32
    "tpu.region"() ({
      %run_scoped3A = tpu.sem_alloc : memref<!tpu.dma_semaphore, #tpu.memory_space<semaphore_mem>>
      %dma_start3A_47 = arith.constant 0 : i32
      %dma_start3A_48 = tpu.memref_slice %arg5[%arg0, %add3A_34, %dma_start3A_47] : memref<2x128x10240xi32, #tpu.memory_space<hbm>> -> memref<1x1x10240xi32, #tpu.memory_space<hbm>>
      %dma_start3A_49 = tpu.memref_squeeze %dma_start3A_48 : memref<1x1x10240xi32, #tpu.memory_space<hbm>> -> memref<10240xi32, #tpu.memory_space<hbm>>
      %dma_start3A_50 = arith.constant 0 : i32
      %dma_start3A_51 = tpu.memref_slice %arg5[%arg0, %add3A_34, %dma_start3A_50] : memref<2x128x10240xi32, #tpu.memory_space<hbm>> -> memref<1x1x10240xi32, #tpu.memory_space<hbm>>
      %dma_start3A_52 = tpu.memref_squeeze %dma_start3A_51 : memref<1x1x10240xi32, #tpu.memory_space<hbm>> -> memref<10240xi32, #tpu.memory_space<hbm>>
      tpu.enqueue_dma source(%arg16 : memref<10240xi32, #tpu.memory_space<vmem>>) target(%dma_start3A_52 : memref<10240xi32, #tpu.memory_space<hbm>>) target_semaphore(%run_scoped3A : memref<!tpu.dma_semaphore, #tpu.memory_space<semaphore_mem>>)
      %dma_wait3A = arith.constant 0 : i32
      %dma_wait3A_53 = tpu.memref_slice %arg5[%arg0, %add3A_34, %dma_wait3A] : memref<2x128x10240xi32, #tpu.memory_space<hbm>> -> memref<1x1x10240xi32, #tpu.memory_space<hbm>>
      %dma_wait3A_54 = tpu.memref_squeeze %dma_wait3A_53 : memref<1x1x10240xi32, #tpu.memory_space<hbm>> -> memref<10240xi32, #tpu.memory_space<hbm>>
      %dma_wait3A_55 = arith.constant 0 : i32
      %dma_wait3A_56 = tpu.memref_slice %arg5[%arg0, %add3A_34, %dma_wait3A_55] : memref<2x128x10240xi32, #tpu.memory_space<hbm>> -> memref<1x1x10240xi32, #tpu.memory_space<hbm>>
      %dma_wait3A_57 = tpu.memref_squeeze %dma_wait3A_56 : memref<1x1x10240xi32, #tpu.memory_space<hbm>> -> memref<10240xi32, #tpu.memory_space<hbm>>
      tpu.wait_dma2 semaphore(%run_scoped3A : memref<!tpu.dma_semaphore, #tpu.memory_space<semaphore_mem>>) src(%arg16 : memref<10240xi32, #tpu.memory_space<vmem>>) dst(%dma_wait3A_57 : memref<10240xi32, #tpu.memory_space<hbm>>)
      tpu.yield
    }) : () -> ()
    %add3A_35 = arith.constant 2 : i32
    %add3A_36 = arith.addi %mul3A_0, %add3A_35 : i32
    "tpu.region"() ({
      %run_scoped3A = tpu.sem_alloc : memref<!tpu.dma_semaphore, #tpu.memory_space<semaphore_mem>>
      %dma_start3A_47 = arith.constant 0 : i32
      %dma_start3A_48 = tpu.memref_slice %arg5[%arg0, %add3A_36, %dma_start3A_47] : memref<2x128x10240xi32, #tpu.memory_space<hbm>> -> memref<1x1x10240xi32, #tpu.memory_space<hbm>>
      %dma_start3A_49 = tpu.memref_squeeze %dma_start3A_48 : memref<1x1x10240xi32, #tpu.memory_space<hbm>> -> memref<10240xi32, #tpu.memory_space<hbm>>
      %dma_start3A_50 = arith.constant 0 : i32
      %dma_start3A_51 = tpu.memref_slice %arg5[%arg0, %add3A_36, %dma_start3A_50] : memref<2x128x10240xi32, #tpu.memory_space<hbm>> -> memref<1x1x10240xi32, #tpu.memory_space<hbm>>
      %dma_start3A_52 = tpu.memref_squeeze %dma_start3A_51 : memref<1x1x10240xi32, #tpu.memory_space<hbm>> -> memref<10240xi32, #tpu.memory_space<hbm>>
      tpu.enqueue_dma source(%arg17 : memref<10240xi32, #tpu.memory_space<vmem>>) target(%dma_start3A_52 : memref<10240xi32, #tpu.memory_space<hbm>>) target_semaphore(%run_scoped3A : memref<!tpu.dma_semaphore, #tpu.memory_space<semaphore_mem>>)
      %dma_wait3A = arith.constant 0 : i32
      %dma_wait3A_53 = tpu.memref_slice %arg5[%arg0, %add3A_36, %dma_wait3A] : memref<2x128x10240xi32, #tpu.memory_space<hbm>> -> memref<1x1x10240xi32, #tpu.memory_space<hbm>>
      %dma_wait3A_54 = tpu.memref_squeeze %dma_wait3A_53 : memref<1x1x10240xi32, #tpu.memory_space<hbm>> -> memref<10240xi32, #tpu.memory_space<hbm>>
      %dma_wait3A_55 = arith.constant 0 : i32
      %dma_wait3A_56 = tpu.memref_slice %arg5[%arg0, %add3A_36, %dma_wait3A_55] : memref<2x128x10240xi32, #tpu.memory_space<hbm>> -> memref<1x1x10240xi32, #tpu.memory_space<hbm>>
      %dma_wait3A_57 = tpu.memref_squeeze %dma_wait3A_56 : memref<1x1x10240xi32, #tpu.memory_space<hbm>> -> memref<10240xi32, #tpu.memory_space<hbm>>
      tpu.wait_dma2 semaphore(%run_scoped3A : memref<!tpu.dma_semaphore, #tpu.memory_space<semaphore_mem>>) src(%arg17 : memref<10240xi32, #tpu.memory_space<vmem>>) dst(%dma_wait3A_57 : memref<10240xi32, #tpu.memory_space<hbm>>)
      tpu.yield
    }) : () -> ()
    %add3A_37 = arith.constant 3 : i32
    %add3A_38 = arith.addi %mul3A_0, %add3A_37 : i32
    "tpu.region"() ({
      %run_scoped3A = tpu.sem_alloc : memref<!tpu.dma_semaphore, #tpu.memory_space<semaphore_mem>>
      %dma_start3A_47 = arith.constant 0 : i32
      %dma_start3A_48 = tpu.memref_slice %arg5[%arg0, %add3A_38, %dma_start3A_47] : memref<2x128x10240xi32, #tpu.memory_space<hbm>> -> memref<1x1x10240xi32, #tpu.memory_space<hbm>>
      %dma_start3A_49 = tpu.memref_squeeze %dma_start3A_48 : memref<1x1x10240xi32, #tpu.memory_space<hbm>> -> memref<10240xi32, #tpu.memory_space<hbm>>
      %dma_start3A_50 = arith.constant 0 : i32
      %dma_start3A_51 = tpu.memref_slice %arg5[%arg0, %add3A_38, %dma_start3A_50] : memref<2x128x10240xi32, #tpu.memory_space<hbm>> -> memref<1x1x10240xi32, #tpu.memory_space<hbm>>
      %dma_start3A_52 = tpu.memref_squeeze %dma_start3A_51 : memref<1x1x10240xi32, #tpu.memory_space<hbm>> -> memref<10240xi32, #tpu.memory_space<hbm>>
      tpu.enqueue_dma source(%arg18 : memref<10240xi32, #tpu.memory_space<vmem>>) target(%dma_start3A_52 : memref<10240xi32, #tpu.memory_space<hbm>>) target_semaphore(%run_scoped3A : memref<!tpu.dma_semaphore, #tpu.memory_space<semaphore_mem>>)
      %dma_wait3A = arith.constant 0 : i32
      %dma_wait3A_53 = tpu.memref_slice %arg5[%arg0, %add3A_38, %dma_wait3A] : memref<2x128x10240xi32, #tpu.memory_space<hbm>> -> memref<1x1x10240xi32, #tpu.memory_space<hbm>>
      %dma_wait3A_54 = tpu.memref_squeeze %dma_wait3A_53 : memref<1x1x10240xi32, #tpu.memory_space<hbm>> -> memref<10240xi32, #tpu.memory_space<hbm>>
      %dma_wait3A_55 = arith.constant 0 : i32
      %dma_wait3A_56 = tpu.memref_slice %arg5[%arg0, %add3A_38, %dma_wait3A_55] : memref<2x128x10240xi32, #tpu.memory_space<hbm>> -> memref<1x1x10240xi32, #tpu.memory_space<hbm>>
      %dma_wait3A_57 = tpu.memref_squeeze %dma_wait3A_56 : memref<1x1x10240xi32, #tpu.memory_space<hbm>> -> memref<10240xi32, #tpu.memory_space<hbm>>
      tpu.wait_dma2 semaphore(%run_scoped3A : memref<!tpu.dma_semaphore, #tpu.memory_space<semaphore_mem>>) src(%arg18 : memref<10240xi32, #tpu.memory_space<vmem>>) dst(%dma_wait3A_57 : memref<10240xi32, #tpu.memory_space<hbm>>)
      tpu.yield
    }) : () -> ()
    %add3A_39 = arith.constant 4 : i32
    %add3A_40 = arith.addi %mul3A_0, %add3A_39 : i32
    "tpu.region"() ({
      %run_scoped3A = tpu.sem_alloc : memref<!tpu.dma_semaphore, #tpu.memory_space<semaphore_mem>>
      %dma_start3A_47 = arith.constant 0 : i32
      %dma_start3A_48 = tpu.memref_slice %arg5[%arg0, %add3A_40, %dma_start3A_47] : memref<2x128x10240xi32, #tpu.memory_space<hbm>> -> memref<1x1x10240xi32, #tpu.memory_space<hbm>>
      %dma_start3A_49 = tpu.memref_squeeze %dma_start3A_48 : memref<1x1x10240xi32, #tpu.memory_space<hbm>> -> memref<10240xi32, #tpu.memory_space<hbm>>
      %dma_start3A_50 = arith.constant 0 : i32
      %dma_start3A_51 = tpu.memref_slice %arg5[%arg0, %add3A_40, %dma_start3A_50] : memref<2x128x10240xi32, #tpu.memory_space<hbm>> -> memref<1x1x10240xi32, #tpu.memory_space<hbm>>
      %dma_start3A_52 = tpu.memref_squeeze %dma_start3A_51 : memref<1x1x10240xi32, #tpu.memory_space<hbm>> -> memref<10240xi32, #tpu.memory_space<hbm>>
      tpu.enqueue_dma source(%arg19 : memref<10240xi32, #tpu.memory_space<vmem>>) target(%dma_start3A_52 : memref<10240xi32, #tpu.memory_space<hbm>>) target_semaphore(%run_scoped3A : memref<!tpu.dma_semaphore, #tpu.memory_space<semaphore_mem>>)
      %dma_wait3A = arith.constant 0 : i32
      %dma_wait3A_53 = tpu.memref_slice %arg5[%arg0, %add3A_40, %dma_wait3A] : memref<2x128x10240xi32, #tpu.memory_space<hbm>> -> memref<1x1x10240xi32, #tpu.memory_space<hbm>>
      %dma_wait3A_54 = tpu.memref_squeeze %dma_wait3A_53 : memref<1x1x10240xi32, #tpu.memory_space<hbm>> -> memref<10240xi32, #tpu.memory_space<hbm>>
      %dma_wait3A_55 = arith.constant 0 : i32
      %dma_wait3A_56 = tpu.memref_slice %arg5[%arg0, %add3A_40, %dma_wait3A_55] : memref<2x128x10240xi32, #tpu.memory_space<hbm>> -> memref<1x1x10240xi32, #tpu.memory_space<hbm>>
      %dma_wait3A_57 = tpu.memref_squeeze %dma_wait3A_56 : memref<1x1x10240xi32, #tpu.memory_space<hbm>> -> memref<10240xi32, #tpu.memory_space<hbm>>
      tpu.wait_dma2 semaphore(%run_scoped3A : memref<!tpu.dma_semaphore, #tpu.memory_space<semaphore_mem>>) src(%arg19 : memref<10240xi32, #tpu.memory_space<vmem>>) dst(%dma_wait3A_57 : memref<10240xi32, #tpu.memory_space<hbm>>)
      tpu.yield
    }) : () -> ()
    %add3A_41 = arith.constant 5 : i32
    %add3A_42 = arith.addi %mul3A_0, %add3A_41 : i32
    "tpu.region"() ({
      %run_scoped3A = tpu.sem_alloc : memref<!tpu.dma_semaphore, #tpu.memory_space<semaphore_mem>>
      %dma_start3A_47 = arith.constant 0 : i32
      %dma_start3A_48 = tpu.memref_slice %arg5[%arg0, %add3A_42, %dma_start3A_47] : memref<2x128x10240xi32, #tpu.memory_space<hbm>> -> memref<1x1x10240xi32, #tpu.memory_space<hbm>>
      %dma_start3A_49 = tpu.memref_squeeze %dma_start3A_48 : memref<1x1x10240xi32, #tpu.memory_space<hbm>> -> memref<10240xi32, #tpu.memory_space<hbm>>
      %dma_start3A_50 = arith.constant 0 : i32
      %dma_start3A_51 = tpu.memref_slice %arg5[%arg0, %add3A_42, %dma_start3A_50] : memref<2x128x10240xi32, #tpu.memory_space<hbm>> -> memref<1x1x10240xi32, #tpu.memory_space<hbm>>
      %dma_start3A_52 = tpu.memref_squeeze %dma_start3A_51 : memref<1x1x10240xi32, #tpu.memory_space<hbm>> -> memref<10240xi32, #tpu.memory_space<hbm>>
      tpu.enqueue_dma source(%arg20 : memref<10240xi32, #tpu.memory_space<vmem>>) target(%dma_start3A_52 : memref<10240xi32, #tpu.memory_space<hbm>>) target_semaphore(%run_scoped3A : memref<!tpu.dma_semaphore, #tpu.memory_space<semaphore_mem>>)
      %dma_wait3A = arith.constant 0 : i32
      %dma_wait3A_53 = tpu.memref_slice %arg5[%arg0, %add3A_42, %dma_wait3A] : memref<2x128x10240xi32, #tpu.memory_space<hbm>> -> memref<1x1x10240xi32, #tpu.memory_space<hbm>>
      %dma_wait3A_54 = tpu.memref_squeeze %dma_wait3A_53 : memref<1x1x10240xi32, #tpu.memory_space<hbm>> -> memref<10240xi32, #tpu.memory_space<hbm>>
      %dma_wait3A_55 = arith.constant 0 : i32
      %dma_wait3A_56 = tpu.memref_slice %arg5[%arg0, %add3A_42, %dma_wait3A_55] : memref<2x128x10240xi32, #tpu.memory_space<hbm>> -> memref<1x1x10240xi32, #tpu.memory_space<hbm>>
      %dma_wait3A_57 = tpu.memref_squeeze %dma_wait3A_56 : memref<1x1x10240xi32, #tpu.memory_space<hbm>> -> memref<10240xi32, #tpu.memory_space<hbm>>
      tpu.wait_dma2 semaphore(%run_scoped3A : memref<!tpu.dma_semaphore, #tpu.memory_space<semaphore_mem>>) src(%arg20 : memref<10240xi32, #tpu.memory_space<vmem>>) dst(%dma_wait3A_57 : memref<10240xi32, #tpu.memory_space<hbm>>)
      tpu.yield
    }) : () -> ()
    %add3A_43 = arith.constant 6 : i32
    %add3A_44 = arith.addi %mul3A_0, %add3A_43 : i32
    "tpu.region"() ({
      %run_scoped3A = tpu.sem_alloc : memref<!tpu.dma_semaphore, #tpu.memory_space<semaphore_mem>>
      %dma_start3A_47 = arith.constant 0 : i32
      %dma_start3A_48 = tpu.memref_slice %arg5[%arg0, %add3A_44, %dma_start3A_47] : memref<2x128x10240xi32, #tpu.memory_space<hbm>> -> memref<1x1x10240xi32, #tpu.memory_space<hbm>>
      %dma_start3A_49 = tpu.memref_squeeze %dma_start3A_48 : memref<1x1x10240xi32, #tpu.memory_space<hbm>> -> memref<10240xi32, #tpu.memory_space<hbm>>
      %dma_start3A_50 = arith.constant 0 : i32
      %dma_start3A_51 = tpu.memref_slice %arg5[%arg0, %add3A_44, %dma_start3A_50] : memref<2x128x10240xi32, #tpu.memory_space<hbm>> -> memref<1x1x10240xi32, #tpu.memory_space<hbm>>
      %dma_start3A_52 = tpu.memref_squeeze %dma_start3A_51 : memref<1x1x10240xi32, #tpu.memory_space<hbm>> -> memref<10240xi32, #tpu.memory_space<hbm>>
      tpu.enqueue_dma source(%arg21 : memref<10240xi32, #tpu.memory_space<vmem>>) target(%dma_start3A_52 : memref<10240xi32, #tpu.memory_space<hbm>>) target_semaphore(%run_scoped3A : memref<!tpu.dma_semaphore, #tpu.memory_space<semaphore_mem>>)
      %dma_wait3A = arith.constant 0 : i32
      %dma_wait3A_53 = tpu.memref_slice %arg5[%arg0, %add3A_44, %dma_wait3A] : memref<2x128x10240xi32, #tpu.memory_space<hbm>> -> memref<1x1x10240xi32, #tpu.memory_space<hbm>>
      %dma_wait3A_54 = tpu.memref_squeeze %dma_wait3A_53 : memref<1x1x10240xi32, #tpu.memory_space<hbm>> -> memref<10240xi32, #tpu.memory_space<hbm>>
      %dma_wait3A_55 = arith.constant 0 : i32
      %dma_wait3A_56 = tpu.memref_slice %arg5[%arg0, %add3A_44, %dma_wait3A_55] : memref<2x128x10240xi32, #tpu.memory_space<hbm>> -> memref<1x1x10240xi32, #tpu.memory_space<hbm>>
      %dma_wait3A_57 = tpu.memref_squeeze %dma_wait3A_56 : memref<1x1x10240xi32, #tpu.memory_space<hbm>> -> memref<10240xi32, #tpu.memory_space<hbm>>
      tpu.wait_dma2 semaphore(%run_scoped3A : memref<!tpu.dma_semaphore, #tpu.memory_space<semaphore_mem>>) src(%arg21 : memref<10240xi32, #tpu.memory_space<vmem>>) dst(%dma_wait3A_57 : memref<10240xi32, #tpu.memory_space<hbm>>)
      tpu.yield
    }) : () -> ()
    %add3A_45 = arith.constant 7 : i32
    %add3A_46 = arith.addi %mul3A_0, %add3A_45 : i32
    "tpu.region"() ({
      %run_scoped3A = tpu.sem_alloc : memref<!tpu.dma_semaphore, #tpu.memory_space<semaphore_mem>>
      %dma_start3A_47 = arith.constant 0 : i32
      %dma_start3A_48 = tpu.memref_slice %arg5[%arg0, %add3A_46, %dma_start3A_47] : memref<2x128x10240xi32, #tpu.memory_space<hbm>> -> memref<1x1x10240xi32, #tpu.memory_space<hbm>>
      %dma_start3A_49 = tpu.memref_squeeze %dma_start3A_48 : memref<1x1x10240xi32, #tpu.memory_space<hbm>> -> memref<10240xi32, #tpu.memory_space<hbm>>
      %dma_start3A_50 = arith.constant 0 : i32
      %dma_start3A_51 = tpu.memref_slice %arg5[%arg0, %add3A_46, %dma_start3A_50] : memref<2x128x10240xi32, #tpu.memory_space<hbm>> -> memref<1x1x10240xi32, #tpu.memory_space<hbm>>
      %dma_start3A_52 = tpu.memref_squeeze %dma_start3A_51 : memref<1x1x10240xi32, #tpu.memory_space<hbm>> -> memref<10240xi32, #tpu.memory_space<hbm>>
      tpu.enqueue_dma source(%arg22 : memref<10240xi32, #tpu.memory_space<vmem>>) target(%dma_start3A_52 : memref<10240xi32, #tpu.memory_space<hbm>>) target_semaphore(%run_scoped3A : memref<!tpu.dma_semaphore, #tpu.memory_space<semaphore_mem>>)
      %dma_wait3A = arith.constant 0 : i32
      %dma_wait3A_53 = tpu.memref_slice %arg5[%arg0, %add3A_46, %dma_wait3A] : memref<2x128x10240xi32, #tpu.memory_space<hbm>> -> memref<1x1x10240xi32, #tpu.memory_space<hbm>>
      %dma_wait3A_54 = tpu.memref_squeeze %dma_wait3A_53 : memref<1x1x10240xi32, #tpu.memory_space<hbm>> -> memref<10240xi32, #tpu.memory_space<hbm>>
      %dma_wait3A_55 = arith.constant 0 : i32
      %dma_wait3A_56 = tpu.memref_slice %arg5[%arg0, %add3A_46, %dma_wait3A_55] : memref<2x128x10240xi32, #tpu.memory_space<hbm>> -> memref<1x1x10240xi32, #tpu.memory_space<hbm>>
      %dma_wait3A_57 = tpu.memref_squeeze %dma_wait3A_56 : memref<1x1x10240xi32, #tpu.memory_space<hbm>> -> memref<10240xi32, #tpu.memory_space<hbm>>
      tpu.wait_dma2 semaphore(%run_scoped3A : memref<!tpu.dma_semaphore, #tpu.memory_space<semaphore_mem>>) src(%arg22 : memref<10240xi32, #tpu.memory_space<vmem>>) dst(%dma_wait3A_57 : memref<10240xi32, #tpu.memory_space<hbm>>)
      tpu.yield
    }) : () -> ()
    return
  }
}

module attributes {stable_mosaic.version = 14 : i64} {
  func.func @_mmT_body(%arg0: i32, %arg1: memref<256x256xf32, #tpu.memory_space<vmem>>, %arg2: memref<1280x256xf32, #tpu.memory_space<vmem>>, %arg3: memref<256x1xf32, #tpu.memory_space<vmem>>, %arg4: memref<128x1280xi32, #tpu.memory_space<vmem>>) attributes {dimension_semantics = [#tpu.dimension_semantics<arbitrary>], iteration_bounds = array<i64: 64>, scalar_prefetch = 0 : i64, scratch_operands = 0 : i64, tpu.core_type = #tpu.core_type<tc>, window_params = [{pipeline_mode = #tpu.pipeline_mode<synchronous>, transform_indices = @transform_0, window_bounds = array<i64: 256, 256>}, {transform_indices = @transform_1, window_bounds = array<i64: 1280, 256>}, {pipeline_mode = #tpu.pipeline_mode<synchronous>, transform_indices = @transform_2, window_bounds = array<i64: 256, 1>}, {transform_indices = @transform_3, window_bounds = array<i64: 128, 1280>}]} {
    %get3A = arith.constant 0 : index
    %get3A_0 = arith.constant 0 : index
    %get3A_1 = vector.load %arg1[%get3A, %get3A_0] : memref<256x256xf32, #tpu.memory_space<vmem>>, vector<256x256xf32>
    %convert_element_type3A = arith.truncf %get3A_1 : vector<256x256xf32> to vector<256x256xbf16>
    %get3A_2 = arith.constant 0 : index
    %get3A_3 = arith.constant 0 : index
    %get3A_4 = vector.load %arg2[%get3A_2, %get3A_3] : memref<1280x256xf32, #tpu.memory_space<vmem>>, vector<1280x256xf32>
    %convert_element_type3A_5 = arith.truncf %get3A_4 : vector<1280x256xf32> to vector<1280x256xbf16>
    %dot_general3A = arith.constant dense<0.000000e+00> : vector<256x1280xf32>
    %dot_general3A_6 = tpu.matmul %convert_element_type3A, %convert_element_type3A_5, %dot_general3A {dimension_numbers = #tpu.dot_dimension_numbers<[1], [1], [0], [0], [0, 0, 1, 0], [], []>, transpose_lhs_hint = false} : vector<256x256xbf16>, vector<1280x256xbf16>, vector<256x1280xf32> -> vector<256x1280xf32>
    %get3A_7 = arith.constant 0 : index
    %get3A_8 = arith.constant 0 : index
    %get3A_9 = vector.load %arg3[%get3A_7, %get3A_8] : memref<256x1xf32, #tpu.memory_space<vmem>>, vector<256x1xf32>
    %add3A = vector.broadcast %get3A_9 : vector<256x1xf32> to vector<256x1280xf32>
    %add3A_10 = arith.addf %dot_general3A_6, %add3A : vector<256x1280xf32>
    %max3A = arith.constant 0.000000e+00 : f32
    %max3A_11 = vector.broadcast %max3A : f32 to vector<256x1280xf32>
    %max3A_12 = arith.maximumf %add3A_10, %max3A_11 : vector<256x1280xf32>
    %slice3A = vector.extract_strided_slice %max3A_12 {offsets = [0, 0], sizes = [128, 1280], strides = [1, 1]} : vector<256x1280xf32> to vector<128x1280xf32>
    %convert_element_type3A_13 = arith.truncf %slice3A : vector<128x1280xf32> to vector<128x1280xbf16>
    %bitcast_convert_type3A = tpu.bitcast %convert_element_type3A_13 : vector<128x1280xbf16> -> vector<128x1280xi16>
    %convert_element_type3A_14 = arith.extui %bitcast_convert_type3A : vector<128x1280xi16> to vector<128x1280xi32>
    %slice3A_15 = vector.extract_strided_slice %max3A_12 {offsets = [128, 0], sizes = [128, 1280], strides = [1, 1]} : vector<256x1280xf32> to vector<128x1280xf32>
    %convert_element_type3A_16 = arith.truncf %slice3A_15 : vector<128x1280xf32> to vector<128x1280xbf16>
    %bitcast_convert_type3A_17 = tpu.bitcast %convert_element_type3A_16 : vector<128x1280xbf16> -> vector<128x1280xi16>
    %convert_element_type3A_18 = arith.extui %bitcast_convert_type3A_17 : vector<128x1280xi16> to vector<128x1280xi32>
    %shift_left3A = arith.constant 16 : i32
    %shift_left3A_19 = vector.broadcast %shift_left3A : i32 to vector<128x1280xi32>
    %shift_left3A_20 = arith.shli %convert_element_type3A_18, %shift_left3A_19 : vector<128x1280xi32>
    %or3A = arith.ori %convert_element_type3A_14, %shift_left3A_20 : vector<128x1280xi32>
    %swap3A = arith.constant 0 : index
    %swap3A_21 = arith.constant 0 : index
    %swap3A_22 = vector.load %arg4[%swap3A, %swap3A_21] : memref<128x1280xi32, #tpu.memory_space<vmem>>, vector<128x1280xi32>
    tpu.vector_store %arg4[%swap3A, %swap3A_21], %or3A {strides = array<i32>} : memref<128x1280xi32, #tpu.memory_space<vmem>>, vector<128x1280xi32>,
    return
  }
  func.func @transform_0(%arg0: i32) -> (i32, i32) {
    %c0_i32 = arith.constant 0 : i32
    %c0_i32_0 = arith.constant 0 : i32
    %c0_i32_1 = arith.constant 0 : i32
    return %c0_i32, %c0_i32_0 : i32, i32
  }
  func.func @transform_1(%arg0: i32) -> (i32, i32) {
    %add3A = arith.constant 0 : i32
    %add3A_0 = arith.addi %add3A, %arg0 : i32
    %c0_i32 = arith.constant 0 : i32
    %c0_i32_1 = arith.constant 0 : i32
    return %add3A_0, %c0_i32 : i32, i32
  }
  func.func @transform_2(%arg0: i32) -> (i32, i32) {
    %c0_i32 = arith.constant 0 : i32
    %c0_i32_0 = arith.constant 0 : i32
    %c0_i32_1 = arith.constant 0 : i32
    return %c0_i32, %c0_i32_0 : i32, i32
  }
  func.func @transform_3(%arg0: i32) -> (i32, i32) {
    %c0_i32 = arith.constant 0 : i32
    %c0_i32_0 = arith.constant 0 : i32
    return %c0_i32, %arg0 : i32, i32
  }
}

module attributes {stable_mosaic.version = 14 : i64} {
  func.func @_mmT_body(%arg0: i32, %arg1: memref<256x256xf32, #tpu.memory_space<vmem>>, %arg2: memref<1280x256xf32, #tpu.memory_space<vmem>>, %arg3: memref<256x1xf32, #tpu.memory_space<vmem>>, %arg4: memref<128x1280xi32, #tpu.memory_space<vmem>>) attributes {dimension_semantics = [#tpu.dimension_semantics<arbitrary>], iteration_bounds = array<i64: 61>, scalar_prefetch = 0 : i64, scratch_operands = 0 : i64, tpu.core_type = #tpu.core_type<tc>, window_params = [{pipeline_mode = #tpu.pipeline_mode<synchronous>, transform_indices = @transform_0, window_bounds = array<i64: 256, 256>}, {transform_indices = @transform_1, window_bounds = array<i64: 1280, 256>}, {pipeline_mode = #tpu.pipeline_mode<synchronous>, transform_indices = @transform_2, window_bounds = array<i64: 256, 1>}, {transform_indices = @transform_3, window_bounds = array<i64: 128, 1280>}]} {
    %get3A = arith.constant 0 : index
    %get3A_0 = arith.constant 0 : index
    %get3A_1 = vector.load %arg1[%get3A, %get3A_0] : memref<256x256xf32, #tpu.memory_space<vmem>>, vector<256x256xf32>
    %convert_element_type3A = arith.truncf %get3A_1 : vector<256x256xf32> to vector<256x256xbf16>
    %get3A_2 = arith.constant 0 : index
    %get3A_3 = arith.constant 0 : index
    %get3A_4 = vector.load %arg2[%get3A_2, %get3A_3] : memref<1280x256xf32, #tpu.memory_space<vmem>>, vector<1280x256xf32>
    %convert_element_type3A_5 = arith.truncf %get3A_4 : vector<1280x256xf32> to vector<1280x256xbf16>
    %dot_general3A = arith.constant dense<0.000000e+00> : vector<256x1280xf32>
    %dot_general3A_6 = tpu.matmul %convert_element_type3A, %convert_element_type3A_5, %dot_general3A {dimension_numbers = #tpu.dot_dimension_numbers<[1], [1], [0], [0], [0, 0, 1, 0], [], []>, transpose_lhs_hint = false} : vector<256x256xbf16>, vector<1280x256xbf16>, vector<256x1280xf32> -> vector<256x1280xf32>
    %get3A_7 = arith.constant 0 : index
    %get3A_8 = arith.constant 0 : index
    %get3A_9 = vector.load %arg3[%get3A_7, %get3A_8] : memref<256x1xf32, #tpu.memory_space<vmem>>, vector<256x1xf32>
    %add3A = vector.broadcast %get3A_9 : vector<256x1xf32> to vector<256x1280xf32>
    %add3A_10 = arith.addf %dot_general3A_6, %add3A : vector<256x1280xf32>
    %max3A = arith.constant 0.000000e+00 : f32
    %max3A_11 = vector.broadcast %max3A : f32 to vector<256x1280xf32>
    %max3A_12 = arith.maximumf %add3A_10, %max3A_11 : vector<256x1280xf32>
    %slice3A = vector.extract_strided_slice %max3A_12 {offsets = [0, 0], sizes = [128, 1280], strides = [1, 1]} : vector<256x1280xf32> to vector<128x1280xf32>
    %convert_element_type3A_13 = arith.truncf %slice3A : vector<128x1280xf32> to vector<128x1280xbf16>
    %bitcast_convert_type3A = tpu.bitcast %convert_element_type3A_13 : vector<128x1280xbf16> -> vector<128x1280xi16>
    %convert_element_type3A_14 = arith.extui %bitcast_convert_type3A : vector<128x1280xi16> to vector<128x1280xi32>
    %slice3A_15 = vector.extract_strided_slice %max3A_12 {offsets = [128, 0], sizes = [128, 1280], strides = [1, 1]} : vector<256x1280xf32> to vector<128x1280xf32>
    %convert_element_type3A_16 = arith.truncf %slice3A_15 : vector<128x1280xf32> to vector<128x1280xbf16>
    %bitcast_convert_type3A_17 = tpu.bitcast %convert_element_type3A_16 : vector<128x1280xbf16> -> vector<128x1280xi16>
    %convert_element_type3A_18 = arith.extui %bitcast_convert_type3A_17 : vector<128x1280xi16> to vector<128x1280xi32>
    %shift_left3A = arith.constant 16 : i32
    %shift_left3A_19 = vector.broadcast %shift_left3A : i32 to vector<128x1280xi32>
    %shift_left3A_20 = arith.shli %convert_element_type3A_18, %shift_left3A_19 : vector<128x1280xi32>
    %or3A = arith.ori %convert_element_type3A_14, %shift_left3A_20 : vector<128x1280xi32>
    %swap3A = arith.constant 0 : index
    %swap3A_21 = arith.constant 0 : index
    %swap3A_22 = vector.load %arg4[%swap3A, %swap3A_21] : memref<128x1280xi32, #tpu.memory_space<vmem>>, vector<128x1280xi32>
    tpu.vector_store %arg4[%swap3A, %swap3A_21], %or3A {strides = array<i32>} : memref<128x1280xi32, #tpu.memory_space<vmem>>, vector<128x1280xi32>,
    return
  }
  func.func @transform_0(%arg0: i32) -> (i32, i32) {
    %c0_i32 = arith.constant 0 : i32
    %c0_i32_0 = arith.constant 0 : i32
    %c0_i32_1 = arith.constant 0 : i32
    return %c0_i32, %c0_i32_0 : i32, i32
  }
  func.func @transform_1(%arg0: i32) -> (i32, i32) {
    %add3A = arith.constant 64 : i32
    %add3A_0 = arith.addi %add3A, %arg0 : i32
    %c0_i32 = arith.constant 0 : i32
    %c0_i32_1 = arith.constant 0 : i32
    return %add3A_0, %c0_i32 : i32, i32
  }
  func.func @transform_2(%arg0: i32) -> (i32, i32) {
    %c0_i32 = arith.constant 0 : i32
    %c0_i32_0 = arith.constant 0 : i32
    %c0_i32_1 = arith.constant 0 : i32
    return %c0_i32, %c0_i32_0 : i32, i32
  }
  func.func @transform_3(%arg0: i32) -> (i32, i32) {
    %c0_i32 = arith.constant 0 : i32
    %c0_i32_0 = arith.constant 0 : i32
    return %c0_i32, %arg0 : i32, i32
  }
}

</mosaic_0001>

<sc_bundles>
// kernel: kernel.6.cloned.1.call-start
scs
__scs_entry_jumppad:
0x0: {  	(pc) =	sbr.rel $0x88, $3  }
0x1: {  	(tag) =	ssettag $0x0;
	lr =	simm.s32 $0x1  }
0x2: {  	[smem:$0x3F9D] =	sst lr;
	_ =	strace $0xD0000000  }
0x3: {  	_ = 	snop  }
0x4: {  	_ = 	snop  }
0x5: {  	_ = 	snop  }
0x6: {  	_ = 	snop  }
0x7: {  	_ = 	snop  }
__scs_overlays_trampoline_lowered:
0x8: {  	[smem:$0x3FAC] =	sst s0  }
0x9: {  	[smem:$0x3FAD] =	sst s1  }
0xa: {  	[smem:$0x3FAE] =	sst s2  }
0xb: {  	[smem:$0x3FAF] =	sst s3  }
0xc: {  	[smem:$0x3FB0] =	sst s4  }
0xd: {  	[smem:$0x3FB1] =	sst s5  }
0xe: {  	[smem:$0x3FB2] =	sst s6  }
0xf: {  	[smem:$0x3FB3] =	sst s7  }
0x10: {  	[smem:$0x3FB4] =	sst s8  }
0x11: {  	[smem:$0x3FB5] =	sst s9;
	s0 =	simm.s32 @!p0 $0x0  }
0x12: {  	s1 =	sld [smem:$0x3F9B];
	s0 =	simm.s32 @p0 $0x1  }
0x13: {  	[smem:$0x3FB6] =	sst s0;
	s0 =	simm.s32 @!p1 $0x0  }
0x14: {  	s2 =	sld [smem:$0x3F9A];
	s0 =	simm.s32 @p1 $0x1  }
0x15: {  	[smem:$0x3FB7] =	sst s0;
	s0 =	simm.s32 @!p2 $0x0  }
0x16: {  	s3 =	sld [smem:$0x3FDB];
	s0 =	simm.s32 @p2 $0x1  }
0x17: {  	s4 =	simm.s32 $0x1BF5;
	[smem:$0x3FB9] =	sst s0  }
0x18: {  	s0 =	sld [smem:$0x3F9C];
	_ =	swait.ge [sflag:s4], $0x0  }
0x19: {  	s7 =	sld [smem:$0x3F9D]  }
0x1a: {  	s8 =	sadd.s32 $0xFFFFE003, lr  }
0x1b: {  	s9 =	sadd.s32 $0xFFFFFEF7, lr;
	s5 =	simm.s32 $0xFFFFFFFF;
	p2 =	slt.u32 s8, $0xFFFFF086  }
0x1c: {  	p1 =	slt.u32 s9, $0xF7A;
	s5 =	simm.s32 @!p2 $0x0  }
0x1d: {  	s5 =	simm.s32 @p1 $0x1;
	p0 =	seq.s32 s7, s2  }
0x1e: {  	s7 =	smul.u32 @!p0 $0xF7A, s2;
	p2 =	seq.s32 @!p0 s5, $0x0  }
0x1f: {  	s9 =	smul.u32 $0xF7A, s1;
	s8 =	simm.s32 @!p0 $0x1BF5;
	p2 =	por !p2, p0  }
0x20: {  	[sflag:s8] =	ssyncset.s32 @!p0 $0xFFFFF086;
	s6 =	sadd.s32 @!p0 s3, s7;
	s7 =	simm.s32 @!p0 $0x108  }
0x21: {  	s3 =	sadd.s32 s3, s9;
	s6 =	sadd.s32 @!p0 $0x88, s6;
	s7 =	simm.s32 @p2 $0x1082  }
0x22: {  	[simem:s7], [sflag:s8] =	dma.local @!p0 [hbm:s6], $0xF7A  }
0x23: {  	s9 =	sor.u32 $0xD0000000, s2;
	s6 =	simm.s32 $0x108;
	_ =	swait.ge @!p0 [sflag:s8], $0x0  }
0x24: {  	s3 =	sadd.s32 $0x88, s3;
	s6 =	simm.s32 @!p1 $0x1082;
	[sflag:s4] =	ssyncset.s32 $0xFFFFF086  }
0x25: {  	[simem:s6], [sflag:s4] =	dma.local [hbm:s3], $0xF7A  }
0x26: {  	[smem:$0x3F9D] =	sst s1;
	(tag) =	ssettag s2;
	_ =	strace s9  }
0x27: {  	s1 =	sld [smem:$0x3FAD]  }
0x28: {  	s2 =	sld [smem:$0x3FAE]  }
0x29: {  	s4 =	sld [smem:$0x3FB0]  }
0x2a: {  	p0 =	seq.s32 s5, $0x0;
	s5 =	sld [smem:$0x3FB1]  }
0x2b: {  	s6 =	sld [smem:$0x3FB2]  }
0x2c: {  	s7 =	sld [smem:$0x3FB3]  }
0x2d: {  	s3 =	simm.s32 $0x108;
	s8 =	sld [smem:$0x3FB4]  }
0x2e: {  	s3 =	simm.s32 @!p0 $0x1082;
	s9 =	sld [smem:$0x3FB5]  }
0x2f: {  	lr =	sadd.s32 s0, s3;
	s0 =	sld [smem:$0x3FAC]  }
0x30: {  	s3 =	sld [smem:$0x3FAF]  }
0x31: {  	[smem:$0x3FB8] =	sst s10  }
0x32: {  	s10 =	sld [smem:$0x3FB6];
	_ =	sdelay $0x3  }
0x33: {  	p0 =	seq.s32 s10, $0x1;
	s10 =	sld [smem:$0x3FB8];
	_ =	sdelay $0x3  }
0x34: {  	[smem:$0x3FB8] =	sst s10  }
0x35: {  	s10 =	sld [smem:$0x3FB7];
	_ =	sdelay $0x3  }
0x36: {  	p1 =	seq.s32 s10, $0x1;
	s10 =	sld [smem:$0x3FB8];
	_ =	sdelay $0x3  }
0x37: {  	[smem:$0x3FB8] =	sst s10  }
0x38: {  	s10 =	sld [smem:$0x3FB9]  }
0x39: {  	_ = 	snop;
	(pc) =	sbr.ind lr, $3  }
0x3a: {  	_ = 	snop  }
0x3b: {  	_ = 	snop  }
0x3c: {  	p2 =	seq.s32 s10, $0x1;
	s10 =	sld [smem:$0x3FB8]  }
0x3d: {  	_ =	shalt  }
0x3e: {  	_ =	shalt  }
0x3f: {  	_ =	shalt  }
0x40: {  	_ =	shalt  }
0x41: {  	_ =	shalt  }
0x42: {  	_ =	shalt  }
0x43: {  	_ =	shalt  }
0x44: {  	_ =	shalt  }
0x45: {  	_ =	shalt  }
0x46: {  	_ =	shalt  }
0x47: {  	_ =	shalt  }
0x48: {  	_ =	shalt  }
0x49: {  	_ =	shalt  }
0x4a: {  	_ =	shalt  }
0x4b: {  	_ =	shalt  }
0x4c: {  	_ =	shalt  }
0x4d: {  	_ =	shalt  }
0x4e: {  	_ =	shalt  }
0x4f: {  	_ =	shalt  }
0x50: {  	_ =	shalt  }
0x51: {  	_ =	shalt  }
0x52: {  	_ =	shalt  }
0x53: {  	_ =	shalt  }
0x54: {  	_ =	shalt  }
0x55: {  	_ =	shalt  }
0x56: {  	_ =	shalt  }
0x57: {  	_ =	shalt  }
0x58: {  	_ =	shalt  }
0x59: {  	_ =	shalt  }
0x5a: {  	_ =	shalt  }
0x5b: {  	_ =	shalt  }
0x5c: {  	_ =	shalt  }
0x5d: {  	_ =	shalt  }
0x5e: {  	_ =	shalt  }
0x5f: {  	_ =	shalt  }
0x60: {  	_ =	shalt  }
0x61: {  	_ =	shalt  }
0x62: {  	_ =	shalt  }
0x63: {  	_ =	shalt  }
0x64: {  	_ =	shalt  }
0x65: {  	_ =	shalt  }
0x66: {  	_ =	shalt  }
0x67: {  	_ =	shalt  }
0x68: {  	_ =	shalt  }
0x69: {  	_ =	shalt  }
0x6a: {  	_ =	shalt  }
0x6b: {  	_ =	shalt  }
0x6c: {  	_ =	shalt  }
0x6d: {  	_ =	shalt  }
0x6e: {  	_ =	shalt  }
0x6f: {  	_ =	shalt  }
0x70: {  	_ =	shalt  }
0x71: {  	_ =	shalt  }
0x72: {  	_ =	shalt  }
0x73: {  	_ =	shalt  }
0x74: {  	_ =	shalt  }
0x75: {  	_ =	shalt  }
0x76: {  	_ =	shalt  }
0x77: {  	_ =	shalt  }
0x78: {  	_ =	shalt  }
0x79: {  	_ =	shalt  }
0x7a: {  	_ =	shalt  }
0x7b: {  	_ =	shalt  }
0x7c: {  	_ =	shalt  }
0x7d: {  	_ =	shalt  }
0x7e: {  	_ =	shalt  }
0x7f: {  	_ =	shalt  }
0x80: {  	_ =	shalt  }
0x81: {  	_ =	shalt  }
0x82: {  	_ =	shalt  }
0x83: {  	_ =	shalt  }
0x84: {  	_ =	shalt  }
0x85: {  	_ =	shalt  }
0x86: {  	_ =	shalt  }
0x87: {  	_ =	shalt  }
.Lfunc_end0:
.L_simem_size_0:
called_computation_lowered:
.L_overlay_start_0:
0x88: {  	s2 =	sld [smem:$0x3FD9]  }
0x89: {  	s3 =	sld [smem:$0x3FFE];
	_ =	sdelay $0x1  }
0x8a: {  	s1 =	srdreg.scid  }
0x8b: {  	s0 =	sand.u32 $0x1, s1  }
0x8c: {  	s17 =	sshll.u32 s0, $0xA;
	s2 =	sadd.s32 s3, s2  }
0x8d: {  	s2 =	sadd.s32 s2, s17  }
0x8e: {  	[smem:$0x3FC4] =	sst s2  }
0x8f: {  	_ = 	snop  }
0x90: {  	s2 =	sld [smem:$0x3FD0];
	(tm) =	ssettm $0x1  }
0x91: {  	s18 =	sld [smem:$0x3FFB];
	_ =	sdelay $0x3  }
0x92: {  	_ =	strace s18  }
0x93: {  	s3 =	sld [smem:$0x3FFC];
	_ =	sdelay $0x3  }
0x94: {  	_ =	strace s3  }
0x95: {  	s3 =	sld [smem:$0x3FFD];
	_ =	sdelay $0x3  }
0x96: {  	_ =	strace s3  }
0x97: {  	_ =	strace $0x8FFFFFFF  }
0x98: {  	s19 =	sld [smem:$0x3FDB];
	_ =	sdelay $0x1  }
0x99: {  	s4 =	simm.s32 $_scs_section_size  }
0x9a: {  	s5 =	simm.s32 $_size__tile_overlayer_lowered;
	s6 =	simm.s32 $_tile_overlayer_lowered  }
0x9b: {  	s22 =	simm.s32 $0x1BFF;
	s21 =	sshll.u32 s6, $0x1;
	s3 =	sadd.s32 s4, s19  }
0x9c: {  	s7 =	simm.s32 $0x0;
	s20 =	sshll.u32 s5, $0x1;
	s5 =	sadd.s32 s21, s3  }
0x9d: {  	[timem:s7], [sflag:s22] =	dma.local [hbm:s5], s20  }
0x9e: {  	_ =	swait.ge [sflag:s22], s20  }
0x9f: {  	s4 =	ssub.s32 $0x0, s20;
	[sflag:s22] =	ssyncset.done $0x0  }
0xa0: {  	[sflag:s22] =	ssyncadd.s32 s4;
	_ =	sdelay $0x1  }
0xa1: {  	s23 =	simm.s32 $0x1B8B  }
0xa2: {  	_ =	swait.ge [sflag:s23], $0x1  }
0xa3: {  	[sflag:s23] =	ssyncset.done $0x0  }
0xa4: {  	s25 =	simm.s32 $0x1B8E;
	s24 =	sld [smem:$0x3FFE];
	[sflag:s23] =	ssyncadd.s32 $0xFFFFFFFF  }
0xa5: {  	s26 =	simm.s32 $execute0_lowered;
	[smem:$0x3FD2] =	sst s25  }
0xa6: {  	s5 =	sshll.u32 s26, $0x1;
	_ =	strace $0x80000046;
	[dreg:$0x1] =	wrdreg $0xFFFFFFFF  }
0xa7: {  	s28 =	simm.s32 $_size_execute0_lowered;
	s3 =	sadd.s32 s3, s5;
	[dreg:$0x0] =	wrdreg $0x0  }
0xa8: {  	s5 =	sshll.u32 s28, $0x1;
	[dreg:$0x2] =	wrdreg s3  }
0xa9: {  	[dreg:$0x3] =	wrdreg s5  }
0xaa: {  	[dreg:$0x4] =	wrdreg $0xC0  }
0xab: {  	_ =	task [dreg:s7], $0x5FFFF  }
0xac: {  	[dreg:$0x1] =	wrdreg $0xFFFFFFFF  }
0xad: {  	[dreg:$0x0] =	wrdreg $0x60  }
0xae: {  	[dreg:$0x2] =	wrdreg s2  }
0xaf: {  	[dreg:$0x3] =	wrdreg s24  }
0xb0: {  	[dreg:$0x4] =	wrdreg $0x9  }
0xb1: {  	_ =	task.clear_ibuf [dreg:s7], $0x5FFFF;
	_ =	strace $0x90000046  }
0xb2: {  	s29 =	simm.s32 $0x9;
	_ =	strace $0x80000048  }
0xb3: {  	_ =	swait.ge [sflag:s29], $0x1  }
0xb4: {  	[sflag:s29] =	ssyncadd.s32 $0xFFFFFFFF  }
0xb5: {  	_ =	strace $0x90000048  }
0xb6: {  	_ =	sfence  }
0xb7: {  	s30 =	sld [smem:$0x0];
	_ =	sdelay $0x2  }
0xb8: {  	s31 =	sshll.u32 s1, $0xD;
	s1 =	sshrl.u32 s1, $0x2  }
0xb9: {  	s3 =	sand.u32 $0x4000, s31;
	s1 =	sadd.s32 s1, s30  }
0xba: {  	s0 =	sor.u32 s3, s0;
	s1 =	sshll.u32 s1, $0x11  }
0xbb: {  	s0 =	sor.u32 s1, s0  }
0xbc: {  	s0 =	sadd.s32 $0x8F2B, s0  }
0xbd: {  	[sflag:s0] =	ssyncadd.remote.s32 $0x1  }
0xbe: {  	_ =	sfence.sel $0xFFFF  }
0xbf: {  	[dreg:$0x0] =	wrdreg $0xFFFFFFFF;
	(pc) =	sbr.abs _section_cstart, $3  }
0xc0: {  	[dreg:$0x1] =	wrdreg $0xFFFFFFFF  }
0xc1: {  	_ =	task.clear_ibuf [dreg:s7], $0x2FFFF;
	_ =	strace $0x9FFFFFFF  }
0xc2: {  	(tm) =	ssettm $0x7FFFFFFF  }
0xc3: {  	_ =	shalt  }
tec
execute0_lowered:
.L_overlay_start_1:
0x0: {  	(tag) =	ssettag $0x1  }
0x1: {  	s1 =	rddreg [dreg:$0x0];
	s2 =	simm.s32 $0x0  }
0x2: {  	[smem:$0x7FF] =	sst s2  }
0x3: {  	s0 =	rddreg [dreg:$0x1];
	v0 =	vimm.f32 $1.000000000e+00;
	_ =	strace $0x80000047  }
0x4: {  	(xrf0) =	vmax.scan.msk.f32 $0xffff, v0;
	_ =	sdelay $0x1  }
0x5: {  	s6 =	stileid.u32  }
0x6: {  	s3 =	srdreg.scid;
	s19 =	simm.s32 $0x1;
	s5 =	smul.u32 $0x14000, s6  }
0x7: {  	s20 =	simm.s32 $0x3;
	s3 =	sand.u32 $0x1, s3;
	s8 =	smul.u32 $0xA0000, s6  }
0x8: {  	s21 =	simm.s32 $0x280;
	s22 =	simm.s32 $0x1900;
	s4 =	smul.u32 $0x140000, s3  }
0x9: {  	s23 =	simm.s32 $0x2F80;
	s28 =	simm.s32 $0xCF80;
	s26 =	smul.u32 $0x50000, s3;
	v0, _, _ =	vpop (xrf0)  }
0xa: {  	s29 =	simm.s32 $0xF780;
	s7 =	smul.u32 $0xA000, s3;
	s3 =	ssub.s32 $0x2, s3;
	(v2sf) =	vpush v0, $0xF  }
0xb: {  	s9 =	sadd.s32 $0x1000, s0;
	s6 =	sshrl.u32 s3, $0x1;
	s4 =	sadd.s32 s5, s4  }
0xc: {  	s5 =	sadd.s32 s26, s8;
	s10 =	sshrl.u32 s7, $0x3;
	s3 =	ssub.s32 s3, s6  }
0xd: {  	s4 =	sshrl.u32 s4, $0x3;
	s11 =	sadd.s32 s1, s10;
	s26 =	smax.u32 s3, $0x1  }
0xe: {  	s0 =	sadd.s32 s4, s0;
	s4 =	sshrl.u32 s5, $0x3;
	[dreg:$0x3] =	wrdreg s11  }
0xf: {  	s30 =	simm.s32 $0x11F80;
	[dreg:$0xd] =	wrdreg s26;
	s4 =	sadd.s32 s9, s4  }
0x10: {  	s31 =	simm.s32 $0x14780;
	s12 =	sadd.s32 $0x141000, s0;
	[dreg:$0x4] =	wrdreg s4  }
0x11: {  	s13 =	sshrl.u32 s8, $0x3;
	s14 =	sadd.s32 $0x141010, s0;
	[dreg:$0x5] =	wrdreg s12  }
0x12: {  	s6 =	sor.u32 $0x280, s7;
	s15 =	sadd.s32 $0x141020, s0;
	[dreg:$0x6] =	wrdreg s14  }
0x13: {  	s7 =	sor.u32 $0x500, s7;
	s16 =	sadd.s32 $0x141030, s0;
	[dreg:$0x7] =	wrdreg s15  }
0x14: {  	s3 =	simm.s32 $0x4;
	s17 =	sadd.s32 $0x141040, s0;
	[dreg:$0x8] =	wrdreg s16  }
0x15: {  	s11 =	sadd.s32 s9, s13;
	s24 =	sadd.s32 $0x141050, s0;
	[dreg:$0x9] =	wrdreg s17  }
.Ltmp0:
0x16: {  	s25 =	sadd.s32 $0x141060, s0;
	[dreg:$0xa] =	wrdreg s24;
	(pc) =	sbr.rel .LBB2_1-.Ltmp0, $4  }
0x17: {  	s26 =	simm.s32 $0xA780;
	s0 =	sadd.s32 $0x141070, s0;
	[dreg:$0xb] =	wrdreg s25  }
0x18: {  	s5 =	simm.s32 $0x5;
	[dreg:$0xc] =	wrdreg s0;
	s24 =	simm.s32 $0x5780  }
0x19: {  	s25 =	simm.s32 $0x7F80;
	s0 =	simm.s32 $0x2;
	s18 =	spop (v2sf)  }
0x1a: {  	vm0 =	vmmov $0xffff;
	v1 =	vimm.f32 $0.0e+00;
	s4 =	simm.s32 $0x400;
	v0 =	vimm.s32 $0x0;
	p0 =	sgt.f32 s18, $0.0e+00;
	s18 =	simm.s32 $0x80  }
.LBB2_89:
0x1b: {  	s8 =	rddreg [dreg:$0x5]  }
0x1c: {  	[hbm4b:s8+s18] =	stream.strided.scatter [tilespmem:s23], [sflag:$0x5], $0x2800, s4, s18, $0x38;
	[tilespmem:$0x16F80] =	vst v63  }
0x1d: {  	_ =	swait.ge [sflag:s5], $0x2800  }
0x1e: {  	[sflag:s5] =	ssyncset.done $0x0  }
0x1f: {  	s9 =	rddreg [dreg:$0x6];
	[sflag:s5] =	ssyncadd.s32 $0xFFFFD800  }
0x20: {  	[hbm4b:s9+s18] =	stream.strided.scatter [tilespmem:s24], [sflag:$0x5], $0x2800, s4, s18, $0x38;
	[tilespmem:$0x16F80] =	vst v63  }
0x21: {  	_ =	swait.ge [sflag:s5], $0x2800  }
0x22: {  	[sflag:s5] =	ssyncset.done $0x0  }
0x23: {  	s10 =	rddreg [dreg:$0x7];
	[sflag:s5] =	ssyncadd.s32 $0xFFFFD800  }
0x24: {  	[hbm4b:s10+s18] =	stream.strided.scatter [tilespmem:s25], [sflag:$0x5], $0x2800, s4, s18, $0x38;
	[tilespmem:$0x16F80] =	vst v63  }
0x25: {  	_ =	swait.ge [sflag:s5], $0x2800  }
0x26: {  	[sflag:s5] =	ssyncset.done $0x0  }
0x27: {  	s12 =	rddreg [dreg:$0x8];
	[sflag:s5] =	ssyncadd.s32 $0xFFFFD800  }
0x28: {  	[hbm4b:s12+s18] =	stream.strided.scatter [tilespmem:s26], [sflag:$0x5], $0x2800, s4, s18, $0x38;
	[tilespmem:$0x16F80] =	vst v63  }
0x29: {  	_ =	swait.ge [sflag:s5], $0x2800  }
0x2a: {  	[sflag:s5] =	ssyncset.done $0x0  }
0x2b: {  	s13 =	rddreg [dreg:$0x9];
	[sflag:s5] =	ssyncadd.s32 $0xFFFFD800  }
0x2c: {  	[hbm4b:s13+s18] =	stream.strided.scatter [tilespmem:s28], [sflag:$0x5], $0x2800, s4, s18, $0x38;
	[tilespmem:$0x16F80] =	vst v63  }
0x2d: {  	_ =	swait.ge [sflag:s5], $0x2800  }
0x2e: {  	[sflag:s5] =	ssyncset.done $0x0  }
0x2f: {  	s14 =	rddreg [dreg:$0xa];
	[sflag:s5] =	ssyncadd.s32 $0xFFFFD800  }
0x30: {  	[hbm4b:s14+s18] =	stream.strided.scatter [tilespmem:s29], [sflag:$0x5], $0x2800, s4, s18, $0x38;
	[tilespmem:$0x16F80] =	vst v63  }
0x31: {  	_ =	swait.ge [sflag:s5], $0x2800  }
0x32: {  	[sflag:s5] =	ssyncset.done $0x0  }
0x33: {  	s15 =	rddreg [dreg:$0xb];
	[sflag:s5] =	ssyncadd.s32 $0xFFFFD800  }
0x34: {  	[hbm4b:s15+s18] =	stream.strided.scatter [tilespmem:s30], [sflag:$0x5], $0x2800, s4, s18, $0x38;
	[tilespmem:$0x16F80] =	vst v63  }
0x35: {  	_ =	swait.ge [sflag:s5], $0x2800  }
0x36: {  	[sflag:s5] =	ssyncset.done $0x0  }
0x37: {  	s16 =	rddreg [dreg:$0xc];
	[sflag:s5] =	ssyncadd.s32 $0xFFFFD800  }
0x38: {  	[hbm4b:s16+s18] =	stream.strided.scatter [tilespmem:s31], [sflag:$0x5], $0x2800, s4, s18, $0x38;
	[tilespmem:$0x16F80] =	vst v63  }
0x39: {  	_ =	swait.ge [sflag:s5], $0x2800  }
0x3a: {  	s2 =	sadd.s32 $0x1, s2;
	s17 =	rddreg [dreg:$0xd]  }
0x3b: {  	p1 =	sne.s32 s2, s17  }
.Ltmp1:
0x3c: {  	_ = 	snop;
	(pc) =	sbr.rel @!p1 .LBB2_90-.Ltmp1, $3  }
0x3d: {  	_ =	sdelay $0x1  }
0x3e: {  	[sflag:s5] =	ssyncset.done $0x0  }
0x3f: {  	[sflag:s5] =	ssyncadd.s32 $0xFFFFD800  }
.LBB2_1:
0x40: {  	s8 =	simm.s32 $0x0;
	s9 =	simm.s32 $0x40  }
.LBB2_2:
0x41: {  	p1 =	sne.s32 s9, $0x9FC0;
	[tilespmem:s8+$0x14780] =	vst v0  }
0x42: {  	[tilespmem:s8+$0x2F80] =	vst v0  }
0x43: {  	[tilespmem:s8+$0x5780] =	vst v0  }
.Ltmp2:
0x44: {  	[tilespmem:s8+$0x7F80] =	vst v0;
	(pc) =	sbr.rel @p1 .LBB2_2-.Ltmp2, $4  }
0x45: {  	[tilespmem:s8+$0xA780] =	vst v0  }
0x46: {  	[tilespmem:s8+$0xCF80] =	vst v0  }
0x47: {  	[tilespmem:s8+$0xF780] =	vst v0  }
0x48: {  	[tilespmem:s8+$0x11F80] =	vst v0;
	s8 =	sshra.s32 s9, $0x2;
	s9 =	sadd.s32 $0x40, s9  }
0x49: {  	[tilespmem:s8+$0x14780] =	vst v0  }
0x4a: {  	[tilespmem:s8+$0x2F80] =	vst v0  }
0x4b: {  	[tilespmem:s8+$0x5780] =	vst v0  }
0x4c: {  	[tilespmem:s8+$0x7F80] =	vst v0  }
0x4d: {  	[tilespmem:s8+$0xA780] =	vst v0  }
0x4e: {  	[tilespmem:s8+$0xCF80] =	vst v0  }
.Ltmp3:
0x4f: {  	[tilespmem:s8+$0xF780] =	vst v0;
	(pc) =	sbr.rel .LBB2_4-.Ltmp3, $4  }
0x50: {  	[tilespmem:s8+$0x11F80] =	vst v0;
	s8 =	simm.s32 $0x0;
	s9 =	rddreg [dreg:$0x3]  }
0x51: {  	[tilespmem:s8], [sflag:$0x1] =	stream.linear.gather [hbm4b:s9+s8], $0x280, $0x38;
	[tilespmem:$0x16F80] =	vst v63  }
0x52: {  	s17 =	rddreg [dreg:$0x4];
	s10 =	simm.s32 $0x500;
	s9 =	simm.s32 $0x0  }
0x53: {  	[tilespmem:s10], [sflag:$0x3] =	stream.linear.gather [hbm4b:s17+s8], $0x1400, $0x38;
	[tilespmem:$0x16F80] =	vst v63  }
.LBB2_88:
0x54: {  	s9 =	sadd.s32 $0x1, s9  }
0x55: {  	p1 =	sne.s32 s9, $0x20  }
.Ltmp4:
0x56: {  	_ = 	snop;
	(pc) =	sbr.rel @!p1 .LBB2_89-.Ltmp4, $1  }
0x57: {  	_ =	sdelay $0x3  }
.LBB2_4:
0x58: {  	_ =	swait.ge [sflag:s19], $0x280  }
0x59: {  	s10 =	smul.u32 $0x500, s9;
	[sflag:s19] =	ssyncset.done $0x0  }
0x5a: {  	[sflag:s19] =	ssyncadd.s32 $0xFFFFFD80  }
0x5b: {  	s12 =	sadd.s32 s10, s6;
	_ =	swait.ge [sflag:s20], $0x1400  }
0x5c: {  	s13 =	sshrl.u32 s12, $0x3;
	[sflag:s20] =	ssyncset.done $0x0  }
0x5d: {  	s13 =	sadd.s32 s1, s13;
	[sflag:s20] =	ssyncadd.s32 $0xFFFFEC00  }
0x5e: {  	[tilespmem:s21], [sflag:$0x2] =	stream.linear.gather [hbm4b:s13+s8], $0x280, $0x38;
	[tilespmem:$0x16F80] =	vst v63  }
0x5f: {  	s12 =	sadd.s32 s12, s11  }
0x60: {  	[tilespmem:s22], [sflag:$0x4] =	stream.linear.gather [hbm4b:s12+s8], $0x1400, $0x38;
	[tilespmem:$0x16F80] =	vst v63  }
0x61: {  	s12 =	simm.s32 $0x0  }
0x62: {  	v2 =	vld [tilespmem:s12+$0x0];
	_ =	sdelay $0x1  }
0x63: {  	s13 =	simm.s32 $0x10  }
0x64: {  	v3 =	vld [tilespmem:s13+$0x0];
	_ =	sdelay $0x1  }
0x65: {  	(xrf1) =	vunique.msk.u32 $0xffff, v2;
	_ =	sdelay $0x2  }
0x66: {  	(xrf1) =	vunique.msk.u32 $0xffff, v3;
	_ =	sdelay $0x2  }
0x67: {  	s14 =	simm.s32 $0x20  }
0x68: {  	v2 =	vld [tilespmem:s14+$0x0];
	_ =	sdelay $0x3  }
0x69: {  	s15 =	simm.s32 $0xC0  }
.LBB2_5:
0x6a: {  	s16 =	sshra.s32 s15, $0x2;
	p1 =	sne.s32 s15, $0x9C0;
	s15 =	sadd.s32 $0x40, s15;
	(xrf1) =	vunique.msk.u32 $0xffff, v2  }
.Ltmp5:
0x6b: {  	v2 =	vld [tilespmem:s16+$0x0];
	(pc) =	sbr.rel @p1 .LBB2_5-.Ltmp5, $3  }
0x6c: {  	_, v3, vm1 =	vpop (xrf1)  }
0x6d: {  	v3 =	vmpcnt.ones.xlane vm1;
	_ =	sdelay $0x1  }
0x6e: {  	[tilespmem:s12+$0x2D00] =	vst v3;
	s12 =	smov.u32 s13;
	s13 =	smov.u32 s14;
	s14 =	smov.u32 s16  }
0x6f: {  	(xrf1) =	vunique.msk.u32 $0xffff, v2;
	_ =	sdelay $0xb  }
0x70: {  	_, v2, vm1 =	vpop (xrf1)  }
.Ltmp6:
0x71: {  	v2 =	vmpcnt.ones.xlane vm1;
	_, v3, vm1 =	vpop (xrf1);
	(pc) =	sbr.rel .LBB2_7-.Ltmp6, $4  }
0x72: {  	v3 =	vmpcnt.ones.xlane vm1;
	_, v4, vm1 =	vpop (xrf1)  }
0x73: {  	[tilespmem:s12+$0x2D00] =	vst v2;
	v2 =	vmpcnt.ones.xlane vm1  }
0x74: {  	[tilespmem:s13+$0x2D00] =	vst v3  }
0x75: {  	s12 =	simm.s32 $0x0;
	[tilespmem:s14+$0x2D00] =	vst v2  }
.LBB2_27:
0x76: {  	_ =	sdelay $0x2  }
0x77: {  	v3 =	vld [tilespmem:s13+$0x0]  }
0x78: {  	v4 =	vld.idx.msk [tilespmem:v2+s23+$0x0], $0xffff;
	_ =	sdelay $0x4  }
0x79: {  	v3 =	vmax.bf16 v4, v3  }
0x7a: {  	[tilespmem:v2+s23+$0x0] =	vst.idx.msk $0xffff, v3  }
0x7b: {  	v3 =	vld [tilespmem:s13+$0x80]  }
0x7c: {  	v57 =	vld.idx.msk [tilespmem:v2+s24+$0x0], $0xffff;
	_ =	sdelay $0x4  }
0x7d: {  	v3 =	vmax.bf16 v57, v3  }
0x7e: {  	[tilespmem:v2+s24+$0x0] =	vst.idx.msk $0xffff, v3  }
0x7f: {  	v3 =	vld [tilespmem:s13+$0x100]  }
0x80: {  	v58 =	vld.idx.msk [tilespmem:v2+s25+$0x0], $0xffff;
	_ =	sdelay $0x4  }
0x81: {  	v3 =	vmax.bf16 v58, v3  }
0x82: {  	[tilespmem:v2+s25+$0x0] =	vst.idx.msk $0xffff, v3  }
0x83: {  	v3 =	vld [tilespmem:s13+$0x180]  }
0x84: {  	v59 =	vld.idx.msk [tilespmem:v2+s26+$0x0], $0xffff;
	_ =	sdelay $0x4  }
0x85: {  	v3 =	vmax.bf16 v59, v3  }
0x86: {  	[tilespmem:v2+s26+$0x0] =	vst.idx.msk $0xffff, v3  }
0x87: {  	v3 =	vld [tilespmem:s13+$0x200]  }
0x88: {  	v60 =	vld.idx.msk [tilespmem:v2+s28+$0x0], $0xffff;
	_ =	sdelay $0x4  }
0x89: {  	v3 =	vmax.bf16 v60, v3  }
0x8a: {  	[tilespmem:v2+s28+$0x0] =	vst.idx.msk $0xffff, v3  }
0x8b: {  	v3 =	vld [tilespmem:s13+$0x280]  }
0x8c: {  	v61 =	vld.idx.msk [tilespmem:v2+s29+$0x0], $0xffff;
	_ =	sdelay $0x4  }
0x8d: {  	v3 =	vmax.bf16 v61, v3  }
0x8e: {  	[tilespmem:v2+s29+$0x0] =	vst.idx.msk $0xffff, v3  }
0x8f: {  	v3 =	vld [tilespmem:s13+$0x300]  }
0x90: {  	v62 =	vld.idx.msk [tilespmem:v2+s30+$0x0], $0xffff;
	_ =	sdelay $0x4  }
0x91: {  	v3 =	vmax.bf16 v62, v3  }
0x92: {  	[tilespmem:v2+s30+$0x0] =	vst.idx.msk $0xffff, v3  }
0x93: {  	v3 =	vld [tilespmem:s13+$0x380]  }
0x94: {  	v63 =	vld.idx.msk [tilespmem:v2+s31+$0x0], $0xffff;
	_ =	sdelay $0x4  }
0x95: {  	v3 =	vmax.bf16 v63, v3  }
0x96: {  	[tilespmem:v2+s31+$0x0] =	vst.idx.msk $0xffff, v3  }
.LBB2_45:
0x97: {  	s12 =	sadd.s32 $0x1, s12  }
0x98: {  	p1 =	sne.s32 s12, $0x14  }
.Ltmp7:
0x99: {  	_ = 	snop;
	(pc) =	sbr.rel @!p1 .LBB2_46-.Ltmp7, $1  }
0x9a: {  	_ =	sdelay $0x3  }
.LBB2_7:
0x9b: {  	s13 =	sshll.u32 s12, $0x5  }
0x9c: {  	v2 =	vld [tilespmem:s13+$0x2D00];
	_ =	sdelay $0x4  }
0x9d: {  	(v2sf) =	vpush v2, $0x0;
	_ =	sdelay $0xd  }
0x9e: {  	v2 =	vld [tilespmem:s13+$0x0]  }
0x9f: {  	s16 =	spop (v2sf)  }
0xa0: {  	p1 =	sne.s32 s16, $0x10  }
.Ltmp8:
0xa1: {  	_ = 	snop;
	(pc) =	sbr.rel @p1 .LBB2_9-.Ltmp8, $4  }
0xa2: {  	s14 =	sshll.u32 s12, $0x8  }
0xa3: {  	s14 =	sand.u32 $0x1FFFFC00, s14  }
0xa4: {  	s15 =	sand.u32 $0x60, s13;
	s14 =	sadd.s32 $0x500, s14  }
0xa5: {  	s16 =	sor.u32 s15, s14  }
0xa6: {  	_ =	sdelay $0x2  }
0xa7: {  	v3 =	vld [tilespmem:s16+$0x0]  }
0xa8: {  	v4 =	vld.idx.msk [tilespmem:v2+s23+$0x0], $0xffff;
	_ =	sdelay $0x4  }
0xa9: {  	v3 =	vmax.bf16 v4, v3  }
0xaa: {  	[tilespmem:v2+s23+$0x0] =	vst.idx.msk $0xffff, v3  }
0xab: {  	v3 =	vld [tilespmem:s16+$0x80]  }
0xac: {  	v57 =	vld.idx.msk [tilespmem:v2+s24+$0x0], $0xffff;
	_ =	sdelay $0x4  }
0xad: {  	v3 =	vmax.bf16 v57, v3  }
0xae: {  	[tilespmem:v2+s24+$0x0] =	vst.idx.msk $0xffff, v3  }
0xaf: {  	v3 =	vld [tilespmem:s16+$0x100]  }
0xb0: {  	v58 =	vld.idx.msk [tilespmem:v2+s25+$0x0], $0xffff;
	_ =	sdelay $0x4  }
0xb1: {  	v3 =	vmax.bf16 v58, v3  }
0xb2: {  	[tilespmem:v2+s25+$0x0] =	vst.idx.msk $0xffff, v3  }
0xb3: {  	v3 =	vld [tilespmem:s16+$0x180]  }
0xb4: {  	v59 =	vld.idx.msk [tilespmem:v2+s26+$0x0], $0xffff;
	_ =	sdelay $0x4  }
0xb5: {  	v3 =	vmax.bf16 v59, v3  }
0xb6: {  	[tilespmem:v2+s26+$0x0] =	vst.idx.msk $0xffff, v3  }
0xb7: {  	v3 =	vld [tilespmem:s16+$0x200]  }
0xb8: {  	v60 =	vld.idx.msk [tilespmem:v2+s28+$0x0], $0xffff;
	_ =	sdelay $0x4  }
0xb9: {  	v3 =	vmax.bf16 v60, v3  }
0xba: {  	[tilespmem:v2+s28+$0x0] =	vst.idx.msk $0xffff, v3  }
0xbb: {  	v3 =	vld [tilespmem:s16+$0x280]  }
0xbc: {  	v61 =	vld.idx.msk [tilespmem:v2+s29+$0x0], $0xffff;
	_ =	sdelay $0x4  }
0xbd: {  	v3 =	vmax.bf16 v61, v3  }
0xbe: {  	[tilespmem:v2+s29+$0x0] =	vst.idx.msk $0xffff, v3  }
0xbf: {  	v3 =	vld [tilespmem:s16+$0x300]  }
0xc0: {  	v62 =	vld.idx.msk [tilespmem:v2+s30+$0x0], $0xffff;
	_ =	sdelay $0x4  }
0xc1: {  	v3 =	vmax.bf16 v62, v3  }
0xc2: {  	[tilespmem:v2+s30+$0x0] =	vst.idx.msk $0xffff, v3  }
0xc3: {  	v3 =	vld [tilespmem:s16+$0x380]  }
0xc4: {  	v63 =	vld.idx.msk [tilespmem:v2+s31+$0x0], $0xffff;
	_ =	sdelay $0x1  }
.Ltmp9:
0xc5: {  	_ = 	snop;
	(pc) =	sbr.rel .LBB2_26-.Ltmp9, $3  }
0xc6: {  	_ =	sdelay $0x1  }
0xc7: {  	v3 =	vmax.bf16 v63, v3  }
0xc8: {  	[tilespmem:v2+s31+$0x0] =	vst.idx.msk $0xffff, v3  }
.LBB2_9:
.Ltmp10:
0xc9: {  	(pc) =	sbr.rel @!p0 .LBB2_26-.Ltmp10, $1  }
0xca: {  	_ =	sdelay $0x3  }
0xcb: {  	v3 =	vld [tilespmem:s16+$0x0];
	vm1 =	vmmov $0xffff  }
.LBB2_11:
0xcc: {  	v4 =	vld.idx.msk [tilespmem:v2+s23+$0x0], $0xffff;
	_ =	sdelay $0x4  }
0xcd: {  	v3 =	vmax.bf16 v4, v3  }
0xce: {  	[tilespmem:v2+s23+$0x0] =	vst.idx.msk vm1, v3  }
0xcf: {  	v4 =	vld.idx.msk [tilespmem:v2+s23+$0x0], $0xffff;
	_ =	sdelay $0x4  }
0xd0: {  	vm2 =	vne.s32 v4, v3  }
0xd1: {  	vm1 =	vmand vm1, vm2  }
0xd2: {  	v4 =	vsel vm1, $0x3F800000, v1  }
0xd3: {  	(xrf0) =	vmax.scan.msk.f32 $0xffff, v4;
	_ =	sdelay $0x5  }
0xd4: {  	v4, _, _ =	vpop (xrf0)  }
0xd5: {  	(v2sf) =	vpush v4, $0xF;
	_ =	sdelay $0xe  }
0xd6: {  	s17 =	spop (v2sf)  }
0xd7: {  	p1 =	sgt.f32 s17, $0.0e+00  }
.Ltmp11:
0xd8: {  	_ = 	snop;
	(pc) =	sbr.rel @p1 .LBB2_11-.Ltmp11, $1  }
0xd9: {  	_ =	sdelay $0x3  }
0xda: {  	v3 =	vld [tilespmem:s16+$0x80];
	vm1 =	vmmov $0xffff  }
.LBB2_13:
0xdb: {  	v4 =	vld.idx.msk [tilespmem:v2+s24+$0x0], $0xffff;
	_ =	sdelay $0x4  }
0xdc: {  	v3 =	vmax.bf16 v4, v3  }
0xdd: {  	[tilespmem:v2+s24+$0x0] =	vst.idx.msk vm1, v3  }
0xde: {  	v4 =	vld.idx.msk [tilespmem:v2+s24+$0x0], $0xffff;
	_ =	sdelay $0x4  }
0xdf: {  	vm2 =	vne.s32 v4, v3  }
0xe0: {  	vm1 =	vmand vm1, vm2  }
0xe1: {  	v4 =	vsel vm1, $0x3F800000, v1  }
0xe2: {  	(xrf0) =	vmax.scan.msk.f32 $0xffff, v4;
	_ =	sdelay $0x5  }
0xe3: {  	v4, _, _ =	vpop (xrf0)  }
0xe4: {  	(v2sf) =	vpush v4, $0xF;
	_ =	sdelay $0xe  }
0xe5: {  	s17 =	spop (v2sf)  }
0xe6: {  	p1 =	sgt.f32 s17, $0.0e+00  }
.Ltmp12:
0xe7: {  	_ = 	snop;
	(pc) =	sbr.rel @p1 .LBB2_13-.Ltmp12, $1  }
0xe8: {  	_ =	sdelay $0x3  }
0xe9: {  	v3 =	vld [tilespmem:s16+$0x100];
	vm1 =	vmmov $0xffff  }
.LBB2_15:
0xea: {  	v4 =	vld.idx.msk [tilespmem:v2+s25+$0x0], $0xffff;
	_ =	sdelay $0x4  }
0xeb: {  	v3 =	vmax.bf16 v4, v3  }
0xec: {  	[tilespmem:v2+s25+$0x0] =	vst.idx.msk vm1, v3  }
0xed: {  	v4 =	vld.idx.msk [tilespmem:v2+s25+$0x0], $0xffff;
	_ =	sdelay $0x4  }
0xee: {  	vm2 =	vne.s32 v4, v3  }
0xef: {  	vm1 =	vmand vm1, vm2  }
0xf0: {  	v4 =	vsel vm1, $0x3F800000, v1  }
0xf1: {  	(xrf0) =	vmax.scan.msk.f32 $0xffff, v4;
	_ =	sdelay $0x5  }
0xf2: {  	v4, _, _ =	vpop (xrf0)  }
0xf3: {  	(v2sf) =	vpush v4, $0xF;
	_ =	sdelay $0xe  }
0xf4: {  	s17 =	spop (v2sf)  }
0xf5: {  	p1 =	sgt.f32 s17, $0.0e+00  }
.Ltmp13:
0xf6: {  	_ = 	snop;
	(pc) =	sbr.rel @p1 .LBB2_15-.Ltmp13, $1  }
0xf7: {  	_ =	sdelay $0x3  }
0xf8: {  	v3 =	vld [tilespmem:s16+$0x180];
	vm1 =	vmmov $0xffff  }
.LBB2_17:
0xf9: {  	v4 =	vld.idx.msk [tilespmem:v2+s26+$0x0], $0xffff;
	_ =	sdelay $0x4  }
0xfa: {  	v3 =	vmax.bf16 v4, v3  }
0xfb: {  	[tilespmem:v2+s26+$0x0] =	vst.idx.msk vm1, v3  }
0xfc: {  	v4 =	vld.idx.msk [tilespmem:v2+s26+$0x0], $0xffff;
	_ =	sdelay $0x4  }
0xfd: {  	vm2 =	vne.s32 v4, v3  }
0xfe: {  	vm1 =	vmand vm1, vm2  }
0xff: {  	v4 =	vsel vm1, $0x3F800000, v1  }
0x100: {  	(xrf0) =	vmax.scan.msk.f32 $0xffff, v4;
	_ =	sdelay $0x5  }
0x101: {  	v4, _, _ =	vpop (xrf0)  }
0x102: {  	(v2sf) =	vpush v4, $0xF;
	_ =	sdelay $0xe  }
0x103: {  	s17 =	spop (v2sf)  }
0x104: {  	p1 =	sgt.f32 s17, $0.0e+00  }
.Ltmp14:
0x105: {  	_ = 	snop;
	(pc) =	sbr.rel @p1 .LBB2_17-.Ltmp14, $1  }
0x106: {  	_ =	sdelay $0x3  }
0x107: {  	v3 =	vld [tilespmem:s16+$0x200];
	vm1 =	vmmov $0xffff  }
.LBB2_19:
0x108: {  	v4 =	vld.idx.msk [tilespmem:v2+s28+$0x0], $0xffff;
	_ =	sdelay $0x4  }
0x109: {  	v3 =	vmax.bf16 v4, v3  }
0x10a: {  	[tilespmem:v2+s28+$0x0] =	vst.idx.msk vm1, v3  }
0x10b: {  	v4 =	vld.idx.msk [tilespmem:v2+s28+$0x0], $0xffff;
	_ =	sdelay $0x4  }
0x10c: {  	vm2 =	vne.s32 v4, v3  }
0x10d: {  	vm1 =	vmand vm1, vm2  }
0x10e: {  	v4 =	vsel vm1, $0x3F800000, v1  }
0x10f: {  	(xrf0) =	vmax.scan.msk.f32 $0xffff, v4;
	_ =	sdelay $0x5  }
0x110: {  	v4, _, _ =	vpop (xrf0)  }
0x111: {  	(v2sf) =	vpush v4, $0xF;
	_ =	sdelay $0xe  }
0x112: {  	s17 =	spop (v2sf)  }
0x113: {  	p1 =	sgt.f32 s17, $0.0e+00  }
.Ltmp15:
0x114: {  	_ = 	snop;
	(pc) =	sbr.rel @p1 .LBB2_19-.Ltmp15, $1  }
0x115: {  	_ =	sdelay $0x3  }
0x116: {  	v3 =	vld [tilespmem:s16+$0x280];
	vm1 =	vmmov $0xffff  }
.LBB2_21:
0x117: {  	v4 =	vld.idx.msk [tilespmem:v2+s29+$0x0], $0xffff;
	_ =	sdelay $0x4  }
0x118: {  	v3 =	vmax.bf16 v4, v3  }
0x119: {  	[tilespmem:v2+s29+$0x0] =	vst.idx.msk vm1, v3  }
0x11a: {  	v4 =	vld.idx.msk [tilespmem:v2+s29+$0x0], $0xffff;
	_ =	sdelay $0x4  }
0x11b: {  	vm2 =	vne.s32 v4, v3  }
0x11c: {  	vm1 =	vmand vm1, vm2  }
0x11d: {  	v4 =	vsel vm1, $0x3F800000, v1  }
0x11e: {  	(xrf0) =	vmax.scan.msk.f32 $0xffff, v4;
	_ =	sdelay $0x5  }
0x11f: {  	v4, _, _ =	vpop (xrf0)  }
0x120: {  	(v2sf) =	vpush v4, $0xF;
	_ =	sdelay $0xe  }
0x121: {  	s17 =	spop (v2sf)  }
0x122: {  	p1 =	sgt.f32 s17, $0.0e+00  }
.Ltmp16:
0x123: {  	_ = 	snop;
	(pc) =	sbr.rel @p1 .LBB2_21-.Ltmp16, $1  }
0x124: {  	_ =	sdelay $0x3  }
0x125: {  	v3 =	vld [tilespmem:s16+$0x300];
	vm1 =	vmmov $0xffff  }
.LBB2_23:
0x126: {  	v4 =	vld.idx.msk [tilespmem:v2+s30+$0x0], $0xffff;
	_ =	sdelay $0x4  }
0x127: {  	v3 =	vmax.bf16 v4, v3  }
0x128: {  	[tilespmem:v2+s30+$0x0] =	vst.idx.msk vm1, v3  }
0x129: {  	v4 =	vld.idx.msk [tilespmem:v2+s30+$0x0], $0xffff;
	_ =	sdelay $0x4  }
0x12a: {  	vm2 =	vne.s32 v4, v3  }
0x12b: {  	vm1 =	vmand vm1, vm2  }
0x12c: {  	v4 =	vsel vm1, $0x3F800000, v1  }
0x12d: {  	(xrf0) =	vmax.scan.msk.f32 $0xffff, v4;
	_ =	sdelay $0x5  }
0x12e: {  	v4, _, _ =	vpop (xrf0)  }
0x12f: {  	(v2sf) =	vpush v4, $0xF;
	_ =	sdelay $0xe  }
0x130: {  	s17 =	spop (v2sf)  }
0x131: {  	p1 =	sgt.f32 s17, $0.0e+00  }
.Ltmp17:
0x132: {  	_ = 	snop;
	(pc) =	sbr.rel @p1 .LBB2_23-.Ltmp17, $1  }
0x133: {  	_ =	sdelay $0x3  }
0x134: {  	v3 =	vld [tilespmem:s16+$0x380];
	vm1 =	vmmov $0xffff  }
.LBB2_25:
0x135: {  	v4 =	vld.idx.msk [tilespmem:v2+s31+$0x0], $0xffff;
	_ =	sdelay $0x4  }
0x136: {  	v3 =	vmax.bf16 v4, v3  }
0x137: {  	[tilespmem:v2+s31+$0x0] =	vst.idx.msk vm1, v3  }
0x138: {  	v4 =	vld.idx.msk [tilespmem:v2+s31+$0x0], $0xffff;
	_ =	sdelay $0x4  }
0x139: {  	vm2 =	vne.s32 v4, v3  }
0x13a: {  	vm1 =	vmand vm1, vm2  }
0x13b: {  	v4 =	vsel vm1, $0x3F800000, v1  }
0x13c: {  	(xrf0) =	vmax.scan.msk.f32 $0xffff, v4;
	_ =	sdelay $0x5  }
0x13d: {  	v4, _, _ =	vpop (xrf0)  }
0x13e: {  	(v2sf) =	vpush v4, $0xF;
	_ =	sdelay $0xe  }
0x13f: {  	s16 =	spop (v2sf)  }
0x140: {  	p1 =	sgt.f32 s16, $0.0e+00  }
.Ltmp18:
0x141: {  	_ = 	snop;
	(pc) =	sbr.rel @p1 .LBB2_25-.Ltmp18, $1  }
0x142: {  	_ =	sdelay $0x3  }
.LBB2_26:
0x143: {  	s15 =	sor.u32 $0x10, s15;
	s13 =	sand.u32 $0x380, s13  }
0x144: {  	s13 =	sor.u32 s13, s15  }
0x145: {  	v2 =	vld [tilespmem:s13+$0x2D00];
	_ =	sdelay $0x4  }
0x146: {  	(v2sf) =	vpush v2, $0x0;
	_ =	sdelay $0xd  }
0x147: {  	v2 =	vld [tilespmem:s13+$0x0]  }
0x148: {  	s16 =	spop (v2sf)  }
0x149: {  	p1 =	sne.s32 s16, $0x10  }
.Ltmp19:
0x14a: {  	_ = 	snop;
	(pc) =	sbr.rel @!p1 .LBB2_27-.Ltmp19, $2  }
0x14b: {  	_ =	sdelay $0x2  }
0x14c: {  	s13 =	sadd.s32 s15, s14  }
.Ltmp20:
0x14d: {  	(pc) =	sbr.rel @!p0 .LBB2_45-.Ltmp20, $1  }
0x14e: {  	_ =	sdelay $0x3  }
0x14f: {  	v3 =	vld [tilespmem:s13+$0x0];
	vm1 =	vmmov $0xffff  }
.LBB2_30:
0x150: {  	v4 =	vld.idx.msk [tilespmem:v2+s23+$0x0], $0xffff;
	_ =	sdelay $0x4  }
0x151: {  	v3 =	vmax.bf16 v4, v3  }
0x152: {  	[tilespmem:v2+s23+$0x0] =	vst.idx.msk vm1, v3  }
0x153: {  	v4 =	vld.idx.msk [tilespmem:v2+s23+$0x0], $0xffff;
	_ =	sdelay $0x4  }
0x154: {  	vm2 =	vne.s32 v4, v3  }
0x155: {  	vm1 =	vmand vm1, vm2  }
0x156: {  	v4 =	vsel vm1, $0x3F800000, v1  }
0x157: {  	(xrf0) =	vmax.scan.msk.f32 $0xffff, v4;
	_ =	sdelay $0x5  }
0x158: {  	v4, _, _ =	vpop (xrf0)  }
0x159: {  	(v2sf) =	vpush v4, $0xF;
	_ =	sdelay $0xe  }
0x15a: {  	s14 =	spop (v2sf)  }
0x15b: {  	p1 =	sgt.f32 s14, $0.0e+00  }
.Ltmp21:
0x15c: {  	_ = 	snop;
	(pc) =	sbr.rel @p1 .LBB2_30-.Ltmp21, $1  }
0x15d: {  	_ =	sdelay $0x3  }
0x15e: {  	v3 =	vld [tilespmem:s13+$0x80];
	vm1 =	vmmov $0xffff  }
.LBB2_32:
0x15f: {  	v4 =	vld.idx.msk [tilespmem:v2+s24+$0x0], $0xffff;
	_ =	sdelay $0x4  }
0x160: {  	v3 =	vmax.bf16 v4, v3  }
0x161: {  	[tilespmem:v2+s24+$0x0] =	vst.idx.msk vm1, v3  }
0x162: {  	v4 =	vld.idx.msk [tilespmem:v2+s24+$0x0], $0xffff;
	_ =	sdelay $0x4  }
0x163: {  	vm2 =	vne.s32 v4, v3  }
0x164: {  	vm1 =	vmand vm1, vm2  }
0x165: {  	v4 =	vsel vm1, $0x3F800000, v1  }
0x166: {  	(xrf0) =	vmax.scan.msk.f32 $0xffff, v4;
	_ =	sdelay $0x5  }
0x167: {  	v4, _, _ =	vpop (xrf0)  }
0x168: {  	(v2sf) =	vpush v4, $0xF;
	_ =	sdelay $0xe  }
0x169: {  	s14 =	spop (v2sf)  }
0x16a: {  	p1 =	sgt.f32 s14, $0.0e+00  }
.Ltmp22:
0x16b: {  	_ = 	snop;
	(pc) =	sbr.rel @p1 .LBB2_32-.Ltmp22, $1  }
0x16c: {  	_ =	sdelay $0x3  }
0x16d: {  	v3 =	vld [tilespmem:s13+$0x100];
	vm1 =	vmmov $0xffff  }
.LBB2_34:
0x16e: {  	v4 =	vld.idx.msk [tilespmem:v2+s25+$0x0], $0xffff;
	_ =	sdelay $0x4  }
0x16f: {  	v3 =	vmax.bf16 v4, v3  }
0x170: {  	[tilespmem:v2+s25+$0x0] =	vst.idx.msk vm1, v3  }
0x171: {  	v4 =	vld.idx.msk [tilespmem:v2+s25+$0x0], $0xffff;
	_ =	sdelay $0x4  }
0x172: {  	vm2 =	vne.s32 v4, v3  }
0x173: {  	vm1 =	vmand vm1, vm2  }
0x174: {  	v4 =	vsel vm1, $0x3F800000, v1  }
0x175: {  	(xrf0) =	vmax.scan.msk.f32 $0xffff, v4;
	_ =	sdelay $0x5  }
0x176: {  	v4, _, _ =	vpop (xrf0)  }
0x177: {  	(v2sf) =	vpush v4, $0xF;
	_ =	sdelay $0xe  }
0x178: {  	s14 =	spop (v2sf)  }
0x179: {  	p1 =	sgt.f32 s14, $0.0e+00  }
.Ltmp23:
0x17a: {  	_ = 	snop;
	(pc) =	sbr.rel @p1 .LBB2_34-.Ltmp23, $1  }
0x17b: {  	_ =	sdelay $0x3  }
0x17c: {  	v3 =	vld [tilespmem:s13+$0x180];
	vm1 =	vmmov $0xffff  }
.LBB2_36:
0x17d: {  	v4 =	vld.idx.msk [tilespmem:v2+s26+$0x0], $0xffff;
	_ =	sdelay $0x4  }
0x17e: {  	v3 =	vmax.bf16 v4, v3  }
0x17f: {  	[tilespmem:v2+s26+$0x0] =	vst.idx.msk vm1, v3  }
0x180: {  	v4 =	vld.idx.msk [tilespmem:v2+s26+$0x0], $0xffff;
	_ =	sdelay $0x4  }
0x181: {  	vm2 =	vne.s32 v4, v3  }
0x182: {  	vm1 =	vmand vm1, vm2  }
0x183: {  	v4 =	vsel vm1, $0x3F800000, v1  }
0x184: {  	(xrf0) =	vmax.scan.msk.f32 $0xffff, v4;
	_ =	sdelay $0x5  }
0x185: {  	v4, _, _ =	vpop (xrf0)  }
0x186: {  	(v2sf) =	vpush v4, $0xF;
	_ =	sdelay $0xe  }
0x187: {  	s14 =	spop (v2sf)  }
0x188: {  	p1 =	sgt.f32 s14, $0.0e+00  }
.Ltmp24:
0x189: {  	_ = 	snop;
	(pc) =	sbr.rel @p1 .LBB2_36-.Ltmp24, $1  }
0x18a: {  	_ =	sdelay $0x3  }
0x18b: {  	v3 =	vld [tilespmem:s13+$0x200];
	vm1 =	vmmov $0xffff  }
.LBB2_38:
0x18c: {  	v4 =	vld.idx.msk [tilespmem:v2+s28+$0x0], $0xffff;
	_ =	sdelay $0x4  }
0x18d: {  	v3 =	vmax.bf16 v4, v3  }
0x18e: {  	[tilespmem:v2+s28+$0x0] =	vst.idx.msk vm1, v3  }
0x18f: {  	v4 =	vld.idx.msk [tilespmem:v2+s28+$0x0], $0xffff;
	_ =	sdelay $0x4  }
0x190: {  	vm2 =	vne.s32 v4, v3  }
0x191: {  	vm1 =	vmand vm1, vm2  }
0x192: {  	v4 =	vsel vm1, $0x3F800000, v1  }
0x193: {  	(xrf0) =	vmax.scan.msk.f32 $0xffff, v4;
	_ =	sdelay $0x5  }
0x194: {  	v4, _, _ =	vpop (xrf0)  }
0x195: {  	(v2sf) =	vpush v4, $0xF;
	_ =	sdelay $0xe  }
0x196: {  	s14 =	spop (v2sf)  }
0x197: {  	p1 =	sgt.f32 s14, $0.0e+00  }
.Ltmp25:
0x198: {  	_ = 	snop;
	(pc) =	sbr.rel @p1 .LBB2_38-.Ltmp25, $1  }
0x199: {  	_ =	sdelay $0x3  }
0x19a: {  	v3 =	vld [tilespmem:s13+$0x280];
	vm1 =	vmmov $0xffff  }
.LBB2_40:
0x19b: {  	v4 =	vld.idx.msk [tilespmem:v2+s29+$0x0], $0xffff;
	_ =	sdelay $0x4  }
0x19c: {  	v3 =	vmax.bf16 v4, v3  }
0x19d: {  	[tilespmem:v2+s29+$0x0] =	vst.idx.msk vm1, v3  }
0x19e: {  	v4 =	vld.idx.msk [tilespmem:v2+s29+$0x0], $0xffff;
	_ =	sdelay $0x4  }
0x19f: {  	vm2 =	vne.s32 v4, v3  }
0x1a0: {  	vm1 =	vmand vm1, vm2  }
0x1a1: {  	v4 =	vsel vm1, $0x3F800000, v1  }
0x1a2: {  	(xrf0) =	vmax.scan.msk.f32 $0xffff, v4;
	_ =	sdelay $0x5  }
0x1a3: {  	v4, _, _ =	vpop (xrf0)  }
0x1a4: {  	(v2sf) =	vpush v4, $0xF;
	_ =	sdelay $0xe  }
0x1a5: {  	s14 =	spop (v2sf)  }
0x1a6: {  	p1 =	sgt.f32 s14, $0.0e+00  }
.Ltmp26:
0x1a7: {  	_ = 	snop;
	(pc) =	sbr.rel @p1 .LBB2_40-.Ltmp26, $1  }
0x1a8: {  	_ =	sdelay $0x3  }
0x1a9: {  	v3 =	vld [tilespmem:s13+$0x300];
	vm1 =	vmmov $0xffff  }
.LBB2_42:
0x1aa: {  	v4 =	vld.idx.msk [tilespmem:v2+s30+$0x0], $0xffff;
	_ =	sdelay $0x4  }
0x1ab: {  	v3 =	vmax.bf16 v4, v3  }
0x1ac: {  	[tilespmem:v2+s30+$0x0] =	vst.idx.msk vm1, v3  }
0x1ad: {  	v4 =	vld.idx.msk [tilespmem:v2+s30+$0x0], $0xffff;
	_ =	sdelay $0x4  }
0x1ae: {  	vm2 =	vne.s32 v4, v3  }
0x1af: {  	vm1 =	vmand vm1, vm2  }
0x1b0: {  	v4 =	vsel vm1, $0x3F800000, v1  }
0x1b1: {  	(xrf0) =	vmax.scan.msk.f32 $0xffff, v4;
	_ =	sdelay $0x5  }
0x1b2: {  	v4, _, _ =	vpop (xrf0)  }
0x1b3: {  	(v2sf) =	vpush v4, $0xF;
	_ =	sdelay $0xe  }
0x1b4: {  	s14 =	spop (v2sf)  }
0x1b5: {  	p1 =	sgt.f32 s14, $0.0e+00  }
.Ltmp27:
0x1b6: {  	_ = 	snop;
	(pc) =	sbr.rel @p1 .LBB2_42-.Ltmp27, $1  }
0x1b7: {  	_ =	sdelay $0x3  }
0x1b8: {  	v3 =	vld [tilespmem:s13+$0x380];
	vm1 =	vmmov $0xffff  }
.LBB2_44:
0x1b9: {  	v4 =	vld.idx.msk [tilespmem:v2+s31+$0x0], $0xffff;
	_ =	sdelay $0x4  }
0x1ba: {  	v3 =	vmax.bf16 v4, v3  }
0x1bb: {  	[tilespmem:v2+s31+$0x0] =	vst.idx.msk vm1, v3  }
0x1bc: {  	v4 =	vld.idx.msk [tilespmem:v2+s31+$0x0], $0xffff;
	_ =	sdelay $0x4  }
0x1bd: {  	vm2 =	vne.s32 v4, v3  }
0x1be: {  	vm1 =	vmand vm1, vm2  }
0x1bf: {  	v4 =	vsel vm1, $0x3F800000, v1  }
0x1c0: {  	(xrf0) =	vmax.scan.msk.f32 $0xffff, v4;
	_ =	sdelay $0x5  }
0x1c1: {  	v4, _, _ =	vpop (xrf0)  }
0x1c2: {  	(v2sf) =	vpush v4, $0xF;
	_ =	sdelay $0xe  }
0x1c3: {  	s13 =	spop (v2sf)  }
0x1c4: {  	p1 =	sgt.f32 s13, $0.0e+00  }
.Ltmp28:
0x1c5: {  	_ = 	snop;
	(pc) =	sbr.rel @p1 .LBB2_44-.Ltmp28, $1  }
0x1c6: {  	_ =	sdelay $0x3  }
.Ltmp29:
0x1c7: {  	_ = 	snop;
	(pc) =	sbr.rel .LBB2_45-.Ltmp29, $1  }
0x1c8: {  	_ =	sdelay $0x3  }
.LBB2_46:
0x1c9: {  	_ =	swait.ge [sflag:s0], $0x280  }
0x1ca: {  	[sflag:s0] =	ssyncset.done $0x0  }
0x1cb: {  	p1 =	seq.s32 s9, $0x1F;
	[sflag:s0] =	ssyncadd.s32 $0xFFFFFD80  }
0x1cc: {  	s10 =	sadd.s32 @!p1 s10, s7;
	_ =	swait.ge [sflag:s3], $0x1400  }
0x1cd: {  	s12 =	sshrl.u32 @!p1 s10, $0x3;
	[sflag:s3] =	ssyncset.done $0x0  }
0x1ce: {  	s13 =	simm.s32 @!p1 $0x0;
	s12 =	sadd.s32 @!p1 s1, s12;
	[sflag:s3] =	ssyncadd.s32 $0xFFFFEC00  }
0x1cf: {  	[tilespmem:s13], [sflag:$0x1] =	stream.linear.gather @!p1 [hbm4b:s12+s13], $0x280, $0x38;
	[tilespmem:$0x16F80] =	vst v63  }
0x1d0: {  	s10 =	sadd.s32 @!p1 s10, s11;
	s12 =	simm.s32 @!p1 $0x500  }
0x1d1: {  	[tilespmem:s12], [sflag:$0x3] =	stream.linear.gather @!p1 [hbm4b:s10+s13], $0x1400, $0x38;
	[tilespmem:$0x16F80] =	vst v63  }
0x1d2: {  	s12 =	simm.s32 $0x0  }
0x1d3: {  	v2 =	vld [tilespmem:s12+$0x280];
	_ =	sdelay $0x1  }
0x1d4: {  	s13 =	simm.s32 $0x10  }
0x1d5: {  	v3 =	vld [tilespmem:s13+$0x280];
	_ =	sdelay $0x1  }
0x1d6: {  	(xrf1) =	vunique.msk.u32 $0xffff, v2;
	_ =	sdelay $0x2  }
0x1d7: {  	(xrf1) =	vunique.msk.u32 $0xffff, v3;
	_ =	sdelay $0x2  }
0x1d8: {  	s14 =	simm.s32 $0x20  }
0x1d9: {  	v2 =	vld [tilespmem:s14+$0x280];
	_ =	sdelay $0x3  }
0x1da: {  	s15 =	simm.s32 $0xC0;
	s10 =	simm.s32 $0x0  }
.LBB2_47:
0x1db: {  	s16 =	sshra.s32 s15, $0x2;
	p1 =	sne.s32 s15, $0x9C0;
	s15 =	sadd.s32 $0x40, s15;
	(xrf1) =	vunique.msk.u32 $0xffff, v2  }
.Ltmp30:
0x1dc: {  	v2 =	vld [tilespmem:s16+$0x280];
	(pc) =	sbr.rel @p1 .LBB2_47-.Ltmp30, $3  }
0x1dd: {  	_, v3, vm1 =	vpop (xrf1)  }
0x1de: {  	v3 =	vmpcnt.ones.xlane vm1;
	_ =	sdelay $0x1  }
0x1df: {  	[tilespmem:s12+$0x2D00] =	vst v3;
	s12 =	smov.u32 s13;
	s13 =	smov.u32 s14;
	s14 =	smov.u32 s16  }
0x1e0: {  	(xrf1) =	vunique.msk.u32 $0xffff, v2;
	_ =	sdelay $0xb  }
0x1e1: {  	_, v2, vm1 =	vpop (xrf1)  }
.Ltmp31:
0x1e2: {  	v2 =	vmpcnt.ones.xlane vm1;
	_, v3, vm1 =	vpop (xrf1);
	(pc) =	sbr.rel .LBB2_49-.Ltmp31, $4  }
0x1e3: {  	v3 =	vmpcnt.ones.xlane vm1;
	_, v4, vm1 =	vpop (xrf1)  }
0x1e4: {  	[tilespmem:s12+$0x2D00] =	vst v2;
	v2 =	vmpcnt.ones.xlane vm1  }
0x1e5: {  	[tilespmem:s13+$0x2D00] =	vst v3  }
0x1e6: {  	[tilespmem:s14+$0x2D00] =	vst v2  }
.LBB2_69:
0x1e7: {  	_ =	sdelay $0x2  }
0x1e8: {  	v3 =	vld [tilespmem:s12+$0x0]  }
0x1e9: {  	v4 =	vld.idx.msk [tilespmem:v2+s23+$0x0], $0xffff;
	_ =	sdelay $0x4  }
0x1ea: {  	v3 =	vmax.bf16 v4, v3  }
0x1eb: {  	[tilespmem:v2+s23+$0x0] =	vst.idx.msk $0xffff, v3  }
0x1ec: {  	v3 =	vld [tilespmem:s12+$0x80]  }
0x1ed: {  	v57 =	vld.idx.msk [tilespmem:v2+s24+$0x0], $0xffff;
	_ =	sdelay $0x4  }
0x1ee: {  	v3 =	vmax.bf16 v57, v3  }
0x1ef: {  	[tilespmem:v2+s24+$0x0] =	vst.idx.msk $0xffff, v3  }
0x1f0: {  	v3 =	vld [tilespmem:s12+$0x100]  }
0x1f1: {  	v58 =	vld.idx.msk [tilespmem:v2+s25+$0x0], $0xffff;
	_ =	sdelay $0x4  }
0x1f2: {  	v3 =	vmax.bf16 v58, v3  }
0x1f3: {  	[tilespmem:v2+s25+$0x0] =	vst.idx.msk $0xffff, v3  }
0x1f4: {  	v3 =	vld [tilespmem:s12+$0x180]  }
0x1f5: {  	v59 =	vld.idx.msk [tilespmem:v2+s26+$0x0], $0xffff;
	_ =	sdelay $0x4  }
0x1f6: {  	v3 =	vmax.bf16 v59, v3  }
0x1f7: {  	[tilespmem:v2+s26+$0x0] =	vst.idx.msk $0xffff, v3  }
0x1f8: {  	v3 =	vld [tilespmem:s12+$0x200]  }
0x1f9: {  	v60 =	vld.idx.msk [tilespmem:v2+s28+$0x0], $0xffff;
	_ =	sdelay $0x4  }
0x1fa: {  	v3 =	vmax.bf16 v60, v3  }
0x1fb: {  	[tilespmem:v2+s28+$0x0] =	vst.idx.msk $0xffff, v3  }
0x1fc: {  	v3 =	vld [tilespmem:s12+$0x280]  }
0x1fd: {  	v61 =	vld.idx.msk [tilespmem:v2+s29+$0x0], $0xffff;
	_ =	sdelay $0x4  }
0x1fe: {  	v3 =	vmax.bf16 v61, v3  }
0x1ff: {  	[tilespmem:v2+s29+$0x0] =	vst.idx.msk $0xffff, v3  }
0x200: {  	v3 =	vld [tilespmem:s12+$0x300]  }
0x201: {  	v62 =	vld.idx.msk [tilespmem:v2+s30+$0x0], $0xffff;
	_ =	sdelay $0x4  }
0x202: {  	v3 =	vmax.bf16 v62, v3  }
0x203: {  	[tilespmem:v2+s30+$0x0] =	vst.idx.msk $0xffff, v3  }
0x204: {  	v3 =	vld [tilespmem:s12+$0x380]  }
0x205: {  	v63 =	vld.idx.msk [tilespmem:v2+s31+$0x0], $0xffff;
	_ =	sdelay $0x4  }
0x206: {  	v3 =	vmax.bf16 v63, v3  }
0x207: {  	[tilespmem:v2+s31+$0x0] =	vst.idx.msk $0xffff, v3  }
.LBB2_87:
0x208: {  	s10 =	sadd.s32 $0x1, s10  }
0x209: {  	p1 =	sne.s32 s10, $0x14  }
.Ltmp32:
0x20a: {  	_ = 	snop;
	(pc) =	sbr.rel @!p1 .LBB2_88-.Ltmp32, $1  }
0x20b: {  	_ =	sdelay $0x3  }
.LBB2_49:
0x20c: {  	s12 =	sshll.u32 s10, $0x5  }
0x20d: {  	v2 =	vld [tilespmem:s12+$0x2D00];
	_ =	sdelay $0x4  }
0x20e: {  	(v2sf) =	vpush v2, $0x0;
	_ =	sdelay $0xd  }
0x20f: {  	v2 =	vld [tilespmem:s12+$0x280]  }
0x210: {  	s15 =	spop (v2sf)  }
0x211: {  	p1 =	sne.s32 s15, $0x10  }
.Ltmp33:
0x212: {  	_ = 	snop;
	(pc) =	sbr.rel @p1 .LBB2_51-.Ltmp33, $4  }
0x213: {  	s13 =	sshll.u32 s10, $0x8  }
0x214: {  	s13 =	sand.u32 $0x1FFFFC00, s13  }
0x215: {  	s14 =	sand.u32 $0x60, s12;
	s13 =	sadd.s32 $0x1900, s13  }
0x216: {  	s15 =	sor.u32 s14, s13  }
0x217: {  	_ =	sdelay $0x2  }
0x218: {  	v3 =	vld [tilespmem:s15+$0x0]  }
0x219: {  	v4 =	vld.idx.msk [tilespmem:v2+s23+$0x0], $0xffff;
	_ =	sdelay $0x4  }
0x21a: {  	v3 =	vmax.bf16 v4, v3  }
0x21b: {  	[tilespmem:v2+s23+$0x0] =	vst.idx.msk $0xffff, v3  }
0x21c: {  	v3 =	vld [tilespmem:s15+$0x80]  }
0x21d: {  	v57 =	vld.idx.msk [tilespmem:v2+s24+$0x0], $0xffff;
	_ =	sdelay $0x4  }
0x21e: {  	v3 =	vmax.bf16 v57, v3  }
0x21f: {  	[tilespmem:v2+s24+$0x0] =	vst.idx.msk $0xffff, v3  }
0x220: {  	v3 =	vld [tilespmem:s15+$0x100]  }
0x221: {  	v58 =	vld.idx.msk [tilespmem:v2+s25+$0x0], $0xffff;
	_ =	sdelay $0x4  }
0x222: {  	v3 =	vmax.bf16 v58, v3  }
0x223: {  	[tilespmem:v2+s25+$0x0] =	vst.idx.msk $0xffff, v3  }
0x224: {  	v3 =	vld [tilespmem:s15+$0x180]  }
0x225: {  	v59 =	vld.idx.msk [tilespmem:v2+s26+$0x0], $0xffff;
	_ =	sdelay $0x4  }
0x226: {  	v3 =	vmax.bf16 v59, v3  }
0x227: {  	[tilespmem:v2+s26+$0x0] =	vst.idx.msk $0xffff, v3  }
0x228: {  	v3 =	vld [tilespmem:s15+$0x200]  }
0x229: {  	v60 =	vld.idx.msk [tilespmem:v2+s28+$0x0], $0xffff;
	_ =	sdelay $0x4  }
0x22a: {  	v3 =	vmax.bf16 v60, v3  }
0x22b: {  	[tilespmem:v2+s28+$0x0] =	vst.idx.msk $0xffff, v3  }
0x22c: {  	v3 =	vld [tilespmem:s15+$0x280]  }
0x22d: {  	v61 =	vld.idx.msk [tilespmem:v2+s29+$0x0], $0xffff;
	_ =	sdelay $0x4  }
0x22e: {  	v3 =	vmax.bf16 v61, v3  }
0x22f: {  	[tilespmem:v2+s29+$0x0] =	vst.idx.msk $0xffff, v3  }
0x230: {  	v3 =	vld [tilespmem:s15+$0x300]  }
0x231: {  	v62 =	vld.idx.msk [tilespmem:v2+s30+$0x0], $0xffff;
	_ =	sdelay $0x4  }
0x232: {  	v3 =	vmax.bf16 v62, v3  }
0x233: {  	[tilespmem:v2+s30+$0x0] =	vst.idx.msk $0xffff, v3  }
0x234: {  	v3 =	vld [tilespmem:s15+$0x380]  }
0x235: {  	v63 =	vld.idx.msk [tilespmem:v2+s31+$0x0], $0xffff;
	_ =	sdelay $0x1  }
.Ltmp34:
0x236: {  	_ = 	snop;
	(pc) =	sbr.rel .LBB2_68-.Ltmp34, $3  }
0x237: {  	_ =	sdelay $0x1  }
0x238: {  	v3 =	vmax.bf16 v63, v3  }
0x239: {  	[tilespmem:v2+s31+$0x0] =	vst.idx.msk $0xffff, v3  }
.LBB2_51:
.Ltmp35:
0x23a: {  	(pc) =	sbr.rel @!p0 .LBB2_68-.Ltmp35, $1  }
0x23b: {  	_ =	sdelay $0x3  }
0x23c: {  	v3 =	vld [tilespmem:s15+$0x0];
	vm1 =	vmmov vm0  }
.LBB2_53:
0x23d: {  	v4 =	vld.idx.msk [tilespmem:v2+s23+$0x0], $0xffff;
	_ =	sdelay $0x4  }
0x23e: {  	v3 =	vmax.bf16 v4, v3  }
0x23f: {  	[tilespmem:v2+s23+$0x0] =	vst.idx.msk vm1, v3  }
0x240: {  	v4 =	vld.idx.msk [tilespmem:v2+s23+$0x0], $0xffff;
	_ =	sdelay $0x4  }
0x241: {  	vm2 =	vne.s32 v4, v3  }
0x242: {  	vm1 =	vmand vm1, vm2  }
0x243: {  	v4 =	vsel vm1, $0x3F800000, v1  }
0x244: {  	(xrf0) =	vmax.scan.msk.f32 $0xffff, v4;
	_ =	sdelay $0x5  }
0x245: {  	v4, _, _ =	vpop (xrf0)  }
0x246: {  	(v2sf) =	vpush v4, $0xF;
	_ =	sdelay $0xe  }
0x247: {  	s16 =	spop (v2sf)  }
0x248: {  	p1 =	sgt.f32 s16, $0.0e+00  }
.Ltmp36:
0x249: {  	_ = 	snop;
	(pc) =	sbr.rel @p1 .LBB2_53-.Ltmp36, $1  }
0x24a: {  	_ =	sdelay $0x3  }
0x24b: {  	v3 =	vld [tilespmem:s15+$0x80];
	vm1 =	vmmov vm0  }
.LBB2_55:
0x24c: {  	v4 =	vld.idx.msk [tilespmem:v2+s24+$0x0], $0xffff;
	_ =	sdelay $0x4  }
0x24d: {  	v3 =	vmax.bf16 v4, v3  }
0x24e: {  	[tilespmem:v2+s24+$0x0] =	vst.idx.msk vm1, v3  }
0x24f: {  	v4 =	vld.idx.msk [tilespmem:v2+s24+$0x0], $0xffff;
	_ =	sdelay $0x4  }
0x250: {  	vm2 =	vne.s32 v4, v3  }
0x251: {  	vm1 =	vmand vm1, vm2  }
0x252: {  	v4 =	vsel vm1, $0x3F800000, v1  }
0x253: {  	(xrf0) =	vmax.scan.msk.f32 $0xffff, v4;
	_ =	sdelay $0x5  }
0x254: {  	v4, _, _ =	vpop (xrf0)  }
0x255: {  	(v2sf) =	vpush v4, $0xF;
	_ =	sdelay $0xe  }
0x256: {  	s16 =	spop (v2sf)  }
0x257: {  	p1 =	sgt.f32 s16, $0.0e+00  }
.Ltmp37:
0x258: {  	_ = 	snop;
	(pc) =	sbr.rel @p1 .LBB2_55-.Ltmp37, $1  }
0x259: {  	_ =	sdelay $0x3  }
0x25a: {  	v3 =	vld [tilespmem:s15+$0x100];
	vm1 =	vmmov $0xffff  }
.LBB2_57:
0x25b: {  	v4 =	vld.idx.msk [tilespmem:v2+s25+$0x0], $0xffff;
	_ =	sdelay $0x4  }
0x25c: {  	v3 =	vmax.bf16 v4, v3  }
0x25d: {  	[tilespmem:v2+s25+$0x0] =	vst.idx.msk vm1, v3  }
0x25e: {  	v4 =	vld.idx.msk [tilespmem:v2+s25+$0x0], $0xffff;
	_ =	sdelay $0x4  }
0x25f: {  	vm2 =	vne.s32 v4, v3  }
0x260: {  	vm1 =	vmand vm1, vm2  }
0x261: {  	v4 =	vsel vm1, $0x3F800000, v1  }
0x262: {  	(xrf0) =	vmax.scan.msk.f32 $0xffff, v4;
	_ =	sdelay $0x5  }
0x263: {  	v4, _, _ =	vpop (xrf0)  }
0x264: {  	(v2sf) =	vpush v4, $0xF;
	_ =	sdelay $0xe  }
0x265: {  	s16 =	spop (v2sf)  }
0x266: {  	p1 =	sgt.f32 s16, $0.0e+00  }
.Ltmp38:
0x267: {  	_ = 	snop;
	(pc) =	sbr.rel @p1 .LBB2_57-.Ltmp38, $1  }
0x268: {  	_ =	sdelay $0x3  }
0x269: {  	v3 =	vld [tilespmem:s15+$0x180];
	vm1 =	vmmov $0xffff  }
.LBB2_59:
0x26a: {  	v4 =	vld.idx.msk [tilespmem:v2+s26+$0x0], $0xffff;
	_ =	sdelay $0x4  }
0x26b: {  	v3 =	vmax.bf16 v4, v3  }
0x26c: {  	[tilespmem:v2+s26+$0x0] =	vst.idx.msk vm1, v3  }
0x26d: {  	v4 =	vld.idx.msk [tilespmem:v2+s26+$0x0], $0xffff;
	_ =	sdelay $0x4  }
0x26e: {  	vm2 =	vne.s32 v4, v3  }
0x26f: {  	vm1 =	vmand vm1, vm2  }
0x270: {  	v4 =	vsel vm1, $0x3F800000, v1  }
0x271: {  	(xrf0) =	vmax.scan.msk.f32 $0xffff, v4;
	_ =	sdelay $0x5  }
0x272: {  	v4, _, _ =	vpop (xrf0)  }
0x273: {  	(v2sf) =	vpush v4, $0xF;
	_ =	sdelay $0xe  }
0x274: {  	s16 =	spop (v2sf)  }
0x275: {  	p1 =	sgt.f32 s16, $0.0e+00  }
.Ltmp39:
0x276: {  	_ = 	snop;
	(pc) =	sbr.rel @p1 .LBB2_59-.Ltmp39, $1  }
0x277: {  	_ =	sdelay $0x3  }
0x278: {  	v3 =	vld [tilespmem:s15+$0x200];
	vm1 =	vmmov $0xffff  }
.LBB2_61:
0x279: {  	v4 =	vld.idx.msk [tilespmem:v2+s28+$0x0], $0xffff;
	_ =	sdelay $0x4  }
0x27a: {  	v3 =	vmax.bf16 v4, v3  }
0x27b: {  	[tilespmem:v2+s28+$0x0] =	vst.idx.msk vm1, v3  }
0x27c: {  	v4 =	vld.idx.msk [tilespmem:v2+s28+$0x0], $0xffff;
	_ =	sdelay $0x4  }
0x27d: {  	vm2 =	vne.s32 v4, v3  }
0x27e: {  	vm1 =	vmand vm1, vm2  }
0x27f: {  	v4 =	vsel vm1, $0x3F800000, v1  }
0x280: {  	(xrf0) =	vmax.scan.msk.f32 $0xffff, v4;
	_ =	sdelay $0x5  }
0x281: {  	v4, _, _ =	vpop (xrf0)  }
0x282: {  	(v2sf) =	vpush v4, $0xF;
	_ =	sdelay $0xe  }
0x283: {  	s16 =	spop (v2sf)  }
0x284: {  	p1 =	sgt.f32 s16, $0.0e+00  }
.Ltmp40:
0x285: {  	_ = 	snop;
	(pc) =	sbr.rel @p1 .LBB2_61-.Ltmp40, $1  }
0x286: {  	_ =	sdelay $0x3  }
0x287: {  	v3 =	vld [tilespmem:s15+$0x280];
	vm1 =	vmmov $0xffff  }
.LBB2_63:
0x288: {  	v4 =	vld.idx.msk [tilespmem:v2+s29+$0x0], $0xffff;
	_ =	sdelay $0x4  }
0x289: {  	v3 =	vmax.bf16 v4, v3  }
0x28a: {  	[tilespmem:v2+s29+$0x0] =	vst.idx.msk vm1, v3  }
0x28b: {  	v4 =	vld.idx.msk [tilespmem:v2+s29+$0x0], $0xffff;
	_ =	sdelay $0x4  }
0x28c: {  	vm2 =	vne.s32 v4, v3  }
0x28d: {  	vm1 =	vmand vm1, vm2  }
0x28e: {  	v4 =	vsel vm1, $0x3F800000, v1  }
0x28f: {  	(xrf0) =	vmax.scan.msk.f32 $0xffff, v4;
	_ =	sdelay $0x5  }
0x290: {  	v4, _, _ =	vpop (xrf0)  }
0x291: {  	(v2sf) =	vpush v4, $0xF;
	_ =	sdelay $0xe  }
0x292: {  	s16 =	spop (v2sf)  }
0x293: {  	p1 =	sgt.f32 s16, $0.0e+00  }
.Ltmp41:
0x294: {  	_ = 	snop;
	(pc) =	sbr.rel @p1 .LBB2_63-.Ltmp41, $1  }
0x295: {  	_ =	sdelay $0x3  }
0x296: {  	v3 =	vld [tilespmem:s15+$0x300];
	vm1 =	vmmov $0xffff  }
.LBB2_65:
0x297: {  	v4 =	vld.idx.msk [tilespmem:v2+s30+$0x0], $0xffff;
	_ =	sdelay $0x4  }
0x298: {  	v3 =	vmax.bf16 v4, v3  }
0x299: {  	[tilespmem:v2+s30+$0x0] =	vst.idx.msk vm1, v3  }
0x29a: {  	v4 =	vld.idx.msk [tilespmem:v2+s30+$0x0], $0xffff;
	_ =	sdelay $0x4  }
0x29b: {  	vm2 =	vne.s32 v4, v3  }
0x29c: {  	vm1 =	vmand vm1, vm2  }
0x29d: {  	v4 =	vsel vm1, $0x3F800000, v1  }
0x29e: {  	(xrf0) =	vmax.scan.msk.f32 $0xffff, v4;
	_ =	sdelay $0x5  }
0x29f: {  	v4, _, _ =	vpop (xrf0)  }
0x2a0: {  	(v2sf) =	vpush v4, $0xF;
	_ =	sdelay $0xe  }
0x2a1: {  	s16 =	spop (v2sf)  }
0x2a2: {  	p1 =	sgt.f32 s16, $0.0e+00  }
.Ltmp42:
0x2a3: {  	_ = 	snop;
	(pc) =	sbr.rel @p1 .LBB2_65-.Ltmp42, $1  }
0x2a4: {  	_ =	sdelay $0x3  }
0x2a5: {  	v3 =	vld [tilespmem:s15+$0x380];
	vm1 =	vmmov $0xffff  }
.LBB2_67:
0x2a6: {  	v4 =	vld.idx.msk [tilespmem:v2+s31+$0x0], $0xffff;
	_ =	sdelay $0x4  }
0x2a7: {  	v3 =	vmax.bf16 v4, v3  }
0x2a8: {  	[tilespmem:v2+s31+$0x0] =	vst.idx.msk vm1, v3  }
0x2a9: {  	v4 =	vld.idx.msk [tilespmem:v2+s31+$0x0], $0xffff;
	_ =	sdelay $0x4  }
0x2aa: {  	vm2 =	vne.s32 v4, v3  }
0x2ab: {  	vm1 =	vmand vm1, vm2  }
0x2ac: {  	v4 =	vsel vm1, $0x3F800000, v1  }
0x2ad: {  	(xrf0) =	vmax.scan.msk.f32 $0xffff, v4;
	_ =	sdelay $0x5  }
0x2ae: {  	v4, _, _ =	vpop (xrf0)  }
0x2af: {  	(v2sf) =	vpush v4, $0xF;
	_ =	sdelay $0xe  }
0x2b0: {  	s15 =	spop (v2sf)  }
0x2b1: {  	p1 =	sgt.f32 s15, $0.0e+00  }
.Ltmp43:
0x2b2: {  	_ = 	snop;
	(pc) =	sbr.rel @p1 .LBB2_67-.Ltmp43, $1  }
0x2b3: {  	_ =	sdelay $0x3  }
.LBB2_68:
0x2b4: {  	s14 =	sor.u32 $0x10, s14;
	s12 =	sand.u32 $0x380, s12  }
0x2b5: {  	s12 =	sor.u32 s12, s14  }
0x2b6: {  	v2 =	vld [tilespmem:s12+$0x2D00];
	_ =	sdelay $0x4  }
0x2b7: {  	(v2sf) =	vpush v2, $0x0;
	_ =	sdelay $0xd  }
0x2b8: {  	v2 =	vld [tilespmem:s12+$0x280]  }
0x2b9: {  	s15 =	spop (v2sf)  }
0x2ba: {  	p1 =	sne.s32 s15, $0x10  }
.Ltmp44:
0x2bb: {  	_ = 	snop;
	(pc) =	sbr.rel @!p1 .LBB2_69-.Ltmp44, $2  }
0x2bc: {  	_ =	sdelay $0x2  }
0x2bd: {  	s12 =	sadd.s32 s14, s13  }
.Ltmp45:
0x2be: {  	(pc) =	sbr.rel @!p0 .LBB2_87-.Ltmp45, $1  }
0x2bf: {  	_ =	sdelay $0x3  }
0x2c0: {  	v3 =	vld [tilespmem:s12+$0x0];
	vm1 =	vmmov vm0  }
.LBB2_72:
0x2c1: {  	v4 =	vld.idx.msk [tilespmem:v2+s23+$0x0], $0xffff;
	_ =	sdelay $0x4  }
0x2c2: {  	v3 =	vmax.bf16 v4, v3  }
0x2c3: {  	[tilespmem:v2+s23+$0x0] =	vst.idx.msk vm1, v3  }
0x2c4: {  	v4 =	vld.idx.msk [tilespmem:v2+s23+$0x0], $0xffff;
	_ =	sdelay $0x4  }
0x2c5: {  	vm2 =	vne.s32 v4, v3  }
0x2c6: {  	vm1 =	vmand vm1, vm2  }
0x2c7: {  	v4 =	vsel vm1, $0x3F800000, v1  }
0x2c8: {  	(xrf0) =	vmax.scan.msk.f32 $0xffff, v4;
	_ =	sdelay $0x5  }
0x2c9: {  	v4, _, _ =	vpop (xrf0)  }
0x2ca: {  	(v2sf) =	vpush v4, $0xF;
	_ =	sdelay $0xe  }
0x2cb: {  	s13 =	spop (v2sf)  }
0x2cc: {  	p1 =	sgt.f32 s13, $0.0e+00  }
.Ltmp46:
0x2cd: {  	_ = 	snop;
	(pc) =	sbr.rel @p1 .LBB2_72-.Ltmp46, $1  }
0x2ce: {  	_ =	sdelay $0x3  }
0x2cf: {  	v3 =	vld [tilespmem:s12+$0x80];
	vm1 =	vmmov vm0  }
.LBB2_74:
0x2d0: {  	v4 =	vld.idx.msk [tilespmem:v2+s24+$0x0], $0xffff;
	_ =	sdelay $0x4  }
0x2d1: {  	v3 =	vmax.bf16 v4, v3  }
0x2d2: {  	[tilespmem:v2+s24+$0x0] =	vst.idx.msk vm1, v3  }
0x2d3: {  	v4 =	vld.idx.msk [tilespmem:v2+s24+$0x0], $0xffff;
	_ =	sdelay $0x4  }
0x2d4: {  	vm2 =	vne.s32 v4, v3  }
0x2d5: {  	vm1 =	vmand vm1, vm2  }
0x2d6: {  	v4 =	vsel vm1, $0x3F800000, v1  }
0x2d7: {  	(xrf0) =	vmax.scan.msk.f32 $0xffff, v4;
	_ =	sdelay $0x5  }
0x2d8: {  	v4, _, _ =	vpop (xrf0)  }
0x2d9: {  	(v2sf) =	vpush v4, $0xF;
	_ =	sdelay $0xe  }
0x2da: {  	s13 =	spop (v2sf)  }
0x2db: {  	p1 =	sgt.f32 s13, $0.0e+00  }
.Ltmp47:
0x2dc: {  	_ = 	snop;
	(pc) =	sbr.rel @p1 .LBB2_74-.Ltmp47, $1  }
0x2dd: {  	_ =	sdelay $0x3  }
0x2de: {  	v3 =	vld [tilespmem:s12+$0x100];
	vm1 =	vmmov vm0  }
.LBB2_76:
0x2df: {  	v4 =	vld.idx.msk [tilespmem:v2+s25+$0x0], $0xffff;
	_ =	sdelay $0x4  }
0x2e0: {  	v3 =	vmax.bf16 v4, v3  }
0x2e1: {  	[tilespmem:v2+s25+$0x0] =	vst.idx.msk vm1, v3  }
0x2e2: {  	v4 =	vld.idx.msk [tilespmem:v2+s25+$0x0], $0xffff;
	_ =	sdelay $0x4  }
0x2e3: {  	vm2 =	vne.s32 v4, v3  }
0x2e4: {  	vm1 =	vmand vm1, vm2  }
0x2e5: {  	v4 =	vsel vm1, $0x3F800000, v1  }
0x2e6: {  	(xrf0) =	vmax.scan.msk.f32 $0xffff, v4;
	_ =	sdelay $0x5  }
0x2e7: {  	v4, _, _ =	vpop (xrf0)  }
0x2e8: {  	(v2sf) =	vpush v4, $0xF;
	_ =	sdelay $0xe  }
0x2e9: {  	s13 =	spop (v2sf)  }
0x2ea: {  	p1 =	sgt.f32 s13, $0.0e+00  }
.Ltmp48:
0x2eb: {  	_ = 	snop;
	(pc) =	sbr.rel @p1 .LBB2_76-.Ltmp48, $1  }
0x2ec: {  	_ =	sdelay $0x3  }
0x2ed: {  	v3 =	vld [tilespmem:s12+$0x180];
	vm1 =	vmmov vm0  }
.LBB2_78:
0x2ee: {  	v4 =	vld.idx.msk [tilespmem:v2+s26+$0x0], $0xffff;
	_ =	sdelay $0x4  }
0x2ef: {  	v3 =	vmax.bf16 v4, v3  }
0x2f0: {  	[tilespmem:v2+s26+$0x0] =	vst.idx.msk vm1, v3  }
0x2f1: {  	v4 =	vld.idx.msk [tilespmem:v2+s26+$0x0], $0xffff;
	_ =	sdelay $0x4  }
0x2f2: {  	vm2 =	vne.s32 v4, v3  }
0x2f3: {  	vm1 =	vmand vm1, vm2  }
0x2f4: {  	v4 =	vsel vm1, $0x3F800000, v1  }
0x2f5: {  	(xrf0) =	vmax.scan.msk.f32 $0xffff, v4;
	_ =	sdelay $0x5  }
0x2f6: {  	v4, _, _ =	vpop (xrf0)  }
0x2f7: {  	(v2sf) =	vpush v4, $0xF;
	_ =	sdelay $0xe  }
0x2f8: {  	s13 =	spop (v2sf)  }
0x2f9: {  	p1 =	sgt.f32 s13, $0.0e+00  }
.Ltmp49:
0x2fa: {  	_ = 	snop;
	(pc) =	sbr.rel @p1 .LBB2_78-.Ltmp49, $1  }
0x2fb: {  	_ =	sdelay $0x3  }
0x2fc: {  	v3 =	vld [tilespmem:s12+$0x200];
	vm1 =	vmmov vm0  }
.LBB2_80:
0x2fd: {  	v4 =	vld.idx.msk [tilespmem:v2+s28+$0x0], $0xffff;
	_ =	sdelay $0x4  }
0x2fe: {  	v3 =	vmax.bf16 v4, v3  }
0x2ff: {  	[tilespmem:v2+s28+$0x0] =	vst.idx.msk vm1, v3  }
0x300: {  	v4 =	vld.idx.msk [tilespmem:v2+s28+$0x0], $0xffff;
	_ =	sdelay $0x4  }
0x301: {  	vm2 =	vne.s32 v4, v3  }
0x302: {  	vm1 =	vmand vm1, vm2  }
0x303: {  	v4 =	vsel vm1, $0x3F800000, v1  }
0x304: {  	(xrf0) =	vmax.scan.msk.f32 $0xffff, v4;
	_ =	sdelay $0x5  }
0x305: {  	v4, _, _ =	vpop (xrf0)  }
0x306: {  	(v2sf) =	vpush v4, $0xF;
	_ =	sdelay $0xe  }
0x307: {  	s13 =	spop (v2sf)  }
0x308: {  	p1 =	sgt.f32 s13, $0.0e+00  }
.Ltmp50:
0x309: {  	_ = 	snop;
	(pc) =	sbr.rel @p1 .LBB2_80-.Ltmp50, $1  }
0x30a: {  	_ =	sdelay $0x3  }
0x30b: {  	v3 =	vld [tilespmem:s12+$0x280];
	vm1 =	vmmov vm0  }
.LBB2_82:
0x30c: {  	v4 =	vld.idx.msk [tilespmem:v2+s29+$0x0], $0xffff;
	_ =	sdelay $0x4  }
0x30d: {  	v3 =	vmax.bf16 v4, v3  }
0x30e: {  	[tilespmem:v2+s29+$0x0] =	vst.idx.msk vm1, v3  }
0x30f: {  	v4 =	vld.idx.msk [tilespmem:v2+s29+$0x0], $0xffff;
	_ =	sdelay $0x4  }
0x310: {  	vm2 =	vne.s32 v4, v3  }
0x311: {  	vm1 =	vmand vm1, vm2  }
0x312: {  	v4 =	vsel vm1, $0x3F800000, v1  }
0x313: {  	(xrf0) =	vmax.scan.msk.f32 $0xffff, v4;
	_ =	sdelay $0x5  }
0x314: {  	v4, _, _ =	vpop (xrf0)  }
0x315: {  	(v2sf) =	vpush v4, $0xF;
	_ =	sdelay $0xe  }
0x316: {  	s13 =	spop (v2sf)  }
0x317: {  	p1 =	sgt.f32 s13, $0.0e+00  }
.Ltmp51:
0x318: {  	_ = 	snop;
	(pc) =	sbr.rel @p1 .LBB2_82-.Ltmp51, $1  }
0x319: {  	_ =	sdelay $0x3  }
0x31a: {  	v3 =	vld [tilespmem:s12+$0x300];
	vm1 =	vmmov vm0  }
.LBB2_84:
0x31b: {  	v4 =	vld.idx.msk [tilespmem:v2+s30+$0x0], $0xffff;
	_ =	sdelay $0x4  }
0x31c: {  	v3 =	vmax.bf16 v4, v3  }
0x31d: {  	[tilespmem:v2+s30+$0x0] =	vst.idx.msk vm1, v3  }
0x31e: {  	v4 =	vld.idx.msk [tilespmem:v2+s30+$0x0], $0xffff;
	_ =	sdelay $0x4  }
0x31f: {  	vm2 =	vne.s32 v4, v3  }
0x320: {  	vm1 =	vmand vm1, vm2  }
0x321: {  	v4 =	vsel vm1, $0x3F800000, v1  }
0x322: {  	(xrf0) =	vmax.scan.msk.f32 $0xffff, v4;
	_ =	sdelay $0x5  }
0x323: {  	v4, _, _ =	vpop (xrf0)  }
0x324: {  	(v2sf) =	vpush v4, $0xF;
	_ =	sdelay $0xe  }
0x325: {  	s13 =	spop (v2sf)  }
0x326: {  	p1 =	sgt.f32 s13, $0.0e+00  }
.Ltmp52:
0x327: {  	_ = 	snop;
	(pc) =	sbr.rel @p1 .LBB2_84-.Ltmp52, $1  }
0x328: {  	_ =	sdelay $0x3  }
0x329: {  	v3 =	vld [tilespmem:s12+$0x380];
	vm1 =	vmmov vm0  }
.LBB2_86:
0x32a: {  	v4 =	vld.idx.msk [tilespmem:v2+s31+$0x0], $0xffff;
	_ =	sdelay $0x4  }
0x32b: {  	v3 =	vmax.bf16 v4, v3  }
0x32c: {  	[tilespmem:v2+s31+$0x0] =	vst.idx.msk vm1, v3  }
0x32d: {  	v4 =	vld.idx.msk [tilespmem:v2+s31+$0x0], $0xffff;
	_ =	sdelay $0x4  }
0x32e: {  	vm2 =	vne.s32 v4, v3  }
0x32f: {  	vm1 =	vmand vm1, vm2  }
0x330: {  	v4 =	vsel vm1, $0x3F800000, v1  }
0x331: {  	(xrf0) =	vmax.scan.msk.f32 $0xffff, v4;
	_ =	sdelay $0x5  }
0x332: {  	v4, _, _ =	vpop (xrf0)  }
0x333: {  	(v2sf) =	vpush v4, $0xF;
	_ =	sdelay $0xe  }
0x334: {  	s12 =	spop (v2sf)  }
0x335: {  	p1 =	sgt.f32 s12, $0.0e+00  }
.Ltmp53:
0x336: {  	_ = 	snop;
	(pc) =	sbr.rel @p1 .LBB2_86-.Ltmp53, $1  }
0x337: {  	_ =	sdelay $0x3  }
.Ltmp54:
0x338: {  	_ = 	snop;
	(pc) =	sbr.rel .LBB2_87-.Ltmp54, $1  }
0x339: {  	_ =	sdelay $0x3  }
.LBB2_90:
0x33a: {  	_ =	sfence.sel $0x180000  }
0x33b: {  	[bflag:$0x0] =	sbarrier.arrive $0xFFFF  }
0x33c: {  	_ =	strace $0x90000047  }
0x33d: {  	s0 =	stileid.u32;
	[bflag:$0x2] =	sbarrier.arrive $0xFFFF  }
0x33e: {  	p0 =	sne.s32 s0, $0x0;
	s0 =	rddreg [dreg:$0x2]  }
0x33f: {  	s0 =	sadd.s32 @!p0 $0x100000, s0  }
0x340: {  	[sflag:s0] =	ssyncadd.tile.s32 @!p0 $0x1;
	_ =	shalt  }
.Lfunc_end2:
_tile_overlayer_lowered:
.L_overlay_start_2:
0x341: {  	(tag) =	ssettag $0x2  }
0x342: {  	s0 =	rddreg [dreg:$0x0];
	s2 =	stileid.u32  }
0x343: {  	s1 =	rddreg [dreg:$0x1];
	p0 =	sne.s32 s2, $0x0  }
0x344: {  	s3 =	rddreg [dreg:$0x2];
	[bflag:$0x3] =	sbarrier.arrive $0xFFFF;
	s2 =	simm.s32 @!p0 $0x1C05  }
0x345: {  	[timem:s3], [sflag:s2] =	dma.local @!p0 [hbm:s0], s1  }
0x346: {  	s0 =	simm.s32 @!p0 $0x5  }
0x347: {  	_ =	swait.ge @!p0 [sflag:s0], s1  }
0x348: {  	s1 =	ssub.s32 @!p0 $0x0, s1;
	[sflag:s0] =	ssyncset.done @!p0 $0x0  }
0x349: {  	[sflag:s0] =	ssyncadd.s32 @!p0 s1  }
0x34a: {  	[bflag:$0x3] =	sbarrier.arrive $0xFFFF  }
0x34b: {  	_ =	shalt  }

// kernel: kernel.9.cloned.1.call-start
scs
__scs_entry_jumppad:
0x0: {  	(pc) =	sbr.rel $0x88, $3  }
0x1: {  	(tag) =	ssettag $0x0;
	lr =	simm.s32 $0x1  }
0x2: {  	[smem:$0x3F9D] =	sst lr;
	_ =	strace $0xD0000000  }
0x3: {  	_ = 	snop  }
0x4: {  	_ = 	snop  }
0x5: {  	_ = 	snop  }
0x6: {  	_ = 	snop  }
0x7: {  	_ = 	snop  }
__scs_overlays_trampoline_lowered:
0x8: {  	[smem:$0x3FAC] =	sst s0  }
0x9: {  	[smem:$0x3FAD] =	sst s1  }
0xa: {  	[smem:$0x3FAE] =	sst s2  }
0xb: {  	[smem:$0x3FAF] =	sst s3  }
0xc: {  	[smem:$0x3FB0] =	sst s4  }
0xd: {  	[smem:$0x3FB1] =	sst s5  }
0xe: {  	[smem:$0x3FB2] =	sst s6  }
0xf: {  	[smem:$0x3FB3] =	sst s7  }
0x10: {  	[smem:$0x3FB4] =	sst s8  }
0x11: {  	[smem:$0x3FB5] =	sst s9;
	s0 =	simm.s32 @!p0 $0x0  }
0x12: {  	s1 =	sld [smem:$0x3F9B];
	s0 =	simm.s32 @p0 $0x1  }
0x13: {  	[smem:$0x3FB6] =	sst s0;
	s0 =	simm.s32 @!p1 $0x0  }
0x14: {  	s2 =	sld [smem:$0x3F9A];
	s0 =	simm.s32 @p1 $0x1  }
0x15: {  	[smem:$0x3FB7] =	sst s0;
	s0 =	simm.s32 @!p2 $0x0  }
0x16: {  	s3 =	sld [smem:$0x3FDB];
	s0 =	simm.s32 @p2 $0x1  }
0x17: {  	s4 =	simm.s32 $0x1BF5;
	[smem:$0x3FB9] =	sst s0  }
0x18: {  	s0 =	sld [smem:$0x3F9C];
	_ =	swait.ge [sflag:s4], $0x0  }
0x19: {  	s7 =	sld [smem:$0x3F9D]  }
0x1a: {  	s8 =	sadd.s32 $0xFFFFE003, lr  }
0x1b: {  	s9 =	sadd.s32 $0xFFFFFEF7, lr;
	s5 =	simm.s32 $0xFFFFFFFF;
	p2 =	slt.u32 s8, $0xFFFFF086  }
0x1c: {  	p1 =	slt.u32 s9, $0xF7A;
	s5 =	simm.s32 @!p2 $0x0  }
0x1d: {  	s5 =	simm.s32 @p1 $0x1;
	p0 =	seq.s32 s7, s2  }
0x1e: {  	s7 =	smul.u32 @!p0 $0xF7A, s2;
	p2 =	seq.s32 @!p0 s5, $0x0  }
0x1f: {  	s9 =	smul.u32 $0xF7A, s1;
	s8 =	simm.s32 @!p0 $0x1BF5;
	p2 =	por !p2, p0  }
0x20: {  	[sflag:s8] =	ssyncset.s32 @!p0 $0xFFFFF086;
	s6 =	sadd.s32 @!p0 s3, s7;
	s7 =	simm.s32 @!p0 $0x108  }
0x21: {  	s3 =	sadd.s32 s3, s9;
	s6 =	sadd.s32 @!p0 $0x88, s6;
	s7 =	simm.s32 @p2 $0x1082  }
0x22: {  	[simem:s7], [sflag:s8] =	dma.local @!p0 [hbm:s6], $0xF7A  }
0x23: {  	s9 =	sor.u32 $0xD0000000, s2;
	s6 =	simm.s32 $0x108;
	_ =	swait.ge @!p0 [sflag:s8], $0x0  }
0x24: {  	s3 =	sadd.s32 $0x88, s3;
	s6 =	simm.s32 @!p1 $0x1082;
	[sflag:s4] =	ssyncset.s32 $0xFFFFF086  }
0x25: {  	[simem:s6], [sflag:s4] =	dma.local [hbm:s3], $0xF7A  }
0x26: {  	[smem:$0x3F9D] =	sst s1;
	(tag) =	ssettag s2;
	_ =	strace s9  }
0x27: {  	s1 =	sld [smem:$0x3FAD]  }
0x28: {  	s2 =	sld [smem:$0x3FAE]  }
0x29: {  	s4 =	sld [smem:$0x3FB0]  }
0x2a: {  	p0 =	seq.s32 s5, $0x0;
	s5 =	sld [smem:$0x3FB1]  }
0x2b: {  	s6 =	sld [smem:$0x3FB2]  }
0x2c: {  	s7 =	sld [smem:$0x3FB3]  }
0x2d: {  	s3 =	simm.s32 $0x108;
	s8 =	sld [smem:$0x3FB4]  }
0x2e: {  	s3 =	simm.s32 @!p0 $0x1082;
	s9 =	sld [smem:$0x3FB5]  }
0x2f: {  	lr =	sadd.s32 s0, s3;
	s0 =	sld [smem:$0x3FAC]  }
0x30: {  	s3 =	sld [smem:$0x3FAF]  }
0x31: {  	[smem:$0x3FB8] =	sst s10  }
0x32: {  	s10 =	sld [smem:$0x3FB6];
	_ =	sdelay $0x3  }
0x33: {  	p0 =	seq.s32 s10, $0x1;
	s10 =	sld [smem:$0x3FB8];
	_ =	sdelay $0x3  }
0x34: {  	[smem:$0x3FB8] =	sst s10  }
0x35: {  	s10 =	sld [smem:$0x3FB7];
	_ =	sdelay $0x3  }
0x36: {  	p1 =	seq.s32 s10, $0x1;
	s10 =	sld [smem:$0x3FB8];
	_ =	sdelay $0x3  }
0x37: {  	[smem:$0x3FB8] =	sst s10  }
0x38: {  	s10 =	sld [smem:$0x3FB9]  }
0x39: {  	_ = 	snop;
	(pc) =	sbr.ind lr, $3  }
0x3a: {  	_ = 	snop  }
0x3b: {  	_ = 	snop  }
0x3c: {  	p2 =	seq.s32 s10, $0x1;
	s10 =	sld [smem:$0x3FB8]  }
0x3d: {  	_ =	shalt  }
0x3e: {  	_ =	shalt  }
0x3f: {  	_ =	shalt  }
0x40: {  	_ =	shalt  }
0x41: {  	_ =	shalt  }
0x42: {  	_ =	shalt  }
0x43: {  	_ =	shalt  }
0x44: {  	_ =	shalt  }
0x45: {  	_ =	shalt  }
0x46: {  	_ =	shalt  }
0x47: {  	_ =	shalt  }
0x48: {  	_ =	shalt  }
0x49: {  	_ =	shalt  }
0x4a: {  	_ =	shalt  }
0x4b: {  	_ =	shalt  }
0x4c: {  	_ =	shalt  }
0x4d: {  	_ =	shalt  }
0x4e: {  	_ =	shalt  }
0x4f: {  	_ =	shalt  }
0x50: {  	_ =	shalt  }
0x51: {  	_ =	shalt  }
0x52: {  	_ =	shalt  }
0x53: {  	_ =	shalt  }
0x54: {  	_ =	shalt  }
0x55: {  	_ =	shalt  }
0x56: {  	_ =	shalt  }
0x57: {  	_ =	shalt  }
0x58: {  	_ =	shalt  }
0x59: {  	_ =	shalt  }
0x5a: {  	_ =	shalt  }
0x5b: {  	_ =	shalt  }
0x5c: {  	_ =	shalt  }
0x5d: {  	_ =	shalt  }
0x5e: {  	_ =	shalt  }
0x5f: {  	_ =	shalt  }
0x60: {  	_ =	shalt  }
0x61: {  	_ =	shalt  }
0x62: {  	_ =	shalt  }
0x63: {  	_ =	shalt  }
0x64: {  	_ =	shalt  }
0x65: {  	_ =	shalt  }
0x66: {  	_ =	shalt  }
0x67: {  	_ =	shalt  }
0x68: {  	_ =	shalt  }
0x69: {  	_ =	shalt  }
0x6a: {  	_ =	shalt  }
0x6b: {  	_ =	shalt  }
0x6c: {  	_ =	shalt  }
0x6d: {  	_ =	shalt  }
0x6e: {  	_ =	shalt  }
0x6f: {  	_ =	shalt  }
0x70: {  	_ =	shalt  }
0x71: {  	_ =	shalt  }
0x72: {  	_ =	shalt  }
0x73: {  	_ =	shalt  }
0x74: {  	_ =	shalt  }
0x75: {  	_ =	shalt  }
0x76: {  	_ =	shalt  }
0x77: {  	_ =	shalt  }
0x78: {  	_ =	shalt  }
0x79: {  	_ =	shalt  }
0x7a: {  	_ =	shalt  }
0x7b: {  	_ =	shalt  }
0x7c: {  	_ =	shalt  }
0x7d: {  	_ =	shalt  }
0x7e: {  	_ =	shalt  }
0x7f: {  	_ =	shalt  }
0x80: {  	_ =	shalt  }
0x81: {  	_ =	shalt  }
0x82: {  	_ =	shalt  }
0x83: {  	_ =	shalt  }
0x84: {  	_ =	shalt  }
0x85: {  	_ =	shalt  }
0x86: {  	_ =	shalt  }
0x87: {  	_ =	shalt  }
.Lfunc_end0:
.L_simem_size_0:
called_computation.1_lowered:
.L_overlay_start_0:
0x88: {  	s2 =	sld [smem:$0x3FD9]  }
0x89: {  	s3 =	sld [smem:$0x3FFE];
	_ =	sdelay $0x1  }
0x8a: {  	s1 =	srdreg.scid  }
0x8b: {  	s0 =	sand.u32 $0x1, s1  }
0x8c: {  	s16 =	sshll.u32 s0, $0xA;
	s2 =	sadd.s32 s3, s2  }
0x8d: {  	s2 =	sadd.s32 s2, s16  }
0x8e: {  	[smem:$0x3FC4] =	sst s2  }
0x8f: {  	_ = 	snop  }
0x90: {  	(tm) =	ssettm $0x1  }
0x91: {  	s17 =	sld [smem:$0x3FFB];
	_ =	sdelay $0x3  }
0x92: {  	_ =	strace s17  }
0x93: {  	s2 =	sld [smem:$0x3FFC];
	_ =	sdelay $0x3  }
0x94: {  	_ =	strace s2  }
0x95: {  	s2 =	sld [smem:$0x3FFD];
	_ =	sdelay $0x3  }
0x96: {  	_ =	strace s2  }
0x97: {  	_ =	strace $0x8FFFFFFF  }
0x98: {  	s18 =	sld [smem:$0x3FDB];
	_ =	sdelay $0x1  }
0x99: {  	s19 =	simm.s32 $_scs_section_size  }
0x9a: {  	s4 =	simm.s32 $_size__tile_overlayer_lowered;
	s5 =	simm.s32 $_tile_overlayer_lowered  }
0x9b: {  	s22 =	simm.s32 $0x1BFF;
	s21 =	sshll.u32 s5, $0x1;
	s2 =	sadd.s32 s19, s18  }
0x9c: {  	s6 =	simm.s32 $0x0;
	s20 =	sshll.u32 s4, $0x1;
	s4 =	sadd.s32 s21, s2  }
0x9d: {  	[timem:s6], [sflag:s22] =	dma.local [hbm:s4], s20  }
0x9e: {  	_ =	swait.ge [sflag:s22], s20  }
0x9f: {  	s3 =	ssub.s32 $0x0, s20;
	[sflag:s22] =	ssyncset.done $0x0  }
0xa0: {  	[sflag:s22] =	ssyncadd.s32 s3;
	_ =	sdelay $0x1  }
0xa1: {  	s23 =	simm.s32 $0x1B8B  }
0xa2: {  	_ =	swait.ge [sflag:s23], $0x1  }
0xa3: {  	[sflag:s23] =	ssyncset.done $0x0  }
0xa4: {  	s25 =	simm.s32 $0x1B8E;
	s24 =	sld [smem:$0x3FFE];
	[sflag:s23] =	ssyncadd.s32 $0xFFFFFFFF  }
0xa5: {  	s26 =	simm.s32 $execute0_lowered;
	[smem:$0x3FD2] =	sst s25  }
0xa6: {  	s4 =	sshll.u32 s26, $0x1;
	_ =	strace $0x80000049;
	[dreg:$0x1] =	wrdreg $0xFFFFFFFF  }
0xa7: {  	s28 =	simm.s32 $_size_execute0_lowered;
	s2 =	sadd.s32 s2, s4;
	[dreg:$0x0] =	wrdreg $0x0  }
0xa8: {  	s4 =	sshll.u32 s28, $0x1;
	[dreg:$0x2] =	wrdreg s2  }
0xa9: {  	[dreg:$0x3] =	wrdreg s4  }
0xaa: {  	[dreg:$0x4] =	wrdreg $0xC0  }
0xab: {  	_ =	task [dreg:s6], $0x5FFFF  }
0xac: {  	[dreg:$0x1] =	wrdreg $0xFFFFFFFF  }
0xad: {  	[dreg:$0x0] =	wrdreg $0x60  }
0xae: {  	[dreg:$0x2] =	wrdreg s24  }
0xaf: {  	[dreg:$0x3] =	wrdreg $0x9  }
0xb0: {  	_ =	task.clear_ibuf [dreg:s6], $0x4FFFF;
	_ =	strace $0x90000049  }
0xb1: {  	s29 =	simm.s32 $0x9;
	_ =	strace $0x8000004B  }
0xb2: {  	_ =	swait.ge [sflag:s29], $0x1  }
0xb3: {  	[sflag:s29] =	ssyncadd.s32 $0xFFFFFFFF  }
0xb4: {  	_ =	strace $0x9000004B  }
0xb5: {  	_ =	sfence  }
0xb6: {  	s30 =	sld [smem:$0x0];
	_ =	sdelay $0x2  }
0xb7: {  	s31 =	sshll.u32 s1, $0xD;
	s1 =	sshrl.u32 s1, $0x2  }
0xb8: {  	s3 =	sand.u32 $0x4000, s31;
	s1 =	sadd.s32 s1, s30  }
0xb9: {  	s0 =	sor.u32 s3, s0;
	s1 =	sshll.u32 s1, $0x11  }
0xba: {  	s0 =	sor.u32 s1, s0  }
0xbb: {  	s0 =	sadd.s32 $0x8F2B, s0  }
0xbc: {  	[sflag:s0] =	ssyncadd.remote.s32 $0x1  }
0xbd: {  	_ =	sfence.sel $0xFFFF  }
0xbe: {  	[dreg:$0x0] =	wrdreg $0xFFFFFFFF;
	(pc) =	sbr.abs _section_cstart, $3  }
0xbf: {  	[dreg:$0x1] =	wrdreg $0xFFFFFFFF  }
0xc0: {  	_ =	task.clear_ibuf [dreg:s6], $0x2FFFF;
	_ =	strace $0x9FFFFFFF  }
0xc1: {  	(tm) =	ssettm $0x7FFFFFFF  }
tec
execute0_lowered:
.L_overlay_start_1:
0x0: {  	(tag) =	ssettag $0x1  }
0x1: {  	s0 =	rddreg [dreg:$0x0];
	s1 =	simm.s32 $0x0  }
0x2: {  	s21 =	srdreg.scid;
	s11 =	stileid.u32;
	s28 =	simm.s32 $0x400  }
0x3: {  	s29 =	simm.s32 $0x2F80;
	s30 =	simm.s32 $0x5;
	s31 =	simm.s32 $0x5780  }
0x4: {  	[smem:$0x7FF] =	sst s1;
	s1 =	sand.u32 $0x1, s21;
	s4 =	smul.u32 $0x14000, s11  }
0x5: {  	s3 =	sadd.s32 $0x2C2000, s0;
	s5 =	sadd.s32 $0x191000, s0;
	s11 =	smul.u32 $0x98800, s11  }
0x6: {  	v0 =	vimm.f32 $1.000000000e+00;
	_ =	strace $0x8000004A;
	s2 =	smul.u32 $0x140000, s1;
	s6 =	ssub.s32 $0x2, s1  }
0x7: {  	s7 =	sadd.s32 $0x141000, s0;
	s0 =	sadd.s32 $0x1000, s0;
	(xrf0) =	vmax.scan.msk.f32 $0xffff, v0;
	s8 =	sshrl.u32 s6, $0x1  }
0x8: {  	s18 =	sshrl.u32 s11, $0x3;
	s2 =	sadd.s32 s4, s2;
	s4 =	smul.u32 $0x9880, s1  }
0x9: {  	s6 =	ssub.s32 s6, s8;
	s1 =	smul.u32 $0x4C400, s1;
	s2 =	sshrl.u32 s2, $0x3  }
0xa: {  	s8 =	simm.s32 $0x500;
	s22 =	sadd.s32 s7, s2;
	s23 =	sor.u32 $0x10, s2  }
0xb: {  	s24 =	sor.u32 $0x20, s2;
	s10 =	sor.u32 $0x30, s2;
	s26 =	sor.u32 $0x40, s2  }
0xc: {  	s13 =	sor.u32 $0x50, s2;
	[dreg:$0x2] =	wrdreg s22;
	s9 =	sadd.s32 s7, s23  }
0xd: {  	s15 =	sor.u32 $0x60, s2;
	s12 =	sadd.s32 s7, s24;
	[dreg:$0x3] =	wrdreg s9;
	v0, _, _ =	vpop (xrf0)  }
0xe: {  	s1 =	sadd.s32 s1, s11;
	s25 =	sadd.s32 s7, s10;
	[dreg:$0x4] =	wrdreg s12;
	(v2sf) =	vpush v0, $0xF  }
0xf: {  	s19 =	sshrl.u32 s4, $0x3;
	s14 =	sadd.s32 s7, s26;
	[dreg:$0x5] =	wrdreg s25  }
0x10: {  	s11 =	simm.s32 $0x2;
	s16 =	sadd.s32 s7, s13;
	[dreg:$0x6] =	wrdreg s14  }
0x11: {  	s17 =	sadd.s32 s7, s15;
	s1 =	sshrl.u32 s1, $0x3;
	[dreg:$0x7] =	wrdreg s16  }
0x12: {  	s20 =	sadd.s32 s0, s23;
	s21 =	sadd.s32 s0, s24;
	[dreg:$0x8] =	wrdreg s17  }
0x13: {  	s22 =	sadd.s32 s0, s10;
	s23 =	sadd.s32 s0, s26;
	[dreg:$0xc] =	wrdreg s20  }
0x14: {  	s24 =	sadd.s32 s0, s13;
	s10 =	simm.s32 $0x3;
	[dreg:$0xd] =	wrdreg s21  }
0x15: {  	s13 =	simm.s32 $0x0;
	s16 =	sor.u32 $0x70, s2;
	[dreg:$0xe] =	wrdreg s22  }
0x16: {  	s1 =	sadd.s32 s5, s1;
	s14 =	sadd.s32 s5, s18;
	[dreg:$0xf] =	wrdreg s23  }
0x17: {  	s2 =	sadd.s32 s0, s2;
	[dreg:$0x10] =	wrdreg s24;
	s25 =	sadd.s32 s0, s15  }
0x18: {  	s23 =	sadd.s32 s3, s19;
	s24 =	sadd.s32 $0x500, s4;
	s5 =	simm.s32 $0xF780  }
0x19: {  	s9 =	simm.s32 $0x1;
	s12 =	simm.s32 $0x4;
	[dreg:$0xa] =	wrdreg s1  }
.Ltmp0:
0x1a: {  	s7 =	sadd.s32 s7, s16;
	[dreg:$0xb] =	wrdreg s2;
	(pc) =	sbr.rel .LBB2_1-.Ltmp0, $4  }
0x1b: {  	[dreg:$0x11] =	wrdreg s25;
	s22 =	sadd.s32 s0, s16;
	s25 =	smax.u32 s6, $0x1  }
0x1c: {  	s0 =	simm.s32 $0x7F80;
	s2 =	simm.s32 $0xA780;
	s1 =	simm.s32 $0xCF80  }
0x1d: {  	s6 =	simm.s32 $0x11F80;
	[dreg:$0x9] =	wrdreg s7;
	s26 =	spop (v2sf)  }
0x1e: {  	vm0 =	vmmov $0xffff;
	s7 =	simm.s32 $0x14780;
	v0 =	vimm.f32 $0.0e+00;
	p0 =	sgt.f32 s26, $0.0e+00;
	s26 =	simm.s32 $0x80  }
.LBB2_88:
0x1f: {  	s15 =	rddreg [dreg:$0xb]  }
0x20: {  	[hbm4b:s15+s26] =	stream.strided.scatter [tilespmem:s29], [sflag:$0x5], $0x2800, s28, s26, $0x38;
	[tilespmem:$0x16F80] =	vst v63  }
0x21: {  	_ =	swait.ge [sflag:s30], $0x2800  }
0x22: {  	[sflag:s30] =	ssyncset.done $0x0  }
0x23: {  	s16 =	rddreg [dreg:$0xc];
	[sflag:s30] =	ssyncadd.s32 $0xFFFFD800  }
0x24: {  	[hbm4b:s16+s26] =	stream.strided.scatter [tilespmem:s31], [sflag:$0x5], $0x2800, s28, s26, $0x38;
	[tilespmem:$0x16F80] =	vst v63  }
0x25: {  	_ =	swait.ge [sflag:s30], $0x2800  }
0x26: {  	[sflag:s30] =	ssyncset.done $0x0  }
0x27: {  	s17 =	rddreg [dreg:$0xd];
	[sflag:s30] =	ssyncadd.s32 $0xFFFFD800  }
0x28: {  	[hbm4b:s17+s26] =	stream.strided.scatter [tilespmem:s0], [sflag:$0x5], $0x2800, s28, s26, $0x38;
	[tilespmem:$0x16F80] =	vst v63  }
0x29: {  	_ =	swait.ge [sflag:s30], $0x2800  }
0x2a: {  	[sflag:s30] =	ssyncset.done $0x0  }
0x2b: {  	s18 =	rddreg [dreg:$0xe];
	[sflag:s30] =	ssyncadd.s32 $0xFFFFD800  }
0x2c: {  	[hbm4b:s18+s26] =	stream.strided.scatter [tilespmem:s2], [sflag:$0x5], $0x2800, s28, s26, $0x38;
	[tilespmem:$0x16F80] =	vst v63  }
0x2d: {  	_ =	swait.ge [sflag:s30], $0x2800  }
0x2e: {  	[sflag:s30] =	ssyncset.done $0x0  }
0x2f: {  	s19 =	rddreg [dreg:$0xf];
	[sflag:s30] =	ssyncadd.s32 $0xFFFFD800  }
0x30: {  	[hbm4b:s19+s26] =	stream.strided.scatter [tilespmem:s1], [sflag:$0x5], $0x2800, s28, s26, $0x38;
	[tilespmem:$0x16F80] =	vst v63  }
0x31: {  	_ =	swait.ge [sflag:s30], $0x2800  }
0x32: {  	[sflag:s30] =	ssyncset.done $0x0  }
0x33: {  	s20 =	rddreg [dreg:$0x10];
	[sflag:s30] =	ssyncadd.s32 $0xFFFFD800  }
0x34: {  	[hbm4b:s20+s26] =	stream.strided.scatter [tilespmem:s5], [sflag:$0x5], $0x2800, s28, s26, $0x38;
	[tilespmem:$0x16F80] =	vst v63  }
0x35: {  	_ =	swait.ge [sflag:s30], $0x2800  }
0x36: {  	[sflag:s30] =	ssyncset.done $0x0  }
0x37: {  	s21 =	rddreg [dreg:$0x11];
	[sflag:s30] =	ssyncadd.s32 $0xFFFFD800  }
0x38: {  	[hbm4b:s21+s26] =	stream.strided.scatter [tilespmem:s6], [sflag:$0x5], $0x2800, s28, s26, $0x38;
	[tilespmem:$0x16F80] =	vst v63  }
0x39: {  	s13 =	sadd.s32 $0x1, s13;
	_ =	swait.ge [sflag:s30], $0x2800  }
0x3a: {  	p1 =	sne.s32 s13, s25;
	[sflag:s30] =	ssyncset.done $0x0  }
.Ltmp1:
0x3b: {  	[sflag:s30] =	ssyncadd.s32 $0xFFFFD800;
	(pc) =	sbr.rel @!p1 .LBB2_89-.Ltmp1, $4  }
0x3c: {  	[hbm4b:s22+s26] =	stream.strided.scatter [tilespmem:s7], [sflag:$0x5], $0x2800, s28, s26, $0x38;
	[tilespmem:$0x16F80] =	vst v63  }
0x3d: {  	_ =	swait.ge [sflag:s30], $0x2800  }
0x3e: {  	[sflag:s30] =	ssyncset.done $0x0  }
0x3f: {  	[sflag:s30] =	ssyncadd.s32 $0xFFFFD800  }
.LBB2_1:
0x40: {  	s15 =	rddreg [dreg:$0x2]  }
0x41: {  	[tilespmem:s29], [sflag:$0x5] =	stream.strided.gather [hbm4b:s15+s26], $0x2800, s28, s26, $0x38;
	[tilespmem:$0x16F80] =	vst v63  }
0x42: {  	_ =	swait.ge [sflag:s30], $0x2800  }
0x43: {  	[sflag:s30] =	ssyncset.done $0x0  }
0x44: {  	s20 =	rddreg [dreg:$0x3];
	[sflag:s30] =	ssyncadd.s32 $0xFFFFD800  }
0x45: {  	[tilespmem:s31], [sflag:$0x5] =	stream.strided.gather [hbm4b:s20+s26], $0x2800, s28, s26, $0x38;
	[tilespmem:$0x16F80] =	vst v63  }
0x46: {  	_ =	swait.ge [sflag:s30], $0x2800  }
0x47: {  	[sflag:s30] =	ssyncset.done $0x0  }
0x48: {  	s21 =	rddreg [dreg:$0x4];
	[sflag:s30] =	ssyncadd.s32 $0xFFFFD800  }
0x49: {  	[tilespmem:s0], [sflag:$0x5] =	stream.strided.gather [hbm4b:s21+s26], $0x2800, s28, s26, $0x38;
	[tilespmem:$0x16F80] =	vst v63  }
0x4a: {  	_ =	swait.ge [sflag:s30], $0x2800  }
0x4b: {  	[sflag:s30] =	ssyncset.done $0x0  }
0x4c: {  	s16 =	rddreg [dreg:$0x5];
	[sflag:s30] =	ssyncadd.s32 $0xFFFFD800  }
0x4d: {  	[tilespmem:s2], [sflag:$0x5] =	stream.strided.gather [hbm4b:s16+s26], $0x2800, s28, s26, $0x38;
	[tilespmem:$0x16F80] =	vst v63  }
0x4e: {  	_ =	swait.ge [sflag:s30], $0x2800  }
0x4f: {  	[sflag:s30] =	ssyncset.done $0x0  }
0x50: {  	s17 =	rddreg [dreg:$0x6];
	[sflag:s30] =	ssyncadd.s32 $0xFFFFD800  }
0x51: {  	[tilespmem:s1], [sflag:$0x5] =	stream.strided.gather [hbm4b:s17+s26], $0x2800, s28, s26, $0x38;
	[tilespmem:$0x16F80] =	vst v63  }
0x52: {  	_ =	swait.ge [sflag:s30], $0x2800  }
0x53: {  	[sflag:s30] =	ssyncset.done $0x0  }
0x54: {  	s18 =	rddreg [dreg:$0x7];
	[sflag:s30] =	ssyncadd.s32 $0xFFFFD800  }
0x55: {  	[tilespmem:s5], [sflag:$0x5] =	stream.strided.gather [hbm4b:s18+s26], $0x2800, s28, s26, $0x38;
	[tilespmem:$0x16F80] =	vst v63  }
0x56: {  	_ =	swait.ge [sflag:s30], $0x2800  }
0x57: {  	[sflag:s30] =	ssyncset.done $0x0  }
0x58: {  	s19 =	rddreg [dreg:$0x8];
	[sflag:s30] =	ssyncadd.s32 $0xFFFFD800  }
0x59: {  	[tilespmem:s6], [sflag:$0x5] =	stream.strided.gather [hbm4b:s19+s26], $0x2800, s28, s26, $0x38;
	[tilespmem:$0x16F80] =	vst v63  }
0x5a: {  	_ =	swait.ge [sflag:s30], $0x2800  }
0x5b: {  	[sflag:s30] =	ssyncset.done $0x0  }
0x5c: {  	s20 =	rddreg [dreg:$0x9];
	[sflag:s30] =	ssyncadd.s32 $0xFFFFD800  }
0x5d: {  	[tilespmem:s7], [sflag:$0x5] =	stream.strided.gather [hbm4b:s20+s26], $0x2800, s28, s26, $0x38;
	[tilespmem:$0x16F80] =	vst v63  }
0x5e: {  	_ =	swait.ge [sflag:s30], $0x2800  }
.Ltmp2:
0x5f: {  	[sflag:s30] =	ssyncset.done $0x0;
	(pc) =	sbr.rel .LBB2_2-.Ltmp2, $4  }
0x60: {  	s21 =	simm.s32 $0x0;
	[sflag:s30] =	ssyncadd.s32 $0xFFFFD800  }
0x61: {  	[tilespmem:s21], [sflag:$0x1] =	stream.linear.gather [hbm4b:s23+s21], $0x280, $0x38;
	[tilespmem:$0x16F80] =	vst v63  }
0x62: {  	s15 =	simm.s32 $0x0;
	s16 =	rddreg [dreg:$0xa]  }
0x63: {  	[tilespmem:s8], [sflag:$0x3] =	stream.linear.gather [hbm4b:s16+s21], $0x1400, $0x38;
	[tilespmem:$0x16F80] =	vst v63  }
.LBB2_87:
0x64: {  	s15 =	sadd.s32 $0x1, s15  }
0x65: {  	p1 =	sne.s32 s15, $0x1F  }
.Ltmp3:
0x66: {  	_ = 	snop;
	(pc) =	sbr.rel @!p1 .LBB2_88-.Ltmp3, $1  }
0x67: {  	_ =	sdelay $0x3  }
.LBB2_2:
0x68: {  	s16 =	sshllo.u32 s15, $0x1  }
0x69: {  	_ =	swait.ge [sflag:s9], $0x280;
	p1 =	sgt.u32 s16, $0x3C  }
0x6a: {  	[sflag:s9] =	ssyncset.done $0x0;
	s16 =	smul.u32 @!p1 $0x280, s16  }
0x6b: {  	[sflag:s9] =	ssyncadd.s32 $0xFFFFFD80  }
0x6c: {  	_ =	swait.ge [sflag:s10], $0x1400;
	s16 =	sadd.s32 @!p1 s4, s16  }
0x6d: {  	s18 =	simm.s32 @!p1 $0x0;
	[sflag:s10] =	ssyncset.done $0x0;
	s17 =	sshrl.u32 @!p1 s16, $0x3  }
0x6e: {  	s19 =	simm.s32 @!p1 $0x280;
	[sflag:s10] =	ssyncadd.s32 $0xFFFFEC00;
	s17 =	sadd.s32 @!p1 s3, s17  }
0x6f: {  	[tilespmem:s19], [sflag:$0x2] =	stream.linear.gather @!p1 [hbm4b:s17+s18], $0x280, $0x38;
	[tilespmem:$0x16F80] =	vst v63  }
0x70: {  	s16 =	sadd.s32 @!p1 s16, s14;
	s17 =	simm.s32 @!p1 $0x1900  }
0x71: {  	[tilespmem:s17], [sflag:$0x4] =	stream.linear.gather @!p1 [hbm4b:s16+s18], $0x1400, $0x38;
	[tilespmem:$0x16F80] =	vst v63  }
0x72: {  	s17 =	simm.s32 $0x0  }
0x73: {  	v1 =	vld [tilespmem:s17+$0x0];
	_ =	sdelay $0x1  }
0x74: {  	s18 =	simm.s32 $0x10  }
0x75: {  	v2 =	vld [tilespmem:s18+$0x0];
	_ =	sdelay $0x1  }
0x76: {  	(xrf1) =	vunique.msk.u32 $0xffff, v1;
	_ =	sdelay $0x2  }
0x77: {  	(xrf1) =	vunique.msk.u32 $0xffff, v2;
	_ =	sdelay $0x2  }
0x78: {  	s19 =	simm.s32 $0x20  }
0x79: {  	v1 =	vld [tilespmem:s19+$0x0];
	_ =	sdelay $0x3  }
0x7a: {  	s20 =	simm.s32 $0xC0;
	s16 =	simm.s32 $0x0  }
.LBB2_3:
0x7b: {  	s21 =	sshra.s32 s20, $0x2;
	p2 =	sne.s32 s20, $0x9C0;
	s20 =	sadd.s32 $0x40, s20;
	(xrf1) =	vunique.msk.u32 $0xffff, v1  }
.Ltmp4:
0x7c: {  	v1 =	vld [tilespmem:s21+$0x0];
	(pc) =	sbr.rel @p2 .LBB2_3-.Ltmp4, $3  }
0x7d: {  	_, v2, vm1 =	vpop (xrf1)  }
0x7e: {  	v2 =	vmpcnt.ones.xlane vm1;
	_ =	sdelay $0x1  }
0x7f: {  	[tilespmem:s17+$0x2D00] =	vst v2;
	s17 =	smov.u32 s18;
	s18 =	smov.u32 s19;
	s19 =	smov.u32 s21  }
0x80: {  	(xrf1) =	vunique.msk.u32 $0xffff, v1;
	_ =	sdelay $0xb  }
0x81: {  	_, v1, vm1 =	vpop (xrf1)  }
.Ltmp5:
0x82: {  	v1 =	vmpcnt.ones.xlane vm1;
	_, v2, vm1 =	vpop (xrf1);
	(pc) =	sbr.rel .LBB2_5-.Ltmp5, $4  }
0x83: {  	v2 =	vmpcnt.ones.xlane vm1;
	_, v3, vm1 =	vpop (xrf1)  }
0x84: {  	[tilespmem:s17+$0x2D00] =	vst v1;
	v1 =	vmpcnt.ones.xlane vm1  }
0x85: {  	[tilespmem:s18+$0x2D00] =	vst v2  }
0x86: {  	[tilespmem:s19+$0x2D00] =	vst v1  }
.LBB2_25:
0x87: {  	_ =	sdelay $0x2  }
0x88: {  	v2 =	vld [tilespmem:s17+$0x0]  }
0x89: {  	v3 =	vld.idx.msk [tilespmem:v1+s29+$0x0], $0xffff;
	_ =	sdelay $0x4  }
0x8a: {  	v2 =	vmax.bf16 v3, v2  }
0x8b: {  	[tilespmem:v1+s29+$0x0] =	vst.idx.msk $0xffff, v2  }
0x8c: {  	v2 =	vld [tilespmem:s17+$0x80]  }
0x8d: {  	v3 =	vld.idx.msk [tilespmem:v1+s31+$0x0], $0xffff;
	_ =	sdelay $0x4  }
0x8e: {  	v2 =	vmax.bf16 v3, v2  }
0x8f: {  	[tilespmem:v1+s31+$0x0] =	vst.idx.msk $0xffff, v2  }
0x90: {  	v2 =	vld [tilespmem:s17+$0x100]  }
0x91: {  	v3 =	vld.idx.msk [tilespmem:v1+s0+$0x0], $0xffff;
	_ =	sdelay $0x4  }
0x92: {  	v2 =	vmax.bf16 v3, v2  }
0x93: {  	[tilespmem:v1+s0+$0x0] =	vst.idx.msk $0xffff, v2  }
0x94: {  	v2 =	vld [tilespmem:s17+$0x180]  }
0x95: {  	v3 =	vld.idx.msk [tilespmem:v1+s2+$0x0], $0xffff;
	_ =	sdelay $0x4  }
0x96: {  	v2 =	vmax.bf16 v3, v2  }
0x97: {  	[tilespmem:v1+s2+$0x0] =	vst.idx.msk $0xffff, v2  }
0x98: {  	v2 =	vld [tilespmem:s17+$0x200]  }
0x99: {  	v3 =	vld.idx.msk [tilespmem:v1+s1+$0x0], $0xffff;
	_ =	sdelay $0x4  }
0x9a: {  	v2 =	vmax.bf16 v3, v2  }
0x9b: {  	[tilespmem:v1+s1+$0x0] =	vst.idx.msk $0xffff, v2  }
0x9c: {  	v2 =	vld [tilespmem:s17+$0x280]  }
0x9d: {  	v3 =	vld.idx.msk [tilespmem:v1+s5+$0x0], $0xffff;
	_ =	sdelay $0x4  }
0x9e: {  	v2 =	vmax.bf16 v3, v2  }
0x9f: {  	[tilespmem:v1+s5+$0x0] =	vst.idx.msk $0xffff, v2  }
0xa0: {  	v2 =	vld [tilespmem:s17+$0x300]  }
0xa1: {  	v3 =	vld.idx.msk [tilespmem:v1+s6+$0x0], $0xffff;
	_ =	sdelay $0x4  }
0xa2: {  	v2 =	vmax.bf16 v3, v2  }
0xa3: {  	[tilespmem:v1+s6+$0x0] =	vst.idx.msk $0xffff, v2  }
0xa4: {  	v2 =	vld [tilespmem:s17+$0x380]  }
0xa5: {  	v3 =	vld.idx.msk [tilespmem:v1+s7+$0x0], $0xffff;
	_ =	sdelay $0x4  }
0xa6: {  	v2 =	vmax.bf16 v3, v2  }
0xa7: {  	[tilespmem:v1+s7+$0x0] =	vst.idx.msk $0xffff, v2  }
.LBB2_43:
0xa8: {  	s16 =	sadd.s32 $0x1, s16  }
0xa9: {  	p2 =	sne.s32 s16, $0x14  }
.Ltmp6:
0xaa: {  	_ = 	snop;
	(pc) =	sbr.rel @!p2 .LBB2_44-.Ltmp6, $1  }
0xab: {  	_ =	sdelay $0x3  }
.LBB2_5:
0xac: {  	s17 =	sshll.u32 s16, $0x5  }
0xad: {  	v1 =	vld [tilespmem:s17+$0x2D00];
	_ =	sdelay $0x4  }
0xae: {  	(v2sf) =	vpush v1, $0x0;
	_ =	sdelay $0xd  }
0xaf: {  	v1 =	vld [tilespmem:s17+$0x0]  }
0xb0: {  	s20 =	spop (v2sf)  }
0xb1: {  	p2 =	sne.s32 s20, $0x10  }
.Ltmp7:
0xb2: {  	_ = 	snop;
	(pc) =	sbr.rel @p2 .LBB2_7-.Ltmp7, $4  }
0xb3: {  	s18 =	sshll.u32 s16, $0x8  }
0xb4: {  	s18 =	sand.u32 $0x1FFFFC00, s18  }
0xb5: {  	s19 =	sand.u32 $0x60, s17;
	s18 =	sadd.s32 $0x500, s18  }
0xb6: {  	s20 =	sor.u32 s19, s18  }
0xb7: {  	_ =	sdelay $0x2  }
0xb8: {  	v2 =	vld [tilespmem:s20+$0x0]  }
0xb9: {  	v3 =	vld.idx.msk [tilespmem:v1+s29+$0x0], $0xffff;
	_ =	sdelay $0x4  }
0xba: {  	v2 =	vmax.bf16 v3, v2  }
0xbb: {  	[tilespmem:v1+s29+$0x0] =	vst.idx.msk $0xffff, v2  }
0xbc: {  	v2 =	vld [tilespmem:s20+$0x80]  }
0xbd: {  	v3 =	vld.idx.msk [tilespmem:v1+s31+$0x0], $0xffff;
	_ =	sdelay $0x4  }
0xbe: {  	v2 =	vmax.bf16 v3, v2  }
0xbf: {  	[tilespmem:v1+s31+$0x0] =	vst.idx.msk $0xffff, v2  }
0xc0: {  	v2 =	vld [tilespmem:s20+$0x100]  }
0xc1: {  	v3 =	vld.idx.msk [tilespmem:v1+s0+$0x0], $0xffff;
	_ =	sdelay $0x4  }
0xc2: {  	v2 =	vmax.bf16 v3, v2  }
0xc3: {  	[tilespmem:v1+s0+$0x0] =	vst.idx.msk $0xffff, v2  }
0xc4: {  	v2 =	vld [tilespmem:s20+$0x180]  }
0xc5: {  	v3 =	vld.idx.msk [tilespmem:v1+s2+$0x0], $0xffff;
	_ =	sdelay $0x4  }
0xc6: {  	v2 =	vmax.bf16 v3, v2  }
0xc7: {  	[tilespmem:v1+s2+$0x0] =	vst.idx.msk $0xffff, v2  }
0xc8: {  	v2 =	vld [tilespmem:s20+$0x200]  }
0xc9: {  	v3 =	vld.idx.msk [tilespmem:v1+s1+$0x0], $0xffff;
	_ =	sdelay $0x4  }
0xca: {  	v2 =	vmax.bf16 v3, v2  }
0xcb: {  	[tilespmem:v1+s1+$0x0] =	vst.idx.msk $0xffff, v2  }
0xcc: {  	v2 =	vld [tilespmem:s20+$0x280]  }
0xcd: {  	v3 =	vld.idx.msk [tilespmem:v1+s5+$0x0], $0xffff;
	_ =	sdelay $0x4  }
0xce: {  	v2 =	vmax.bf16 v3, v2  }
0xcf: {  	[tilespmem:v1+s5+$0x0] =	vst.idx.msk $0xffff, v2  }
0xd0: {  	v2 =	vld [tilespmem:s20+$0x300]  }
0xd1: {  	v3 =	vld.idx.msk [tilespmem:v1+s6+$0x0], $0xffff;
	_ =	sdelay $0x4  }
0xd2: {  	v2 =	vmax.bf16 v3, v2  }
0xd3: {  	[tilespmem:v1+s6+$0x0] =	vst.idx.msk $0xffff, v2  }
0xd4: {  	v2 =	vld [tilespmem:s20+$0x380]  }
0xd5: {  	v3 =	vld.idx.msk [tilespmem:v1+s7+$0x0], $0xffff;
	_ =	sdelay $0x1  }
.Ltmp8:
0xd6: {  	_ = 	snop;
	(pc) =	sbr.rel .LBB2_24-.Ltmp8, $3  }
0xd7: {  	_ =	sdelay $0x1  }
0xd8: {  	v2 =	vmax.bf16 v3, v2  }
0xd9: {  	[tilespmem:v1+s7+$0x0] =	vst.idx.msk $0xffff, v2  }
.LBB2_7:
.Ltmp9:
0xda: {  	(pc) =	sbr.rel @!p0 .LBB2_24-.Ltmp9, $1  }
0xdb: {  	_ =	sdelay $0x3  }
0xdc: {  	v2 =	vld [tilespmem:s20+$0x0];
	vm1 =	vmmov $0xffff  }
.LBB2_9:
0xdd: {  	v3 =	vld.idx.msk [tilespmem:v1+s29+$0x0], $0xffff;
	_ =	sdelay $0x4  }
0xde: {  	v2 =	vmax.bf16 v3, v2  }
0xdf: {  	[tilespmem:v1+s29+$0x0] =	vst.idx.msk vm1, v2  }
0xe0: {  	v3 =	vld.idx.msk [tilespmem:v1+s29+$0x0], $0xffff;
	_ =	sdelay $0x4  }
0xe1: {  	vm2 =	vne.s32 v3, v2  }
0xe2: {  	vm1 =	vmand vm1, vm2  }
0xe3: {  	v3 =	vsel vm1, $0x3F800000, v0  }
0xe4: {  	(xrf0) =	vmax.scan.msk.f32 $0xffff, v3;
	_ =	sdelay $0x5  }
0xe5: {  	v3, _, _ =	vpop (xrf0)  }
0xe6: {  	(v2sf) =	vpush v3, $0xF;
	_ =	sdelay $0xe  }
0xe7: {  	s21 =	spop (v2sf)  }
0xe8: {  	p2 =	sgt.f32 s21, $0.0e+00  }
.Ltmp10:
0xe9: {  	_ = 	snop;
	(pc) =	sbr.rel @p2 .LBB2_9-.Ltmp10, $1  }
0xea: {  	_ =	sdelay $0x3  }
0xeb: {  	v2 =	vld [tilespmem:s20+$0x80];
	vm1 =	vmmov $0xffff  }
.LBB2_11:
0xec: {  	v3 =	vld.idx.msk [tilespmem:v1+s31+$0x0], $0xffff;
	_ =	sdelay $0x4  }
0xed: {  	v2 =	vmax.bf16 v3, v2  }
0xee: {  	[tilespmem:v1+s31+$0x0] =	vst.idx.msk vm1, v2  }
0xef: {  	v3 =	vld.idx.msk [tilespmem:v1+s31+$0x0], $0xffff;
	_ =	sdelay $0x4  }
0xf0: {  	vm2 =	vne.s32 v3, v2  }
0xf1: {  	vm1 =	vmand vm1, vm2  }
0xf2: {  	v3 =	vsel vm1, $0x3F800000, v0  }
0xf3: {  	(xrf0) =	vmax.scan.msk.f32 $0xffff, v3;
	_ =	sdelay $0x5  }
0xf4: {  	v3, _, _ =	vpop (xrf0)  }
0xf5: {  	(v2sf) =	vpush v3, $0xF;
	_ =	sdelay $0xe  }
0xf6: {  	s21 =	spop (v2sf)  }
0xf7: {  	p2 =	sgt.f32 s21, $0.0e+00  }
.Ltmp11:
0xf8: {  	_ = 	snop;
	(pc) =	sbr.rel @p2 .LBB2_11-.Ltmp11, $1  }
0xf9: {  	_ =	sdelay $0x3  }
0xfa: {  	v2 =	vld [tilespmem:s20+$0x100];
	vm1 =	vmmov $0xffff  }
.LBB2_13:
0xfb: {  	v3 =	vld.idx.msk [tilespmem:v1+s0+$0x0], $0xffff;
	_ =	sdelay $0x4  }
0xfc: {  	v2 =	vmax.bf16 v3, v2  }
0xfd: {  	[tilespmem:v1+s0+$0x0] =	vst.idx.msk vm1, v2  }
0xfe: {  	v3 =	vld.idx.msk [tilespmem:v1+s0+$0x0], $0xffff;
	_ =	sdelay $0x4  }
0xff: {  	vm2 =	vne.s32 v3, v2  }
0x100: {  	vm1 =	vmand vm1, vm2  }
0x101: {  	v3 =	vsel vm1, $0x3F800000, v0  }
0x102: {  	(xrf0) =	vmax.scan.msk.f32 $0xffff, v3;
	_ =	sdelay $0x5  }
0x103: {  	v3, _, _ =	vpop (xrf0)  }
0x104: {  	(v2sf) =	vpush v3, $0xF;
	_ =	sdelay $0xe  }
0x105: {  	s21 =	spop (v2sf)  }
0x106: {  	p2 =	sgt.f32 s21, $0.0e+00  }
.Ltmp12:
0x107: {  	_ = 	snop;
	(pc) =	sbr.rel @p2 .LBB2_13-.Ltmp12, $1  }
0x108: {  	_ =	sdelay $0x3  }
0x109: {  	v2 =	vld [tilespmem:s20+$0x180];
	vm1 =	vmmov $0xffff  }
.LBB2_15:
0x10a: {  	v3 =	vld.idx.msk [tilespmem:v1+s2+$0x0], $0xffff;
	_ =	sdelay $0x4  }
0x10b: {  	v2 =	vmax.bf16 v3, v2  }
0x10c: {  	[tilespmem:v1+s2+$0x0] =	vst.idx.msk vm1, v2  }
0x10d: {  	v3 =	vld.idx.msk [tilespmem:v1+s2+$0x0], $0xffff;
	_ =	sdelay $0x4  }
0x10e: {  	vm2 =	vne.s32 v3, v2  }
0x10f: {  	vm1 =	vmand vm1, vm2  }
0x110: {  	v3 =	vsel vm1, $0x3F800000, v0  }
0x111: {  	(xrf0) =	vmax.scan.msk.f32 $0xffff, v3;
	_ =	sdelay $0x5  }
0x112: {  	v3, _, _ =	vpop (xrf0)  }
0x113: {  	(v2sf) =	vpush v3, $0xF;
	_ =	sdelay $0xe  }
0x114: {  	s21 =	spop (v2sf)  }
0x115: {  	p2 =	sgt.f32 s21, $0.0e+00  }
.Ltmp13:
0x116: {  	_ = 	snop;
	(pc) =	sbr.rel @p2 .LBB2_15-.Ltmp13, $1  }
0x117: {  	_ =	sdelay $0x3  }
0x118: {  	v2 =	vld [tilespmem:s20+$0x200];
	vm1 =	vmmov $0xffff  }
.LBB2_17:
0x119: {  	v3 =	vld.idx.msk [tilespmem:v1+s1+$0x0], $0xffff;
	_ =	sdelay $0x4  }
0x11a: {  	v2 =	vmax.bf16 v3, v2  }
0x11b: {  	[tilespmem:v1+s1+$0x0] =	vst.idx.msk vm1, v2  }
0x11c: {  	v3 =	vld.idx.msk [tilespmem:v1+s1+$0x0], $0xffff;
	_ =	sdelay $0x4  }
0x11d: {  	vm2 =	vne.s32 v3, v2  }
0x11e: {  	vm1 =	vmand vm1, vm2  }
0x11f: {  	v3 =	vsel vm1, $0x3F800000, v0  }
0x120: {  	(xrf0) =	vmax.scan.msk.f32 $0xffff, v3;
	_ =	sdelay $0x5  }
0x121: {  	v3, _, _ =	vpop (xrf0)  }
0x122: {  	(v2sf) =	vpush v3, $0xF;
	_ =	sdelay $0xe  }
0x123: {  	s21 =	spop (v2sf)  }
0x124: {  	p2 =	sgt.f32 s21, $0.0e+00  }
.Ltmp14:
0x125: {  	_ = 	snop;
	(pc) =	sbr.rel @p2 .LBB2_17-.Ltmp14, $1  }
0x126: {  	_ =	sdelay $0x3  }
0x127: {  	v2 =	vld [tilespmem:s20+$0x280];
	vm1 =	vmmov $0xffff  }
.LBB2_19:
0x128: {  	v3 =	vld.idx.msk [tilespmem:v1+s5+$0x0], $0xffff;
	_ =	sdelay $0x4  }
0x129: {  	v2 =	vmax.bf16 v3, v2  }
0x12a: {  	[tilespmem:v1+s5+$0x0] =	vst.idx.msk vm1, v2  }
0x12b: {  	v3 =	vld.idx.msk [tilespmem:v1+s5+$0x0], $0xffff;
	_ =	sdelay $0x4  }
0x12c: {  	vm2 =	vne.s32 v3, v2  }
0x12d: {  	vm1 =	vmand vm1, vm2  }
0x12e: {  	v3 =	vsel vm1, $0x3F800000, v0  }
0x12f: {  	(xrf0) =	vmax.scan.msk.f32 $0xffff, v3;
	_ =	sdelay $0x5  }
0x130: {  	v3, _, _ =	vpop (xrf0)  }
0x131: {  	(v2sf) =	vpush v3, $0xF;
	_ =	sdelay $0xe  }
0x132: {  	s21 =	spop (v2sf)  }
0x133: {  	p2 =	sgt.f32 s21, $0.0e+00  }
.Ltmp15:
0x134: {  	_ = 	snop;
	(pc) =	sbr.rel @p2 .LBB2_19-.Ltmp15, $1  }
0x135: {  	_ =	sdelay $0x3  }
0x136: {  	v2 =	vld [tilespmem:s20+$0x300];
	vm1 =	vmmov $0xffff  }
.LBB2_21:
0x137: {  	v3 =	vld.idx.msk [tilespmem:v1+s6+$0x0], $0xffff;
	_ =	sdelay $0x4  }
0x138: {  	v2 =	vmax.bf16 v3, v2  }
0x139: {  	[tilespmem:v1+s6+$0x0] =	vst.idx.msk vm1, v2  }
0x13a: {  	v3 =	vld.idx.msk [tilespmem:v1+s6+$0x0], $0xffff;
	_ =	sdelay $0x4  }
0x13b: {  	vm2 =	vne.s32 v3, v2  }
0x13c: {  	vm1 =	vmand vm1, vm2  }
0x13d: {  	v3 =	vsel vm1, $0x3F800000, v0  }
0x13e: {  	(xrf0) =	vmax.scan.msk.f32 $0xffff, v3;
	_ =	sdelay $0x5  }
0x13f: {  	v3, _, _ =	vpop (xrf0)  }
0x140: {  	(v2sf) =	vpush v3, $0xF;
	_ =	sdelay $0xe  }
0x141: {  	s21 =	spop (v2sf)  }
0x142: {  	p2 =	sgt.f32 s21, $0.0e+00  }
.Ltmp16:
0x143: {  	_ = 	snop;
	(pc) =	sbr.rel @p2 .LBB2_21-.Ltmp16, $1  }
0x144: {  	_ =	sdelay $0x3  }
0x145: {  	v2 =	vld [tilespmem:s20+$0x380];
	vm1 =	vmmov $0xffff  }
.LBB2_23:
0x146: {  	v3 =	vld.idx.msk [tilespmem:v1+s7+$0x0], $0xffff;
	_ =	sdelay $0x4  }
0x147: {  	v2 =	vmax.bf16 v3, v2  }
0x148: {  	[tilespmem:v1+s7+$0x0] =	vst.idx.msk vm1, v2  }
0x149: {  	v3 =	vld.idx.msk [tilespmem:v1+s7+$0x0], $0xffff;
	_ =	sdelay $0x4  }
0x14a: {  	vm2 =	vne.s32 v3, v2  }
0x14b: {  	vm1 =	vmand vm1, vm2  }
0x14c: {  	v3 =	vsel vm1, $0x3F800000, v0  }
0x14d: {  	(xrf0) =	vmax.scan.msk.f32 $0xffff, v3;
	_ =	sdelay $0x5  }
0x14e: {  	v3, _, _ =	vpop (xrf0)  }
0x14f: {  	(v2sf) =	vpush v3, $0xF;
	_ =	sdelay $0xe  }
0x150: {  	s20 =	spop (v2sf)  }
0x151: {  	p2 =	sgt.f32 s20, $0.0e+00  }
.Ltmp17:
0x152: {  	_ = 	snop;
	(pc) =	sbr.rel @p2 .LBB2_23-.Ltmp17, $1  }
0x153: {  	_ =	sdelay $0x3  }
.LBB2_24:
0x154: {  	s19 =	sor.u32 $0x10, s19;
	s17 =	sand.u32 $0x380, s17  }
0x155: {  	s17 =	sor.u32 s17, s19  }
0x156: {  	v1 =	vld [tilespmem:s17+$0x2D00];
	_ =	sdelay $0x4  }
0x157: {  	(v2sf) =	vpush v1, $0x0;
	_ =	sdelay $0xd  }
0x158: {  	v1 =	vld [tilespmem:s17+$0x0]  }
0x159: {  	s20 =	spop (v2sf)  }
0x15a: {  	p2 =	sne.s32 s20, $0x10  }
.Ltmp18:
0x15b: {  	_ = 	snop;
	(pc) =	sbr.rel @!p2 .LBB2_25-.Ltmp18, $2  }
0x15c: {  	_ =	sdelay $0x2  }
0x15d: {  	s17 =	sadd.s32 s19, s18  }
.Ltmp19:
0x15e: {  	(pc) =	sbr.rel @!p0 .LBB2_43-.Ltmp19, $1  }
0x15f: {  	_ =	sdelay $0x3  }
0x160: {  	v2 =	vld [tilespmem:s17+$0x0];
	vm1 =	vmmov $0xffff  }
.LBB2_28:
0x161: {  	v3 =	vld.idx.msk [tilespmem:v1+s29+$0x0], $0xffff;
	_ =	sdelay $0x4  }
0x162: {  	v2 =	vmax.bf16 v3, v2  }
0x163: {  	[tilespmem:v1+s29+$0x0] =	vst.idx.msk vm1, v2  }
0x164: {  	v3 =	vld.idx.msk [tilespmem:v1+s29+$0x0], $0xffff;
	_ =	sdelay $0x4  }
0x165: {  	vm2 =	vne.s32 v3, v2  }
0x166: {  	vm1 =	vmand vm1, vm2  }
0x167: {  	v3 =	vsel vm1, $0x3F800000, v0  }
0x168: {  	(xrf0) =	vmax.scan.msk.f32 $0xffff, v3;
	_ =	sdelay $0x5  }
0x169: {  	v3, _, _ =	vpop (xrf0)  }
0x16a: {  	(v2sf) =	vpush v3, $0xF;
	_ =	sdelay $0xe  }
0x16b: {  	s18 =	spop (v2sf)  }
0x16c: {  	p2 =	sgt.f32 s18, $0.0e+00  }
.Ltmp20:
0x16d: {  	_ = 	snop;
	(pc) =	sbr.rel @p2 .LBB2_28-.Ltmp20, $1  }
0x16e: {  	_ =	sdelay $0x3  }
0x16f: {  	v2 =	vld [tilespmem:s17+$0x80];
	vm1 =	vmmov $0xffff  }
.LBB2_30:
0x170: {  	v3 =	vld.idx.msk [tilespmem:v1+s31+$0x0], $0xffff;
	_ =	sdelay $0x4  }
0x171: {  	v2 =	vmax.bf16 v3, v2  }
0x172: {  	[tilespmem:v1+s31+$0x0] =	vst.idx.msk vm1, v2  }
0x173: {  	v3 =	vld.idx.msk [tilespmem:v1+s31+$0x0], $0xffff;
	_ =	sdelay $0x4  }
0x174: {  	vm2 =	vne.s32 v3, v2  }
0x175: {  	vm1 =	vmand vm1, vm2  }
0x176: {  	v3 =	vsel vm1, $0x3F800000, v0  }
0x177: {  	(xrf0) =	vmax.scan.msk.f32 $0xffff, v3;
	_ =	sdelay $0x5  }
0x178: {  	v3, _, _ =	vpop (xrf0)  }
0x179: {  	(v2sf) =	vpush v3, $0xF;
	_ =	sdelay $0xe  }
0x17a: {  	s18 =	spop (v2sf)  }
0x17b: {  	p2 =	sgt.f32 s18, $0.0e+00  }
.Ltmp21:
0x17c: {  	_ = 	snop;
	(pc) =	sbr.rel @p2 .LBB2_30-.Ltmp21, $1  }
0x17d: {  	_ =	sdelay $0x3  }
0x17e: {  	v2 =	vld [tilespmem:s17+$0x100];
	vm1 =	vmmov $0xffff  }
.LBB2_32:
0x17f: {  	v3 =	vld.idx.msk [tilespmem:v1+s0+$0x0], $0xffff;
	_ =	sdelay $0x4  }
0x180: {  	v2 =	vmax.bf16 v3, v2  }
0x181: {  	[tilespmem:v1+s0+$0x0] =	vst.idx.msk vm1, v2  }
0x182: {  	v3 =	vld.idx.msk [tilespmem:v1+s0+$0x0], $0xffff;
	_ =	sdelay $0x4  }
0x183: {  	vm2 =	vne.s32 v3, v2  }
0x184: {  	vm1 =	vmand vm1, vm2  }
0x185: {  	v3 =	vsel vm1, $0x3F800000, v0  }
0x186: {  	(xrf0) =	vmax.scan.msk.f32 $0xffff, v3;
	_ =	sdelay $0x5  }
0x187: {  	v3, _, _ =	vpop (xrf0)  }
0x188: {  	(v2sf) =	vpush v3, $0xF;
	_ =	sdelay $0xe  }
0x189: {  	s18 =	spop (v2sf)  }
0x18a: {  	p2 =	sgt.f32 s18, $0.0e+00  }
.Ltmp22:
0x18b: {  	_ = 	snop;
	(pc) =	sbr.rel @p2 .LBB2_32-.Ltmp22, $1  }
0x18c: {  	_ =	sdelay $0x3  }
0x18d: {  	v2 =	vld [tilespmem:s17+$0x180];
	vm1 =	vmmov $0xffff  }
.LBB2_34:
0x18e: {  	v3 =	vld.idx.msk [tilespmem:v1+s2+$0x0], $0xffff;
	_ =	sdelay $0x4  }
0x18f: {  	v2 =	vmax.bf16 v3, v2  }
0x190: {  	[tilespmem:v1+s2+$0x0] =	vst.idx.msk vm1, v2  }
0x191: {  	v3 =	vld.idx.msk [tilespmem:v1+s2+$0x0], $0xffff;
	_ =	sdelay $0x4  }
0x192: {  	vm2 =	vne.s32 v3, v2  }
0x193: {  	vm1 =	vmand vm1, vm2  }
0x194: {  	v3 =	vsel vm1, $0x3F800000, v0  }
0x195: {  	(xrf0) =	vmax.scan.msk.f32 $0xffff, v3;
	_ =	sdelay $0x5  }
0x196: {  	v3, _, _ =	vpop (xrf0)  }
0x197: {  	(v2sf) =	vpush v3, $0xF;
	_ =	sdelay $0xe  }
0x198: {  	s18 =	spop (v2sf)  }
0x199: {  	p2 =	sgt.f32 s18, $0.0e+00  }
.Ltmp23:
0x19a: {  	_ = 	snop;
	(pc) =	sbr.rel @p2 .LBB2_34-.Ltmp23, $1  }
0x19b: {  	_ =	sdelay $0x3  }
0x19c: {  	v2 =	vld [tilespmem:s17+$0x200];
	vm1 =	vmmov $0xffff  }
.LBB2_36:
0x19d: {  	v3 =	vld.idx.msk [tilespmem:v1+s1+$0x0], $0xffff;
	_ =	sdelay $0x4  }
0x19e: {  	v2 =	vmax.bf16 v3, v2  }
0x19f: {  	[tilespmem:v1+s1+$0x0] =	vst.idx.msk vm1, v2  }
0x1a0: {  	v3 =	vld.idx.msk [tilespmem:v1+s1+$0x0], $0xffff;
	_ =	sdelay $0x4  }
0x1a1: {  	vm2 =	vne.s32 v3, v2  }
0x1a2: {  	vm1 =	vmand vm1, vm2  }
0x1a3: {  	v3 =	vsel vm1, $0x3F800000, v0  }
0x1a4: {  	(xrf0) =	vmax.scan.msk.f32 $0xffff, v3;
	_ =	sdelay $0x5  }
0x1a5: {  	v3, _, _ =	vpop (xrf0)  }
0x1a6: {  	(v2sf) =	vpush v3, $0xF;
	_ =	sdelay $0xe  }
0x1a7: {  	s18 =	spop (v2sf)  }
0x1a8: {  	p2 =	sgt.f32 s18, $0.0e+00  }
.Ltmp24:
0x1a9: {  	_ = 	snop;
	(pc) =	sbr.rel @p2 .LBB2_36-.Ltmp24, $1  }
0x1aa: {  	_ =	sdelay $0x3  }
0x1ab: {  	v2 =	vld [tilespmem:s17+$0x280];
	vm1 =	vmmov $0xffff  }
.LBB2_38:
0x1ac: {  	v3 =	vld.idx.msk [tilespmem:v1+s5+$0x0], $0xffff;
	_ =	sdelay $0x4  }
0x1ad: {  	v2 =	vmax.bf16 v3, v2  }
0x1ae: {  	[tilespmem:v1+s5+$0x0] =	vst.idx.msk vm1, v2  }
0x1af: {  	v3 =	vld.idx.msk [tilespmem:v1+s5+$0x0], $0xffff;
	_ =	sdelay $0x4  }
0x1b0: {  	vm2 =	vne.s32 v3, v2  }
0x1b1: {  	vm1 =	vmand vm1, vm2  }
0x1b2: {  	v3 =	vsel vm1, $0x3F800000, v0  }
0x1b3: {  	(xrf0) =	vmax.scan.msk.f32 $0xffff, v3;
	_ =	sdelay $0x5  }
0x1b4: {  	v3, _, _ =	vpop (xrf0)  }
0x1b5: {  	(v2sf) =	vpush v3, $0xF;
	_ =	sdelay $0xe  }
0x1b6: {  	s18 =	spop (v2sf)  }
0x1b7: {  	p2 =	sgt.f32 s18, $0.0e+00  }
.Ltmp25:
0x1b8: {  	_ = 	snop;
	(pc) =	sbr.rel @p2 .LBB2_38-.Ltmp25, $1  }
0x1b9: {  	_ =	sdelay $0x3  }
0x1ba: {  	v2 =	vld [tilespmem:s17+$0x300];
	vm1 =	vmmov $0xffff  }
.LBB2_40:
0x1bb: {  	v3 =	vld.idx.msk [tilespmem:v1+s6+$0x0], $0xffff;
	_ =	sdelay $0x4  }
0x1bc: {  	v2 =	vmax.bf16 v3, v2  }
0x1bd: {  	[tilespmem:v1+s6+$0x0] =	vst.idx.msk vm1, v2  }
0x1be: {  	v3 =	vld.idx.msk [tilespmem:v1+s6+$0x0], $0xffff;
	_ =	sdelay $0x4  }
0x1bf: {  	vm2 =	vne.s32 v3, v2  }
0x1c0: {  	vm1 =	vmand vm1, vm2  }
0x1c1: {  	v3 =	vsel vm1, $0x3F800000, v0  }
0x1c2: {  	(xrf0) =	vmax.scan.msk.f32 $0xffff, v3;
	_ =	sdelay $0x5  }
0x1c3: {  	v3, _, _ =	vpop (xrf0)  }
0x1c4: {  	(v2sf) =	vpush v3, $0xF;
	_ =	sdelay $0xe  }
0x1c5: {  	s18 =	spop (v2sf)  }
0x1c6: {  	p2 =	sgt.f32 s18, $0.0e+00  }
.Ltmp26:
0x1c7: {  	_ = 	snop;
	(pc) =	sbr.rel @p2 .LBB2_40-.Ltmp26, $1  }
0x1c8: {  	_ =	sdelay $0x3  }
0x1c9: {  	v2 =	vld [tilespmem:s17+$0x380];
	vm1 =	vmmov $0xffff  }
.LBB2_42:
0x1ca: {  	v3 =	vld.idx.msk [tilespmem:v1+s7+$0x0], $0xffff;
	_ =	sdelay $0x4  }
0x1cb: {  	v2 =	vmax.bf16 v3, v2  }
0x1cc: {  	[tilespmem:v1+s7+$0x0] =	vst.idx.msk vm1, v2  }
0x1cd: {  	v3 =	vld.idx.msk [tilespmem:v1+s7+$0x0], $0xffff;
	_ =	sdelay $0x4  }
0x1ce: {  	vm2 =	vne.s32 v3, v2  }
0x1cf: {  	vm1 =	vmand vm1, vm2  }
0x1d0: {  	v3 =	vsel vm1, $0x3F800000, v0  }
0x1d1: {  	(xrf0) =	vmax.scan.msk.f32 $0xffff, v3;
	_ =	sdelay $0x5  }
0x1d2: {  	v3, _, _ =	vpop (xrf0)  }
0x1d3: {  	(v2sf) =	vpush v3, $0xF;
	_ =	sdelay $0xe  }
0x1d4: {  	s17 =	spop (v2sf)  }
0x1d5: {  	p2 =	sgt.f32 s17, $0.0e+00  }
.Ltmp27:
0x1d6: {  	_ = 	snop;
	(pc) =	sbr.rel @p2 .LBB2_42-.Ltmp27, $1  }
0x1d7: {  	_ =	sdelay $0x3  }
.Ltmp28:
0x1d8: {  	_ = 	snop;
	(pc) =	sbr.rel .LBB2_43-.Ltmp28, $1  }
0x1d9: {  	_ =	sdelay $0x3  }
.LBB2_44:
.Ltmp29:
0x1da: {  	(pc) =	sbr.rel @p1 .LBB2_87-.Ltmp29, $1  }
0x1db: {  	_ =	sdelay $0x3  }
0x1dc: {  	_ =	swait.ge [sflag:s11], $0x280  }
0x1dd: {  	s16 =	smul.u32 $0x500, s15;
	[sflag:s11] =	ssyncset.done $0x0  }
0x1de: {  	[sflag:s11] =	ssyncadd.s32 $0xFFFFFD80  }
0x1df: {  	s17 =	sadd.s32 s16, s24;
	_ =	swait.ge [sflag:s12], $0x1400  }
0x1e0: {  	s16 =	sshrl.u32 s17, $0x3;
	[sflag:s12] =	ssyncset.done $0x0  }
0x1e1: {  	s18 =	sadd.s32 s3, s16;
	s16 =	simm.s32 $0x0;
	[sflag:s12] =	ssyncadd.s32 $0xFFFFEC00  }
0x1e2: {  	[tilespmem:s16], [sflag:$0x1] =	stream.linear.gather [hbm4b:s18+s16], $0x280, $0x38;
	[tilespmem:$0x16F80] =	vst v63  }
0x1e3: {  	s17 =	sadd.s32 s17, s14  }
0x1e4: {  	[tilespmem:s8], [sflag:$0x3] =	stream.linear.gather [hbm4b:s17+s16], $0x1400, $0x38;
	[tilespmem:$0x16F80] =	vst v63  }
0x1e5: {  	s17 =	simm.s32 $0x0  }
0x1e6: {  	v1 =	vld [tilespmem:s17+$0x280];
	_ =	sdelay $0x1  }
0x1e7: {  	s18 =	simm.s32 $0x10  }
0x1e8: {  	v2 =	vld [tilespmem:s18+$0x280];
	_ =	sdelay $0x1  }
0x1e9: {  	(xrf1) =	vunique.msk.u32 $0xffff, v1;
	_ =	sdelay $0x2  }
0x1ea: {  	(xrf1) =	vunique.msk.u32 $0xffff, v2;
	_ =	sdelay $0x2  }
0x1eb: {  	s19 =	simm.s32 $0x20  }
0x1ec: {  	v1 =	vld [tilespmem:s19+$0x280];
	_ =	sdelay $0x3  }
0x1ed: {  	s20 =	simm.s32 $0xC0  }
.LBB2_46:
0x1ee: {  	s21 =	sshra.s32 s20, $0x2;
	p1 =	sne.s32 s20, $0x9C0;
	s20 =	sadd.s32 $0x40, s20;
	(xrf1) =	vunique.msk.u32 $0xffff, v1  }
.Ltmp30:
0x1ef: {  	v1 =	vld [tilespmem:s21+$0x280];
	(pc) =	sbr.rel @p1 .LBB2_46-.Ltmp30, $3  }
0x1f0: {  	_, v2, vm1 =	vpop (xrf1)  }
0x1f1: {  	v2 =	vmpcnt.ones.xlane vm1;
	_ =	sdelay $0x1  }
0x1f2: {  	[tilespmem:s17+$0x2D00] =	vst v2;
	s17 =	smov.u32 s18;
	s18 =	smov.u32 s19;
	s19 =	smov.u32 s21  }
0x1f3: {  	(xrf1) =	vunique.msk.u32 $0xffff, v1;
	_ =	sdelay $0xb  }
0x1f4: {  	_, v1, vm1 =	vpop (xrf1)  }
.Ltmp31:
0x1f5: {  	v1 =	vmpcnt.ones.xlane vm1;
	_, v2, vm1 =	vpop (xrf1);
	(pc) =	sbr.rel .LBB2_48-.Ltmp31, $4  }
0x1f6: {  	v2 =	vmpcnt.ones.xlane vm1;
	_, v3, vm1 =	vpop (xrf1)  }
0x1f7: {  	[tilespmem:s17+$0x2D00] =	vst v1;
	v1 =	vmpcnt.ones.xlane vm1  }
0x1f8: {  	[tilespmem:s18+$0x2D00] =	vst v2  }
0x1f9: {  	[tilespmem:s19+$0x2D00] =	vst v1  }
.LBB2_68:
0x1fa: {  	_ =	sdelay $0x2  }
0x1fb: {  	v2 =	vld [tilespmem:s17+$0x0]  }
0x1fc: {  	v3 =	vld.idx.msk [tilespmem:v1+s29+$0x0], $0xffff;
	_ =	sdelay $0x4  }
0x1fd: {  	v2 =	vmax.bf16 v3, v2  }
0x1fe: {  	[tilespmem:v1+s29+$0x0] =	vst.idx.msk $0xffff, v2  }
0x1ff: {  	v2 =	vld [tilespmem:s17+$0x80]  }
0x200: {  	v3 =	vld.idx.msk [tilespmem:v1+s31+$0x0], $0xffff;
	_ =	sdelay $0x4  }
0x201: {  	v2 =	vmax.bf16 v3, v2  }
0x202: {  	[tilespmem:v1+s31+$0x0] =	vst.idx.msk $0xffff, v2  }
0x203: {  	v2 =	vld [tilespmem:s17+$0x100]  }
0x204: {  	v3 =	vld.idx.msk [tilespmem:v1+s0+$0x0], $0xffff;
	_ =	sdelay $0x4  }
0x205: {  	v2 =	vmax.bf16 v3, v2  }
0x206: {  	[tilespmem:v1+s0+$0x0] =	vst.idx.msk $0xffff, v2  }
0x207: {  	v2 =	vld [tilespmem:s17+$0x180]  }
0x208: {  	v3 =	vld.idx.msk [tilespmem:v1+s2+$0x0], $0xffff;
	_ =	sdelay $0x4  }
0x209: {  	v2 =	vmax.bf16 v3, v2  }
0x20a: {  	[tilespmem:v1+s2+$0x0] =	vst.idx.msk $0xffff, v2  }
0x20b: {  	v2 =	vld [tilespmem:s17+$0x200]  }
0x20c: {  	v3 =	vld.idx.msk [tilespmem:v1+s1+$0x0], $0xffff;
	_ =	sdelay $0x4  }
0x20d: {  	v2 =	vmax.bf16 v3, v2  }
0x20e: {  	[tilespmem:v1+s1+$0x0] =	vst.idx.msk $0xffff, v2  }
0x20f: {  	v2 =	vld [tilespmem:s17+$0x280]  }
0x210: {  	v3 =	vld.idx.msk [tilespmem:v1+s5+$0x0], $0xffff;
	_ =	sdelay $0x4  }
0x211: {  	v2 =	vmax.bf16 v3, v2  }
0x212: {  	[tilespmem:v1+s5+$0x0] =	vst.idx.msk $0xffff, v2  }
0x213: {  	v2 =	vld [tilespmem:s17+$0x300]  }
0x214: {  	v3 =	vld.idx.msk [tilespmem:v1+s6+$0x0], $0xffff;
	_ =	sdelay $0x4  }
0x215: {  	v2 =	vmax.bf16 v3, v2  }
0x216: {  	[tilespmem:v1+s6+$0x0] =	vst.idx.msk $0xffff, v2  }
0x217: {  	v2 =	vld [tilespmem:s17+$0x380]  }
0x218: {  	v3 =	vld.idx.msk [tilespmem:v1+s7+$0x0], $0xffff;
	_ =	sdelay $0x4  }
0x219: {  	v2 =	vmax.bf16 v3, v2  }
0x21a: {  	[tilespmem:v1+s7+$0x0] =	vst.idx.msk $0xffff, v2  }
.LBB2_86:
0x21b: {  	s16 =	sadd.s32 $0x1, s16  }
0x21c: {  	p1 =	sne.s32 s16, $0x14  }
.Ltmp32:
0x21d: {  	_ = 	snop;
	(pc) =	sbr.rel @!p1 .LBB2_87-.Ltmp32, $1  }
0x21e: {  	_ =	sdelay $0x3  }
.LBB2_48:
0x21f: {  	s17 =	sshll.u32 s16, $0x5  }
0x220: {  	v1 =	vld [tilespmem:s17+$0x2D00];
	_ =	sdelay $0x4  }
0x221: {  	(v2sf) =	vpush v1, $0x0;
	_ =	sdelay $0xd  }
0x222: {  	v1 =	vld [tilespmem:s17+$0x280]  }
0x223: {  	s20 =	spop (v2sf)  }
0x224: {  	p1 =	sne.s32 s20, $0x10  }
.Ltmp33:
0x225: {  	_ = 	snop;
	(pc) =	sbr.rel @p1 .LBB2_50-.Ltmp33, $4  }
0x226: {  	s18 =	sshll.u32 s16, $0x8  }
0x227: {  	s18 =	sand.u32 $0x1FFFFC00, s18  }
0x228: {  	s19 =	sand.u32 $0x60, s17;
	s18 =	sadd.s32 $0x1900, s18  }
0x229: {  	s20 =	sor.u32 s19, s18  }
0x22a: {  	_ =	sdelay $0x2  }
0x22b: {  	v2 =	vld [tilespmem:s20+$0x0]  }
0x22c: {  	v3 =	vld.idx.msk [tilespmem:v1+s29+$0x0], $0xffff;
	_ =	sdelay $0x4  }
0x22d: {  	v2 =	vmax.bf16 v3, v2  }
0x22e: {  	[tilespmem:v1+s29+$0x0] =	vst.idx.msk $0xffff, v2  }
0x22f: {  	v2 =	vld [tilespmem:s20+$0x80]  }
0x230: {  	v3 =	vld.idx.msk [tilespmem:v1+s31+$0x0], $0xffff;
	_ =	sdelay $0x4  }
0x231: {  	v2 =	vmax.bf16 v3, v2  }
0x232: {  	[tilespmem:v1+s31+$0x0] =	vst.idx.msk $0xffff, v2  }
0x233: {  	v2 =	vld [tilespmem:s20+$0x100]  }
0x234: {  	v3 =	vld.idx.msk [tilespmem:v1+s0+$0x0], $0xffff;
	_ =	sdelay $0x4  }
0x235: {  	v2 =	vmax.bf16 v3, v2  }
0x236: {  	[tilespmem:v1+s0+$0x0] =	vst.idx.msk $0xffff, v2  }
0x237: {  	v2 =	vld [tilespmem:s20+$0x180]  }
0x238: {  	v3 =	vld.idx.msk [tilespmem:v1+s2+$0x0], $0xffff;
	_ =	sdelay $0x4  }
0x239: {  	v2 =	vmax.bf16 v3, v2  }
0x23a: {  	[tilespmem:v1+s2+$0x0] =	vst.idx.msk $0xffff, v2  }
0x23b: {  	v2 =	vld [tilespmem:s20+$0x200]  }
0x23c: {  	v3 =	vld.idx.msk [tilespmem:v1+s1+$0x0], $0xffff;
	_ =	sdelay $0x4  }
0x23d: {  	v2 =	vmax.bf16 v3, v2  }
0x23e: {  	[tilespmem:v1+s1+$0x0] =	vst.idx.msk $0xffff, v2  }
0x23f: {  	v2 =	vld [tilespmem:s20+$0x280]  }
0x240: {  	v3 =	vld.idx.msk [tilespmem:v1+s5+$0x0], $0xffff;
	_ =	sdelay $0x4  }
0x241: {  	v2 =	vmax.bf16 v3, v2  }
0x242: {  	[tilespmem:v1+s5+$0x0] =	vst.idx.msk $0xffff, v2  }
0x243: {  	v2 =	vld [tilespmem:s20+$0x300]  }
0x244: {  	v3 =	vld.idx.msk [tilespmem:v1+s6+$0x0], $0xffff;
	_ =	sdelay $0x4  }
0x245: {  	v2 =	vmax.bf16 v3, v2  }
0x246: {  	[tilespmem:v1+s6+$0x0] =	vst.idx.msk $0xffff, v2  }
0x247: {  	v2 =	vld [tilespmem:s20+$0x380]  }
0x248: {  	v3 =	vld.idx.msk [tilespmem:v1+s7+$0x0], $0xffff;
	_ =	sdelay $0x1  }
.Ltmp34:
0x249: {  	_ = 	snop;
	(pc) =	sbr.rel .LBB2_67-.Ltmp34, $3  }
0x24a: {  	_ =	sdelay $0x1  }
0x24b: {  	v2 =	vmax.bf16 v3, v2  }
0x24c: {  	[tilespmem:v1+s7+$0x0] =	vst.idx.msk $0xffff, v2  }
.LBB2_50:
.Ltmp35:
0x24d: {  	(pc) =	sbr.rel @!p0 .LBB2_67-.Ltmp35, $1  }
0x24e: {  	_ =	sdelay $0x3  }
0x24f: {  	v2 =	vld [tilespmem:s20+$0x0];
	vm1 =	vmmov vm0  }
.LBB2_52:
0x250: {  	v3 =	vld.idx.msk [tilespmem:v1+s29+$0x0], $0xffff;
	_ =	sdelay $0x4  }
0x251: {  	v2 =	vmax.bf16 v3, v2  }
0x252: {  	[tilespmem:v1+s29+$0x0] =	vst.idx.msk vm1, v2  }
0x253: {  	v3 =	vld.idx.msk [tilespmem:v1+s29+$0x0], $0xffff;
	_ =	sdelay $0x4  }
0x254: {  	vm2 =	vne.s32 v3, v2  }
0x255: {  	vm1 =	vmand vm1, vm2  }
0x256: {  	v3 =	vsel vm1, $0x3F800000, v0  }
0x257: {  	(xrf0) =	vmax.scan.msk.f32 $0xffff, v3;
	_ =	sdelay $0x5  }
0x258: {  	v3, _, _ =	vpop (xrf0)  }
0x259: {  	(v2sf) =	vpush v3, $0xF;
	_ =	sdelay $0xe  }
0x25a: {  	s21 =	spop (v2sf)  }
0x25b: {  	p1 =	sgt.f32 s21, $0.0e+00  }
.Ltmp36:
0x25c: {  	_ = 	snop;
	(pc) =	sbr.rel @p1 .LBB2_52-.Ltmp36, $1  }
0x25d: {  	_ =	sdelay $0x3  }
0x25e: {  	v2 =	vld [tilespmem:s20+$0x80];
	vm1 =	vmmov vm0  }
.LBB2_54:
0x25f: {  	v3 =	vld.idx.msk [tilespmem:v1+s31+$0x0], $0xffff;
	_ =	sdelay $0x4  }
0x260: {  	v2 =	vmax.bf16 v3, v2  }
0x261: {  	[tilespmem:v1+s31+$0x0] =	vst.idx.msk vm1, v2  }
0x262: {  	v3 =	vld.idx.msk [tilespmem:v1+s31+$0x0], $0xffff;
	_ =	sdelay $0x4  }
0x263: {  	vm2 =	vne.s32 v3, v2  }
0x264: {  	vm1 =	vmand vm1, vm2  }
0x265: {  	v3 =	vsel vm1, $0x3F800000, v0  }
0x266: {  	(xrf0) =	vmax.scan.msk.f32 $0xffff, v3;
	_ =	sdelay $0x5  }
0x267: {  	v3, _, _ =	vpop (xrf0)  }
0x268: {  	(v2sf) =	vpush v3, $0xF;
	_ =	sdelay $0xe  }
0x269: {  	s21 =	spop (v2sf)  }
0x26a: {  	p1 =	sgt.f32 s21, $0.0e+00  }
.Ltmp37:
0x26b: {  	_ = 	snop;
	(pc) =	sbr.rel @p1 .LBB2_54-.Ltmp37, $1  }
0x26c: {  	_ =	sdelay $0x3  }
0x26d: {  	v2 =	vld [tilespmem:s20+$0x100];
	vm1 =	vmmov $0xffff  }
.LBB2_56:
0x26e: {  	v3 =	vld.idx.msk [tilespmem:v1+s0+$0x0], $0xffff;
	_ =	sdelay $0x4  }
0x26f: {  	v2 =	vmax.bf16 v3, v2  }
0x270: {  	[tilespmem:v1+s0+$0x0] =	vst.idx.msk vm1, v2  }
0x271: {  	v3 =	vld.idx.msk [tilespmem:v1+s0+$0x0], $0xffff;
	_ =	sdelay $0x4  }
0x272: {  	vm2 =	vne.s32 v3, v2  }
0x273: {  	vm1 =	vmand vm1, vm2  }
0x274: {  	v3 =	vsel vm1, $0x3F800000, v0  }
0x275: {  	(xrf0) =	vmax.scan.msk.f32 $0xffff, v3;
	_ =	sdelay $0x5  }
0x276: {  	v3, _, _ =	vpop (xrf0)  }
0x277: {  	(v2sf) =	vpush v3, $0xF;
	_ =	sdelay $0xe  }
0x278: {  	s21 =	spop (v2sf)  }
0x279: {  	p1 =	sgt.f32 s21, $0.0e+00  }
.Ltmp38:
0x27a: {  	_ = 	snop;
	(pc) =	sbr.rel @p1 .LBB2_56-.Ltmp38, $1  }
0x27b: {  	_ =	sdelay $0x3  }
0x27c: {  	v2 =	vld [tilespmem:s20+$0x180];
	vm1 =	vmmov $0xffff  }
.LBB2_58:
0x27d: {  	v3 =	vld.idx.msk [tilespmem:v1+s2+$0x0], $0xffff;
	_ =	sdelay $0x4  }
0x27e: {  	v2 =	vmax.bf16 v3, v2  }
0x27f: {  	[tilespmem:v1+s2+$0x0] =	vst.idx.msk vm1, v2  }
0x280: {  	v3 =	vld.idx.msk [tilespmem:v1+s2+$0x0], $0xffff;
	_ =	sdelay $0x4  }
0x281: {  	vm2 =	vne.s32 v3, v2  }
0x282: {  	vm1 =	vmand vm1, vm2  }
0x283: {  	v3 =	vsel vm1, $0x3F800000, v0  }
0x284: {  	(xrf0) =	vmax.scan.msk.f32 $0xffff, v3;
	_ =	sdelay $0x5  }
0x285: {  	v3, _, _ =	vpop (xrf0)  }
0x286: {  	(v2sf) =	vpush v3, $0xF;
	_ =	sdelay $0xe  }
0x287: {  	s21 =	spop (v2sf)  }
0x288: {  	p1 =	sgt.f32 s21, $0.0e+00  }
.Ltmp39:
0x289: {  	_ = 	snop;
	(pc) =	sbr.rel @p1 .LBB2_58-.Ltmp39, $1  }
0x28a: {  	_ =	sdelay $0x3  }
0x28b: {  	v2 =	vld [tilespmem:s20+$0x200];
	vm1 =	vmmov $0xffff  }
.LBB2_60:
0x28c: {  	v3 =	vld.idx.msk [tilespmem:v1+s1+$0x0], $0xffff;
	_ =	sdelay $0x4  }
0x28d: {  	v2 =	vmax.bf16 v3, v2  }
0x28e: {  	[tilespmem:v1+s1+$0x0] =	vst.idx.msk vm1, v2  }
0x28f: {  	v3 =	vld.idx.msk [tilespmem:v1+s1+$0x0], $0xffff;
	_ =	sdelay $0x4  }
0x290: {  	vm2 =	vne.s32 v3, v2  }
0x291: {  	vm1 =	vmand vm1, vm2  }
0x292: {  	v3 =	vsel vm1, $0x3F800000, v0  }
0x293: {  	(xrf0) =	vmax.scan.msk.f32 $0xffff, v3;
	_ =	sdelay $0x5  }
0x294: {  	v3, _, _ =	vpop (xrf0)  }
0x295: {  	(v2sf) =	vpush v3, $0xF;
	_ =	sdelay $0xe  }
0x296: {  	s21 =	spop (v2sf)  }
0x297: {  	p1 =	sgt.f32 s21, $0.0e+00  }
.Ltmp40:
0x298: {  	_ = 	snop;
	(pc) =	sbr.rel @p1 .LBB2_60-.Ltmp40, $1  }
0x299: {  	_ =	sdelay $0x3  }
0x29a: {  	v2 =	vld [tilespmem:s20+$0x280];
	vm1 =	vmmov $0xffff  }
.LBB2_62:
0x29b: {  	v3 =	vld.idx.msk [tilespmem:v1+s5+$0x0], $0xffff;
	_ =	sdelay $0x4  }
0x29c: {  	v2 =	vmax.bf16 v3, v2  }
0x29d: {  	[tilespmem:v1+s5+$0x0] =	vst.idx.msk vm1, v2  }
0x29e: {  	v3 =	vld.idx.msk [tilespmem:v1+s5+$0x0], $0xffff;
	_ =	sdelay $0x4  }
0x29f: {  	vm2 =	vne.s32 v3, v2  }
0x2a0: {  	vm1 =	vmand vm1, vm2  }
0x2a1: {  	v3 =	vsel vm1, $0x3F800000, v0  }
0x2a2: {  	(xrf0) =	vmax.scan.msk.f32 $0xffff, v3;
	_ =	sdelay $0x5  }
0x2a3: {  	v3, _, _ =	vpop (xrf0)  }
0x2a4: {  	(v2sf) =	vpush v3, $0xF;
	_ =	sdelay $0xe  }
0x2a5: {  	s21 =	spop (v2sf)  }
0x2a6: {  	p1 =	sgt.f32 s21, $0.0e+00  }
.Ltmp41:
0x2a7: {  	_ = 	snop;
	(pc) =	sbr.rel @p1 .LBB2_62-.Ltmp41, $1  }
0x2a8: {  	_ =	sdelay $0x3  }
0x2a9: {  	v2 =	vld [tilespmem:s20+$0x300];
	vm1 =	vmmov $0xffff  }
.LBB2_64:
0x2aa: {  	v3 =	vld.idx.msk [tilespmem:v1+s6+$0x0], $0xffff;
	_ =	sdelay $0x4  }
0x2ab: {  	v2 =	vmax.bf16 v3, v2  }
0x2ac: {  	[tilespmem:v1+s6+$0x0] =	vst.idx.msk vm1, v2  }
0x2ad: {  	v3 =	vld.idx.msk [tilespmem:v1+s6+$0x0], $0xffff;
	_ =	sdelay $0x4  }
0x2ae: {  	vm2 =	vne.s32 v3, v2  }
0x2af: {  	vm1 =	vmand vm1, vm2  }
0x2b0: {  	v3 =	vsel vm1, $0x3F800000, v0  }
0x2b1: {  	(xrf0) =	vmax.scan.msk.f32 $0xffff, v3;
	_ =	sdelay $0x5  }
0x2b2: {  	v3, _, _ =	vpop (xrf0)  }
0x2b3: {  	(v2sf) =	vpush v3, $0xF;
	_ =	sdelay $0xe  }
0x2b4: {  	s21 =	spop (v2sf)  }
0x2b5: {  	p1 =	sgt.f32 s21, $0.0e+00  }
.Ltmp42:
0x2b6: {  	_ = 	snop;
	(pc) =	sbr.rel @p1 .LBB2_64-.Ltmp42, $1  }
0x2b7: {  	_ =	sdelay $0x3  }
0x2b8: {  	v2 =	vld [tilespmem:s20+$0x380];
	vm1 =	vmmov $0xffff  }
.LBB2_66:
0x2b9: {  	v3 =	vld.idx.msk [tilespmem:v1+s7+$0x0], $0xffff;
	_ =	sdelay $0x4  }
0x2ba: {  	v2 =	vmax.bf16 v3, v2  }
0x2bb: {  	[tilespmem:v1+s7+$0x0] =	vst.idx.msk vm1, v2  }
0x2bc: {  	v3 =	vld.idx.msk [tilespmem:v1+s7+$0x0], $0xffff;
	_ =	sdelay $0x4  }
0x2bd: {  	vm2 =	vne.s32 v3, v2  }
0x2be: {  	vm1 =	vmand vm1, vm2  }
0x2bf: {  	v3 =	vsel vm1, $0x3F800000, v0  }
0x2c0: {  	(xrf0) =	vmax.scan.msk.f32 $0xffff, v3;
	_ =	sdelay $0x5  }
0x2c1: {  	v3, _, _ =	vpop (xrf0)  }
0x2c2: {  	(v2sf) =	vpush v3, $0xF;
	_ =	sdelay $0xe  }
0x2c3: {  	s20 =	spop (v2sf)  }
0x2c4: {  	p1 =	sgt.f32 s20, $0.0e+00  }
.Ltmp43:
0x2c5: {  	_ = 	snop;
	(pc) =	sbr.rel @p1 .LBB2_66-.Ltmp43, $1  }
0x2c6: {  	_ =	sdelay $0x3  }
.LBB2_67:
0x2c7: {  	s19 =	sor.u32 $0x10, s19;
	s17 =	sand.u32 $0x380, s17  }
0x2c8: {  	s17 =	sor.u32 s17, s19  }
0x2c9: {  	v1 =	vld [tilespmem:s17+$0x2D00];
	_ =	sdelay $0x4  }
0x2ca: {  	(v2sf) =	vpush v1, $0x0;
	_ =	sdelay $0xd  }
0x2cb: {  	v1 =	vld [tilespmem:s17+$0x280]  }
0x2cc: {  	s20 =	spop (v2sf)  }
0x2cd: {  	p1 =	sne.s32 s20, $0x10  }
.Ltmp44:
0x2ce: {  	_ = 	snop;
	(pc) =	sbr.rel @!p1 .LBB2_68-.Ltmp44, $2  }
0x2cf: {  	_ =	sdelay $0x2  }
0x2d0: {  	s17 =	sadd.s32 s19, s18  }
.Ltmp45:
0x2d1: {  	(pc) =	sbr.rel @!p0 .LBB2_86-.Ltmp45, $1  }
0x2d2: {  	_ =	sdelay $0x3  }
0x2d3: {  	v2 =	vld [tilespmem:s17+$0x0];
	vm1 =	vmmov vm0  }
.LBB2_71:
0x2d4: {  	v3 =	vld.idx.msk [tilespmem:v1+s29+$0x0], $0xffff;
	_ =	sdelay $0x4  }
0x2d5: {  	v2 =	vmax.bf16 v3, v2  }
0x2d6: {  	[tilespmem:v1+s29+$0x0] =	vst.idx.msk vm1, v2  }
0x2d7: {  	v3 =	vld.idx.msk [tilespmem:v1+s29+$0x0], $0xffff;
	_ =	sdelay $0x4  }
0x2d8: {  	vm2 =	vne.s32 v3, v2  }
0x2d9: {  	vm1 =	vmand vm1, vm2  }
0x2da: {  	v3 =	vsel vm1, $0x3F800000, v0  }
0x2db: {  	(xrf0) =	vmax.scan.msk.f32 $0xffff, v3;
	_ =	sdelay $0x5  }
0x2dc: {  	v3, _, _ =	vpop (xrf0)  }
0x2dd: {  	(v2sf) =	vpush v3, $0xF;
	_ =	sdelay $0xe  }
0x2de: {  	s18 =	spop (v2sf)  }
0x2df: {  	p1 =	sgt.f32 s18, $0.0e+00  }
.Ltmp46:
0x2e0: {  	_ = 	snop;
	(pc) =	sbr.rel @p1 .LBB2_71-.Ltmp46, $1  }
0x2e1: {  	_ =	sdelay $0x3  }
0x2e2: {  	v2 =	vld [tilespmem:s17+$0x80];
	vm1 =	vmmov vm0  }
.LBB2_73:
0x2e3: {  	v3 =	vld.idx.msk [tilespmem:v1+s31+$0x0], $0xffff;
	_ =	sdelay $0x4  }
0x2e4: {  	v2 =	vmax.bf16 v3, v2  }
0x2e5: {  	[tilespmem:v1+s31+$0x0] =	vst.idx.msk vm1, v2  }
0x2e6: {  	v3 =	vld.idx.msk [tilespmem:v1+s31+$0x0], $0xffff;
	_ =	sdelay $0x4  }
0x2e7: {  	vm2 =	vne.s32 v3, v2  }
0x2e8: {  	vm1 =	vmand vm1, vm2  }
0x2e9: {  	v3 =	vsel vm1, $0x3F800000, v0  }
0x2ea: {  	(xrf0) =	vmax.scan.msk.f32 $0xffff, v3;
	_ =	sdelay $0x5  }
0x2eb: {  	v3, _, _ =	vpop (xrf0)  }
0x2ec: {  	(v2sf) =	vpush v3, $0xF;
	_ =	sdelay $0xe  }
0x2ed: {  	s18 =	spop (v2sf)  }
0x2ee: {  	p1 =	sgt.f32 s18, $0.0e+00  }
.Ltmp47:
0x2ef: {  	_ = 	snop;
	(pc) =	sbr.rel @p1 .LBB2_73-.Ltmp47, $1  }
0x2f0: {  	_ =	sdelay $0x3  }
0x2f1: {  	v2 =	vld [tilespmem:s17+$0x100];
	vm1 =	vmmov vm0  }
.LBB2_75:
0x2f2: {  	v3 =	vld.idx.msk [tilespmem:v1+s0+$0x0], $0xffff;
	_ =	sdelay $0x4  }
0x2f3: {  	v2 =	vmax.bf16 v3, v2  }
0x2f4: {  	[tilespmem:v1+s0+$0x0] =	vst.idx.msk vm1, v2  }
0x2f5: {  	v3 =	vld.idx.msk [tilespmem:v1+s0+$0x0], $0xffff;
	_ =	sdelay $0x4  }
0x2f6: {  	vm2 =	vne.s32 v3, v2  }
0x2f7: {  	vm1 =	vmand vm1, vm2  }
0x2f8: {  	v3 =	vsel vm1, $0x3F800000, v0  }
0x2f9: {  	(xrf0) =	vmax.scan.msk.f32 $0xffff, v3;
	_ =	sdelay $0x5  }
0x2fa: {  	v3, _, _ =	vpop (xrf0)  }
0x2fb: {  	(v2sf) =	vpush v3, $0xF;
	_ =	sdelay $0xe  }
0x2fc: {  	s18 =	spop (v2sf)  }
0x2fd: {  	p1 =	sgt.f32 s18, $0.0e+00  }
.Ltmp48:
0x2fe: {  	_ = 	snop;
	(pc) =	sbr.rel @p1 .LBB2_75-.Ltmp48, $1  }
0x2ff: {  	_ =	sdelay $0x3  }
0x300: {  	v2 =	vld [tilespmem:s17+$0x180];
	vm1 =	vmmov vm0  }
.LBB2_77:
0x301: {  	v3 =	vld.idx.msk [tilespmem:v1+s2+$0x0], $0xffff;
	_ =	sdelay $0x4  }
0x302: {  	v2 =	vmax.bf16 v3, v2  }
0x303: {  	[tilespmem:v1+s2+$0x0] =	vst.idx.msk vm1, v2  }
0x304: {  	v3 =	vld.idx.msk [tilespmem:v1+s2+$0x0], $0xffff;
	_ =	sdelay $0x4  }
0x305: {  	vm2 =	vne.s32 v3, v2  }
0x306: {  	vm1 =	vmand vm1, vm2  }
0x307: {  	v3 =	vsel vm1, $0x3F800000, v0  }
0x308: {  	(xrf0) =	vmax.scan.msk.f32 $0xffff, v3;
	_ =	sdelay $0x5  }
0x309: {  	v3, _, _ =	vpop (xrf0)  }
0x30a: {  	(v2sf) =	vpush v3, $0xF;
	_ =	sdelay $0xe  }
0x30b: {  	s18 =	spop (v2sf)  }
0x30c: {  	p1 =	sgt.f32 s18, $0.0e+00  }
.Ltmp49:
0x30d: {  	_ = 	snop;
	(pc) =	sbr.rel @p1 .LBB2_77-.Ltmp49, $1  }
0x30e: {  	_ =	sdelay $0x3  }
0x30f: {  	v2 =	vld [tilespmem:s17+$0x200];
	vm1 =	vmmov vm0  }
.LBB2_79:
0x310: {  	v3 =	vld.idx.msk [tilespmem:v1+s1+$0x0], $0xffff;
	_ =	sdelay $0x4  }
0x311: {  	v2 =	vmax.bf16 v3, v2  }
0x312: {  	[tilespmem:v1+s1+$0x0] =	vst.idx.msk vm1, v2  }
0x313: {  	v3 =	vld.idx.msk [tilespmem:v1+s1+$0x0], $0xffff;
	_ =	sdelay $0x4  }
0x314: {  	vm2 =	vne.s32 v3, v2  }
0x315: {  	vm1 =	vmand vm1, vm2  }
0x316: {  	v3 =	vsel vm1, $0x3F800000, v0  }
0x317: {  	(xrf0) =	vmax.scan.msk.f32 $0xffff, v3;
	_ =	sdelay $0x5  }
0x318: {  	v3, _, _ =	vpop (xrf0)  }
0x319: {  	(v2sf) =	vpush v3, $0xF;
	_ =	sdelay $0xe  }
0x31a: {  	s18 =	spop (v2sf)  }
0x31b: {  	p1 =	sgt.f32 s18, $0.0e+00  }
.Ltmp50:
0x31c: {  	_ = 	snop;
	(pc) =	sbr.rel @p1 .LBB2_79-.Ltmp50, $1  }
0x31d: {  	_ =	sdelay $0x3  }
0x31e: {  	v2 =	vld [tilespmem:s17+$0x280];
	vm1 =	vmmov vm0  }
.LBB2_81:
0x31f: {  	v3 =	vld.idx.msk [tilespmem:v1+s5+$0x0], $0xffff;
	_ =	sdelay $0x4  }
0x320: {  	v2 =	vmax.bf16 v3, v2  }
0x321: {  	[tilespmem:v1+s5+$0x0] =	vst.idx.msk vm1, v2  }
0x322: {  	v3 =	vld.idx.msk [tilespmem:v1+s5+$0x0], $0xffff;
	_ =	sdelay $0x4  }
0x323: {  	vm2 =	vne.s32 v3, v2  }
0x324: {  	vm1 =	vmand vm1, vm2  }
0x325: {  	v3 =	vsel vm1, $0x3F800000, v0  }
0x326: {  	(xrf0) =	vmax.scan.msk.f32 $0xffff, v3;
	_ =	sdelay $0x5  }
0x327: {  	v3, _, _ =	vpop (xrf0)  }
0x328: {  	(v2sf) =	vpush v3, $0xF;
	_ =	sdelay $0xe  }
0x329: {  	s18 =	spop (v2sf)  }
0x32a: {  	p1 =	sgt.f32 s18, $0.0e+00  }
.Ltmp51:
0x32b: {  	_ = 	snop;
	(pc) =	sbr.rel @p1 .LBB2_81-.Ltmp51, $1  }
0x32c: {  	_ =	sdelay $0x3  }
0x32d: {  	v2 =	vld [tilespmem:s17+$0x300];
	vm1 =	vmmov vm0  }
.LBB2_83:
0x32e: {  	v3 =	vld.idx.msk [tilespmem:v1+s6+$0x0], $0xffff;
	_ =	sdelay $0x4  }
0x32f: {  	v2 =	vmax.bf16 v3, v2  }
0x330: {  	[tilespmem:v1+s6+$0x0] =	vst.idx.msk vm1, v2  }
0x331: {  	v3 =	vld.idx.msk [tilespmem:v1+s6+$0x0], $0xffff;
	_ =	sdelay $0x4  }
0x332: {  	vm2 =	vne.s32 v3, v2  }
0x333: {  	vm1 =	vmand vm1, vm2  }
0x334: {  	v3 =	vsel vm1, $0x3F800000, v0  }
0x335: {  	(xrf0) =	vmax.scan.msk.f32 $0xffff, v3;
	_ =	sdelay $0x5  }
0x336: {  	v3, _, _ =	vpop (xrf0)  }
0x337: {  	(v2sf) =	vpush v3, $0xF;
	_ =	sdelay $0xe  }
0x338: {  	s18 =	spop (v2sf)  }
0x339: {  	p1 =	sgt.f32 s18, $0.0e+00  }
.Ltmp52:
0x33a: {  	_ = 	snop;
	(pc) =	sbr.rel @p1 .LBB2_83-.Ltmp52, $1  }
0x33b: {  	_ =	sdelay $0x3  }
0x33c: {  	v2 =	vld [tilespmem:s17+$0x380];
	vm1 =	vmmov vm0  }
.LBB2_85:
0x33d: {  	v3 =	vld.idx.msk [tilespmem:v1+s7+$0x0], $0xffff;
	_ =	sdelay $0x4  }
0x33e: {  	v2 =	vmax.bf16 v3, v2  }
0x33f: {  	[tilespmem:v1+s7+$0x0] =	vst.idx.msk vm1, v2  }
0x340: {  	v3 =	vld.idx.msk [tilespmem:v1+s7+$0x0], $0xffff;
	_ =	sdelay $0x4  }
0x341: {  	vm2 =	vne.s32 v3, v2  }
0x342: {  	vm1 =	vmand vm1, vm2  }
0x343: {  	v3 =	vsel vm1, $0x3F800000, v0  }
0x344: {  	(xrf0) =	vmax.scan.msk.f32 $0xffff, v3;
	_ =	sdelay $0x5  }
0x345: {  	v3, _, _ =	vpop (xrf0)  }
0x346: {  	(v2sf) =	vpush v3, $0xF;
	_ =	sdelay $0xe  }
0x347: {  	s17 =	spop (v2sf)  }
0x348: {  	p1 =	sgt.f32 s17, $0.0e+00  }
.Ltmp53:
0x349: {  	_ = 	snop;
	(pc) =	sbr.rel @p1 .LBB2_85-.Ltmp53, $1  }
0x34a: {  	_ =	sdelay $0x3  }
.Ltmp54:
0x34b: {  	_ = 	snop;
	(pc) =	sbr.rel .LBB2_86-.Ltmp54, $1  }
0x34c: {  	_ =	sdelay $0x3  }
.LBB2_89:
0x34d: {  	_ =	sfence.sel $0x180000  }
0x34e: {  	[bflag:$0x0] =	sbarrier.arrive $0xFFFF  }
0x34f: {  	_ =	strace $0x9000004A  }
0x350: {  	s0 =	stileid.u32;
	[bflag:$0x2] =	sbarrier.arrive $0xFFFF  }
0x351: {  	p0 =	sne.s32 s0, $0x0;
	s0 =	rddreg [dreg:$0x1]  }
0x352: {  	s0 =	sadd.s32 @!p0 $0x100000, s0  }
0x353: {  	[sflag:s0] =	ssyncadd.tile.s32 @!p0 $0x1;
	_ =	shalt  }
.Lfunc_end2:
_tile_overlayer_lowered:
.L_overlay_start_2:
0x354: {  	(tag) =	ssettag $0x2  }
0x355: {  	s0 =	rddreg [dreg:$0x0];
	s2 =	stileid.u32  }
0x356: {  	s1 =	rddreg [dreg:$0x1];
	p0 =	sne.s32 s2, $0x0  }
0x357: {  	s3 =	rddreg [dreg:$0x2];
	[bflag:$0x3] =	sbarrier.arrive $0xFFFF;
	s2 =	simm.s32 @!p0 $0x1C05  }
0x358: {  	[timem:s3], [sflag:s2] =	dma.local @!p0 [hbm:s0], s1  }
0x359: {  	s0 =	simm.s32 @!p0 $0x5  }
0x35a: {  	_ =	swait.ge @!p0 [sflag:s0], s1  }
0x35b: {  	s1 =	ssub.s32 @!p0 $0x0, s1;
	[sflag:s0] =	ssyncset.done @!p0 $0x0  }
0x35c: {  	[sflag:s0] =	ssyncadd.s32 @!p0 s1  }
0x35d: {  	[bflag:$0x3] =	sbarrier.arrive $0xFFFF  }
0x35e: {  	_ =	shalt  }

</sc_bundles>
